<compile_context>
chip_gen: v7x
topology: tpu7x:2x2x1
jax: 0.10.2.dev20260603
libtpu: 0.0.44.dev20260713+nightly
codegen_flags: <defaults>
</compile_context>

<pallas_src>
import functools

import jax
import jax.numpy as jnp
from jax import lax
from jax.experimental import pallas as pl
from jax.experimental.pallas import tpu as pltpu
import jax.experimental.pallas.tpu_sc as plsc

N = 10000
NP = 10240
E = 320000
D = 128
B = 256
P = 8
NDDI = 86
NDRUGS = 1000

NC = 2
NS = 16
EPT = E // NS
K = 80
NIT = EPT // K
RPT = NP // NS

_MESH = plsc.VectorSubcoreMesh(
    core_axis_name="c", subcore_axis_name="s", num_cores=NC, num_subcores=NS)



@functools.partial(
    pl.kernel,
    out_type=jax.ShapeDtypeStruct((NC * NP, D), jnp.float32),
    mesh=_MESH,
    scratch_types=[
        pltpu.VMEM((K,), jnp.int32),
        pltpu.VMEM((K, D), jnp.float32),
        pltpu.VMEM_SHARED((NP, D), jnp.float32),
    ],
)
def _sc_degree(dst_hbm, ones_hbm, zz_hbm, out_hbm, dst_v, ones_v, deg_sh):
    c = lax.axis_index("c")
    s = lax.axis_index("s")
    pltpu.sync_copy(ones_hbm, ones_v)
    pltpu.sync_copy(zz_hbm, deg_sh.at[pl.ds(s * RPT, RPT)])
    plsc.subcore_barrier()

    def body(i, carry):
        base = c * E + s * EPT + i * K
        pltpu.sync_copy(dst_hbm.at[pl.ds(base, K)], dst_v)
        pltpu.sync_copy(ones_v, deg_sh.at[dst_v], add=True)
        return carry

    lax.fori_loop(0, NIT, body, 0)
    plsc.subcore_barrier()
    pltpu.sync_copy(deg_sh.at[pl.ds(s * RPT, RPT)],
                    out_hbm.at[pl.ds(c * NP + s * RPT, RPT)])


CB = 10
NOUT = NIT // CB


@functools.partial(
    pl.kernel,
    out_type=jax.ShapeDtypeStruct((NC * NP, D), jnp.float32),
    mesh=_MESH,
    scratch_types=[
        pltpu.VMEM((CB, K), jnp.int32),
        pltpu.VMEM((CB, K), jnp.int32),
        pltpu.VMEM((K, D), jnp.float32),
        pltpu.VMEM((K, D), jnp.float32),
        pltpu.VMEM_SHARED((NP, D), jnp.float32),
        pltpu.SemaphoreType.DMA,
        pltpu.SemaphoreType.DMA,
        pltpu.SemaphoreType.DMA,
    ],
)
def _sc_conv(u_hbm, src_hbm, dst_hbm, zz_hbm, out_hbm,
             sidx, didx, rowsA, rowsB, acc_sh, semA, semB, semI):
    c = lax.axis_index("c")
    s = lax.axis_index("s")
    pltpu.sync_copy(zz_hbm, acc_sh.at[pl.ds(s * RPT, RPT)])
    plsc.subcore_barrier()

    rows = (rowsA, rowsB)
    sems = (semA, semB)
    base0 = c * E + s * EPT

    def outer(j, carry):
        bj = base0 + j * (CB * K)
        icps = []
        for r in range(CB):
            icps.append(pltpu.async_copy(
                src_hbm.at[pl.ds(bj + r * K, K)], sidx.at[r], semI))
            icps.append(pltpu.async_copy(
                dst_hbm.at[pl.ds(bj + r * K, K)], didx.at[r], semI))
        for cp in icps:
            cp.wait()
        cp = pltpu.async_copy(u_hbm.at[sidx.at[0]], rows[0], sems[0])
        for r in range(CB):
            if r + 1 < CB:
                cp_n = pltpu.async_copy(
                    u_hbm.at[sidx.at[r + 1]], rows[(r + 1) % 2],
                    sems[(r + 1) % 2])
            cp.wait()
            pltpu.sync_copy(rows[r % 2], acc_sh.at[didx.at[r]], add=True)
            if r + 1 < CB:
                cp = cp_n
        return carry

    lax.fori_loop(0, NOUT, outer, 0)

    plsc.subcore_barrier()
    pltpu.sync_copy(acc_sh.at[pl.ds(s * RPT, RPT)],
                    out_hbm.at[pl.ds(c * NP + s * RPT, RPT)])



_RB = 2048
_NB = 2000


def _tc_pre_body(x_ref, deg_ref, wn_ref, bn_ref, wg1_ref, u_ref, dinv_ref):
    h = jnp.dot(x_ref[...], wn_ref[...], preferred_element_type=jnp.float32)
    h = h + bn_ref[...]
    z = jnp.dot(h, wg1_ref[...], preferred_element_type=jnp.float32)
    dinv = lax.rsqrt(deg_ref[...][:, 0:8] + 1.0)
    dinv_ref[...] = dinv
    u_ref[...] = z * dinv[:, 0:1]


def _tc_mid_body(acc_ref, u_ref, dinv_ref, bg_ref, wg2_ref, u2_ref):
    dv = dinv_ref[...][:, 0:1]
    a = dv * (acc_ref[...] + u_ref[...]) + bg_ref[...]
    z2 = jnp.dot(a, wg2_ref[...], preferred_element_type=jnp.float32)
    u2_ref[...] = z2 * dv


def _tc_pool_body(acc_ref, u_ref, dinv_ref, bg_ref, batch_ref, wpat_ref,
                  out_ref, pool_ref):
    i = pl.program_id(0)
    hf = dinv_ref[...][:, 0:1] * (acc_ref[...] + u_ref[...]) + bg_ref[...]
    seg = (lax.broadcasted_iota(jnp.int32, (B, _NB), 0)
           == batch_ref[0]).astype(jnp.float32)
    part_out = jnp.dot(seg, hf, preferred_element_type=jnp.float32,
                       precision=lax.Precision.HIGHEST)
    sc = jnp.dot(hf, wpat_ref[...], preferred_element_type=jnp.float32)
    sc = sc - jnp.max(sc, axis=1, keepdims=True)
    ex = jnp.exp(sc)
    attn = ex / jnp.sum(ex, axis=1, keepdims=True)
    pools = [
        jnp.dot(seg, attn[:, p:p + 1] * hf, preferred_element_type=jnp.float32,
                precision=lax.Precision.HIGHEST)
        for p in range(P)
    ]
    pstk = jnp.stack(pools, axis=1)

    @pl.when(i == 0)
    def _():
        out_ref[...] = part_out
        pool_ref[...] = pstk

    @pl.when(i > 0)
    def _():
        out_ref[...] = out_ref[...] + part_out
        pool_ref[...] = pool_ref[...] + pstk

    @pl.when(i == (N // _NB) - 1)
    def _():
        pv = pool_ref[...]
        nrm = jnp.sqrt(jnp.sum(pv * pv, axis=-1, keepdims=True))
        pool_ref[...] = pv / jnp.maximum(nrm, 1e-12)


def _tc_head_body(o1_ref, o2_ref, p1_ref, p2_ref, ddi_ref, d1_ref, d2_ref,
                  wm0a_ref, wm0b_ref, wm0c_ref, bm0_ref, wm1_ref, bm1_ref,
                  wm2_ref, bm2_ref, wm3_ref, bm3_ref, emb_ref,
                  score_ref, eout_ref, es1_ref, es2_ref):
    oh = (lax.broadcasted_iota(jnp.int32, (B, NDDI), 1)
          == ddi_ref[...]).astype(jnp.float32)
    h = (jnp.dot(o1_ref[...], wm0a_ref[...], preferred_element_type=jnp.float32)
         + jnp.dot(o2_ref[...], wm0b_ref[...], preferred_element_type=jnp.float32)
         + jnp.dot(oh, wm0c_ref[...], preferred_element_type=jnp.float32)
         + bm0_ref[...])
    h = jnp.maximum(
        jnp.dot(h, wm1_ref[...], preferred_element_type=jnp.float32)
        + bm1_ref[...], 0.0)
    h = jnp.maximum(
        jnp.dot(h, wm2_ref[...], preferred_element_type=jnp.float32)
        + bm2_ref[...], 0.0)
    score_ref[...] = (
        jnp.dot(h, wm3_ref[...], preferred_element_type=jnp.float32)
        + bm3_ref[...])

    es1_ref[...] = jnp.concatenate(
        [o1_ref[...][:, None, :], p1_ref[...]], axis=1)
    es2_ref[...] = jnp.concatenate(
        [o2_ref[...][:, None, :], p2_ref[...]], axis=1)
    eout_ref[...] = emb_ref[...]

    def wr1(b, carry):
        d = d1_ref[0, b]
        eout_ref[pl.ds(d, 1)] = es1_ref[pl.ds(b, 1)]
        return carry

    lax.fori_loop(0, B, wr1, 0)

    def wr2(b, carry):
        d = d2_ref[0, b]
        eout_ref[pl.ds(d, 1)] = es2_ref[pl.ds(b, 1)]
        return carry

    lax.fori_loop(0, B, wr2, 0)


def _row_blocked(n_arrays, nrows):
    grid = (nrows // _RB,)
    row_spec = lambda w: pl.BlockSpec((_RB, w), lambda i: (i, 0))
    full = lambda a, b: pl.BlockSpec((a, b), lambda i: (0, 0))
    return grid, row_spec, full


def _tc_pre(x_all, deg_all, wn, bn, wg1):
    grid, row, full = _row_blocked(2, NC * NP)
    return pl.pallas_call(
        _tc_pre_body,
        grid=grid,
        in_specs=[row(D), row(D), full(D, D), full(1, D), full(D, D)],
        out_specs=[row(D), row(8)],
        out_shape=[
            jax.ShapeDtypeStruct((NC * NP, D), jnp.float32),
            jax.ShapeDtypeStruct((NC * NP, 8), jnp.float32),
        ],
    )(x_all, deg_all, wn, bn, wg1)


def _tc_mid(acc_all, u_all, dinv_all, bg1, wg2):
    grid, row, full = _row_blocked(2, NC * NP)
    return pl.pallas_call(
        _tc_mid_body,
        grid=grid,
        in_specs=[row(D), row(D), row(8), full(1, D), full(D, D)],
        out_specs=row(D),
        out_shape=jax.ShapeDtypeStruct((NC * NP, D), jnp.float32),
    )(acc_all, u_all, dinv_all, bg1, wg2)


def _tc_pool(acc2, u2, dinv, bg2, batch2d, wpat):
    fix = lambda a, b: pl.BlockSpec((a, b), lambda i: (0, 0))
    return pl.pallas_call(
        _tc_pool_body,
        grid=(N // _NB,),
        in_specs=[
            pl.BlockSpec((_NB, D), lambda i: (i, 0)),
            pl.BlockSpec((_NB, D), lambda i: (i, 0)),
            pl.BlockSpec((_NB, 8), lambda i: (i, 0)),
            fix(1, D),
            pl.BlockSpec((1, 1, _NB), lambda i: (i, 0, 0)),
            fix(D, P),
        ],
        out_specs=[
            fix(B, D),
            pl.BlockSpec((B, P, D), lambda i: (0, 0, 0)),
        ],
        out_shape=[
            jax.ShapeDtypeStruct((B, D), jnp.float32),
            jax.ShapeDtypeStruct((B, P, D), jnp.float32),
        ],
    )(acc2, u2, dinv, bg2, batch2d, wpat)


def _tc_head(o1, o2, p1, p2, ddi2d, d1, d2, wm0a, wm0b, wm0c, bm0,
             wm1, bm1, wm2, bm2, wm3, bm3, emb):
    smem_spec = pl.BlockSpec(memory_space=pltpu.SMEM)
    any_spec = pl.BlockSpec()
    return pl.pallas_call(
        _tc_head_body,
        in_specs=[any_spec] * 5 + [smem_spec, smem_spec] + [any_spec] * 11,
        out_specs=[any_spec, any_spec],
        out_shape=[
            jax.ShapeDtypeStruct((B, 1), jnp.float32),
            jax.ShapeDtypeStruct((NDRUGS, P + 1, D), jnp.float32),
        ],
        scratch_shapes=[
            pltpu.VMEM((B, P + 1, D), jnp.float32),
            pltpu.VMEM((B, P + 1, D), jnp.float32),
        ],
    )(o1, o2, p1, p2, ddi2d, d1, d2, wm0a, wm0b, wm0c, bm0,
      wm1, bm1, wm2, bm2, wm3, bm3, emb)



def kernel(x1, edge_index1, batch1, drug1, x2, edge_index2, batch2, drug2,
           ddi_type, W_node, b_node, W_g1, b_g1, W_g2, b_g2, W_pat,
           W_m0, b_m0, W_m1, b_m1, W_m2, b_m2, W_m3, b_m3, emb):
    i32 = jnp.int32
    src_all = jnp.concatenate(
        [edge_index1[0].astype(i32), edge_index2[0].astype(i32) + NP])
    dst_all = jnp.concatenate(
        [edge_index1[1].astype(i32), edge_index2[1].astype(i32)])
    xpad = jnp.zeros((NP - N, D), jnp.float32)
    x_all = jnp.concatenate([x1, xpad, x2, xpad], axis=0)

    onesD = jnp.ones((K, D), jnp.float32)
    zzD = jnp.zeros((RPT, D), jnp.float32)

    deg_all = _sc_degree(dst_all, onesD, zzD)

    bn = b_node.reshape(1, D)
    bg1 = b_g1.reshape(1, D)
    bg2 = b_g2.reshape(1, D)
    u_all, dinv_all = _tc_pre(x_all, deg_all, W_node, bn, W_g1)

    acc1 = _sc_conv(u_all, src_all, dst_all, zzD)
    u2_all = _tc_mid(acc1, u_all, dinv_all, bg1, W_g2)
    acc2 = _sc_conv(u2_all, src_all, dst_all, zzD)

    b1_2d = batch1.astype(i32).reshape(N // _NB, 1, _NB)
    b2_2d = batch2.astype(i32).reshape(N // _NB, 1, _NB)
    out1, pool1 = _tc_pool(acc2[:N], u2_all[:N], dinv_all[:N], bg2,
                           b1_2d, W_pat)
    out2, pool2 = _tc_pool(acc2[NP:NP + N], u2_all[NP:NP + N],
                           dinv_all[NP:NP + N], bg2, b2_2d, W_pat)

    score2d, emb_out = _tc_head(
        out1, out2, pool1, pool2,
        ddi_type.astype(i32).reshape(B, 1),
        drug1.astype(i32).reshape(1, B),
        drug2.astype(i32).reshape(1, B),
        W_m0[:D], W_m0[D:2 * D], W_m0[2 * D:], b_m0.reshape(1, D),
        W_m1, b_m1.reshape(1, D), W_m2, b_m2.reshape(1, D),
        W_m3, b_m3.reshape(1, 1), emb)

    return score2d[:, 0], emb_out

# --- scband reference (transcript-rebuilt; emitter-appended) ---
"""Pipeline reference for scband-interaction-predictor-66348654789009 (READ-ONLY COPY).

The authoritative reference and input builder live on the scoring server;
editing this copy changes nothing except your own understanding.
"""

import jax, jax.numpy as jnp
import numpy as np

N = 10000
E = 320000
D = 128
B = 256
P = 8
NDDI = 86
NDRUGS = 1000


def _init(key, shape, scale=0.05):
    return jax.random.normal(key, shape, dtype=jnp.float32) * scale


def setup_inputs(seed: int = 0):
    key = jax.random.key(seed)
    ks = jax.random.split(key, 32)
    inp = {}
    inp["x1"] = jax.random.normal(ks[0], (N, D), dtype=jnp.float32)
    inp["edge_index1"] = jax.random.randint(ks[1], (2, E), 0, N)
    inp["batch1"] = jnp.sort(jax.random.randint(ks[2], (N,), 0, B))
    inp["drug1"] = jax.random.randint(ks[3], (B,), 0, NDRUGS)
    inp["x2"] = jax.random.normal(ks[4], (N, D), dtype=jnp.float32)
    inp["edge_index2"] = jax.random.randint(ks[5], (2, E), 0, N)
    inp["batch2"] = jnp.sort(jax.random.randint(ks[6], (N,), 0, B))
    inp["drug2"] = jax.random.randint(ks[7], (B,), 0, NDRUGS)
    inp["ddi_type"] = jax.random.randint(ks[8], (B,), 0, NDDI)
    inp["W_node"] = _init(ks[9], (D, D))
    inp["b_node"] = jnp.zeros((D,), jnp.float32)
    inp["W_g1"] = _init(ks[10], (D, D))
    inp["b_g1"] = jnp.zeros((D,), jnp.float32)
    inp["W_g2"] = _init(ks[11], (D, D))
    inp["b_g2"] = jnp.zeros((D,), jnp.float32)
    inp["W_pat"] = _init(ks[12], (D, P))
    inp["W_m0"] = _init(ks[13], (2 * D + NDDI, D))
    inp["b_m0"] = jnp.zeros((D,), jnp.float32)
    inp["W_m1"] = _init(ks[14], (D, D))
    inp["b_m1"] = jnp.zeros((D,), jnp.float32)
    inp["W_m2"] = _init(ks[15], (D, D))
    inp["b_m2"] = jnp.zeros((D,), jnp.float32)
    inp["W_m3"] = _init(ks[16], (D, 1))
    inp["b_m3"] = jnp.zeros((1,), jnp.float32)
    inp["emb"] = jnp.zeros((NDRUGS, P + 1, D), jnp.float32)
    return inp


def gcn_conv(x, edge_index, W, b):
    n = x.shape[0]
    loop = jnp.arange(n, dtype=edge_index.dtype)
    src = jnp.concatenate([edge_index[0], loop])
    dst = jnp.concatenate([edge_index[1], loop])
    deg = jnp.zeros((n,), x.dtype).at[dst].add(1.0)
    dinv = jax.lax.rsqrt(jnp.clip(deg, 1.0))
    h = x @ W
    coef = (dinv[src] * dinv[dst])[:, None]
    msg = h[src] * coef
    out = jnp.zeros_like(h).at[dst].add(msg)
    return out + b


def sub_extractor(x, batch, W_pat):
    scores = x @ W_pat
    attn = jax.nn.softmax(scores, axis=-1)
    assign = jnp.argmax(scores, axis=-1)
    weighted = attn[:, :, None] * x[:, None, :]
    pool = jax.ops.segment_sum(weighted, batch, num_segments=B)
    mask = jnp.ones_like(assign, dtype=bool)
    return pool, assign, mask


def encode_graph(x, edge_index, batch, gparams):
    (W_node, b_node, W_g1, b_g1, W_g2, b_g2, W_pat) = gparams
    h = x @ W_node + b_node
    h = gcn_conv(h, edge_index, W_g1, b_g1)
    h = gcn_conv(h, edge_index, W_g2, b_g2)
    out = jax.ops.segment_sum(h, batch, num_segments=B)
    pool, _, _ = sub_extractor(h, batch, W_pat)
    pool = pool / jnp.clip(jnp.linalg.norm(pool, axis=-1, keepdims=True), 1e-12)
    return out, pool


def predict(out_1, out_2, ddi_type, mlp_params):
    (W_m0, b_m0, W_m1, b_m1, W_m2, b_m2, W_m3, b_m3) = mlp_params
    ddi = jax.nn.one_hot(ddi_type, NDDI, dtype=out_1.dtype)
    h = jnp.concatenate([out_1, out_2, ddi], axis=-1)
    h = h @ W_m0 + b_m0
    h = jax.nn.relu(h @ W_m1 + b_m1)
    h = jax.nn.relu(h @ W_m2 + b_m2)
    score = (h @ W_m3 + b_m3).squeeze(-1)
    return score


def reference(x1, edge_index1, batch1, drug1, x2, edge_index2, batch2, drug2, ddi_type,
              W_node, b_node, W_g1, b_g1, W_g2, b_g2, W_pat,
              W_m0, b_m0, W_m1, b_m1, W_m2, b_m2, W_m3, b_m3, emb):
    gparams = (W_node, b_node, W_g1, b_g1, W_g2, b_g2, W_pat)
    mlp_params = (W_m0, b_m0, W_m1, b_m1, W_m2, b_m2, W_m3, b_m3)
    out_1, pool_1 = encode_graph(x1, edge_index1, batch1, gparams)
    out_2, pool_2 = encode_graph(x2, edge_index2, batch2, gparams)
    embedding_1 = jnp.concatenate([out_1[:, None, :], pool_1], axis=1)
    embedding_2 = jnp.concatenate([out_2[:, None, :], pool_2], axis=1)
    emb = emb.at[drug1].set(embedding_1)
    emb = emb.at[drug2].set(embedding_2)
    score = predict(out_1, out_2, ddi_type, mlp_params)
    return score, emb


if False:  # reference __main__ guard neutralized (emitter)
    out = reference(**setup_inputs())
    print(out[0].shape, out[1].shape)

if __name__ == "__main__":
    import jax
    _d = setup_inputs()
    print(jax.jit(kernel)(*tuple(_d.values())))

</pallas_src>

<mosaic_0001>
#map = affine_map<(d0, d1) -> (0, 0)>
#map1 = affine_map<(d0, d1) -> (0)>
module attributes {stable_mosaic.version = 14 : i64} {
  func.func @_sc_conv(%arg0: i32, %arg1: i32, %arg2: memref<20480x128xf32, #tpu.memory_space<hbm>>, %arg3: memref<640000xi32, #tpu.memory_space<hbm>>, %arg4: memref<640000xi32, #tpu.memory_space<hbm>>, %arg5: memref<640x128xf32, #tpu.memory_space<hbm>>, %arg6: memref<20480x128xf32, #tpu.memory_space<hbm>>, %arg7: memref<10x80xi32, #tpu.memory_space<vmem>>, %arg8: memref<10x80xi32, #tpu.memory_space<vmem>>, %arg9: memref<80x128xf32, #tpu.memory_space<vmem>>, %arg10: memref<80x128xf32, #tpu.memory_space<vmem>>, %arg11: memref<10240x128xf32, #tpu.memory_space<vmem_shared>>, %arg12: memref<!tpu.dma_semaphore, #tpu.memory_space<semaphore_mem>>, %arg13: memref<!tpu.dma_semaphore, #tpu.memory_space<semaphore_mem>>, %arg14: memref<!tpu.dma_semaphore, #tpu.memory_space<semaphore_mem>>) attributes {dimension_semantics = [#tpu.dimension_semantics<core_parallel>, #tpu.dimension_semantics<subcore_parallel>], iteration_bounds = array<i64: 2, 16>, scalar_prefetch = 0 : i64, scratch_operands = 8 : i64, tpu.core_type = #tpu.core_type<sc_vector_subcore>, window_params = [{transform_indices = #map}, {transform_indices = #map1}, {transform_indices = #map1}, {transform_indices = #map}, {transform_indices = #map}]} {
    %mul3A = arith.constant 640 : i32
    %mul3A_0 = arith.muli %arg1, %mul3A : i32
    "tpu.region"() ({
      %run_scoped3A = tpu.sem_alloc : memref<!tpu.dma_semaphore, #tpu.memory_space<semaphore_mem>>
      %dma_start3A = arith.constant 0 : i32
      %dma_start3A_18 = tpu.memref_slice %arg11[%mul3A_0, %dma_start3A] : memref<10240x128xf32, #tpu.memory_space<vmem_shared>> -> memref<640x128xf32, #tpu.memory_space<vmem_shared>>
      tpu.enqueue_dma source(%arg5 : memref<640x128xf32, #tpu.memory_space<hbm>>) target(%dma_start3A_18 : memref<640x128xf32, #tpu.memory_space<vmem_shared>>) target_semaphore(%run_scoped3A : memref<!tpu.dma_semaphore, #tpu.memory_space<semaphore_mem>>)
      %dma_wait3A = arith.constant 0 : i32
      %dma_wait3A_19 = tpu.memref_slice %arg11[%mul3A_0, %dma_wait3A] : memref<10240x128xf32, #tpu.memory_space<vmem_shared>> -> memref<640x128xf32, #tpu.memory_space<vmem_shared>>
      tpu.wait_dma2 semaphore(%run_scoped3A : memref<!tpu.dma_semaphore, #tpu.memory_space<semaphore_mem>>) src(%arg5 : memref<640x128xf32, #tpu.memory_space<hbm>>) dst(%dma_wait3A_19 : memref<640x128xf32, #tpu.memory_space<vmem_shared>>)
      tpu.yield
    }) : () -> ()
    %barrier3A = arith.constant 0 : index
    tpu.barrier barrier_id(%barrier3A)
    %mul3A_1 = arith.constant 320000 : i32
    %mul3A_2 = arith.muli %arg0, %mul3A_1 : i32
    %mul3A_3 = arith.constant 20000 : i32
    %mul3A_4 = arith.muli %arg1, %mul3A_3 : i32
    %add3A = arith.addi %mul3A_2, %mul3A_4 : i32
    %scan3A = arith.constant 0 : i32
    %scan3A_5 = arith.constant 0 : i32
    %scan3A_6 = arith.constant 25 : i32
    %scan3A_7 = arith.addi %scan3A_5, %scan3A_6 : i32
    %scan3A_8 = arith.constant 1 : i32
    scf.for %scan3A_18 = %scan3A_5 to %scan3A_7 step %scan3A_8  : i32 {
      %mul3A_19 = arith.constant 800 : i32
      %mul3A_20 = arith.muli %scan3A_18, %mul3A_19 : i32
      %add3A_21 = arith.addi %add3A, %mul3A_20 : i32
      %add3A_22 = arith.constant 0 : i32
      %add3A_23 = arith.addi %add3A_21, %add3A_22 : i32
      %dma_start3A = arith.constant 0 : i32
      %dma_start3A_24 = arith.constant 0 : i32
      %dma_start3A_25 = tpu.memref_slice %arg7[%dma_start3A, %dma_start3A_24] : memref<10x80xi32, #tpu.memory_space<vmem>> -> memref<1x80xi32, #tpu.memory_space<vmem>>
      %dma_start3A_26 = tpu.memref_squeeze %dma_start3A_25 : memref<1x80xi32, #tpu.memory_space<vmem>> -> memref<80xi32, #tpu.memory_space<vmem>>
      %dma_start3A_27 = tpu.memref_slice %arg3[%add3A_23] : memref<640000xi32, #tpu.memory_space<hbm>> -> memref<80xi32, #tpu.memory_space<hbm>>
      %dma_start3A_28 = arith.constant 0 : i32
      %dma_start3A_29 = tpu.memref_slice %arg7[%dma_start3A, %dma_start3A_28] : memref<10x80xi32, #tpu.memory_space<vmem>> -> memref<1x80xi32, #tpu.memory_space<vmem>>
      %dma_start3A_30 = tpu.memref_squeeze %dma_start3A_29 : memref<1x80xi32, #tpu.memory_space<vmem>> -> memref<80xi32, #tpu.memory_space<vmem>>
      %dma_start3A_31 = tpu.memref_slice %arg3[%add3A_23] : memref<640000xi32, #tpu.memory_space<hbm>> -> memref<80xi32, #tpu.memory_space<hbm>>
      tpu.enqueue_dma source(%dma_start3A_31 : memref<80xi32, #tpu.memory_space<hbm>>) target(%dma_start3A_30 : memref<80xi32, #tpu.memory_space<vmem>>) target_semaphore(%arg14 : memref<!tpu.dma_semaphore, #tpu.memory_space<semaphore_mem>>)
      %add3A_32 = arith.constant 0 : i32
      %add3A_33 = arith.addi %add3A_21, %add3A_32 : i32
      %dma_start3A_34 = arith.constant 0 : i32
      %dma_start3A_35 = arith.constant 0 : i32
      %dma_start3A_36 = tpu.memref_slice %arg8[%dma_start3A_34, %dma_start3A_35] : memref<10x80xi32, #tpu.memory_space<vmem>> -> memref<1x80xi32, #tpu.memory_space<vmem>>
      %dma_start3A_37 = tpu.memref_squeeze %dma_start3A_36 : memref<1x80xi32, #tpu.memory_space<vmem>> -> memref<80xi32, #tpu.memory_space<vmem>>
      %dma_start3A_38 = tpu.memref_slice %arg4[%add3A_33] : memref<640000xi32, #tpu.memory_space<hbm>> -> memref<80xi32, #tpu.memory_space<hbm>>
      %dma_start3A_39 = arith.constant 0 : i32
      %dma_start3A_40 = tpu.memref_slice %arg8[%dma_start3A_34, %dma_start3A_39] : memref<10x80xi32, #tpu.memory_space<vmem>> -> memref<1x80xi32, #tpu.memory_space<vmem>>
      %dma_start3A_41 = tpu.memref_squeeze %dma_start3A_40 : memref<1x80xi32, #tpu.memory_space<vmem>> -> memref<80xi32, #tpu.memory_space<vmem>>
      %dma_start3A_42 = tpu.memref_slice %arg4[%add3A_33] : memref<640000xi32, #tpu.memory_space<hbm>> -> memref<80xi32, #tpu.memory_space<hbm>>
      tpu.enqueue_dma source(%dma_start3A_42 : memref<80xi32, #tpu.memory_space<hbm>>) target(%dma_start3A_41 : memref<80xi32, #tpu.memory_space<vmem>>) target_semaphore(%arg14 : memref<!tpu.dma_semaphore, #tpu.memory_space<semaphore_mem>>)
      %add3A_43 = arith.constant 80 : i32
      %add3A_44 = arith.addi %add3A_21, %add3A_43 : i32
      %dma_start3A_45 = arith.constant 1 : i32
      %dma_start3A_46 = arith.constant 0 : i32
      %dma_start3A_47 = tpu.memref_slice %arg7[%dma_start3A_45, %dma_start3A_46] : memref<10x80xi32, #tpu.memory_space<vmem>> -> memref<1x80xi32, #tpu.memory_space<vmem>>
      %dma_start3A_48 = tpu.memref_squeeze %dma_start3A_47 : memref<1x80xi32, #tpu.memory_space<vmem>> -> memref<80xi32, #tpu.memory_space<vmem>>
      %dma_start3A_49 = tpu.memref_slice %arg3[%add3A_44] : memref<640000xi32, #tpu.memory_space<hbm>> -> memref<80xi32, #tpu.memory_space<hbm>>
      %dma_start3A_50 = arith.constant 0 : i32
      %dma_start3A_51 = tpu.memref_slice %arg7[%dma_start3A_45, %dma_start3A_50] : memref<10x80xi32, #tpu.memory_space<vmem>> -> memref<1x80xi32, #tpu.memory_space<vmem>>
      %dma_start3A_52 = tpu.memref_squeeze %dma_start3A_51 : memref<1x80xi32, #tpu.memory_space<vmem>> -> memref<80xi32, #tpu.memory_space<vmem>>
      %dma_start3A_53 = tpu.memref_slice %arg3[%add3A_44] : memref<640000xi32, #tpu.memory_space<hbm>> -> memref<80xi32, #tpu.memory_space<hbm>>
      tpu.enqueue_dma source(%dma_start3A_53 : memref<80xi32, #tpu.memory_space<hbm>>) target(%dma_start3A_52 : memref<80xi32, #tpu.memory_space<vmem>>) target_semaphore(%arg14 : memref<!tpu.dma_semaphore, #tpu.memory_space<semaphore_mem>>)
      %add3A_54 = arith.constant 80 : i32
      %add3A_55 = arith.addi %add3A_21, %add3A_54 : i32
      %dma_start3A_56 = arith.constant 1 : i32
      %dma_start3A_57 = arith.constant 0 : i32
      %dma_start3A_58 = tpu.memref_slice %arg8[%dma_start3A_56, %dma_start3A_57] : memref<10x80xi32, #tpu.memory_space<vmem>> -> memref<1x80xi32, #tpu.memory_space<vmem>>
      %dma_start3A_59 = tpu.memref_squeeze %dma_start3A_58 : memref<1x80xi32, #tpu.memory_space<vmem>> -> memref<80xi32, #tpu.memory_space<vmem>>
      %dma_start3A_60 = tpu.memref_slice %arg4[%add3A_55] : memref<640000xi32, #tpu.memory_space<hbm>> -> memref<80xi32, #tpu.memory_space<hbm>>
      %dma_start3A_61 = arith.constant 0 : i32
      %dma_start3A_62 = tpu.memref_slice %arg8[%dma_start3A_56, %dma_start3A_61] : memref<10x80xi32, #tpu.memory_space<vmem>> -> memref<1x80xi32, #tpu.memory_space<vmem>>
      %dma_start3A_63 = tpu.memref_squeeze %dma_start3A_62 : memref<1x80xi32, #tpu.memory_space<vmem>> -> memref<80xi32, #tpu.memory_space<vmem>>
      %dma_start3A_64 = tpu.memref_slice %arg4[%add3A_55] : memref<640000xi32, #tpu.memory_space<hbm>> -> memref<80xi32, #tpu.memory_space<hbm>>
      tpu.enqueue_dma source(%dma_start3A_64 : memref<80xi32, #tpu.memory_space<hbm>>) target(%dma_start3A_63 : memref<80xi32, #tpu.memory_space<vmem>>) target_semaphore(%arg14 : memref<!tpu.dma_semaphore, #tpu.memory_space<semaphore_mem>>)
      %add3A_65 = arith.constant 160 : i32
      %add3A_66 = arith.addi %add3A_21, %add3A_65 : i32
      %dma_start3A_67 = arith.constant 2 : i32
      %dma_start3A_68 = arith.constant 0 : i32
      %dma_start3A_69 = tpu.memref_slice %arg7[%dma_start3A_67, %dma_start3A_68] : memref<10x80xi32, #tpu.memory_space<vmem>> -> memref<1x80xi32, #tpu.memory_space<vmem>>
      %dma_start3A_70 = tpu.memref_squeeze %dma_start3A_69 : memref<1x80xi32, #tpu.memory_space<vmem>> -> memref<80xi32, #tpu.memory_space<vmem>>
      %dma_start3A_71 = tpu.memref_slice %arg3[%add3A_66] : memref<640000xi32, #tpu.memory_space<hbm>> -> memref<80xi32, #tpu.memory_space<hbm>>
      %dma_start3A_72 = arith.constant 0 : i32
      %dma_start3A_73 = tpu.memref_slice %arg7[%dma_start3A_67, %dma_start3A_72] : memref<10x80xi32, #tpu.memory_space<vmem>> -> memref<1x80xi32, #tpu.memory_space<vmem>>
      %dma_start3A_74 = tpu.memref_squeeze %dma_start3A_73 : memref<1x80xi32, #tpu.memory_space<vmem>> -> memref<80xi32, #tpu.memory_space<vmem>>
      %dma_start3A_75 = tpu.memref_slice %arg3[%add3A_66] : memref<640000xi32, #tpu.memory_space<hbm>> -> memref<80xi32, #tpu.memory_space<hbm>>
      tpu.enqueue_dma source(%dma_start3A_75 : memref<80xi32, #tpu.memory_space<hbm>>) target(%dma_start3A_74 : memref<80xi32, #tpu.memory_space<vmem>>) target_semaphore(%arg14 : memref<!tpu.dma_semaphore, #tpu.memory_space<semaphore_mem>>)
      %add3A_76 = arith.constant 160 : i32
      %add3A_77 = arith.addi %add3A_21, %add3A_76 : i32
      %dma_start3A_78 = arith.constant 2 : i32
      %dma_start3A_79 = arith.constant 0 : i32
      %dma_start3A_80 = tpu.memref_slice %arg8[%dma_start3A_78, %dma_start3A_79] : memref<10x80xi32, #tpu.memory_space<vmem>> -> memref<1x80xi32, #tpu.memory_space<vmem>>
      %dma_start3A_81 = tpu.memref_squeeze %dma_start3A_80 : memref<1x80xi32, #tpu.memory_space<vmem>> -> memref<80xi32, #tpu.memory_space<vmem>>
      %dma_start3A_82 = tpu.memref_slice %arg4[%add3A_77] : memref<640000xi32, #tpu.memory_space<hbm>> -> memref<80xi32, #tpu.memory_space<hbm>>
      %dma_start3A_83 = arith.constant 0 : i32
      %dma_start3A_84 = tpu.memref_slice %arg8[%dma_start3A_78, %dma_start3A_83] : memref<10x80xi32, #tpu.memory_space<vmem>> -> memref<1x80xi32, #tpu.memory_space<vmem>>
      %dma_start3A_85 = tpu.memref_squeeze %dma_start3A_84 : memref<1x80xi32, #tpu.memory_space<vmem>> -> memref<80xi32, #tpu.memory_space<vmem>>
      %dma_start3A_86 = tpu.memref_slice %arg4[%add3A_77] : memref<640000xi32, #tpu.memory_space<hbm>> -> memref<80xi32, #tpu.memory_space<hbm>>
      tpu.enqueue_dma source(%dma_start3A_86 : memref<80xi32, #tpu.memory_space<hbm>>) target(%dma_start3A_85 : memref<80xi32, #tpu.memory_space<vmem>>) target_semaphore(%arg14 : memref<!tpu.dma_semaphore, #tpu.memory_space<semaphore_mem>>)
      %add3A_87 = arith.constant 240 : i32
      %add3A_88 = arith.addi %add3A_21, %add3A_87 : i32
      %dma_start3A_89 = arith.constant 3 : i32
      %dma_start3A_90 = arith.constant 0 : i32
      %dma_start3A_91 = tpu.memref_slice %arg7[%dma_start3A_89, %dma_start3A_90] : memref<10x80xi32, #tpu.memory_space<vmem>> -> memref<1x80xi32, #tpu.memory_space<vmem>>
      %dma_start3A_92 = tpu.memref_squeeze %dma_start3A_91 : memref<1x80xi32, #tpu.memory_space<vmem>> -> memref<80xi32, #tpu.memory_space<vmem>>
      %dma_start3A_93 = tpu.memref_slice %arg3[%add3A_88] : memref<640000xi32, #tpu.memory_space<hbm>> -> memref<80xi32, #tpu.memory_space<hbm>>
      %dma_start3A_94 = arith.constant 0 : i32
      %dma_start3A_95 = tpu.memref_slice %arg7[%dma_start3A_89, %dma_start3A_94] : memref<10x80xi32, #tpu.memory_space<vmem>> -> memref<1x80xi32, #tpu.memory_space<vmem>>
      %dma_start3A_96 = tpu.memref_squeeze %dma_start3A_95 : memref<1x80xi32, #tpu.memory_space<vmem>> -> memref<80xi32, #tpu.memory_space<vmem>>
      %dma_start3A_97 = tpu.memref_slice %arg3[%add3A_88] : memref<640000xi32, #tpu.memory_space<hbm>> -> memref<80xi32, #tpu.memory_space<hbm>>
      tpu.enqueue_dma source(%dma_start3A_97 : memref<80xi32, #tpu.memory_space<hbm>>) target(%dma_start3A_96 : memref<80xi32, #tpu.memory_space<vmem>>) target_semaphore(%arg14 : memref<!tpu.dma_semaphore, #tpu.memory_space<semaphore_mem>>)
      %add3A_98 = arith.constant 240 : i32
      %add3A_99 = arith.addi %add3A_21, %add3A_98 : i32
      %dma_start3A_100 = arith.constant 3 : i32
      %dma_start3A_101 = arith.constant 0 : i32
      %dma_start3A_102 = tpu.memref_slice %arg8[%dma_start3A_100, %dma_start3A_101] : memref<10x80xi32, #tpu.memory_space<vmem>> -> memref<1x80xi32, #tpu.memory_space<vmem>>
      %dma_start3A_103 = tpu.memref_squeeze %dma_start3A_102 : memref<1x80xi32, #tpu.memory_space<vmem>> -> memref<80xi32, #tpu.memory_space<vmem>>
      %dma_start3A_104 = tpu.memref_slice %arg4[%add3A_99] : memref<640000xi32, #tpu.memory_space<hbm>> -> memref<80xi32, #tpu.memory_space<hbm>>
      %dma_start3A_105 = arith.constant 0 : i32
      %dma_start3A_106 = tpu.memref_slice %arg8[%dma_start3A_100, %dma_start3A_105] : memref<10x80xi32, #tpu.memory_space<vmem>> -> memref<1x80xi32, #tpu.memory_space<vmem>>
      %dma_start3A_107 = tpu.memref_squeeze %dma_start3A_106 : memref<1x80xi32, #tpu.memory_space<vmem>> -> memref<80xi32, #tpu.memory_space<vmem>>
      %dma_start3A_108 = tpu.memref_slice %arg4[%add3A_99] : memref<640000xi32, #tpu.memory_space<hbm>> -> memref<80xi32, #tpu.memory_space<hbm>>
      tpu.enqueue_dma source(%dma_start3A_108 : memref<80xi32, #tpu.memory_space<hbm>>) target(%dma_start3A_107 : memref<80xi32, #tpu.memory_space<vmem>>) target_semaphore(%arg14 : memref<!tpu.dma_semaphore, #tpu.memory_space<semaphore_mem>>)
      %add3A_109 = arith.constant 320 : i32
      %add3A_110 = arith.addi %add3A_21, %add3A_109 : i32
      %dma_start3A_111 = arith.constant 4 : i32
      %dma_start3A_112 = arith.constant 0 : i32
      %dma_start3A_113 = tpu.memref_slice %arg7[%dma_start3A_111, %dma_start3A_112] : memref<10x80xi32, #tpu.memory_space<vmem>> -> memref<1x80xi32, #tpu.memory_space<vmem>>
      %dma_start3A_114 = tpu.memref_squeeze %dma_start3A_113 : memref<1x80xi32, #tpu.memory_space<vmem>> -> memref<80xi32, #tpu.memory_space<vmem>>
      %dma_start3A_115 = tpu.memref_slice %arg3[%add3A_110] : memref<640000xi32, #tpu.memory_space<hbm>> -> memref<80xi32, #tpu.memory_space<hbm>>
      %dma_start3A_116 = arith.constant 0 : i32
      %dma_start3A_117 = tpu.memref_slice %arg7[%dma_start3A_111, %dma_start3A_116] : memref<10x80xi32, #tpu.memory_space<vmem>> -> memref<1x80xi32, #tpu.memory_space<vmem>>
      %dma_start3A_118 = tpu.memref_squeeze %dma_start3A_117 : memref<1x80xi32, #tpu.memory_space<vmem>> -> memref<80xi32, #tpu.memory_space<vmem>>
      %dma_start3A_119 = tpu.memref_slice %arg3[%add3A_110] : memref<640000xi32, #tpu.memory_space<hbm>> -> memref<80xi32, #tpu.memory_space<hbm>>
      tpu.enqueue_dma source(%dma_start3A_119 : memref<80xi32, #tpu.memory_space<hbm>>) target(%dma_start3A_118 : memref<80xi32, #tpu.memory_space<vmem>>) target_semaphore(%arg14 : memref<!tpu.dma_semaphore, #tpu.memory_space<semaphore_mem>>)
      %add3A_120 = arith.constant 320 : i32
      %add3A_121 = arith.addi %add3A_21, %add3A_120 : i32
      %dma_start3A_122 = arith.constant 4 : i32
      %dma_start3A_123 = arith.constant 0 : i32
      %dma_start3A_124 = tpu.memref_slice %arg8[%dma_start3A_122, %dma_start3A_123] : memref<10x80xi32, #tpu.memory_space<vmem>> -> memref<1x80xi32, #tpu.memory_space<vmem>>
      %dma_start3A_125 = tpu.memref_squeeze %dma_start3A_124 : memref<1x80xi32, #tpu.memory_space<vmem>> -> memref<80xi32, #tpu.memory_space<vmem>>
      %dma_start3A_126 = tpu.memref_slice %arg4[%add3A_121] : memref<640000xi32, #tpu.memory_space<hbm>> -> memref<80xi32, #tpu.memory_space<hbm>>
      %dma_start3A_127 = arith.constant 0 : i32
      %dma_start3A_128 = tpu.memref_slice %arg8[%dma_start3A_122, %dma_start3A_127] : memref<10x80xi32, #tpu.memory_space<vmem>> -> memref<1x80xi32, #tpu.memory_space<vmem>>
      %dma_start3A_129 = tpu.memref_squeeze %dma_start3A_128 : memref<1x80xi32, #tpu.memory_space<vmem>> -> memref<80xi32, #tpu.memory_space<vmem>>
      %dma_start3A_130 = tpu.memref_slice %arg4[%add3A_121] : memref<640000xi32, #tpu.memory_space<hbm>> -> memref<80xi32, #tpu.memory_space<hbm>>
      tpu.enqueue_dma source(%dma_start3A_130 : memref<80xi32, #tpu.memory_space<hbm>>) target(%dma_start3A_129 : memref<80xi32, #tpu.memory_space<vmem>>) target_semaphore(%arg14 : memref<!tpu.dma_semaphore, #tpu.memory_space<semaphore_mem>>)
      %add3A_131 = arith.constant 400 : i32
      %add3A_132 = arith.addi %add3A_21, %add3A_131 : i32
      %dma_start3A_133 = arith.constant 5 : i32
      %dma_start3A_134 = arith.constant 0 : i32
      %dma_start3A_135 = tpu.memref_slice %arg7[%dma_start3A_133, %dma_start3A_134] : memref<10x80xi32, #tpu.memory_space<vmem>> -> memref<1x80xi32, #tpu.memory_space<vmem>>
      %dma_start3A_136 = tpu.memref_squeeze %dma_start3A_135 : memref<1x80xi32, #tpu.memory_space<vmem>> -> memref<80xi32, #tpu.memory_space<vmem>>
      %dma_start3A_137 = tpu.memref_slice %arg3[%add3A_132] : memref<640000xi32, #tpu.memory_space<hbm>> -> memref<80xi32, #tpu.memory_space<hbm>>
      %dma_start3A_138 = arith.constant 0 : i32
      %dma_start3A_139 = tpu.memref_slice %arg7[%dma_start3A_133, %dma_start3A_138] : memref<10x80xi32, #tpu.memory_space<vmem>> -> memref<1x80xi32, #tpu.memory_space<vmem>>
      %dma_start3A_140 = tpu.memref_squeeze %dma_start3A_139 : memref<1x80xi32, #tpu.memory_space<vmem>> -> memref<80xi32, #tpu.memory_space<vmem>>
      %dma_start3A_141 = tpu.memref_slice %arg3[%add3A_132] : memref<640000xi32, #tpu.memory_space<hbm>> -> memref<80xi32, #tpu.memory_space<hbm>>
      tpu.enqueue_dma source(%dma_start3A_141 : memref<80xi32, #tpu.memory_space<hbm>>) target(%dma_start3A_140 : memref<80xi32, #tpu.memory_space<vmem>>) target_semaphore(%arg14 : memref<!tpu.dma_semaphore, #tpu.memory_space<semaphore_mem>>)
      %add3A_142 = arith.constant 400 : i32
      %add3A_143 = arith.addi %add3A_21, %add3A_142 : i32
      %dma_start3A_144 = arith.constant 5 : i32
      %dma_start3A_145 = arith.constant 0 : i32
      %dma_start3A_146 = tpu.memref_slice %arg8[%dma_start3A_144, %dma_start3A_145] : memref<10x80xi32, #tpu.memory_space<vmem>> -> memref<1x80xi32, #tpu.memory_space<vmem>>
      %dma_start3A_147 = tpu.memref_squeeze %dma_start3A_146 : memref<1x80xi32, #tpu.memory_space<vmem>> -> memref<80xi32, #tpu.memory_space<vmem>>
      %dma_start3A_148 = tpu.memref_slice %arg4[%add3A_143] : memref<640000xi32, #tpu.memory_space<hbm>> -> memref<80xi32, #tpu.memory_space<hbm>>
      %dma_start3A_149 = arith.constant 0 : i32
      %dma_start3A_150 = tpu.memref_slice %arg8[%dma_start3A_144, %dma_start3A_149] : memref<10x80xi32, #tpu.memory_space<vmem>> -> memref<1x80xi32, #tpu.memory_space<vmem>>
      %dma_start3A_151 = tpu.memref_squeeze %dma_start3A_150 : memref<1x80xi32, #tpu.memory_space<vmem>> -> memref<80xi32, #tpu.memory_space<vmem>>
      %dma_start3A_152 = tpu.memref_slice %arg4[%add3A_143] : memref<640000xi32, #tpu.memory_space<hbm>> -> memref<80xi32, #tpu.memory_space<hbm>>
      tpu.enqueue_dma source(%dma_start3A_152 : memref<80xi32, #tpu.memory_space<hbm>>) target(%dma_start3A_151 : memref<80xi32, #tpu.memory_space<vmem>>) target_semaphore(%arg14 : memref<!tpu.dma_semaphore, #tpu.memory_space<semaphore_mem>>)
      %add3A_153 = arith.constant 480 : i32
      %add3A_154 = arith.addi %add3A_21, %add3A_153 : i32
      %dma_start3A_155 = arith.constant 6 : i32
      %dma_start3A_156 = arith.constant 0 : i32
      %dma_start3A_157 = tpu.memref_slice %arg7[%dma_start3A_155, %dma_start3A_156] : memref<10x80xi32, #tpu.memory_space<vmem>> -> memref<1x80xi32, #tpu.memory_space<vmem>>
      %dma_start3A_158 = tpu.memref_squeeze %dma_start3A_157 : memref<1x80xi32, #tpu.memory_space<vmem>> -> memref<80xi32, #tpu.memory_space<vmem>>
      %dma_start3A_159 = tpu.memref_slice %arg3[%add3A_154] : memref<640000xi32, #tpu.memory_space<hbm>> -> memref<80xi32, #tpu.memory_space<hbm>>
      %dma_start3A_160 = arith.constant 0 : i32
      %dma_start3A_161 = tpu.memref_slice %arg7[%dma_start3A_155, %dma_start3A_160] : memref<10x80xi32, #tpu.memory_space<vmem>> -> memref<1x80xi32, #tpu.memory_space<vmem>>
      %dma_start3A_162 = tpu.memref_squeeze %dma_start3A_161 : memref<1x80xi32, #tpu.memory_space<vmem>> -> memref<80xi32, #tpu.memory_space<vmem>>
      %dma_start3A_163 = tpu.memref_slice %arg3[%add3A_154] : memref<640000xi32, #tpu.memory_space<hbm>> -> memref<80xi32, #tpu.memory_space<hbm>>
      tpu.enqueue_dma source(%dma_start3A_163 : memref<80xi32, #tpu.memory_space<hbm>>) target(%dma_start3A_162 : memref<80xi32, #tpu.memory_space<vmem>>) target_semaphore(%arg14 : memref<!tpu.dma_semaphore, #tpu.memory_space<semaphore_mem>>)
      %add3A_164 = arith.constant 480 : i32
      %add3A_165 = arith.addi %add3A_21, %add3A_164 : i32
      %dma_start3A_166 = arith.constant 6 : i32
      %dma_start3A_167 = arith.constant 0 : i32
      %dma_start3A_168 = tpu.memref_slice %arg8[%dma_start3A_166, %dma_start3A_167] : memref<10x80xi32, #tpu.memory_space<vmem>> -> memref<1x80xi32, #tpu.memory_space<vmem>>
      %dma_start3A_169 = tpu.memref_squeeze %dma_start3A_168 : memref<1x80xi32, #tpu.memory_space<vmem>> -> memref<80xi32, #tpu.memory_space<vmem>>
      %dma_start3A_170 = tpu.memref_slice %arg4[%add3A_165] : memref<640000xi32, #tpu.memory_space<hbm>> -> memref<80xi32, #tpu.memory_space<hbm>>
      %dma_start3A_171 = arith.constant 0 : i32
      %dma_start3A_172 = tpu.memref_slice %arg8[%dma_start3A_166, %dma_start3A_171] : memref<10x80xi32, #tpu.memory_space<vmem>> -> memref<1x80xi32, #tpu.memory_space<vmem>>
      %dma_start3A_173 = tpu.memref_squeeze %dma_start3A_172 : memref<1x80xi32, #tpu.memory_space<vmem>> -> memref<80xi32, #tpu.memory_space<vmem>>
      %dma_start3A_174 = tpu.memref_slice %arg4[%add3A_165] : memref<640000xi32, #tpu.memory_space<hbm>> -> memref<80xi32, #tpu.memory_space<hbm>>
      tpu.enqueue_dma source(%dma_start3A_174 : memref<80xi32, #tpu.memory_space<hbm>>) target(%dma_start3A_173 : memref<80xi32, #tpu.memory_space<vmem>>) target_semaphore(%arg14 : memref<!tpu.dma_semaphore, #tpu.memory_space<semaphore_mem>>)
      %add3A_175 = arith.constant 560 : i32
      %add3A_176 = arith.addi %add3A_21, %add3A_175 : i32
      %dma_start3A_177 = arith.constant 7 : i32
      %dma_start3A_178 = arith.constant 0 : i32
      %dma_start3A_179 = tpu.memref_slice %arg7[%dma_start3A_177, %dma_start3A_178] : memref<10x80xi32, #tpu.memory_space<vmem>> -> memref<1x80xi32, #tpu.memory_space<vmem>>
      %dma_start3A_180 = tpu.memref_squeeze %dma_start3A_179 : memref<1x80xi32, #tpu.memory_space<vmem>> -> memref<80xi32, #tpu.memory_space<vmem>>
      %dma_start3A_181 = tpu.memref_slice %arg3[%add3A_176] : memref<640000xi32, #tpu.memory_space<hbm>> -> memref<80xi32, #tpu.memory_space<hbm>>
      %dma_start3A_182 = arith.constant 0 : i32
      %dma_start3A_183 = tpu.memref_slice %arg7[%dma_start3A_177, %dma_start3A_182] : memref<10x80xi32, #tpu.memory_space<vmem>> -> memref<1x80xi32, #tpu.memory_space<vmem>>
      %dma_start3A_184 = tpu.memref_squeeze %dma_start3A_183 : memref<1x80xi32, #tpu.memory_space<vmem>> -> memref<80xi32, #tpu.memory_space<vmem>>
      %dma_start3A_185 = tpu.memref_slice %arg3[%add3A_176] : memref<640000xi32, #tpu.memory_space<hbm>> -> memref<80xi32, #tpu.memory_space<hbm>>
      tpu.enqueue_dma source(%dma_start3A_185 : memref<80xi32, #tpu.memory_space<hbm>>) target(%dma_start3A_184 : memref<80xi32, #tpu.memory_space<vmem>>) target_semaphore(%arg14 : memref<!tpu.dma_semaphore, #tpu.memory_space<semaphore_mem>>)
      %add3A_186 = arith.constant 560 : i32
      %add3A_187 = arith.addi %add3A_21, %add3A_186 : i32
      %dma_start3A_188 = arith.constant 7 : i32
      %dma_start3A_189 = arith.constant 0 : i32
      %dma_start3A_190 = tpu.memref_slice %arg8[%dma_start3A_188, %dma_start3A_189] : memref<10x80xi32, #tpu.memory_space<vmem>> -> memref<1x80xi32, #tpu.memory_space<vmem>>
      %dma_start3A_191 = tpu.memref_squeeze %dma_start3A_190 : memref<1x80xi32, #tpu.memory_space<vmem>> -> memref<80xi32, #tpu.memory_space<vmem>>
      %dma_start3A_192 = tpu.memref_slice %arg4[%add3A_187] : memref<640000xi32, #tpu.memory_space<hbm>> -> memref<80xi32, #tpu.memory_space<hbm>>
      %dma_start3A_193 = arith.constant 0 : i32
      %dma_start3A_194 = tpu.memref_slice %arg8[%dma_start3A_188, %dma_start3A_193] : memref<10x80xi32, #tpu.memory_space<vmem>> -> memref<1x80xi32, #tpu.memory_space<vmem>>
      %dma_start3A_195 = tpu.memref_squeeze %dma_start3A_194 : memref<1x80xi32, #tpu.memory_space<vmem>> -> memref<80xi32, #tpu.memory_space<vmem>>
      %dma_start3A_196 = tpu.memref_slice %arg4[%add3A_187] : memref<640000xi32, #tpu.memory_space<hbm>> -> memref<80xi32, #tpu.memory_space<hbm>>
      tpu.enqueue_dma source(%dma_start3A_196 : memref<80xi32, #tpu.memory_space<hbm>>) target(%dma_start3A_195 : memref<80xi32, #tpu.memory_space<vmem>>) target_semaphore(%arg14 : memref<!tpu.dma_semaphore, #tpu.memory_space<semaphore_mem>>)
      %add3A_197 = arith.constant 640 : i32
      %add3A_198 = arith.addi %add3A_21, %add3A_197 : i32
      %dma_start3A_199 = arith.constant 8 : i32
      %dma_start3A_200 = arith.constant 0 : i32
      %dma_start3A_201 = tpu.memref_slice %arg7[%dma_start3A_199, %dma_start3A_200] : memref<10x80xi32, #tpu.memory_space<vmem>> -> memref<1x80xi32, #tpu.memory_space<vmem>>
      %dma_start3A_202 = tpu.memref_squeeze %dma_start3A_201 : memref<1x80xi32, #tpu.memory_space<vmem>> -> memref<80xi32, #tpu.memory_space<vmem>>
      %dma_start3A_203 = tpu.memref_slice %arg3[%add3A_198] : memref<640000xi32, #tpu.memory_space<hbm>> -> memref<80xi32, #tpu.memory_space<hbm>>
      %dma_start3A_204 = arith.constant 0 : i32
      %dma_start3A_205 = tpu.memref_slice %arg7[%dma_start3A_199, %dma_start3A_204] : memref<10x80xi32, #tpu.memory_space<vmem>> -> memref<1x80xi32, #tpu.memory_space<vmem>>
      %dma_start3A_206 = tpu.memref_squeeze %dma_start3A_205 : memref<1x80xi32, #tpu.memory_space<vmem>> -> memref<80xi32, #tpu.memory_space<vmem>>
      %dma_start3A_207 = tpu.memref_slice %arg3[%add3A_198] : memref<640000xi32, #tpu.memory_space<hbm>> -> memref<80xi32, #tpu.memory_space<hbm>>
      tpu.enqueue_dma source(%dma_start3A_207 : memref<80xi32, #tpu.memory_space<hbm>>) target(%dma_start3A_206 : memref<80xi32, #tpu.memory_space<vmem>>) target_semaphore(%arg14 : memref<!tpu.dma_semaphore, #tpu.memory_space<semaphore_mem>>)
      %add3A_208 = arith.constant 640 : i32
      %add3A_209 = arith.addi %add3A_21, %add3A_208 : i32
      %dma_start3A_210 = arith.constant 8 : i32
      %dma_start3A_211 = arith.constant 0 : i32
      %dma_start3A_212 = tpu.memref_slice %arg8[%dma_start3A_210, %dma_start3A_211] : memref<10x80xi32, #tpu.memory_space<vmem>> -> memref<1x80xi32, #tpu.memory_space<vmem>>
      %dma_start3A_213 = tpu.memref_squeeze %dma_start3A_212 : memref<1x80xi32, #tpu.memory_space<vmem>> -> memref<80xi32, #tpu.memory_space<vmem>>
      %dma_start3A_214 = tpu.memref_slice %arg4[%add3A_209] : memref<640000xi32, #tpu.memory_space<hbm>> -> memref<80xi32, #tpu.memory_space<hbm>>
      %dma_start3A_215 = arith.constant 0 : i32
      %dma_start3A_216 = tpu.memref_slice %arg8[%dma_start3A_210, %dma_start3A_215] : memref<10x80xi32, #tpu.memory_space<vmem>> -> memref<1x80xi32, #tpu.memory_space<vmem>>
      %dma_start3A_217 = tpu.memref_squeeze %dma_start3A_216 : memref<1x80xi32, #tpu.memory_space<vmem>> -> memref<80xi32, #tpu.memory_space<vmem>>
      %dma_start3A_218 = tpu.memref_slice %arg4[%add3A_209] : memref<640000xi32, #tpu.memory_space<hbm>> -> memref<80xi32, #tpu.memory_space<hbm>>
      tpu.enqueue_dma source(%dma_start3A_218 : memref<80xi32, #tpu.memory_space<hbm>>) target(%dma_start3A_217 : memref<80xi32, #tpu.memory_space<vmem>>) target_semaphore(%arg14 : memref<!tpu.dma_semaphore, #tpu.memory_space<semaphore_mem>>)
      %add3A_219 = arith.constant 720 : i32
      %add3A_220 = arith.addi %add3A_21, %add3A_219 : i32
      %dma_start3A_221 = arith.constant 9 : i32
      %dma_start3A_222 = arith.constant 0 : i32
      %dma_start3A_223 = tpu.memref_slice %arg7[%dma_start3A_221, %dma_start3A_222] : memref<10x80xi32, #tpu.memory_space<vmem>> -> memref<1x80xi32, #tpu.memory_space<vmem>>
      %dma_start3A_224 = tpu.memref_squeeze %dma_start3A_223 : memref<1x80xi32, #tpu.memory_space<vmem>> -> memref<80xi32, #tpu.memory_space<vmem>>
      %dma_start3A_225 = tpu.memref_slice %arg3[%add3A_220] : memref<640000xi32, #tpu.memory_space<hbm>> -> memref<80xi32, #tpu.memory_space<hbm>>
      %dma_start3A_226 = arith.constant 0 : i32
      %dma_start3A_227 = tpu.memref_slice %arg7[%dma_start3A_221, %dma_start3A_226] : memref<10x80xi32, #tpu.memory_space<vmem>> -> memref<1x80xi32, #tpu.memory_space<vmem>>
      %dma_start3A_228 = tpu.memref_squeeze %dma_start3A_227 : memref<1x80xi32, #tpu.memory_space<vmem>> -> memref<80xi32, #tpu.memory_space<vmem>>
      %dma_start3A_229 = tpu.memref_slice %arg3[%add3A_220] : memref<640000xi32, #tpu.memory_space<hbm>> -> memref<80xi32, #tpu.memory_space<hbm>>
      tpu.enqueue_dma source(%dma_start3A_229 : memref<80xi32, #tpu.memory_space<hbm>>) target(%dma_start3A_228 : memref<80xi32, #tpu.memory_space<vmem>>) target_semaphore(%arg14 : memref<!tpu.dma_semaphore, #tpu.memory_space<semaphore_mem>>)
      %add3A_230 = arith.constant 720 : i32
      %add3A_231 = arith.addi %add3A_21, %add3A_230 : i32
      %dma_start3A_232 = arith.constant 9 : i32
      %dma_start3A_233 = arith.constant 0 : i32
      %dma_start3A_234 = tpu.memref_slice %arg8[%dma_start3A_232, %dma_start3A_233] : memref<10x80xi32, #tpu.memory_space<vmem>> -> memref<1x80xi32, #tpu.memory_space<vmem>>
      %dma_start3A_235 = tpu.memref_squeeze %dma_start3A_234 : memref<1x80xi32, #tpu.memory_space<vmem>> -> memref<80xi32, #tpu.memory_space<vmem>>
      %dma_start3A_236 = tpu.memref_slice %arg4[%add3A_231] : memref<640000xi32, #tpu.memory_space<hbm>> -> memref<80xi32, #tpu.memory_space<hbm>>
      %dma_start3A_237 = arith.constant 0 : i32
      %dma_start3A_238 = tpu.memref_slice %arg8[%dma_start3A_232, %dma_start3A_237] : memref<10x80xi32, #tpu.memory_space<vmem>> -> memref<1x80xi32, #tpu.memory_space<vmem>>
      %dma_start3A_239 = tpu.memref_squeeze %dma_start3A_238 : memref<1x80xi32, #tpu.memory_space<vmem>> -> memref<80xi32, #tpu.memory_space<vmem>>
      %dma_start3A_240 = tpu.memref_slice %arg4[%add3A_231] : memref<640000xi32, #tpu.memory_space<hbm>> -> memref<80xi32, #tpu.memory_space<hbm>>
      tpu.enqueue_dma source(%dma_start3A_240 : memref<80xi32, #tpu.memory_space<hbm>>) target(%dma_start3A_239 : memref<80xi32, #tpu.memory_space<vmem>>) target_semaphore(%arg14 : memref<!tpu.dma_semaphore, #tpu.memory_space<semaphore_mem>>)
      %dma_wait3A = arith.constant 0 : i32
      %dma_wait3A_241 = arith.constant 0 : i32
      %dma_wait3A_242 = tpu.memref_slice %arg7[%dma_wait3A, %dma_wait3A_241] : memref<10x80xi32, #tpu.memory_space<vmem>> -> memref<1x80xi32, #tpu.memory_space<vmem>>
      %dma_wait3A_243 = tpu.memref_squeeze %dma_wait3A_242 : memref<1x80xi32, #tpu.memory_space<vmem>> -> memref<80xi32, #tpu.memory_space<vmem>>
      %dma_wait3A_244 = tpu.memref_slice %arg3[%add3A_23] : memref<640000xi32, #tpu.memory_space<hbm>> -> memref<80xi32, #tpu.memory_space<hbm>>
      %dma_wait3A_245 = arith.constant 0 : i32
      %dma_wait3A_246 = tpu.memref_slice %arg7[%dma_wait3A, %dma_wait3A_245] : memref<10x80xi32, #tpu.memory_space<vmem>> -> memref<1x80xi32, #tpu.memory_space<vmem>>
      %dma_wait3A_247 = tpu.memref_squeeze %dma_wait3A_246 : memref<1x80xi32, #tpu.memory_space<vmem>> -> memref<80xi32, #tpu.memory_space<vmem>>
      %dma_wait3A_248 = tpu.memref_slice %arg3[%add3A_23] : memref<640000xi32, #tpu.memory_space<hbm>> -> memref<80xi32, #tpu.memory_space<hbm>>
      tpu.wait_dma2 semaphore(%arg14 : memref<!tpu.dma_semaphore, #tpu.memory_space<semaphore_mem>>) src(%dma_wait3A_248 : memref<80xi32, #tpu.memory_space<hbm>>) dst(%dma_wait3A_247 : memref<80xi32, #tpu.memory_space<vmem>>)
      %dma_wait3A_249 = arith.constant 0 : i32
      %dma_wait3A_250 = arith.constant 0 : i32
      %dma_wait3A_251 = tpu.memref_slice %arg8[%dma_wait3A_249, %dma_wait3A_250] : memref<10x80xi32, #tpu.memory_space<vmem>> -> memref<1x80xi32, #tpu.memory_space<vmem>>
      %dma_wait3A_252 = tpu.memref_squeeze %dma_wait3A_251 : memref<1x80xi32, #tpu.memory_space<vmem>> -> memref<80xi32, #tpu.memory_space<vmem>>
      %dma_wait3A_253 = tpu.memref_slice %arg4[%add3A_33] : memref<640000xi32, #tpu.memory_space<hbm>> -> memref<80xi32, #tpu.memory_space<hbm>>
      %dma_wait3A_254 = arith.constant 0 : i32
      %dma_wait3A_255 = tpu.memref_slice %arg8[%dma_wait3A_249, %dma_wait3A_254] : memref<10x80xi32, #tpu.memory_space<vmem>> -> memref<1x80xi32, #tpu.memory_space<vmem>>
      %dma_wait3A_256 = tpu.memref_squeeze %dma_wait3A_255 : memref<1x80xi32, #tpu.memory_space<vmem>> -> memref<80xi32, #tpu.memory_space<vmem>>
      %dma_wait3A_257 = tpu.memref_slice %arg4[%add3A_33] : memref<640000xi32, #tpu.memory_space<hbm>> -> memref<80xi32, #tpu.memory_space<hbm>>
      tpu.wait_dma2 semaphore(%arg14 : memref<!tpu.dma_semaphore, #tpu.memory_space<semaphore_mem>>) src(%dma_wait3A_257 : memref<80xi32, #tpu.memory_space<hbm>>) dst(%dma_wait3A_256 : memref<80xi32, #tpu.memory_space<vmem>>)
      %dma_wait3A_258 = arith.constant 1 : i32
      %dma_wait3A_259 = arith.constant 0 : i32
      %dma_wait3A_260 = tpu.memref_slice %arg7[%dma_wait3A_258, %dma_wait3A_259] : memref<10x80xi32, #tpu.memory_space<vmem>> -> memref<1x80xi32, #tpu.memory_space<vmem>>
      %dma_wait3A_261 = tpu.memref_squeeze %dma_wait3A_260 : memref<1x80xi32, #tpu.memory_space<vmem>> -> memref<80xi32, #tpu.memory_space<vmem>>
      %dma_wait3A_262 = tpu.memref_slice %arg3[%add3A_44] : memref<640000xi32, #tpu.memory_space<hbm>> -> memref<80xi32, #tpu.memory_space<hbm>>
      %dma_wait3A_263 = arith.constant 0 : i32
      %dma_wait3A_264 = tpu.memref_slice %arg7[%dma_wait3A_258, %dma_wait3A_263] : memref<10x80xi32, #tpu.memory_space<vmem>> -> memref<1x80xi32, #tpu.memory_space<vmem>>
      %dma_wait3A_265 = tpu.memref_squeeze %dma_wait3A_264 : memref<1x80xi32, #tpu.memory_space<vmem>> -> memref<80xi32, #tpu.memory_space<vmem>>
      %dma_wait3A_266 = tpu.memref_slice %arg3[%add3A_44] : memref<640000xi32, #tpu.memory_space<hbm>> -> memref<80xi32, #tpu.memory_space<hbm>>
      tpu.wait_dma2 semaphore(%arg14 : memref<!tpu.dma_semaphore, #tpu.memory_space<semaphore_mem>>) src(%dma_wait3A_266 : memref<80xi32, #tpu.memory_space<hbm>>) dst(%dma_wait3A_265 : memref<80xi32, #tpu.memory_space<vmem>>)
      %dma_wait3A_267 = arith.constant 1 : i32
      %dma_wait3A_268 = arith.constant 0 : i32
      %dma_wait3A_269 = tpu.memref_slice %arg8[%dma_wait3A_267, %dma_wait3A_268] : memref<10x80xi32, #tpu.memory_space<vmem>> -> memref<1x80xi32, #tpu.memory_space<vmem>>
      %dma_wait3A_270 = tpu.memref_squeeze %dma_wait3A_269 : memref<1x80xi32, #tpu.memory_space<vmem>> -> memref<80xi32, #tpu.memory_space<vmem>>
      %dma_wait3A_271 = tpu.memref_slice %arg4[%add3A_55] : memref<640000xi32, #tpu.memory_space<hbm>> -> memref<80xi32, #tpu.memory_space<hbm>>
      %dma_wait3A_272 = arith.constant 0 : i32
      %dma_wait3A_273 = tpu.memref_slice %arg8[%dma_wait3A_267, %dma_wait3A_272] : memref<10x80xi32, #tpu.memory_space<vmem>> -> memref<1x80xi32, #tpu.memory_space<vmem>>
      %dma_wait3A_274 = tpu.memref_squeeze %dma_wait3A_273 : memref<1x80xi32, #tpu.memory_space<vmem>> -> memref<80xi32, #tpu.memory_space<vmem>>
      %dma_wait3A_275 = tpu.memref_slice %arg4[%add3A_55] : memref<640000xi32, #tpu.memory_space<hbm>> -> memref<80xi32, #tpu.memory_space<hbm>>
      tpu.wait_dma2 semaphore(%arg14 : memref<!tpu.dma_semaphore, #tpu.memory_space<semaphore_mem>>) src(%dma_wait3A_275 : memref<80xi32, #tpu.memory_space<hbm>>) dst(%dma_wait3A_274 : memref<80xi32, #tpu.memory_space<vmem>>)
      %dma_wait3A_276 = arith.constant 2 : i32
      %dma_wait3A_277 = arith.constant 0 : i32
      %dma_wait3A_278 = tpu.memref_slice %arg7[%dma_wait3A_276, %dma_wait3A_277] : memref<10x80xi32, #tpu.memory_space<vmem>> -> memref<1x80xi32, #tpu.memory_space<vmem>>
      %dma_wait3A_279 = tpu.memref_squeeze %dma_wait3A_278 : memref<1x80xi32, #tpu.memory_space<vmem>> -> memref<80xi32, #tpu.memory_space<vmem>>
      %dma_wait3A_280 = tpu.memref_slice %arg3[%add3A_66] : memref<640000xi32, #tpu.memory_space<hbm>> -> memref<80xi32, #tpu.memory_space<hbm>>
      %dma_wait3A_281 = arith.constant 0 : i32
      %dma_wait3A_282 = tpu.memref_slice %arg7[%dma_wait3A_276, %dma_wait3A_281] : memref<10x80xi32, #tpu.memory_space<vmem>> -> memref<1x80xi32, #tpu.memory_space<vmem>>
      %dma_wait3A_283 = tpu.memref_squeeze %dma_wait3A_282 : memref<1x80xi32, #tpu.memory_space<vmem>> -> memref<80xi32, #tpu.memory_space<vmem>>
      %dma_wait3A_284 = tpu.memref_slice %arg3[%add3A_66] : memref<640000xi32, #tpu.memory_space<hbm>> -> memref<80xi32, #tpu.memory_space<hbm>>
      tpu.wait_dma2 semaphore(%arg14 : memref<!tpu.dma_semaphore, #tpu.memory_space<semaphore_mem>>) src(%dma_wait3A_284 : memref<80xi32, #tpu.memory_space<hbm>>) dst(%dma_wait3A_283 : memref<80xi32, #tpu.memory_space<vmem>>)
      %dma_wait3A_285 = arith.constant 2 : i32
      %dma_wait3A_286 = arith.constant 0 : i32
      %dma_wait3A_287 = tpu.memref_slice %arg8[%dma_wait3A_285, %dma_wait3A_286] : memref<10x80xi32, #tpu.memory_space<vmem>> -> memref<1x80xi32, #tpu.memory_space<vmem>>
      %dma_wait3A_288 = tpu.memref_squeeze %dma_wait3A_287 : memref<1x80xi32, #tpu.memory_space<vmem>> -> memref<80xi32, #tpu.memory_space<vmem>>
      %dma_wait3A_289 = tpu.memref_slice %arg4[%add3A_77] : memref<640000xi32, #tpu.memory_space<hbm>> -> memref<80xi32, #tpu.memory_space<hbm>>
      %dma_wait3A_290 = arith.constant 0 : i32
      %dma_wait3A_291 = tpu.memref_slice %arg8[%dma_wait3A_285, %dma_wait3A_290] : memref<10x80xi32, #tpu.memory_space<vmem>> -> memref<1x80xi32, #tpu.memory_space<vmem>>
      %dma_wait3A_292 = tpu.memref_squeeze %dma_wait3A_291 : memref<1x80xi32, #tpu.memory_space<vmem>> -> memref<80xi32, #tpu.memory_space<vmem>>
      %dma_wait3A_293 = tpu.memref_slice %arg4[%add3A_77] : memref<640000xi32, #tpu.memory_space<hbm>> -> memref<80xi32, #tpu.memory_space<hbm>>
      tpu.wait_dma2 semaphore(%arg14 : memref<!tpu.dma_semaphore, #tpu.memory_space<semaphore_mem>>) src(%dma_wait3A_293 : memref<80xi32, #tpu.memory_space<hbm>>) dst(%dma_wait3A_292 : memref<80xi32, #tpu.memory_space<vmem>>)
      %dma_wait3A_294 = arith.constant 3 : i32
      %dma_wait3A_295 = arith.constant 0 : i32
      %dma_wait3A_296 = tpu.memref_slice %arg7[%dma_wait3A_294, %dma_wait3A_295] : memref<10x80xi32, #tpu.memory_space<vmem>> -> memref<1x80xi32, #tpu.memory_space<vmem>>
      %dma_wait3A_297 = tpu.memref_squeeze %dma_wait3A_296 : memref<1x80xi32, #tpu.memory_space<vmem>> -> memref<80xi32, #tpu.memory_space<vmem>>
      %dma_wait3A_298 = tpu.memref_slice %arg3[%add3A_88] : memref<640000xi32, #tpu.memory_space<hbm>> -> memref<80xi32, #tpu.memory_space<hbm>>
      %dma_wait3A_299 = arith.constant 0 : i32
      %dma_wait3A_300 = tpu.memref_slice %arg7[%dma_wait3A_294, %dma_wait3A_299] : memref<10x80xi32, #tpu.memory_space<vmem>> -> memref<1x80xi32, #tpu.memory_space<vmem>>
      %dma_wait3A_301 = tpu.memref_squeeze %dma_wait3A_300 : memref<1x80xi32, #tpu.memory_space<vmem>> -> memref<80xi32, #tpu.memory_space<vmem>>
      %dma_wait3A_302 = tpu.memref_slice %arg3[%add3A_88] : memref<640000xi32, #tpu.memory_space<hbm>> -> memref<80xi32, #tpu.memory_space<hbm>>
      tpu.wait_dma2 semaphore(%arg14 : memref<!tpu.dma_semaphore, #tpu.memory_space<semaphore_mem>>) src(%dma_wait3A_302 : memref<80xi32, #tpu.memory_space<hbm>>) dst(%dma_wait3A_301 : memref<80xi32, #tpu.memory_space<vmem>>)
      %dma_wait3A_303 = arith.constant 3 : i32
      %dma_wait3A_304 = arith.constant 0 : i32
      %dma_wait3A_305 = tpu.memref_slice %arg8[%dma_wait3A_303, %dma_wait3A_304] : memref<10x80xi32, #tpu.memory_space<vmem>> -> memref<1x80xi32, #tpu.memory_space<vmem>>
      %dma_wait3A_306 = tpu.memref_squeeze %dma_wait3A_305 : memref<1x80xi32, #tpu.memory_space<vmem>> -> memref<80xi32, #tpu.memory_space<vmem>>
      %dma_wait3A_307 = tpu.memref_slice %arg4[%add3A_99] : memref<640000xi32, #tpu.memory_space<hbm>> -> memref<80xi32, #tpu.memory_space<hbm>>
      %dma_wait3A_308 = arith.constant 0 : i32
      %dma_wait3A_309 = tpu.memref_slice %arg8[%dma_wait3A_303, %dma_wait3A_308] : memref<10x80xi32, #tpu.memory_space<vmem>> -> memref<1x80xi32, #tpu.memory_space<vmem>>
      %dma_wait3A_310 = tpu.memref_squeeze %dma_wait3A_309 : memref<1x80xi32, #tpu.memory_space<vmem>> -> memref<80xi32, #tpu.memory_space<vmem>>
      %dma_wait3A_311 = tpu.memref_slice %arg4[%add3A_99] : memref<640000xi32, #tpu.memory_space<hbm>> -> memref<80xi32, #tpu.memory_space<hbm>>
      tpu.wait_dma2 semaphore(%arg14 : memref<!tpu.dma_semaphore, #tpu.memory_space<semaphore_mem>>) src(%dma_wait3A_311 : memref<80xi32, #tpu.memory_space<hbm>>) dst(%dma_wait3A_310 : memref<80xi32, #tpu.memory_space<vmem>>)
      %dma_wait3A_312 = arith.constant 4 : i32
      %dma_wait3A_313 = arith.constant 0 : i32
      %dma_wait3A_314 = tpu.memref_slice %arg7[%dma_wait3A_312, %dma_wait3A_313] : memref<10x80xi32, #tpu.memory_space<vmem>> -> memref<1x80xi32, #tpu.memory_space<vmem>>
      %dma_wait3A_315 = tpu.memref_squeeze %dma_wait3A_314 : memref<1x80xi32, #tpu.memory_space<vmem>> -> memref<80xi32, #tpu.memory_space<vmem>>
      %dma_wait3A_316 = tpu.memref_slice %arg3[%add3A_110] : memref<640000xi32, #tpu.memory_space<hbm>> -> memref<80xi32, #tpu.memory_space<hbm>>
      %dma_wait3A_317 = arith.constant 0 : i32
      %dma_wait3A_318 = tpu.memref_slice %arg7[%dma_wait3A_312, %dma_wait3A_317] : memref<10x80xi32, #tpu.memory_space<vmem>> -> memref<1x80xi32, #tpu.memory_space<vmem>>
      %dma_wait3A_319 = tpu.memref_squeeze %dma_wait3A_318 : memref<1x80xi32, #tpu.memory_space<vmem>> -> memref<80xi32, #tpu.memory_space<vmem>>
      %dma_wait3A_320 = tpu.memref_slice %arg3[%add3A_110] : memref<640000xi32, #tpu.memory_space<hbm>> -> memref<80xi32, #tpu.memory_space<hbm>>
      tpu.wait_dma2 semaphore(%arg14 : memref<!tpu.dma_semaphore, #tpu.memory_space<semaphore_mem>>) src(%dma_wait3A_320 : memref<80xi32, #tpu.memory_space<hbm>>) dst(%dma_wait3A_319 : memref<80xi32, #tpu.memory_space<vmem>>)
      %dma_wait3A_321 = arith.constant 4 : i32
      %dma_wait3A_322 = arith.constant 0 : i32
      %dma_wait3A_323 = tpu.memref_slice %arg8[%dma_wait3A_321, %dma_wait3A_322] : memref<10x80xi32, #tpu.memory_space<vmem>> -> memref<1x80xi32, #tpu.memory_space<vmem>>
      %dma_wait3A_324 = tpu.memref_squeeze %dma_wait3A_323 : memref<1x80xi32, #tpu.memory_space<vmem>> -> memref<80xi32, #tpu.memory_space<vmem>>
      %dma_wait3A_325 = tpu.memref_slice %arg4[%add3A_121] : memref<640000xi32, #tpu.memory_space<hbm>> -> memref<80xi32, #tpu.memory_space<hbm>>
      %dma_wait3A_326 = arith.constant 0 : i32
      %dma_wait3A_327 = tpu.memref_slice %arg8[%dma_wait3A_321, %dma_wait3A_326] : memref<10x80xi32, #tpu.memory_space<vmem>> -> memref<1x80xi32, #tpu.memory_space<vmem>>
      %dma_wait3A_328 = tpu.memref_squeeze %dma_wait3A_327 : memref<1x80xi32, #tpu.memory_space<vmem>> -> memref<80xi32, #tpu.memory_space<vmem>>
      %dma_wait3A_329 = tpu.memref_slice %arg4[%add3A_121] : memref<640000xi32, #tpu.memory_space<hbm>> -> memref<80xi32, #tpu.memory_space<hbm>>
      tpu.wait_dma2 semaphore(%arg14 : memref<!tpu.dma_semaphore, #tpu.memory_space<semaphore_mem>>) src(%dma_wait3A_329 : memref<80xi32, #tpu.memory_space<hbm>>) dst(%dma_wait3A_328 : memref<80xi32, #tpu.memory_space<vmem>>)
      %dma_wait3A_330 = arith.constant 5 : i32
      %dma_wait3A_331 = arith.constant 0 : i32
      %dma_wait3A_332 = tpu.memref_slice %arg7[%dma_wait3A_330, %dma_wait3A_331] : memref<10x80xi32, #tpu.memory_space<vmem>> -> memref<1x80xi32, #tpu.memory_space<vmem>>
      %dma_wait3A_333 = tpu.memref_squeeze %dma_wait3A_332 : memref<1x80xi32, #tpu.memory_space<vmem>> -> memref<80xi32, #tpu.memory_space<vmem>>
      %dma_wait3A_334 = tpu.memref_slice %arg3[%add3A_132] : memref<640000xi32, #tpu.memory_space<hbm>> -> memref<80xi32, #tpu.memory_space<hbm>>
      %dma_wait3A_335 = arith.constant 0 : i32
      %dma_wait3A_336 = tpu.memref_slice %arg7[%dma_wait3A_330, %dma_wait3A_335] : memref<10x80xi32, #tpu.memory_space<vmem>> -> memref<1x80xi32, #tpu.memory_space<vmem>>
      %dma_wait3A_337 = tpu.memref_squeeze %dma_wait3A_336 : memref<1x80xi32, #tpu.memory_space<vmem>> -> memref<80xi32, #tpu.memory_space<vmem>>
      %dma_wait3A_338 = tpu.memref_slice %arg3[%add3A_132] : memref<640000xi32, #tpu.memory_space<hbm>> -> memref<80xi32, #tpu.memory_space<hbm>>
      tpu.wait_dma2 semaphore(%arg14 : memref<!tpu.dma_semaphore, #tpu.memory_space<semaphore_mem>>) src(%dma_wait3A_338 : memref<80xi32, #tpu.memory_space<hbm>>) dst(%dma_wait3A_337 : memref<80xi32, #tpu.memory_space<vmem>>)
      %dma_wait3A_339 = arith.constant 5 : i32
      %dma_wait3A_340 = arith.constant 0 : i32
      %dma_wait3A_341 = tpu.memref_slice %arg8[%dma_wait3A_339, %dma_wait3A_340] : memref<10x80xi32, #tpu.memory_space<vmem>> -> memref<1x80xi32, #tpu.memory_space<vmem>>
      %dma_wait3A_342 = tpu.memref_squeeze %dma_wait3A_341 : memref<1x80xi32, #tpu.memory_space<vmem>> -> memref<80xi32, #tpu.memory_space<vmem>>
      %dma_wait3A_343 = tpu.memref_slice %arg4[%add3A_143] : memref<640000xi32, #tpu.memory_space<hbm>> -> memref<80xi32, #tpu.memory_space<hbm>>
      %dma_wait3A_344 = arith.constant 0 : i32
      %dma_wait3A_345 = tpu.memref_slice %arg8[%dma_wait3A_339, %dma_wait3A_344] : memref<10x80xi32, #tpu.memory_space<vmem>> -> memref<1x80xi32, #tpu.memory_space<vmem>>
      %dma_wait3A_346 = tpu.memref_squeeze %dma_wait3A_345 : memref<1x80xi32, #tpu.memory_space<vmem>> -> memref<80xi32, #tpu.memory_space<vmem>>
      %dma_wait3A_347 = tpu.memref_slice %arg4[%add3A_143] : memref<640000xi32, #tpu.memory_space<hbm>> -> memref<80xi32, #tpu.memory_space<hbm>>
      tpu.wait_dma2 semaphore(%arg14 : memref<!tpu.dma_semaphore, #tpu.memory_space<semaphore_mem>>) src(%dma_wait3A_347 : memref<80xi32, #tpu.memory_space<hbm>>) dst(%dma_wait3A_346 : memref<80xi32, #tpu.memory_space<vmem>>)
      %dma_wait3A_348 = arith.constant 6 : i32
      %dma_wait3A_349 = arith.constant 0 : i32
      %dma_wait3A_350 = tpu.memref_slice %arg7[%dma_wait3A_348, %dma_wait3A_349] : memref<10x80xi32, #tpu.memory_space<vmem>> -> memref<1x80xi32, #tpu.memory_space<vmem>>
      %dma_wait3A_351 = tpu.memref_squeeze %dma_wait3A_350 : memref<1x80xi32, #tpu.memory_space<vmem>> -> memref<80xi32, #tpu.memory_space<vmem>>
      %dma_wait3A_352 = tpu.memref_slice %arg3[%add3A_154] : memref<640000xi32, #tpu.memory_space<hbm>> -> memref<80xi32, #tpu.memory_space<hbm>>
      %dma_wait3A_353 = arith.constant 0 : i32
      %dma_wait3A_354 = tpu.memref_slice %arg7[%dma_wait3A_348, %dma_wait3A_353] : memref<10x80xi32, #tpu.memory_space<vmem>> -> memref<1x80xi32, #tpu.memory_space<vmem>>
      %dma_wait3A_355 = tpu.memref_squeeze %dma_wait3A_354 : memref<1x80xi32, #tpu.memory_space<vmem>> -> memref<80xi32, #tpu.memory_space<vmem>>
      %dma_wait3A_356 = tpu.memref_slice %arg3[%add3A_154] : memref<640000xi32, #tpu.memory_space<hbm>> -> memref<80xi32, #tpu.memory_space<hbm>>
      tpu.wait_dma2 semaphore(%arg14 : memref<!tpu.dma_semaphore, #tpu.memory_space<semaphore_mem>>) src(%dma_wait3A_356 : memref<80xi32, #tpu.memory_space<hbm>>) dst(%dma_wait3A_355 : memref<80xi32, #tpu.memory_space<vmem>>)
      %dma_wait3A_357 = arith.constant 6 : i32
      %dma_wait3A_358 = arith.constant 0 : i32
      %dma_wait3A_359 = tpu.memref_slice %arg8[%dma_wait3A_357, %dma_wait3A_358] : memref<10x80xi32, #tpu.memory_space<vmem>> -> memref<1x80xi32, #tpu.memory_space<vmem>>
      %dma_wait3A_360 = tpu.memref_squeeze %dma_wait3A_359 : memref<1x80xi32, #tpu.memory_space<vmem>> -> memref<80xi32, #tpu.memory_space<vmem>>
      %dma_wait3A_361 = tpu.memref_slice %arg4[%add3A_165] : memref<640000xi32, #tpu.memory_space<hbm>> -> memref<80xi32, #tpu.memory_space<hbm>>
      %dma_wait3A_362 = arith.constant 0 : i32
      %dma_wait3A_363 = tpu.memref_slice %arg8[%dma_wait3A_357, %dma_wait3A_362] : memref<10x80xi32, #tpu.memory_space<vmem>> -> memref<1x80xi32, #tpu.memory_space<vmem>>
      %dma_wait3A_364 = tpu.memref_squeeze %dma_wait3A_363 : memref<1x80xi32, #tpu.memory_space<vmem>> -> memref<80xi32, #tpu.memory_space<vmem>>
      %dma_wait3A_365 = tpu.memref_slice %arg4[%add3A_165] : memref<640000xi32, #tpu.memory_space<hbm>> -> memref<80xi32, #tpu.memory_space<hbm>>
      tpu.wait_dma2 semaphore(%arg14 : memref<!tpu.dma_semaphore, #tpu.memory_space<semaphore_mem>>) src(%dma_wait3A_365 : memref<80xi32, #tpu.memory_space<hbm>>) dst(%dma_wait3A_364 : memref<80xi32, #tpu.memory_space<vmem>>)
      %dma_wait3A_366 = arith.constant 7 : i32
      %dma_wait3A_367 = arith.constant 0 : i32
      %dma_wait3A_368 = tpu.memref_slice %arg7[%dma_wait3A_366, %dma_wait3A_367] : memref<10x80xi32, #tpu.memory_space<vmem>> -> memref<1x80xi32, #tpu.memory_space<vmem>>
      %dma_wait3A_369 = tpu.memref_squeeze %dma_wait3A_368 : memref<1x80xi32, #tpu.memory_space<vmem>> -> memref<80xi32, #tpu.memory_space<vmem>>
      %dma_wait3A_370 = tpu.memref_slice %arg3[%add3A_176] : memref<640000xi32, #tpu.memory_space<hbm>> -> memref<80xi32, #tpu.memory_space<hbm>>
      %dma_wait3A_371 = arith.constant 0 : i32
      %dma_wait3A_372 = tpu.memref_slice %arg7[%dma_wait3A_366, %dma_wait3A_371] : memref<10x80xi32, #tpu.memory_space<vmem>> -> memref<1x80xi32, #tpu.memory_space<vmem>>
      %dma_wait3A_373 = tpu.memref_squeeze %dma_wait3A_372 : memref<1x80xi32, #tpu.memory_space<vmem>> -> memref<80xi32, #tpu.memory_space<vmem>>
      %dma_wait3A_374 = tpu.memref_slice %arg3[%add3A_176] : memref<640000xi32, #tpu.memory_space<hbm>> -> memref<80xi32, #tpu.memory_space<hbm>>
      tpu.wait_dma2 semaphore(%arg14 : memref<!tpu.dma_semaphore, #tpu.memory_space<semaphore_mem>>) src(%dma_wait3A_374 : memref<80xi32, #tpu.memory_space<hbm>>) dst(%dma_wait3A_373 : memref<80xi32, #tpu.memory_space<vmem>>)
      %dma_wait3A_375 = arith.constant 7 : i32
      %dma_wait3A_376 = arith.constant 0 : i32
      %dma_wait3A_377 = tpu.memref_slice %arg8[%dma_wait3A_375, %dma_wait3A_376] : memref<10x80xi32, #tpu.memory_space<vmem>> -> memref<1x80xi32, #tpu.memory_space<vmem>>
      %dma_wait3A_378 = tpu.memref_squeeze %dma_wait3A_377 : memref<1x80xi32, #tpu.memory_space<vmem>> -> memref<80xi32, #tpu.memory_space<vmem>>
      %dma_wait3A_379 = tpu.memref_slice %arg4[%add3A_187] : memref<640000xi32, #tpu.memory_space<hbm>> -> memref<80xi32, #tpu.memory_space<hbm>>
      %dma_wait3A_380 = arith.constant 0 : i32
      %dma_wait3A_381 = tpu.memref_slice %arg8[%dma_wait3A_375, %dma_wait3A_380] : memref<10x80xi32, #tpu.memory_space<vmem>> -> memref<1x80xi32, #tpu.memory_space<vmem>>
      %dma_wait3A_382 = tpu.memref_squeeze %dma_wait3A_381 : memref<1x80xi32, #tpu.memory_space<vmem>> -> memref<80xi32, #tpu.memory_space<vmem>>
      %dma_wait3A_383 = tpu.memref_slice %arg4[%add3A_187] : memref<640000xi32, #tpu.memory_space<hbm>> -> memref<80xi32, #tpu.memory_space<hbm>>
      tpu.wait_dma2 semaphore(%arg14 : memref<!tpu.dma_semaphore, #tpu.memory_space<semaphore_mem>>) src(%dma_wait3A_383 : memref<80xi32, #tpu.memory_space<hbm>>) dst(%dma_wait3A_382 : memref<80xi32, #tpu.memory_space<vmem>>)
      %dma_wait3A_384 = arith.constant 8 : i32
      %dma_wait3A_385 = arith.constant 0 : i32
      %dma_wait3A_386 = tpu.memref_slice %arg7[%dma_wait3A_384, %dma_wait3A_385] : memref<10x80xi32, #tpu.memory_space<vmem>> -> memref<1x80xi32, #tpu.memory_space<vmem>>
      %dma_wait3A_387 = tpu.memref_squeeze %dma_wait3A_386 : memref<1x80xi32, #tpu.memory_space<vmem>> -> memref<80xi32, #tpu.memory_space<vmem>>
      %dma_wait3A_388 = tpu.memref_slice %arg3[%add3A_198] : memref<640000xi32, #tpu.memory_space<hbm>> -> memref<80xi32, #tpu.memory_space<hbm>>
      %dma_wait3A_389 = arith.constant 0 : i32
      %dma_wait3A_390 = tpu.memref_slice %arg7[%dma_wait3A_384, %dma_wait3A_389] : memref<10x80xi32, #tpu.memory_space<vmem>> -> memref<1x80xi32, #tpu.memory_space<vmem>>
      %dma_wait3A_391 = tpu.memref_squeeze %dma_wait3A_390 : memref<1x80xi32, #tpu.memory_space<vmem>> -> memref<80xi32, #tpu.memory_space<vmem>>
      %dma_wait3A_392 = tpu.memref_slice %arg3[%add3A_198] : memref<640000xi32, #tpu.memory_space<hbm>> -> memref<80xi32, #tpu.memory_space<hbm>>
      tpu.wait_dma2 semaphore(%arg14 : memref<!tpu.dma_semaphore, #tpu.memory_space<semaphore_mem>>) src(%dma_wait3A_392 : memref<80xi32, #tpu.memory_space<hbm>>) dst(%dma_wait3A_391 : memref<80xi32, #tpu.memory_space<vmem>>)
      %dma_wait3A_393 = arith.constant 8 : i32
      %dma_wait3A_394 = arith.constant 0 : i32
      %dma_wait3A_395 = tpu.memref_slice %arg8[%dma_wait3A_393, %dma_wait3A_394] : memref<10x80xi32, #tpu.memory_space<vmem>> -> memref<1x80xi32, #tpu.memory_space<vmem>>
      %dma_wait3A_396 = tpu.memref_squeeze %dma_wait3A_395 : memref<1x80xi32, #tpu.memory_space<vmem>> -> memref<80xi32, #tpu.memory_space<vmem>>
      %dma_wait3A_397 = tpu.memref_slice %arg4[%add3A_209] : memref<640000xi32, #tpu.memory_space<hbm>> -> memref<80xi32, #tpu.memory_space<hbm>>
      %dma_wait3A_398 = arith.constant 0 : i32
      %dma_wait3A_399 = tpu.memref_slice %arg8[%dma_wait3A_393, %dma_wait3A_398] : memref<10x80xi32, #tpu.memory_space<vmem>> -> memref<1x80xi32, #tpu.memory_space<vmem>>
      %dma_wait3A_400 = tpu.memref_squeeze %dma_wait3A_399 : memref<1x80xi32, #tpu.memory_space<vmem>> -> memref<80xi32, #tpu.memory_space<vmem>>
      %dma_wait3A_401 = tpu.memref_slice %arg4[%add3A_209] : memref<640000xi32, #tpu.memory_space<hbm>> -> memref<80xi32, #tpu.memory_space<hbm>>
      tpu.wait_dma2 semaphore(%arg14 : memref<!tpu.dma_semaphore, #tpu.memory_space<semaphore_mem>>) src(%dma_wait3A_401 : memref<80xi32, #tpu.memory_space<hbm>>) dst(%dma_wait3A_400 : memref<80xi32, #tpu.memory_space<vmem>>)
      %dma_wait3A_402 = arith.constant 9 : i32
      %dma_wait3A_403 = arith.constant 0 : i32
      %dma_wait3A_404 = tpu.memref_slice %arg7[%dma_wait3A_402, %dma_wait3A_403] : memref<10x80xi32, #tpu.memory_space<vmem>> -> memref<1x80xi32, #tpu.memory_space<vmem>>
      %dma_wait3A_405 = tpu.memref_squeeze %dma_wait3A_404 : memref<1x80xi32, #tpu.memory_space<vmem>> -> memref<80xi32, #tpu.memory_space<vmem>>
      %dma_wait3A_406 = tpu.memref_slice %arg3[%add3A_220] : memref<640000xi32, #tpu.memory_space<hbm>> -> memref<80xi32, #tpu.memory_space<hbm>>
      %dma_wait3A_407 = arith.constant 0 : i32
      %dma_wait3A_408 = tpu.memref_slice %arg7[%dma_wait3A_402, %dma_wait3A_407] : memref<10x80xi32, #tpu.memory_space<vmem>> -> memref<1x80xi32, #tpu.memory_space<vmem>>
      %dma_wait3A_409 = tpu.memref_squeeze %dma_wait3A_408 : memref<1x80xi32, #tpu.memory_space<vmem>> -> memref<80xi32, #tpu.memory_space<vmem>>
      %dma_wait3A_410 = tpu.memref_slice %arg3[%add3A_220] : memref<640000xi32, #tpu.memory_space<hbm>> -> memref<80xi32, #tpu.memory_space<hbm>>
      tpu.wait_dma2 semaphore(%arg14 : memref<!tpu.dma_semaphore, #tpu.memory_space<semaphore_mem>>) src(%dma_wait3A_410 : memref<80xi32, #tpu.memory_space<hbm>>) dst(%dma_wait3A_409 : memref<80xi32, #tpu.memory_space<vmem>>)
      %dma_wait3A_411 = arith.constant 9 : i32
      %dma_wait3A_412 = arith.constant 0 : i32
      %dma_wait3A_413 = tpu.memref_slice %arg8[%dma_wait3A_411, %dma_wait3A_412] : memref<10x80xi32, #tpu.memory_space<vmem>> -> memref<1x80xi32, #tpu.memory_space<vmem>>
      %dma_wait3A_414 = tpu.memref_squeeze %dma_wait3A_413 : memref<1x80xi32, #tpu.memory_space<vmem>> -> memref<80xi32, #tpu.memory_space<vmem>>
      %dma_wait3A_415 = tpu.memref_slice %arg4[%add3A_231] : memref<640000xi32, #tpu.memory_space<hbm>> -> memref<80xi32, #tpu.memory_space<hbm>>
      %dma_wait3A_416 = arith.constant 0 : i32
      %dma_wait3A_417 = tpu.memref_slice %arg8[%dma_wait3A_411, %dma_wait3A_416] : memref<10x80xi32, #tpu.memory_space<vmem>> -> memref<1x80xi32, #tpu.memory_space<vmem>>
      %dma_wait3A_418 = tpu.memref_squeeze %dma_wait3A_417 : memref<1x80xi32, #tpu.memory_space<vmem>> -> memref<80xi32, #tpu.memory_space<vmem>>
      %dma_wait3A_419 = tpu.memref_slice %arg4[%add3A_231] : memref<640000xi32, #tpu.memory_space<hbm>> -> memref<80xi32, #tpu.memory_space<hbm>>
      tpu.wait_dma2 semaphore(%arg14 : memref<!tpu.dma_semaphore, #tpu.memory_space<semaphore_mem>>) src(%dma_wait3A_419 : memref<80xi32, #tpu.memory_space<hbm>>) dst(%dma_wait3A_418 : memref<80xi32, #tpu.memory_space<vmem>>)
      %dma_start3A_420 = arith.constant 0 : i32
      %dma_start3A_421 = arith.constant 0 : i32
      %dma_start3A_422 = tpu.memref_slice %arg7[%dma_start3A_420, %dma_start3A_421] : memref<10x80xi32, #tpu.memory_space<vmem>> -> memref<1x80xi32, #tpu.memory_space<vmem>>
      %dma_start3A_423 = tpu.memref_squeeze %dma_start3A_422 : memref<1x80xi32, #tpu.memory_space<vmem>> -> memref<80xi32, #tpu.memory_space<vmem>>
      %dma_start3A_424 = arith.constant 0 : i32
      %dma_start3A_425 = arith.constant 0 : i32
      %dma_start3A_426 = tpu.memref_slice %arg2[%dma_start3A_424, %dma_start3A_425] : memref<20480x128xf32, #tpu.memory_space<hbm>> -> memref<20480x128xf32, #tpu.memory_space<hbm>>
      tpu.enqueue_indirect_dma source(%dma_start3A_426 : memref<20480x128xf32, #tpu.memory_space<hbm>>) target(%arg9 : memref<80x128xf32, #tpu.memory_space<vmem>>) offsets(%dma_start3A_423 : memref<80xi32, #tpu.memory_space<vmem>>) semaphore(%arg12 : memref<!tpu.dma_semaphore, #tpu.memory_space<semaphore_mem>>)
      %dma_start3A_427 = arith.constant 1 : i32
      %dma_start3A_428 = arith.constant 0 : i32
      %dma_start3A_429 = tpu.memref_slice %arg7[%dma_start3A_427, %dma_start3A_428] : memref<10x80xi32, #tpu.memory_space<vmem>> -> memref<1x80xi32, #tpu.memory_space<vmem>>
      %dma_start3A_430 = tpu.memref_squeeze %dma_start3A_429 : memref<1x80xi32, #tpu.memory_space<vmem>> -> memref<80xi32, #tpu.memory_space<vmem>>
      %dma_start3A_431 = arith.constant 0 : i32
      %dma_start3A_432 = arith.constant 0 : i32
      %dma_start3A_433 = tpu.memref_slice %arg2[%dma_start3A_431, %dma_start3A_432] : memref<20480x128xf32, #tpu.memory_space<hbm>> -> memref<20480x128xf32, #tpu.memory_space<hbm>>
      tpu.enqueue_indirect_dma source(%dma_start3A_433 : memref<20480x128xf32, #tpu.memory_space<hbm>>) target(%arg10 : memref<80x128xf32, #tpu.memory_space<vmem>>) offsets(%dma_start3A_430 : memref<80xi32, #tpu.memory_space<vmem>>) semaphore(%arg13 : memref<!tpu.dma_semaphore, #tpu.memory_space<semaphore_mem>>)
      %dma_wait3A_434 = arith.constant 0 : i32
      %dma_wait3A_435 = arith.constant 0 : i32
      %dma_wait3A_436 = tpu.memref_slice %arg7[%dma_wait3A_434, %dma_wait3A_435] : memref<10x80xi32, #tpu.memory_space<vmem>> -> memref<1x80xi32, #tpu.memory_space<vmem>>
      %dma_wait3A_437 = tpu.memref_squeeze %dma_wait3A_436 : memref<1x80xi32, #tpu.memory_space<vmem>> -> memref<80xi32, #tpu.memory_space<vmem>>
      %dma_wait3A_438 = arith.constant 0 : i32
      %dma_wait3A_439 = arith.constant 0 : i32
      %dma_wait3A_440 = tpu.memref_slice %arg2[%dma_wait3A_438, %dma_wait3A_439] : memref<20480x128xf32, #tpu.memory_space<hbm>> -> memref<20480x128xf32, #tpu.memory_space<hbm>>
      tpu.wait_indirect_dma semaphore(%arg12 : memref<!tpu.dma_semaphore, #tpu.memory_space<semaphore_mem>>) src(%dma_wait3A_440 : memref<20480x128xf32, #tpu.memory_space<hbm>>) dst(%arg9 : memref<80x128xf32, #tpu.memory_space<vmem>>)
      %run_scoped3A = arith.constant 0 : i32
      "tpu.region"() ({
        %run_scoped3A_569 = tpu.sem_alloc : memref<!tpu.dma_semaphore, #tpu.memory_space<semaphore_mem>>
        %dma_start3A_570 = arith.constant 0 : i32
        %dma_start3A_571 = tpu.memref_slice %arg8[%run_scoped3A, %dma_start3A_570] : memref<10x80xi32, #tpu.memory_space<vmem>> -> memref<1x80xi32, #tpu.memory_space<vmem>>
        %dma_start3A_572 = tpu.memref_squeeze %dma_start3A_571 : memref<1x80xi32, #tpu.memory_space<vmem>> -> memref<80xi32, #tpu.memory_space<vmem>>
        %dma_start3A_573 = arith.constant 0 : i32
        %dma_start3A_574 = arith.constant 0 : i32
        %dma_start3A_575 = tpu.memref_slice %arg11[%dma_start3A_573, %dma_start3A_574] : memref<10240x128xf32, #tpu.memory_space<vmem_shared>> -> memref<10240x128xf32, #tpu.memory_space<vmem_shared>>
        tpu.enqueue_indirect_dma source(%arg9 : memref<80x128xf32, #tpu.memory_space<vmem>>) target(%dma_start3A_575 : memref<10240x128xf32, #tpu.memory_space<vmem_shared>>) offsets(%dma_start3A_572 : memref<80xi32, #tpu.memory_space<vmem>>) semaphore(%run_scoped3A_569 : memref<!tpu.dma_semaphore, #tpu.memory_space<semaphore_mem>>) {add = true}
        %dma_wait3A_576 = arith.constant 0 : i32
        %dma_wait3A_577 = tpu.memref_slice %arg8[%run_scoped3A, %dma_wait3A_576] : memref<10x80xi32, #tpu.memory_space<vmem>> -> memref<1x80xi32, #tpu.memory_space<vmem>>
        %dma_wait3A_578 = tpu.memref_squeeze %dma_wait3A_577 : memref<1x80xi32, #tpu.memory_space<vmem>> -> memref<80xi32, #tpu.memory_space<vmem>>
        %dma_wait3A_579 = arith.constant 0 : i32
        %dma_wait3A_580 = arith.constant 0 : i32
        %dma_wait3A_581 = tpu.memref_slice %arg11[%dma_wait3A_579, %dma_wait3A_580] : memref<10240x128xf32, #tpu.memory_space<vmem_shared>> -> memref<10240x128xf32, #tpu.memory_space<vmem_shared>>
        tpu.wait_indirect_dma semaphore(%run_scoped3A_569 : memref<!tpu.dma_semaphore, #tpu.memory_space<semaphore_mem>>) src(%arg9 : memref<80x128xf32, #tpu.memory_space<vmem>>) dst(%dma_wait3A_581 : memref<10240x128xf32, #tpu.memory_space<vmem_shared>>)
        tpu.yield
      }) : () -> ()
      %dma_start3A_441 = arith.constant 2 : i32
      %dma_start3A_442 = arith.constant 0 : i32
      %dma_start3A_443 = tpu.memref_slice %arg7[%dma_start3A_441, %dma_start3A_442] : memref<10x80xi32, #tpu.memory_space<vmem>> -> memref<1x80xi32, #tpu.memory_space<vmem>>
      %dma_start3A_444 = tpu.memref_squeeze %dma_start3A_443 : memref<1x80xi32, #tpu.memory_space<vmem>> -> memref<80xi32, #tpu.memory_space<vmem>>
      %dma_start3A_445 = arith.constant 0 : i32
      %dma_start3A_446 = arith.constant 0 : i32
      %dma_start3A_447 = tpu.memref_slice %arg2[%dma_start3A_445, %dma_start3A_446] : memref<20480x128xf32, #tpu.memory_space<hbm>> -> memref<20480x128xf32, #tpu.memory_space<hbm>>
      tpu.enqueue_indirect_dma source(%dma_start3A_447 : memref<20480x128xf32, #tpu.memory_space<hbm>>) target(%arg9 : memref<80x128xf32, #tpu.memory_space<vmem>>) offsets(%dma_start3A_444 : memref<80xi32, #tpu.memory_space<vmem>>) semaphore(%arg12 : memref<!tpu.dma_semaphore, #tpu.memory_space<semaphore_mem>>)
      %dma_wait3A_448 = arith.constant 1 : i32
      %dma_wait3A_449 = arith.constant 0 : i32
      %dma_wait3A_450 = tpu.memref_slice %arg7[%dma_wait3A_448, %dma_wait3A_449] : memref<10x80xi32, #tpu.memory_space<vmem>> -> memref<1x80xi32, #tpu.memory_space<vmem>>
      %dma_wait3A_451 = tpu.memref_squeeze %dma_wait3A_450 : memref<1x80xi32, #tpu.memory_space<vmem>> -> memref<80xi32, #tpu.memory_space<vmem>>
      %dma_wait3A_452 = arith.constant 0 : i32
      %dma_wait3A_453 = arith.constant 0 : i32
      %dma_wait3A_454 = tpu.memref_slice %arg2[%dma_wait3A_452, %dma_wait3A_453] : memref<20480x128xf32, #tpu.memory_space<hbm>> -> memref<20480x128xf32, #tpu.memory_space<hbm>>
      tpu.wait_indirect_dma semaphore(%arg13 : memref<!tpu.dma_semaphore, #tpu.memory_space<semaphore_mem>>) src(%dma_wait3A_454 : memref<20480x128xf32, #tpu.memory_space<hbm>>) dst(%arg10 : memref<80x128xf32, #tpu.memory_space<vmem>>)
      %run_scoped3A_455 = arith.constant 1 : i32
      "tpu.region"() ({
        %run_scoped3A_569 = tpu.sem_alloc : memref<!tpu.dma_semaphore, #tpu.memory_space<semaphore_mem>>
        %dma_start3A_570 = arith.constant 0 : i32
        %dma_start3A_571 = tpu.memref_slice %arg8[%run_scoped3A_455, %dma_start3A_570] : memref<10x80xi32, #tpu.memory_space<vmem>> -> memref<1x80xi32, #tpu.memory_space<vmem>>
        %dma_start3A_572 = tpu.memref_squeeze %dma_start3A_571 : memref<1x80xi32, #tpu.memory_space<vmem>> -> memref<80xi32, #tpu.memory_space<vmem>>
        %dma_start3A_573 = arith.constant 0 : i32
        %dma_start3A_574 = arith.constant 0 : i32
        %dma_start3A_575 = tpu.memref_slice %arg11[%dma_start3A_573, %dma_start3A_574] : memref<10240x128xf32, #tpu.memory_space<vmem_shared>> -> memref<10240x128xf32, #tpu.memory_space<vmem_shared>>
        tpu.enqueue_indirect_dma source(%arg10 : memref<80x128xf32, #tpu.memory_space<vmem>>) target(%dma_start3A_575 : memref<10240x128xf32, #tpu.memory_space<vmem_shared>>) offsets(%dma_start3A_572 : memref<80xi32, #tpu.memory_space<vmem>>) semaphore(%run_scoped3A_569 : memref<!tpu.dma_semaphore, #tpu.memory_space<semaphore_mem>>) {add = true}
        %dma_wait3A_576 = arith.constant 0 : i32
        %dma_wait3A_577 = tpu.memref_slice %arg8[%run_scoped3A_455, %dma_wait3A_576] : memref<10x80xi32, #tpu.memory_space<vmem>> -> memref<1x80xi32, #tpu.memory_space<vmem>>
        %dma_wait3A_578 = tpu.memref_squeeze %dma_wait3A_577 : memref<1x80xi32, #tpu.memory_space<vmem>> -> memref<80xi32, #tpu.memory_space<vmem>>
        %dma_wait3A_579 = arith.constant 0 : i32
        %dma_wait3A_580 = arith.constant 0 : i32
        %dma_wait3A_581 = tpu.memref_slice %arg11[%dma_wait3A_579, %dma_wait3A_580] : memref<10240x128xf32, #tpu.memory_space<vmem_shared>> -> memref<10240x128xf32, #tpu.memory_space<vmem_shared>>
        tpu.wait_indirect_dma semaphore(%run_scoped3A_569 : memref<!tpu.dma_semaphore, #tpu.memory_space<semaphore_mem>>) src(%arg10 : memref<80x128xf32, #tpu.memory_space<vmem>>) dst(%dma_wait3A_581 : memref<10240x128xf32, #tpu.memory_space<vmem_shared>>)
        tpu.yield
      }) : () -> ()
      %dma_start3A_456 = arith.constant 3 : i32
      %dma_start3A_457 = arith.constant 0 : i32
      %dma_start3A_458 = tpu.memref_slice %arg7[%dma_start3A_456, %dma_start3A_457] : memref<10x80xi32, #tpu.memory_space<vmem>> -> memref<1x80xi32, #tpu.memory_space<vmem>>
      %dma_start3A_459 = tpu.memref_squeeze %dma_start3A_458 : memref<1x80xi32, #tpu.memory_space<vmem>> -> memref<80xi32, #tpu.memory_space<vmem>>
      %dma_start3A_460 = arith.constant 0 : i32
      %dma_start3A_461 = arith.constant 0 : i32
      %dma_start3A_462 = tpu.memref_slice %arg2[%dma_start3A_460, %dma_start3A_461] : memref<20480x128xf32, #tpu.memory_space<hbm>> -> memref<20480x128xf32, #tpu.memory_space<hbm>>
      tpu.enqueue_indirect_dma source(%dma_start3A_462 : memref<20480x128xf32, #tpu.memory_space<hbm>>) target(%arg10 : memref<80x128xf32, #tpu.memory_space<vmem>>) offsets(%dma_start3A_459 : memref<80xi32, #tpu.memory_space<vmem>>) semaphore(%arg13 : memref<!tpu.dma_semaphore, #tpu.memory_space<semaphore_mem>>)
      %dma_wait3A_463 = arith.constant 2 : i32
      %dma_wait3A_464 = arith.constant 0 : i32
      %dma_wait3A_465 = tpu.memref_slice %arg7[%dma_wait3A_463, %dma_wait3A_464] : memref<10x80xi32, #tpu.memory_space<vmem>> -> memref<1x80xi32, #tpu.memory_space<vmem>>
      %dma_wait3A_466 = tpu.memref_squeeze %dma_wait3A_465 : memref<1x80xi32, #tpu.memory_space<vmem>> -> memref<80xi32, #tpu.memory_space<vmem>>
      %dma_wait3A_467 = arith.constant 0 : i32
      %dma_wait3A_468 = arith.constant 0 : i32
      %dma_wait3A_469 = tpu.memref_slice %arg2[%dma_wait3A_467, %dma_wait3A_468] : memref<20480x128xf32, #tpu.memory_space<hbm>> -> memref<20480x128xf32, #tpu.memory_space<hbm>>
      tpu.wait_indirect_dma semaphore(%arg12 : memref<!tpu.dma_semaphore, #tpu.memory_space<semaphore_mem>>) src(%dma_wait3A_469 : memref<20480x128xf32, #tpu.memory_space<hbm>>) dst(%arg9 : memref<80x128xf32, #tpu.memory_space<vmem>>)
      %run_scoped3A_470 = arith.constant 2 : i32
      "tpu.region"() ({
        %run_scoped3A_569 = tpu.sem_alloc : memref<!tpu.dma_semaphore, #tpu.memory_space<semaphore_mem>>
        %dma_start3A_570 = arith.constant 0 : i32
        %dma_start3A_571 = tpu.memref_slice %arg8[%run_scoped3A_470, %dma_start3A_570] : memref<10x80xi32, #tpu.memory_space<vmem>> -> memref<1x80xi32, #tpu.memory_space<vmem>>
        %dma_start3A_572 = tpu.memref_squeeze %dma_start3A_571 : memref<1x80xi32, #tpu.memory_space<vmem>> -> memref<80xi32, #tpu.memory_space<vmem>>
        %dma_start3A_573 = arith.constant 0 : i32
        %dma_start3A_574 = arith.constant 0 : i32
        %dma_start3A_575 = tpu.memref_slice %arg11[%dma_start3A_573, %dma_start3A_574] : memref<10240x128xf32, #tpu.memory_space<vmem_shared>> -> memref<10240x128xf32, #tpu.memory_space<vmem_shared>>
        tpu.enqueue_indirect_dma source(%arg9 : memref<80x128xf32, #tpu.memory_space<vmem>>) target(%dma_start3A_575 : memref<10240x128xf32, #tpu.memory_space<vmem_shared>>) offsets(%dma_start3A_572 : memref<80xi32, #tpu.memory_space<vmem>>) semaphore(%run_scoped3A_569 : memref<!tpu.dma_semaphore, #tpu.memory_space<semaphore_mem>>) {add = true}
        %dma_wait3A_576 = arith.constant 0 : i32
        %dma_wait3A_577 = tpu.memref_slice %arg8[%run_scoped3A_470, %dma_wait3A_576] : memref<10x80xi32, #tpu.memory_space<vmem>> -> memref<1x80xi32, #tpu.memory_space<vmem>>
        %dma_wait3A_578 = tpu.memref_squeeze %dma_wait3A_577 : memref<1x80xi32, #tpu.memory_space<vmem>> -> memref<80xi32, #tpu.memory_space<vmem>>
        %dma_wait3A_579 = arith.constant 0 : i32
        %dma_wait3A_580 = arith.constant 0 : i32
        %dma_wait3A_581 = tpu.memref_slice %arg11[%dma_wait3A_579, %dma_wait3A_580] : memref<10240x128xf32, #tpu.memory_space<vmem_shared>> -> memref<10240x128xf32, #tpu.memory_space<vmem_shared>>
        tpu.wait_indirect_dma semaphore(%run_scoped3A_569 : memref<!tpu.dma_semaphore, #tpu.memory_space<semaphore_mem>>) src(%arg9 : memref<80x128xf32, #tpu.memory_space<vmem>>) dst(%dma_wait3A_581 : memref<10240x128xf32, #tpu.memory_space<vmem_shared>>)
        tpu.yield
      }) : () -> ()
      %dma_start3A_471 = arith.constant 4 : i32
      %dma_start3A_472 = arith.constant 0 : i32
      %dma_start3A_473 = tpu.memref_slice %arg7[%dma_start3A_471, %dma_start3A_472] : memref<10x80xi32, #tpu.memory_space<vmem>> -> memref<1x80xi32, #tpu.memory_space<vmem>>
      %dma_start3A_474 = tpu.memref_squeeze %dma_start3A_473 : memref<1x80xi32, #tpu.memory_space<vmem>> -> memref<80xi32, #tpu.memory_space<vmem>>
      %dma_start3A_475 = arith.constant 0 : i32
      %dma_start3A_476 = arith.constant 0 : i32
      %dma_start3A_477 = tpu.memref_slice %arg2[%dma_start3A_475, %dma_start3A_476] : memref<20480x128xf32, #tpu.memory_space<hbm>> -> memref<20480x128xf32, #tpu.memory_space<hbm>>
      tpu.enqueue_indirect_dma source(%dma_start3A_477 : memref<20480x128xf32, #tpu.memory_space<hbm>>) target(%arg9 : memref<80x128xf32, #tpu.memory_space<vmem>>) offsets(%dma_start3A_474 : memref<80xi32, #tpu.memory_space<vmem>>) semaphore(%arg12 : memref<!tpu.dma_semaphore, #tpu.memory_space<semaphore_mem>>)
      %dma_wait3A_478 = arith.constant 3 : i32
      %dma_wait3A_479 = arith.constant 0 : i32
      %dma_wait3A_480 = tpu.memref_slice %arg7[%dma_wait3A_478, %dma_wait3A_479] : memref<10x80xi32, #tpu.memory_space<vmem>> -> memref<1x80xi32, #tpu.memory_space<vmem>>
      %dma_wait3A_481 = tpu.memref_squeeze %dma_wait3A_480 : memref<1x80xi32, #tpu.memory_space<vmem>> -> memref<80xi32, #tpu.memory_space<vmem>>
      %dma_wait3A_482 = arith.constant 0 : i32
      %dma_wait3A_483 = arith.constant 0 : i32
      %dma_wait3A_484 = tpu.memref_slice %arg2[%dma_wait3A_482, %dma_wait3A_483] : memref<20480x128xf32, #tpu.memory_space<hbm>> -> memref<20480x128xf32, #tpu.memory_space<hbm>>
      tpu.wait_indirect_dma semaphore(%arg13 : memref<!tpu.dma_semaphore, #tpu.memory_space<semaphore_mem>>) src(%dma_wait3A_484 : memref<20480x128xf32, #tpu.memory_space<hbm>>) dst(%arg10 : memref<80x128xf32, #tpu.memory_space<vmem>>)
      %run_scoped3A_485 = arith.constant 3 : i32
      "tpu.region"() ({
        %run_scoped3A_569 = tpu.sem_alloc : memref<!tpu.dma_semaphore, #tpu.memory_space<semaphore_mem>>
        %dma_start3A_570 = arith.constant 0 : i32
        %dma_start3A_571 = tpu.memref_slice %arg8[%run_scoped3A_485, %dma_start3A_570] : memref<10x80xi32, #tpu.memory_space<vmem>> -> memref<1x80xi32, #tpu.memory_space<vmem>>
        %dma_start3A_572 = tpu.memref_squeeze %dma_start3A_571 : memref<1x80xi32, #tpu.memory_space<vmem>> -> memref<80xi32, #tpu.memory_space<vmem>>
        %dma_start3A_573 = arith.constant 0 : i32
        %dma_start3A_574 = arith.constant 0 : i32
        %dma_start3A_575 = tpu.memref_slice %arg11[%dma_start3A_573, %dma_start3A_574] : memref<10240x128xf32, #tpu.memory_space<vmem_shared>> -> memref<10240x128xf32, #tpu.memory_space<vmem_shared>>
        tpu.enqueue_indirect_dma source(%arg10 : memref<80x128xf32, #tpu.memory_space<vmem>>) target(%dma_start3A_575 : memref<10240x128xf32, #tpu.memory_space<vmem_shared>>) offsets(%dma_start3A_572 : memref<80xi32, #tpu.memory_space<vmem>>) semaphore(%run_scoped3A_569 : memref<!tpu.dma_semaphore, #tpu.memory_space<semaphore_mem>>) {add = true}
        %dma_wait3A_576 = arith.constant 0 : i32
        %dma_wait3A_577 = tpu.memref_slice %arg8[%run_scoped3A_485, %dma_wait3A_576] : memref<10x80xi32, #tpu.memory_space<vmem>> -> memref<1x80xi32, #tpu.memory_space<vmem>>
        %dma_wait3A_578 = tpu.memref_squeeze %dma_wait3A_577 : memref<1x80xi32, #tpu.memory_space<vmem>> -> memref<80xi32, #tpu.memory_space<vmem>>
        %dma_wait3A_579 = arith.constant 0 : i32
        %dma_wait3A_580 = arith.constant 0 : i32
        %dma_wait3A_581 = tpu.memref_slice %arg11[%dma_wait3A_579, %dma_wait3A_580] : memref<10240x128xf32, #tpu.memory_space<vmem_shared>> -> memref<10240x128xf32, #tpu.memory_space<vmem_shared>>
        tpu.wait_indirect_dma semaphore(%run_scoped3A_569 : memref<!tpu.dma_semaphore, #tpu.memory_space<semaphore_mem>>) src(%arg10 : memref<80x128xf32, #tpu.memory_space<vmem>>) dst(%dma_wait3A_581 : memref<10240x128xf32, #tpu.memory_space<vmem_shared>>)
        tpu.yield
      }) : () -> ()
      %dma_start3A_486 = arith.constant 5 : i32
      %dma_start3A_487 = arith.constant 0 : i32
      %dma_start3A_488 = tpu.memref_slice %arg7[%dma_start3A_486, %dma_start3A_487] : memref<10x80xi32, #tpu.memory_space<vmem>> -> memref<1x80xi32, #tpu.memory_space<vmem>>
      %dma_start3A_489 = tpu.memref_squeeze %dma_start3A_488 : memref<1x80xi32, #tpu.memory_space<vmem>> -> memref<80xi32, #tpu.memory_space<vmem>>
      %dma_start3A_490 = arith.constant 0 : i32
      %dma_start3A_491 = arith.constant 0 : i32
      %dma_start3A_492 = tpu.memref_slice %arg2[%dma_start3A_490, %dma_start3A_491] : memref<20480x128xf32, #tpu.memory_space<hbm>> -> memref<20480x128xf32, #tpu.memory_space<hbm>>
      tpu.enqueue_indirect_dma source(%dma_start3A_492 : memref<20480x128xf32, #tpu.memory_space<hbm>>) target(%arg10 : memref<80x128xf32, #tpu.memory_space<vmem>>) offsets(%dma_start3A_489 : memref<80xi32, #tpu.memory_space<vmem>>) semaphore(%arg13 : memref<!tpu.dma_semaphore, #tpu.memory_space<semaphore_mem>>)
      %dma_wait3A_493 = arith.constant 4 : i32
      %dma_wait3A_494 = arith.constant 0 : i32
      %dma_wait3A_495 = tpu.memref_slice %arg7[%dma_wait3A_493, %dma_wait3A_494] : memref<10x80xi32, #tpu.memory_space<vmem>> -> memref<1x80xi32, #tpu.memory_space<vmem>>
      %dma_wait3A_496 = tpu.memref_squeeze %dma_wait3A_495 : memref<1x80xi32, #tpu.memory_space<vmem>> -> memref<80xi32, #tpu.memory_space<vmem>>
      %dma_wait3A_497 = arith.constant 0 : i32
      %dma_wait3A_498 = arith.constant 0 : i32
      %dma_wait3A_499 = tpu.memref_slice %arg2[%dma_wait3A_497, %dma_wait3A_498] : memref<20480x128xf32, #tpu.memory_space<hbm>> -> memref<20480x128xf32, #tpu.memory_space<hbm>>
      tpu.wait_indirect_dma semaphore(%arg12 : memref<!tpu.dma_semaphore, #tpu.memory_space<semaphore_mem>>) src(%dma_wait3A_499 : memref<20480x128xf32, #tpu.memory_space<hbm>>) dst(%arg9 : memref<80x128xf32, #tpu.memory_space<vmem>>)
      %run_scoped3A_500 = arith.constant 4 : i32
      "tpu.region"() ({
        %run_scoped3A_569 = tpu.sem_alloc : memref<!tpu.dma_semaphore, #tpu.memory_space<semaphore_mem>>
        %dma_start3A_570 = arith.constant 0 : i32
        %dma_start3A_571 = tpu.memref_slice %arg8[%run_scoped3A_500, %dma_start3A_570] : memref<10x80xi32, #tpu.memory_space<vmem>> -> memref<1x80xi32, #tpu.memory_space<vmem>>
        %dma_start3A_572 = tpu.memref_squeeze %dma_start3A_571 : memref<1x80xi32, #tpu.memory_space<vmem>> -> memref<80xi32, #tpu.memory_space<vmem>>
        %dma_start3A_573 = arith.constant 0 : i32
        %dma_start3A_574 = arith.constant 0 : i32
        %dma_start3A_575 = tpu.memref_slice %arg11[%dma_start3A_573, %dma_start3A_574] : memref<10240x128xf32, #tpu.memory_space<vmem_shared>> -> memref<10240x128xf32, #tpu.memory_space<vmem_shared>>
        tpu.enqueue_indirect_dma source(%arg9 : memref<80x128xf32, #tpu.memory_space<vmem>>) target(%dma_start3A_575 : memref<10240x128xf32, #tpu.memory_space<vmem_shared>>) offsets(%dma_start3A_572 : memref<80xi32, #tpu.memory_space<vmem>>) semaphore(%run_scoped3A_569 : memref<!tpu.dma_semaphore, #tpu.memory_space<semaphore_mem>>) {add = true}
        %dma_wait3A_576 = arith.constant 0 : i32
        %dma_wait3A_577 = tpu.memref_slice %arg8[%run_scoped3A_500, %dma_wait3A_576] : memref<10x80xi32, #tpu.memory_space<vmem>> -> memref<1x80xi32, #tpu.memory_space<vmem>>
        %dma_wait3A_578 = tpu.memref_squeeze %dma_wait3A_577 : memref<1x80xi32, #tpu.memory_space<vmem>> -> memref<80xi32, #tpu.memory_space<vmem>>
        %dma_wait3A_579 = arith.constant 0 : i32
        %dma_wait3A_580 = arith.constant 0 : i32
        %dma_wait3A_581 = tpu.memref_slice %arg11[%dma_wait3A_579, %dma_wait3A_580] : memref<10240x128xf32, #tpu.memory_space<vmem_shared>> -> memref<10240x128xf32, #tpu.memory_space<vmem_shared>>
        tpu.wait_indirect_dma semaphore(%run_scoped3A_569 : memref<!tpu.dma_semaphore, #tpu.memory_space<semaphore_mem>>) src(%arg9 : memref<80x128xf32, #tpu.memory_space<vmem>>) dst(%dma_wait3A_581 : memref<10240x128xf32, #tpu.memory_space<vmem_shared>>)
        tpu.yield
      }) : () -> ()
      %dma_start3A_501 = arith.constant 6 : i32
      %dma_start3A_502 = arith.constant 0 : i32
      %dma_start3A_503 = tpu.memref_slice %arg7[%dma_start3A_501, %dma_start3A_502] : memref<10x80xi32, #tpu.memory_space<vmem>> -> memref<1x80xi32, #tpu.memory_space<vmem>>
      %dma_start3A_504 = tpu.memref_squeeze %dma_start3A_503 : memref<1x80xi32, #tpu.memory_space<vmem>> -> memref<80xi32, #tpu.memory_space<vmem>>
      %dma_start3A_505 = arith.constant 0 : i32
      %dma_start3A_506 = arith.constant 0 : i32
      %dma_start3A_507 = tpu.memref_slice %arg2[%dma_start3A_505, %dma_start3A_506] : memref<20480x128xf32, #tpu.memory_space<hbm>> -> memref<20480x128xf32, #tpu.memory_space<hbm>>
      tpu.enqueue_indirect_dma source(%dma_start3A_507 : memref<20480x128xf32, #tpu.memory_space<hbm>>) target(%arg9 : memref<80x128xf32, #tpu.memory_space<vmem>>) offsets(%dma_start3A_504 : memref<80xi32, #tpu.memory_space<vmem>>) semaphore(%arg12 : memref<!tpu.dma_semaphore, #tpu.memory_space<semaphore_mem>>)
      %dma_wait3A_508 = arith.constant 5 : i32
      %dma_wait3A_509 = arith.constant 0 : i32
      %dma_wait3A_510 = tpu.memref_slice %arg7[%dma_wait3A_508, %dma_wait3A_509] : memref<10x80xi32, #tpu.memory_space<vmem>> -> memref<1x80xi32, #tpu.memory_space<vmem>>
      %dma_wait3A_511 = tpu.memref_squeeze %dma_wait3A_510 : memref<1x80xi32, #tpu.memory_space<vmem>> -> memref<80xi32, #tpu.memory_space<vmem>>
      %dma_wait3A_512 = arith.constant 0 : i32
      %dma_wait3A_513 = arith.constant 0 : i32
      %dma_wait3A_514 = tpu.memref_slice %arg2[%dma_wait3A_512, %dma_wait3A_513] : memref<20480x128xf32, #tpu.memory_space<hbm>> -> memref<20480x128xf32, #tpu.memory_space<hbm>>
      tpu.wait_indirect_dma semaphore(%arg13 : memref<!tpu.dma_semaphore, #tpu.memory_space<semaphore_mem>>) src(%dma_wait3A_514 : memref<20480x128xf32, #tpu.memory_space<hbm>>) dst(%arg10 : memref<80x128xf32, #tpu.memory_space<vmem>>)
      %run_scoped3A_515 = arith.constant 5 : i32
      "tpu.region"() ({
        %run_scoped3A_569 = tpu.sem_alloc : memref<!tpu.dma_semaphore, #tpu.memory_space<semaphore_mem>>
        %dma_start3A_570 = arith.constant 0 : i32
        %dma_start3A_571 = tpu.memref_slice %arg8[%run_scoped3A_515, %dma_start3A_570] : memref<10x80xi32, #tpu.memory_space<vmem>> -> memref<1x80xi32, #tpu.memory_space<vmem>>
        %dma_start3A_572 = tpu.memref_squeeze %dma_start3A_571 : memref<1x80xi32, #tpu.memory_space<vmem>> -> memref<80xi32, #tpu.memory_space<vmem>>
        %dma_start3A_573 = arith.constant 0 : i32
        %dma_start3A_574 = arith.constant 0 : i32
        %dma_start3A_575 = tpu.memref_slice %arg11[%dma_start3A_573, %dma_start3A_574] : memref<10240x128xf32, #tpu.memory_space<vmem_shared>> -> memref<10240x128xf32, #tpu.memory_space<vmem_shared>>
        tpu.enqueue_indirect_dma source(%arg10 : memref<80x128xf32, #tpu.memory_space<vmem>>) target(%dma_start3A_575 : memref<10240x128xf32, #tpu.memory_space<vmem_shared>>) offsets(%dma_start3A_572 : memref<80xi32, #tpu.memory_space<vmem>>) semaphore(%run_scoped3A_569 : memref<!tpu.dma_semaphore, #tpu.memory_space<semaphore_mem>>) {add = true}
        %dma_wait3A_576 = arith.constant 0 : i32
        %dma_wait3A_577 = tpu.memref_slice %arg8[%run_scoped3A_515, %dma_wait3A_576] : memref<10x80xi32, #tpu.memory_space<vmem>> -> memref<1x80xi32, #tpu.memory_space<vmem>>
        %dma_wait3A_578 = tpu.memref_squeeze %dma_wait3A_577 : memref<1x80xi32, #tpu.memory_space<vmem>> -> memref<80xi32, #tpu.memory_space<vmem>>
        %dma_wait3A_579 = arith.constant 0 : i32
        %dma_wait3A_580 = arith.constant 0 : i32
        %dma_wait3A_581 = tpu.memref_slice %arg11[%dma_wait3A_579, %dma_wait3A_580] : memref<10240x128xf32, #tpu.memory_space<vmem_shared>> -> memref<10240x128xf32, #tpu.memory_space<vmem_shared>>
        tpu.wait_indirect_dma semaphore(%run_scoped3A_569 : memref<!tpu.dma_semaphore, #tpu.memory_space<semaphore_mem>>) src(%arg10 : memref<80x128xf32, #tpu.memory_space<vmem>>) dst(%dma_wait3A_581 : memref<10240x128xf32, #tpu.memory_space<vmem_shared>>)
        tpu.yield
      }) : () -> ()
      %dma_start3A_516 = arith.constant 7 : i32
      %dma_start3A_517 = arith.constant 0 : i32
      %dma_start3A_518 = tpu.memref_slice %arg7[%dma_start3A_516, %dma_start3A_517] : memref<10x80xi32, #tpu.memory_space<vmem>> -> memref<1x80xi32, #tpu.memory_space<vmem>>
      %dma_start3A_519 = tpu.memref_squeeze %dma_start3A_518 : memref<1x80xi32, #tpu.memory_space<vmem>> -> memref<80xi32, #tpu.memory_space<vmem>>
      %dma_start3A_520 = arith.constant 0 : i32
      %dma_start3A_521 = arith.constant 0 : i32
      %dma_start3A_522 = tpu.memref_slice %arg2[%dma_start3A_520, %dma_start3A_521] : memref<20480x128xf32, #tpu.memory_space<hbm>> -> memref<20480x128xf32, #tpu.memory_space<hbm>>
      tpu.enqueue_indirect_dma source(%dma_start3A_522 : memref<20480x128xf32, #tpu.memory_space<hbm>>) target(%arg10 : memref<80x128xf32, #tpu.memory_space<vmem>>) offsets(%dma_start3A_519 : memref<80xi32, #tpu.memory_space<vmem>>) semaphore(%arg13 : memref<!tpu.dma_semaphore, #tpu.memory_space<semaphore_mem>>)
      %dma_wait3A_523 = arith.constant 6 : i32
      %dma_wait3A_524 = arith.constant 0 : i32
      %dma_wait3A_525 = tpu.memref_slice %arg7[%dma_wait3A_523, %dma_wait3A_524] : memref<10x80xi32, #tpu.memory_space<vmem>> -> memref<1x80xi32, #tpu.memory_space<vmem>>
      %dma_wait3A_526 = tpu.memref_squeeze %dma_wait3A_525 : memref<1x80xi32, #tpu.memory_space<vmem>> -> memref<80xi32, #tpu.memory_space<vmem>>
      %dma_wait3A_527 = arith.constant 0 : i32
      %dma_wait3A_528 = arith.constant 0 : i32
      %dma_wait3A_529 = tpu.memref_slice %arg2[%dma_wait3A_527, %dma_wait3A_528] : memref<20480x128xf32, #tpu.memory_space<hbm>> -> memref<20480x128xf32, #tpu.memory_space<hbm>>
      tpu.wait_indirect_dma semaphore(%arg12 : memref<!tpu.dma_semaphore, #tpu.memory_space<semaphore_mem>>) src(%dma_wait3A_529 : memref<20480x128xf32, #tpu.memory_space<hbm>>) dst(%arg9 : memref<80x128xf32, #tpu.memory_space<vmem>>)
      %run_scoped3A_530 = arith.constant 6 : i32
      "tpu.region"() ({
        %run_scoped3A_569 = tpu.sem_alloc : memref<!tpu.dma_semaphore, #tpu.memory_space<semaphore_mem>>
        %dma_start3A_570 = arith.constant 0 : i32
        %dma_start3A_571 = tpu.memref_slice %arg8[%run_scoped3A_530, %dma_start3A_570] : memref<10x80xi32, #tpu.memory_space<vmem>> -> memref<1x80xi32, #tpu.memory_space<vmem>>
        %dma_start3A_572 = tpu.memref_squeeze %dma_start3A_571 : memref<1x80xi32, #tpu.memory_space<vmem>> -> memref<80xi32, #tpu.memory_space<vmem>>
        %dma_start3A_573 = arith.constant 0 : i32
        %dma_start3A_574 = arith.constant 0 : i32
        %dma_start3A_575 = tpu.memref_slice %arg11[%dma_start3A_573, %dma_start3A_574] : memref<10240x128xf32, #tpu.memory_space<vmem_shared>> -> memref<10240x128xf32, #tpu.memory_space<vmem_shared>>
        tpu.enqueue_indirect_dma source(%arg9 : memref<80x128xf32, #tpu.memory_space<vmem>>) target(%dma_start3A_575 : memref<10240x128xf32, #tpu.memory_space<vmem_shared>>) offsets(%dma_start3A_572 : memref<80xi32, #tpu.memory_space<vmem>>) semaphore(%run_scoped3A_569 : memref<!tpu.dma_semaphore, #tpu.memory_space<semaphore_mem>>) {add = true}
        %dma_wait3A_576 = arith.constant 0 : i32
        %dma_wait3A_577 = tpu.memref_slice %arg8[%run_scoped3A_530, %dma_wait3A_576] : memref<10x80xi32, #tpu.memory_space<vmem>> -> memref<1x80xi32, #tpu.memory_space<vmem>>
        %dma_wait3A_578 = tpu.memref_squeeze %dma_wait3A_577 : memref<1x80xi32, #tpu.memory_space<vmem>> -> memref<80xi32, #tpu.memory_space<vmem>>
        %dma_wait3A_579 = arith.constant 0 : i32
        %dma_wait3A_580 = arith.constant 0 : i32
        %dma_wait3A_581 = tpu.memref_slice %arg11[%dma_wait3A_579, %dma_wait3A_580] : memref<10240x128xf32, #tpu.memory_space<vmem_shared>> -> memref<10240x128xf32, #tpu.memory_space<vmem_shared>>
        tpu.wait_indirect_dma semaphore(%run_scoped3A_569 : memref<!tpu.dma_semaphore, #tpu.memory_space<semaphore_mem>>) src(%arg9 : memref<80x128xf32, #tpu.memory_space<vmem>>) dst(%dma_wait3A_581 : memref<10240x128xf32, #tpu.memory_space<vmem_shared>>)
        tpu.yield
      }) : () -> ()
      %dma_start3A_531 = arith.constant 8 : i32
      %dma_start3A_532 = arith.constant 0 : i32
      %dma_start3A_533 = tpu.memref_slice %arg7[%dma_start3A_531, %dma_start3A_532] : memref<10x80xi32, #tpu.memory_space<vmem>> -> memref<1x80xi32, #tpu.memory_space<vmem>>
      %dma_start3A_534 = tpu.memref_squeeze %dma_start3A_533 : memref<1x80xi32, #tpu.memory_space<vmem>> -> memref<80xi32, #tpu.memory_space<vmem>>
      %dma_start3A_535 = arith.constant 0 : i32
      %dma_start3A_536 = arith.constant 0 : i32
      %dma_start3A_537 = tpu.memref_slice %arg2[%dma_start3A_535, %dma_start3A_536] : memref<20480x128xf32, #tpu.memory_space<hbm>> -> memref<20480x128xf32, #tpu.memory_space<hbm>>
      tpu.enqueue_indirect_dma source(%dma_start3A_537 : memref<20480x128xf32, #tpu.memory_space<hbm>>) target(%arg9 : memref<80x128xf32, #tpu.memory_space<vmem>>) offsets(%dma_start3A_534 : memref<80xi32, #tpu.memory_space<vmem>>) semaphore(%arg12 : memref<!tpu.dma_semaphore, #tpu.memory_space<semaphore_mem>>)
      %dma_wait3A_538 = arith.constant 7 : i32
      %dma_wait3A_539 = arith.constant 0 : i32
      %dma_wait3A_540 = tpu.memref_slice %arg7[%dma_wait3A_538, %dma_wait3A_539] : memref<10x80xi32, #tpu.memory_space<vmem>> -> memref<1x80xi32, #tpu.memory_space<vmem>>
      %dma_wait3A_541 = tpu.memref_squeeze %dma_wait3A_540 : memref<1x80xi32, #tpu.memory_space<vmem>> -> memref<80xi32, #tpu.memory_space<vmem>>
      %dma_wait3A_542 = arith.constant 0 : i32
      %dma_wait3A_543 = arith.constant 0 : i32
      %dma_wait3A_544 = tpu.memref_slice %arg2[%dma_wait3A_542, %dma_wait3A_543] : memref<20480x128xf32, #tpu.memory_space<hbm>> -> memref<20480x128xf32, #tpu.memory_space<hbm>>
      tpu.wait_indirect_dma semaphore(%arg13 : memref<!tpu.dma_semaphore, #tpu.memory_space<semaphore_mem>>) src(%dma_wait3A_544 : memref<20480x128xf32, #tpu.memory_space<hbm>>) dst(%arg10 : memref<80x128xf32, #tpu.memory_space<vmem>>)
      %run_scoped3A_545 = arith.constant 7 : i32
      "tpu.region"() ({
        %run_scoped3A_569 = tpu.sem_alloc : memref<!tpu.dma_semaphore, #tpu.memory_space<semaphore_mem>>
        %dma_start3A_570 = arith.constant 0 : i32
        %dma_start3A_571 = tpu.memref_slice %arg8[%run_scoped3A_545, %dma_start3A_570] : memref<10x80xi32, #tpu.memory_space<vmem>> -> memref<1x80xi32, #tpu.memory_space<vmem>>
        %dma_start3A_572 = tpu.memref_squeeze %dma_start3A_571 : memref<1x80xi32, #tpu.memory_space<vmem>> -> memref<80xi32, #tpu.memory_space<vmem>>
        %dma_start3A_573 = arith.constant 0 : i32
        %dma_start3A_574 = arith.constant 0 : i32
        %dma_start3A_575 = tpu.memref_slice %arg11[%dma_start3A_573, %dma_start3A_574] : memref<10240x128xf32, #tpu.memory_space<vmem_shared>> -> memref<10240x128xf32, #tpu.memory_space<vmem_shared>>
        tpu.enqueue_indirect_dma source(%arg10 : memref<80x128xf32, #tpu.memory_space<vmem>>) target(%dma_start3A_575 : memref<10240x128xf32, #tpu.memory_space<vmem_shared>>) offsets(%dma_start3A_572 : memref<80xi32, #tpu.memory_space<vmem>>) semaphore(%run_scoped3A_569 : memref<!tpu.dma_semaphore, #tpu.memory_space<semaphore_mem>>) {add = true}
        %dma_wait3A_576 = arith.constant 0 : i32
        %dma_wait3A_577 = tpu.memref_slice %arg8[%run_scoped3A_545, %dma_wait3A_576] : memref<10x80xi32, #tpu.memory_space<vmem>> -> memref<1x80xi32, #tpu.memory_space<vmem>>
        %dma_wait3A_578 = tpu.memref_squeeze %dma_wait3A_577 : memref<1x80xi32, #tpu.memory_space<vmem>> -> memref<80xi32, #tpu.memory_space<vmem>>
        %dma_wait3A_579 = arith.constant 0 : i32
        %dma_wait3A_580 = arith.constant 0 : i32
        %dma_wait3A_581 = tpu.memref_slice %arg11[%dma_wait3A_579, %dma_wait3A_580] : memref<10240x128xf32, #tpu.memory_space<vmem_shared>> -> memref<10240x128xf32, #tpu.memory_space<vmem_shared>>
        tpu.wait_indirect_dma semaphore(%run_scoped3A_569 : memref<!tpu.dma_semaphore, #tpu.memory_space<semaphore_mem>>) src(%arg10 : memref<80x128xf32, #tpu.memory_space<vmem>>) dst(%dma_wait3A_581 : memref<10240x128xf32, #tpu.memory_space<vmem_shared>>)
        tpu.yield
      }) : () -> ()
      %dma_start3A_546 = arith.constant 9 : i32
      %dma_start3A_547 = arith.constant 0 : i32
      %dma_start3A_548 = tpu.memref_slice %arg7[%dma_start3A_546, %dma_start3A_547] : memref<10x80xi32, #tpu.memory_space<vmem>> -> memref<1x80xi32, #tpu.memory_space<vmem>>
      %dma_start3A_549 = tpu.memref_squeeze %dma_start3A_548 : memref<1x80xi32, #tpu.memory_space<vmem>> -> memref<80xi32, #tpu.memory_space<vmem>>
      %dma_start3A_550 = arith.constant 0 : i32
      %dma_start3A_551 = arith.constant 0 : i32
      %dma_start3A_552 = tpu.memref_slice %arg2[%dma_start3A_550, %dma_start3A_551] : memref<20480x128xf32, #tpu.memory_space<hbm>> -> memref<20480x128xf32, #tpu.memory_space<hbm>>
      tpu.enqueue_indirect_dma source(%dma_start3A_552 : memref<20480x128xf32, #tpu.memory_space<hbm>>) target(%arg10 : memref<80x128xf32, #tpu.memory_space<vmem>>) offsets(%dma_start3A_549 : memref<80xi32, #tpu.memory_space<vmem>>) semaphore(%arg13 : memref<!tpu.dma_semaphore, #tpu.memory_space<semaphore_mem>>)
      %dma_wait3A_553 = arith.constant 8 : i32
      %dma_wait3A_554 = arith.constant 0 : i32
      %dma_wait3A_555 = tpu.memref_slice %arg7[%dma_wait3A_553, %dma_wait3A_554] : memref<10x80xi32, #tpu.memory_space<vmem>> -> memref<1x80xi32, #tpu.memory_space<vmem>>
      %dma_wait3A_556 = tpu.memref_squeeze %dma_wait3A_555 : memref<1x80xi32, #tpu.memory_space<vmem>> -> memref<80xi32, #tpu.memory_space<vmem>>
      %dma_wait3A_557 = arith.constant 0 : i32
      %dma_wait3A_558 = arith.constant 0 : i32
      %dma_wait3A_559 = tpu.memref_slice %arg2[%dma_wait3A_557, %dma_wait3A_558] : memref<20480x128xf32, #tpu.memory_space<hbm>> -> memref<20480x128xf32, #tpu.memory_space<hbm>>
      tpu.wait_indirect_dma semaphore(%arg12 : memref<!tpu.dma_semaphore, #tpu.memory_space<semaphore_mem>>) src(%dma_wait3A_559 : memref<20480x128xf32, #tpu.memory_space<hbm>>) dst(%arg9 : memref<80x128xf32, #tpu.memory_space<vmem>>)
      %run_scoped3A_560 = arith.constant 8 : i32
      "tpu.region"() ({
        %run_scoped3A_569 = tpu.sem_alloc : memref<!tpu.dma_semaphore, #tpu.memory_space<semaphore_mem>>
        %dma_start3A_570 = arith.constant 0 : i32
        %dma_start3A_571 = tpu.memref_slice %arg8[%run_scoped3A_560, %dma_start3A_570] : memref<10x80xi32, #tpu.memory_space<vmem>> -> memref<1x80xi32, #tpu.memory_space<vmem>>
        %dma_start3A_572 = tpu.memref_squeeze %dma_start3A_571 : memref<1x80xi32, #tpu.memory_space<vmem>> -> memref<80xi32, #tpu.memory_space<vmem>>
        %dma_start3A_573 = arith.constant 0 : i32
        %dma_start3A_574 = arith.constant 0 : i32
        %dma_start3A_575 = tpu.memref_slice %arg11[%dma_start3A_573, %dma_start3A_574] : memref<10240x128xf32, #tpu.memory_space<vmem_shared>> -> memref<10240x128xf32, #tpu.memory_space<vmem_shared>>
        tpu.enqueue_indirect_dma source(%arg9 : memref<80x128xf32, #tpu.memory_space<vmem>>) target(%dma_start3A_575 : memref<10240x128xf32, #tpu.memory_space<vmem_shared>>) offsets(%dma_start3A_572 : memref<80xi32, #tpu.memory_space<vmem>>) semaphore(%run_scoped3A_569 : memref<!tpu.dma_semaphore, #tpu.memory_space<semaphore_mem>>) {add = true}
        %dma_wait3A_576 = arith.constant 0 : i32
        %dma_wait3A_577 = tpu.memref_slice %arg8[%run_scoped3A_560, %dma_wait3A_576] : memref<10x80xi32, #tpu.memory_space<vmem>> -> memref<1x80xi32, #tpu.memory_space<vmem>>
        %dma_wait3A_578 = tpu.memref_squeeze %dma_wait3A_577 : memref<1x80xi32, #tpu.memory_space<vmem>> -> memref<80xi32, #tpu.memory_space<vmem>>
        %dma_wait3A_579 = arith.constant 0 : i32
        %dma_wait3A_580 = arith.constant 0 : i32
        %dma_wait3A_581 = tpu.memref_slice %arg11[%dma_wait3A_579, %dma_wait3A_580] : memref<10240x128xf32, #tpu.memory_space<vmem_shared>> -> memref<10240x128xf32, #tpu.memory_space<vmem_shared>>
        tpu.wait_indirect_dma semaphore(%run_scoped3A_569 : memref<!tpu.dma_semaphore, #tpu.memory_space<semaphore_mem>>) src(%arg9 : memref<80x128xf32, #tpu.memory_space<vmem>>) dst(%dma_wait3A_581 : memref<10240x128xf32, #tpu.memory_space<vmem_shared>>)
        tpu.yield
      }) : () -> ()
      %dma_wait3A_561 = arith.constant 9 : i32
      %dma_wait3A_562 = arith.constant 0 : i32
      %dma_wait3A_563 = tpu.memref_slice %arg7[%dma_wait3A_561, %dma_wait3A_562] : memref<10x80xi32, #tpu.memory_space<vmem>> -> memref<1x80xi32, #tpu.memory_space<vmem>>
      %dma_wait3A_564 = tpu.memref_squeeze %dma_wait3A_563 : memref<1x80xi32, #tpu.memory_space<vmem>> -> memref<80xi32, #tpu.memory_space<vmem>>
      %dma_wait3A_565 = arith.constant 0 : i32
      %dma_wait3A_566 = arith.constant 0 : i32
      %dma_wait3A_567 = tpu.memref_slice %arg2[%dma_wait3A_565, %dma_wait3A_566] : memref<20480x128xf32, #tpu.memory_space<hbm>> -> memref<20480x128xf32, #tpu.memory_space<hbm>>
      tpu.wait_indirect_dma semaphore(%arg13 : memref<!tpu.dma_semaphore, #tpu.memory_space<semaphore_mem>>) src(%dma_wait3A_567 : memref<20480x128xf32, #tpu.memory_space<hbm>>) dst(%arg10 : memref<80x128xf32, #tpu.memory_space<vmem>>)
      %run_scoped3A_568 = arith.constant 9 : i32
      "tpu.region"() ({
        %run_scoped3A_569 = tpu.sem_alloc : memref<!tpu.dma_semaphore, #tpu.memory_space<semaphore_mem>>
        %dma_start3A_570 = arith.constant 0 : i32
        %dma_start3A_571 = tpu.memref_slice %arg8[%run_scoped3A_568, %dma_start3A_570] : memref<10x80xi32, #tpu.memory_space<vmem>> -> memref<1x80xi32, #tpu.memory_space<vmem>>
        %dma_start3A_572 = tpu.memref_squeeze %dma_start3A_571 : memref<1x80xi32, #tpu.memory_space<vmem>> -> memref<80xi32, #tpu.memory_space<vmem>>
        %dma_start3A_573 = arith.constant 0 : i32
        %dma_start3A_574 = arith.constant 0 : i32
        %dma_start3A_575 = tpu.memref_slice %arg11[%dma_start3A_573, %dma_start3A_574] : memref<10240x128xf32, #tpu.memory_space<vmem_shared>> -> memref<10240x128xf32, #tpu.memory_space<vmem_shared>>
        tpu.enqueue_indirect_dma source(%arg10 : memref<80x128xf32, #tpu.memory_space<vmem>>) target(%dma_start3A_575 : memref<10240x128xf32, #tpu.memory_space<vmem_shared>>) offsets(%dma_start3A_572 : memref<80xi32, #tpu.memory_space<vmem>>) semaphore(%run_scoped3A_569 : memref<!tpu.dma_semaphore, #tpu.memory_space<semaphore_mem>>) {add = true}
        %dma_wait3A_576 = arith.constant 0 : i32
        %dma_wait3A_577 = tpu.memref_slice %arg8[%run_scoped3A_568, %dma_wait3A_576] : memref<10x80xi32, #tpu.memory_space<vmem>> -> memref<1x80xi32, #tpu.memory_space<vmem>>
        %dma_wait3A_578 = tpu.memref_squeeze %dma_wait3A_577 : memref<1x80xi32, #tpu.memory_space<vmem>> -> memref<80xi32, #tpu.memory_space<vmem>>
        %dma_wait3A_579 = arith.constant 0 : i32
        %dma_wait3A_580 = arith.constant 0 : i32
        %dma_wait3A_581 = tpu.memref_slice %arg11[%dma_wait3A_579, %dma_wait3A_580] : memref<10240x128xf32, #tpu.memory_space<vmem_shared>> -> memref<10240x128xf32, #tpu.memory_space<vmem_shared>>
        tpu.wait_indirect_dma semaphore(%run_scoped3A_569 : memref<!tpu.dma_semaphore, #tpu.memory_space<semaphore_mem>>) src(%arg10 : memref<80x128xf32, #tpu.memory_space<vmem>>) dst(%dma_wait3A_581 : memref<10240x128xf32, #tpu.memory_space<vmem_shared>>)
        tpu.yield
      }) : () -> ()
    }
    %scan3A_9 = arith.constant 25 : i32
    %barrier3A_10 = arith.constant 0 : index
    tpu.barrier barrier_id(%barrier3A_10)
    %mul3A_11 = arith.constant 640 : i32
    %mul3A_12 = arith.muli %arg1, %mul3A_11 : i32
    %mul3A_13 = arith.constant 10240 : i32
    %mul3A_14 = arith.muli %arg0, %mul3A_13 : i32
    %mul3A_15 = arith.constant 640 : i32
    %mul3A_16 = arith.muli %arg1, %mul3A_15 : i32
    %add3A_17 = arith.addi %mul3A_14, %mul3A_16 : i32
    "tpu.region"() ({
      %run_scoped3A = tpu.sem_alloc : memref<!tpu.dma_semaphore, #tpu.memory_space<semaphore_mem>>
      %dma_start3A = arith.constant 0 : i32
      %dma_start3A_18 = tpu.memref_slice %arg6[%add3A_17, %dma_start3A] : memref<20480x128xf32, #tpu.memory_space<hbm>> -> memref<640x128xf32, #tpu.memory_space<hbm>>
      %dma_start3A_19 = arith.constant 0 : i32
      %dma_start3A_20 = tpu.memref_slice %arg11[%mul3A_12, %dma_start3A_19] : memref<10240x128xf32, #tpu.memory_space<vmem_shared>> -> memref<640x128xf32, #tpu.memory_space<vmem_shared>>
      tpu.enqueue_dma source(%dma_start3A_20 : memref<640x128xf32, #tpu.memory_space<vmem_shared>>) target(%dma_start3A_18 : memref<640x128xf32, #tpu.memory_space<hbm>>) target_semaphore(%run_scoped3A : memref<!tpu.dma_semaphore, #tpu.memory_space<semaphore_mem>>)
      %dma_wait3A = arith.constant 0 : i32
      %dma_wait3A_21 = tpu.memref_slice %arg6[%add3A_17, %dma_wait3A] : memref<20480x128xf32, #tpu.memory_space<hbm>> -> memref<640x128xf32, #tpu.memory_space<hbm>>
      %dma_wait3A_22 = arith.constant 0 : i32
      %dma_wait3A_23 = tpu.memref_slice %arg11[%mul3A_12, %dma_wait3A_22] : memref<10240x128xf32, #tpu.memory_space<vmem_shared>> -> memref<640x128xf32, #tpu.memory_space<vmem_shared>>
      tpu.wait_dma2 semaphore(%run_scoped3A : memref<!tpu.dma_semaphore, #tpu.memory_space<semaphore_mem>>) src(%dma_wait3A_23 : memref<640x128xf32, #tpu.memory_space<vmem_shared>>) dst(%dma_wait3A_21 : memref<640x128xf32, #tpu.memory_space<hbm>>)
      tpu.yield
    }) : () -> ()
    return
  }
}

#map = affine_map<(d0, d1) -> (0)>
#map1 = affine_map<(d0, d1) -> (0, 0)>
module attributes {stable_mosaic.version = 14 : i64} {
  func.func @_sc_degree(%arg0: i32, %arg1: i32, %arg2: memref<640000xi32, #tpu.memory_space<hbm>>, %arg3: memref<80x128xf32, #tpu.memory_space<hbm>>, %arg4: memref<640x128xf32, #tpu.memory_space<hbm>>, %arg5: memref<20480x128xf32, #tpu.memory_space<hbm>>, %arg6: memref<80xi32, #tpu.memory_space<vmem>>, %arg7: memref<80x128xf32, #tpu.memory_space<vmem>>, %arg8: memref<10240x128xf32, #tpu.memory_space<vmem_shared>>) attributes {dimension_semantics = [#tpu.dimension_semantics<core_parallel>, #tpu.dimension_semantics<subcore_parallel>], iteration_bounds = array<i64: 2, 16>, scalar_prefetch = 0 : i64, scratch_operands = 3 : i64, tpu.core_type = #tpu.core_type<sc_vector_subcore>, window_params = [{transform_indices = #map}, {transform_indices = #map1}, {transform_indices = #map1}, {transform_indices = #map1}]} {
    "tpu.region"() ({
      %run_scoped3A = tpu.sem_alloc : memref<!tpu.dma_semaphore, #tpu.memory_space<semaphore_mem>>
      tpu.enqueue_dma source(%arg3 : memref<80x128xf32, #tpu.memory_space<hbm>>) target(%arg7 : memref<80x128xf32, #tpu.memory_space<vmem>>) target_semaphore(%run_scoped3A : memref<!tpu.dma_semaphore, #tpu.memory_space<semaphore_mem>>)
      tpu.wait_dma2 semaphore(%run_scoped3A : memref<!tpu.dma_semaphore, #tpu.memory_space<semaphore_mem>>) src(%arg3 : memref<80x128xf32, #tpu.memory_space<hbm>>) dst(%arg7 : memref<80x128xf32, #tpu.memory_space<vmem>>)
      tpu.yield
    }) : () -> ()
    %mul3A = arith.constant 640 : i32
    %mul3A_0 = arith.muli %arg1, %mul3A : i32
    "tpu.region"() ({
      %run_scoped3A = tpu.sem_alloc : memref<!tpu.dma_semaphore, #tpu.memory_space<semaphore_mem>>
      %dma_start3A = arith.constant 0 : i32
      %dma_start3A_13 = tpu.memref_slice %arg8[%mul3A_0, %dma_start3A] : memref<10240x128xf32, #tpu.memory_space<vmem_shared>> -> memref<640x128xf32, #tpu.memory_space<vmem_shared>>
      tpu.enqueue_dma source(%arg4 : memref<640x128xf32, #tpu.memory_space<hbm>>) target(%dma_start3A_13 : memref<640x128xf32, #tpu.memory_space<vmem_shared>>) target_semaphore(%run_scoped3A : memref<!tpu.dma_semaphore, #tpu.memory_space<semaphore_mem>>)
      %dma_wait3A = arith.constant 0 : i32
      %dma_wait3A_14 = tpu.memref_slice %arg8[%mul3A_0, %dma_wait3A] : memref<10240x128xf32, #tpu.memory_space<vmem_shared>> -> memref<640x128xf32, #tpu.memory_space<vmem_shared>>
      tpu.wait_dma2 semaphore(%run_scoped3A : memref<!tpu.dma_semaphore, #tpu.memory_space<semaphore_mem>>) src(%arg4 : memref<640x128xf32, #tpu.memory_space<hbm>>) dst(%dma_wait3A_14 : memref<640x128xf32, #tpu.memory_space<vmem_shared>>)
      tpu.yield
    }) : () -> ()
    %barrier3A = arith.constant 0 : index
    tpu.barrier barrier_id(%barrier3A)
    %scan3A = arith.constant 0 : i32
    %scan3A_1 = arith.constant 0 : i32
    %scan3A_2 = arith.constant 250 : i32
    %scan3A_3 = arith.addi %scan3A_1, %scan3A_2 : i32
    %scan3A_4 = arith.constant 1 : i32
    scf.for %scan3A_13 = %scan3A_1 to %scan3A_3 step %scan3A_4  : i32 {
      %mul3A_14 = arith.constant 320000 : i32
      %mul3A_15 = arith.muli %arg0, %mul3A_14 : i32
      %mul3A_16 = arith.constant 20000 : i32
      %mul3A_17 = arith.muli %arg1, %mul3A_16 : i32
      %add3A_18 = arith.addi %mul3A_15, %mul3A_17 : i32
      %mul3A_19 = arith.constant 80 : i32
      %mul3A_20 = arith.muli %scan3A_13, %mul3A_19 : i32
      %add3A_21 = arith.addi %add3A_18, %mul3A_20 : i32
      "tpu.region"() ({
        %run_scoped3A = tpu.sem_alloc : memref<!tpu.dma_semaphore, #tpu.memory_space<semaphore_mem>>
        %dma_start3A = tpu.memref_slice %arg2[%add3A_21] : memref<640000xi32, #tpu.memory_space<hbm>> -> memref<80xi32, #tpu.memory_space<hbm>>
        %dma_start3A_22 = tpu.memref_slice %arg2[%add3A_21] : memref<640000xi32, #tpu.memory_space<hbm>> -> memref<80xi32, #tpu.memory_space<hbm>>
        tpu.enqueue_dma source(%dma_start3A_22 : memref<80xi32, #tpu.memory_space<hbm>>) target(%arg6 : memref<80xi32, #tpu.memory_space<vmem>>) target_semaphore(%run_scoped3A : memref<!tpu.dma_semaphore, #tpu.memory_space<semaphore_mem>>)
        %dma_wait3A = tpu.memref_slice %arg2[%add3A_21] : memref<640000xi32, #tpu.memory_space<hbm>> -> memref<80xi32, #tpu.memory_space<hbm>>
        %dma_wait3A_23 = tpu.memref_slice %arg2[%add3A_21] : memref<640000xi32, #tpu.memory_space<hbm>> -> memref<80xi32, #tpu.memory_space<hbm>>
        tpu.wait_dma2 semaphore(%run_scoped3A : memref<!tpu.dma_semaphore, #tpu.memory_space<semaphore_mem>>) src(%dma_wait3A_23 : memref<80xi32, #tpu.memory_space<hbm>>) dst(%arg6 : memref<80xi32, #tpu.memory_space<vmem>>)
        tpu.yield
      }) : () -> ()
      "tpu.region"() ({
        %run_scoped3A = tpu.sem_alloc : memref<!tpu.dma_semaphore, #tpu.memory_space<semaphore_mem>>
        %dma_start3A = arith.constant 0 : i32
        %dma_start3A_22 = arith.constant 0 : i32
        %dma_start3A_23 = tpu.memref_slice %arg8[%dma_start3A, %dma_start3A_22] : memref<10240x128xf32, #tpu.memory_space<vmem_shared>> -> memref<10240x128xf32, #tpu.memory_space<vmem_shared>>
        tpu.enqueue_indirect_dma source(%arg7 : memref<80x128xf32, #tpu.memory_space<vmem>>) target(%dma_start3A_23 : memref<10240x128xf32, #tpu.memory_space<vmem_shared>>) offsets(%arg6 : memref<80xi32, #tpu.memory_space<vmem>>) semaphore(%run_scoped3A : memref<!tpu.dma_semaphore, #tpu.memory_space<semaphore_mem>>) {add = true}
        %dma_wait3A = arith.constant 0 : i32
        %dma_wait3A_24 = arith.constant 0 : i32
        %dma_wait3A_25 = tpu.memref_slice %arg8[%dma_wait3A, %dma_wait3A_24] : memref<10240x128xf32, #tpu.memory_space<vmem_shared>> -> memref<10240x128xf32, #tpu.memory_space<vmem_shared>>
        tpu.wait_indirect_dma semaphore(%run_scoped3A : memref<!tpu.dma_semaphore, #tpu.memory_space<semaphore_mem>>) src(%arg7 : memref<80x128xf32, #tpu.memory_space<vmem>>) dst(%dma_wait3A_25 : memref<10240x128xf32, #tpu.memory_space<vmem_shared>>)
        tpu.yield
      }) : () -> ()
    }
    %scan3A_5 = arith.constant 250 : i32
    %barrier3A_6 = arith.constant 0 : index
    tpu.barrier barrier_id(%barrier3A_6)
    %mul3A_7 = arith.constant 640 : i32
    %mul3A_8 = arith.muli %arg1, %mul3A_7 : i32
    %mul3A_9 = arith.constant 10240 : i32
    %mul3A_10 = arith.muli %arg0, %mul3A_9 : i32
    %mul3A_11 = arith.constant 640 : i32
    %mul3A_12 = arith.muli %arg1, %mul3A_11 : i32
    %add3A = arith.addi %mul3A_10, %mul3A_12 : i32
    "tpu.region"() ({
      %run_scoped3A = tpu.sem_alloc : memref<!tpu.dma_semaphore, #tpu.memory_space<semaphore_mem>>
      %dma_start3A = arith.constant 0 : i32
      %dma_start3A_13 = tpu.memref_slice %arg5[%add3A, %dma_start3A] : memref<20480x128xf32, #tpu.memory_space<hbm>> -> memref<640x128xf32, #tpu.memory_space<hbm>>
      %dma_start3A_14 = arith.constant 0 : i32
      %dma_start3A_15 = tpu.memref_slice %arg8[%mul3A_8, %dma_start3A_14] : memref<10240x128xf32, #tpu.memory_space<vmem_shared>> -> memref<640x128xf32, #tpu.memory_space<vmem_shared>>
      tpu.enqueue_dma source(%dma_start3A_15 : memref<640x128xf32, #tpu.memory_space<vmem_shared>>) target(%dma_start3A_13 : memref<640x128xf32, #tpu.memory_space<hbm>>) target_semaphore(%run_scoped3A : memref<!tpu.dma_semaphore, #tpu.memory_space<semaphore_mem>>)
      %dma_wait3A = arith.constant 0 : i32
      %dma_wait3A_16 = tpu.memref_slice %arg5[%add3A, %dma_wait3A] : memref<20480x128xf32, #tpu.memory_space<hbm>> -> memref<640x128xf32, #tpu.memory_space<hbm>>
      %dma_wait3A_17 = arith.constant 0 : i32
      %dma_wait3A_18 = tpu.memref_slice %arg8[%mul3A_8, %dma_wait3A_17] : memref<10240x128xf32, #tpu.memory_space<vmem_shared>> -> memref<640x128xf32, #tpu.memory_space<vmem_shared>>
      tpu.wait_dma2 semaphore(%run_scoped3A : memref<!tpu.dma_semaphore, #tpu.memory_space<semaphore_mem>>) src(%dma_wait3A_18 : memref<640x128xf32, #tpu.memory_space<vmem_shared>>) dst(%dma_wait3A_16 : memref<640x128xf32, #tpu.memory_space<hbm>>)
      tpu.yield
    }) : () -> ()
    return
  }
}

#map = affine_map<(d0, d1) -> (0, 0)>
#map1 = affine_map<(d0, d1) -> (0)>
module attributes {stable_mosaic.version = 14 : i64} {
  func.func @_sc_conv(%arg0: i32, %arg1: i32, %arg2: memref<20480x128xf32, #tpu.memory_space<hbm>>, %arg3: memref<640000xi32, #tpu.memory_space<hbm>>, %arg4: memref<640000xi32, #tpu.memory_space<hbm>>, %arg5: memref<640x128xf32, #tpu.memory_space<hbm>>, %arg6: memref<20480x128xf32, #tpu.memory_space<hbm>>, %arg7: memref<10x80xi32, #tpu.memory_space<vmem>>, %arg8: memref<10x80xi32, #tpu.memory_space<vmem>>, %arg9: memref<80x128xf32, #tpu.memory_space<vmem>>, %arg10: memref<80x128xf32, #tpu.memory_space<vmem>>, %arg11: memref<10240x128xf32, #tpu.memory_space<vmem_shared>>, %arg12: memref<!tpu.dma_semaphore, #tpu.memory_space<semaphore_mem>>, %arg13: memref<!tpu.dma_semaphore, #tpu.memory_space<semaphore_mem>>, %arg14: memref<!tpu.dma_semaphore, #tpu.memory_space<semaphore_mem>>) attributes {dimension_semantics = [#tpu.dimension_semantics<core_parallel>, #tpu.dimension_semantics<subcore_parallel>], iteration_bounds = array<i64: 2, 16>, scalar_prefetch = 0 : i64, scratch_operands = 8 : i64, tpu.core_type = #tpu.core_type<sc_vector_subcore>, window_params = [{transform_indices = #map}, {transform_indices = #map1}, {transform_indices = #map1}, {transform_indices = #map}, {transform_indices = #map}]} {
    %mul3A = arith.constant 640 : i32
    %mul3A_0 = arith.muli %arg1, %mul3A : i32
    "tpu.region"() ({
      %run_scoped3A = tpu.sem_alloc : memref<!tpu.dma_semaphore, #tpu.memory_space<semaphore_mem>>
      %dma_start3A = arith.constant 0 : i32
      %dma_start3A_18 = tpu.memref_slice %arg11[%mul3A_0, %dma_start3A] : memref<10240x128xf32, #tpu.memory_space<vmem_shared>> -> memref<640x128xf32, #tpu.memory_space<vmem_shared>>
      tpu.enqueue_dma source(%arg5 : memref<640x128xf32, #tpu.memory_space<hbm>>) target(%dma_start3A_18 : memref<640x128xf32, #tpu.memory_space<vmem_shared>>) target_semaphore(%run_scoped3A : memref<!tpu.dma_semaphore, #tpu.memory_space<semaphore_mem>>)
      %dma_wait3A = arith.constant 0 : i32
      %dma_wait3A_19 = tpu.memref_slice %arg11[%mul3A_0, %dma_wait3A] : memref<10240x128xf32, #tpu.memory_space<vmem_shared>> -> memref<640x128xf32, #tpu.memory_space<vmem_shared>>
      tpu.wait_dma2 semaphore(%run_scoped3A : memref<!tpu.dma_semaphore, #tpu.memory_space<semaphore_mem>>) src(%arg5 : memref<640x128xf32, #tpu.memory_space<hbm>>) dst(%dma_wait3A_19 : memref<640x128xf32, #tpu.memory_space<vmem_shared>>)
      tpu.yield
    }) : () -> ()
    %barrier3A = arith.constant 0 : index
    tpu.barrier barrier_id(%barrier3A)
    %mul3A_1 = arith.constant 320000 : i32
    %mul3A_2 = arith.muli %arg0, %mul3A_1 : i32
    %mul3A_3 = arith.constant 20000 : i32
    %mul3A_4 = arith.muli %arg1, %mul3A_3 : i32
    %add3A = arith.addi %mul3A_2, %mul3A_4 : i32
    %scan3A = arith.constant 0 : i32
    %scan3A_5 = arith.constant 0 : i32
    %scan3A_6 = arith.constant 25 : i32
    %scan3A_7 = arith.addi %scan3A_5, %scan3A_6 : i32
    %scan3A_8 = arith.constant 1 : i32
    scf.for %scan3A_18 = %scan3A_5 to %scan3A_7 step %scan3A_8  : i32 {
      %mul3A_19 = arith.constant 800 : i32
      %mul3A_20 = arith.muli %scan3A_18, %mul3A_19 : i32
      %add3A_21 = arith.addi %add3A, %mul3A_20 : i32
      %add3A_22 = arith.constant 0 : i32
      %add3A_23 = arith.addi %add3A_21, %add3A_22 : i32
      %dma_start3A = arith.constant 0 : i32
      %dma_start3A_24 = arith.constant 0 : i32
      %dma_start3A_25 = tpu.memref_slice %arg7[%dma_start3A, %dma_start3A_24] : memref<10x80xi32, #tpu.memory_space<vmem>> -> memref<1x80xi32, #tpu.memory_space<vmem>>
      %dma_start3A_26 = tpu.memref_squeeze %dma_start3A_25 : memref<1x80xi32, #tpu.memory_space<vmem>> -> memref<80xi32, #tpu.memory_space<vmem>>
      %dma_start3A_27 = tpu.memref_slice %arg3[%add3A_23] : memref<640000xi32, #tpu.memory_space<hbm>> -> memref<80xi32, #tpu.memory_space<hbm>>
      %dma_start3A_28 = arith.constant 0 : i32
      %dma_start3A_29 = tpu.memref_slice %arg7[%dma_start3A, %dma_start3A_28] : memref<10x80xi32, #tpu.memory_space<vmem>> -> memref<1x80xi32, #tpu.memory_space<vmem>>
      %dma_start3A_30 = tpu.memref_squeeze %dma_start3A_29 : memref<1x80xi32, #tpu.memory_space<vmem>> -> memref<80xi32, #tpu.memory_space<vmem>>
      %dma_start3A_31 = tpu.memref_slice %arg3[%add3A_23] : memref<640000xi32, #tpu.memory_space<hbm>> -> memref<80xi32, #tpu.memory_space<hbm>>
      tpu.enqueue_dma source(%dma_start3A_31 : memref<80xi32, #tpu.memory_space<hbm>>) target(%dma_start3A_30 : memref<80xi32, #tpu.memory_space<vmem>>) target_semaphore(%arg14 : memref<!tpu.dma_semaphore, #tpu.memory_space<semaphore_mem>>)
      %add3A_32 = arith.constant 0 : i32
      %add3A_33 = arith.addi %add3A_21, %add3A_32 : i32
      %dma_start3A_34 = arith.constant 0 : i32
      %dma_start3A_35 = arith.constant 0 : i32
      %dma_start3A_36 = tpu.memref_slice %arg8[%dma_start3A_34, %dma_start3A_35] : memref<10x80xi32, #tpu.memory_space<vmem>> -> memref<1x80xi32, #tpu.memory_space<vmem>>
      %dma_start3A_37 = tpu.memref_squeeze %dma_start3A_36 : memref<1x80xi32, #tpu.memory_space<vmem>> -> memref<80xi32, #tpu.memory_space<vmem>>
      %dma_start3A_38 = tpu.memref_slice %arg4[%add3A_33] : memref<640000xi32, #tpu.memory_space<hbm>> -> memref<80xi32, #tpu.memory_space<hbm>>
      %dma_start3A_39 = arith.constant 0 : i32
      %dma_start3A_40 = tpu.memref_slice %arg8[%dma_start3A_34, %dma_start3A_39] : memref<10x80xi32, #tpu.memory_space<vmem>> -> memref<1x80xi32, #tpu.memory_space<vmem>>
      %dma_start3A_41 = tpu.memref_squeeze %dma_start3A_40 : memref<1x80xi32, #tpu.memory_space<vmem>> -> memref<80xi32, #tpu.memory_space<vmem>>
      %dma_start3A_42 = tpu.memref_slice %arg4[%add3A_33] : memref<640000xi32, #tpu.memory_space<hbm>> -> memref<80xi32, #tpu.memory_space<hbm>>
      tpu.enqueue_dma source(%dma_start3A_42 : memref<80xi32, #tpu.memory_space<hbm>>) target(%dma_start3A_41 : memref<80xi32, #tpu.memory_space<vmem>>) target_semaphore(%arg14 : memref<!tpu.dma_semaphore, #tpu.memory_space<semaphore_mem>>)
      %add3A_43 = arith.constant 80 : i32
      %add3A_44 = arith.addi %add3A_21, %add3A_43 : i32
      %dma_start3A_45 = arith.constant 1 : i32
      %dma_start3A_46 = arith.constant 0 : i32
      %dma_start3A_47 = tpu.memref_slice %arg7[%dma_start3A_45, %dma_start3A_46] : memref<10x80xi32, #tpu.memory_space<vmem>> -> memref<1x80xi32, #tpu.memory_space<vmem>>
      %dma_start3A_48 = tpu.memref_squeeze %dma_start3A_47 : memref<1x80xi32, #tpu.memory_space<vmem>> -> memref<80xi32, #tpu.memory_space<vmem>>
      %dma_start3A_49 = tpu.memref_slice %arg3[%add3A_44] : memref<640000xi32, #tpu.memory_space<hbm>> -> memref<80xi32, #tpu.memory_space<hbm>>
      %dma_start3A_50 = arith.constant 0 : i32
      %dma_start3A_51 = tpu.memref_slice %arg7[%dma_start3A_45, %dma_start3A_50] : memref<10x80xi32, #tpu.memory_space<vmem>> -> memref<1x80xi32, #tpu.memory_space<vmem>>
      %dma_start3A_52 = tpu.memref_squeeze %dma_start3A_51 : memref<1x80xi32, #tpu.memory_space<vmem>> -> memref<80xi32, #tpu.memory_space<vmem>>
      %dma_start3A_53 = tpu.memref_slice %arg3[%add3A_44] : memref<640000xi32, #tpu.memory_space<hbm>> -> memref<80xi32, #tpu.memory_space<hbm>>
      tpu.enqueue_dma source(%dma_start3A_53 : memref<80xi32, #tpu.memory_space<hbm>>) target(%dma_start3A_52 : memref<80xi32, #tpu.memory_space<vmem>>) target_semaphore(%arg14 : memref<!tpu.dma_semaphore, #tpu.memory_space<semaphore_mem>>)
      %add3A_54 = arith.constant 80 : i32
      %add3A_55 = arith.addi %add3A_21, %add3A_54 : i32
      %dma_start3A_56 = arith.constant 1 : i32
      %dma_start3A_57 = arith.constant 0 : i32
      %dma_start3A_58 = tpu.memref_slice %arg8[%dma_start3A_56, %dma_start3A_57] : memref<10x80xi32, #tpu.memory_space<vmem>> -> memref<1x80xi32, #tpu.memory_space<vmem>>
      %dma_start3A_59 = tpu.memref_squeeze %dma_start3A_58 : memref<1x80xi32, #tpu.memory_space<vmem>> -> memref<80xi32, #tpu.memory_space<vmem>>
      %dma_start3A_60 = tpu.memref_slice %arg4[%add3A_55] : memref<640000xi32, #tpu.memory_space<hbm>> -> memref<80xi32, #tpu.memory_space<hbm>>
      %dma_start3A_61 = arith.constant 0 : i32
      %dma_start3A_62 = tpu.memref_slice %arg8[%dma_start3A_56, %dma_start3A_61] : memref<10x80xi32, #tpu.memory_space<vmem>> -> memref<1x80xi32, #tpu.memory_space<vmem>>
      %dma_start3A_63 = tpu.memref_squeeze %dma_start3A_62 : memref<1x80xi32, #tpu.memory_space<vmem>> -> memref<80xi32, #tpu.memory_space<vmem>>
      %dma_start3A_64 = tpu.memref_slice %arg4[%add3A_55] : memref<640000xi32, #tpu.memory_space<hbm>> -> memref<80xi32, #tpu.memory_space<hbm>>
      tpu.enqueue_dma source(%dma_start3A_64 : memref<80xi32, #tpu.memory_space<hbm>>) target(%dma_start3A_63 : memref<80xi32, #tpu.memory_space<vmem>>) target_semaphore(%arg14 : memref<!tpu.dma_semaphore, #tpu.memory_space<semaphore_mem>>)
      %add3A_65 = arith.constant 160 : i32
      %add3A_66 = arith.addi %add3A_21, %add3A_65 : i32
      %dma_start3A_67 = arith.constant 2 : i32
      %dma_start3A_68 = arith.constant 0 : i32
      %dma_start3A_69 = tpu.memref_slice %arg7[%dma_start3A_67, %dma_start3A_68] : memref<10x80xi32, #tpu.memory_space<vmem>> -> memref<1x80xi32, #tpu.memory_space<vmem>>
      %dma_start3A_70 = tpu.memref_squeeze %dma_start3A_69 : memref<1x80xi32, #tpu.memory_space<vmem>> -> memref<80xi32, #tpu.memory_space<vmem>>
      %dma_start3A_71 = tpu.memref_slice %arg3[%add3A_66] : memref<640000xi32, #tpu.memory_space<hbm>> -> memref<80xi32, #tpu.memory_space<hbm>>
      %dma_start3A_72 = arith.constant 0 : i32
      %dma_start3A_73 = tpu.memref_slice %arg7[%dma_start3A_67, %dma_start3A_72] : memref<10x80xi32, #tpu.memory_space<vmem>> -> memref<1x80xi32, #tpu.memory_space<vmem>>
      %dma_start3A_74 = tpu.memref_squeeze %dma_start3A_73 : memref<1x80xi32, #tpu.memory_space<vmem>> -> memref<80xi32, #tpu.memory_space<vmem>>
      %dma_start3A_75 = tpu.memref_slice %arg3[%add3A_66] : memref<640000xi32, #tpu.memory_space<hbm>> -> memref<80xi32, #tpu.memory_space<hbm>>
      tpu.enqueue_dma source(%dma_start3A_75 : memref<80xi32, #tpu.memory_space<hbm>>) target(%dma_start3A_74 : memref<80xi32, #tpu.memory_space<vmem>>) target_semaphore(%arg14 : memref<!tpu.dma_semaphore, #tpu.memory_space<semaphore_mem>>)
      %add3A_76 = arith.constant 160 : i32
      %add3A_77 = arith.addi %add3A_21, %add3A_76 : i32
      %dma_start3A_78 = arith.constant 2 : i32
      %dma_start3A_79 = arith.constant 0 : i32
      %dma_start3A_80 = tpu.memref_slice %arg8[%dma_start3A_78, %dma_start3A_79] : memref<10x80xi32, #tpu.memory_space<vmem>> -> memref<1x80xi32, #tpu.memory_space<vmem>>
      %dma_start3A_81 = tpu.memref_squeeze %dma_start3A_80 : memref<1x80xi32, #tpu.memory_space<vmem>> -> memref<80xi32, #tpu.memory_space<vmem>>
      %dma_start3A_82 = tpu.memref_slice %arg4[%add3A_77] : memref<640000xi32, #tpu.memory_space<hbm>> -> memref<80xi32, #tpu.memory_space<hbm>>
      %dma_start3A_83 = arith.constant 0 : i32
      %dma_start3A_84 = tpu.memref_slice %arg8[%dma_start3A_78, %dma_start3A_83] : memref<10x80xi32, #tpu.memory_space<vmem>> -> memref<1x80xi32, #tpu.memory_space<vmem>>
      %dma_start3A_85 = tpu.memref_squeeze %dma_start3A_84 : memref<1x80xi32, #tpu.memory_space<vmem>> -> memref<80xi32, #tpu.memory_space<vmem>>
      %dma_start3A_86 = tpu.memref_slice %arg4[%add3A_77] : memref<640000xi32, #tpu.memory_space<hbm>> -> memref<80xi32, #tpu.memory_space<hbm>>
      tpu.enqueue_dma source(%dma_start3A_86 : memref<80xi32, #tpu.memory_space<hbm>>) target(%dma_start3A_85 : memref<80xi32, #tpu.memory_space<vmem>>) target_semaphore(%arg14 : memref<!tpu.dma_semaphore, #tpu.memory_space<semaphore_mem>>)
      %add3A_87 = arith.constant 240 : i32
      %add3A_88 = arith.addi %add3A_21, %add3A_87 : i32
      %dma_start3A_89 = arith.constant 3 : i32
      %dma_start3A_90 = arith.constant 0 : i32
      %dma_start3A_91 = tpu.memref_slice %arg7[%dma_start3A_89, %dma_start3A_90] : memref<10x80xi32, #tpu.memory_space<vmem>> -> memref<1x80xi32, #tpu.memory_space<vmem>>
      %dma_start3A_92 = tpu.memref_squeeze %dma_start3A_91 : memref<1x80xi32, #tpu.memory_space<vmem>> -> memref<80xi32, #tpu.memory_space<vmem>>
      %dma_start3A_93 = tpu.memref_slice %arg3[%add3A_88] : memref<640000xi32, #tpu.memory_space<hbm>> -> memref<80xi32, #tpu.memory_space<hbm>>
      %dma_start3A_94 = arith.constant 0 : i32
      %dma_start3A_95 = tpu.memref_slice %arg7[%dma_start3A_89, %dma_start3A_94] : memref<10x80xi32, #tpu.memory_space<vmem>> -> memref<1x80xi32, #tpu.memory_space<vmem>>
      %dma_start3A_96 = tpu.memref_squeeze %dma_start3A_95 : memref<1x80xi32, #tpu.memory_space<vmem>> -> memref<80xi32, #tpu.memory_space<vmem>>
      %dma_start3A_97 = tpu.memref_slice %arg3[%add3A_88] : memref<640000xi32, #tpu.memory_space<hbm>> -> memref<80xi32, #tpu.memory_space<hbm>>
      tpu.enqueue_dma source(%dma_start3A_97 : memref<80xi32, #tpu.memory_space<hbm>>) target(%dma_start3A_96 : memref<80xi32, #tpu.memory_space<vmem>>) target_semaphore(%arg14 : memref<!tpu.dma_semaphore, #tpu.memory_space<semaphore_mem>>)
      %add3A_98 = arith.constant 240 : i32
      %add3A_99 = arith.addi %add3A_21, %add3A_98 : i32
      %dma_start3A_100 = arith.constant 3 : i32
      %dma_start3A_101 = arith.constant 0 : i32
      %dma_start3A_102 = tpu.memref_slice %arg8[%dma_start3A_100, %dma_start3A_101] : memref<10x80xi32, #tpu.memory_space<vmem>> -> memref<1x80xi32, #tpu.memory_space<vmem>>
      %dma_start3A_103 = tpu.memref_squeeze %dma_start3A_102 : memref<1x80xi32, #tpu.memory_space<vmem>> -> memref<80xi32, #tpu.memory_space<vmem>>
      %dma_start3A_104 = tpu.memref_slice %arg4[%add3A_99] : memref<640000xi32, #tpu.memory_space<hbm>> -> memref<80xi32, #tpu.memory_space<hbm>>
      %dma_start3A_105 = arith.constant 0 : i32
      %dma_start3A_106 = tpu.memref_slice %arg8[%dma_start3A_100, %dma_start3A_105] : memref<10x80xi32, #tpu.memory_space<vmem>> -> memref<1x80xi32, #tpu.memory_space<vmem>>
      %dma_start3A_107 = tpu.memref_squeeze %dma_start3A_106 : memref<1x80xi32, #tpu.memory_space<vmem>> -> memref<80xi32, #tpu.memory_space<vmem>>
      %dma_start3A_108 = tpu.memref_slice %arg4[%add3A_99] : memref<640000xi32, #tpu.memory_space<hbm>> -> memref<80xi32, #tpu.memory_space<hbm>>
      tpu.enqueue_dma source(%dma_start3A_108 : memref<80xi32, #tpu.memory_space<hbm>>) target(%dma_start3A_107 : memref<80xi32, #tpu.memory_space<vmem>>) target_semaphore(%arg14 : memref<!tpu.dma_semaphore, #tpu.memory_space<semaphore_mem>>)
      %add3A_109 = arith.constant 320 : i32
      %add3A_110 = arith.addi %add3A_21, %add3A_109 : i32
      %dma_start3A_111 = arith.constant 4 : i32
      %dma_start3A_112 = arith.constant 0 : i32
      %dma_start3A_113 = tpu.memref_slice %arg7[%dma_start3A_111, %dma_start3A_112] : memref<10x80xi32, #tpu.memory_space<vmem>> -> memref<1x80xi32, #tpu.memory_space<vmem>>
      %dma_start3A_114 = tpu.memref_squeeze %dma_start3A_113 : memref<1x80xi32, #tpu.memory_space<vmem>> -> memref<80xi32, #tpu.memory_space<vmem>>
      %dma_start3A_115 = tpu.memref_slice %arg3[%add3A_110] : memref<640000xi32, #tpu.memory_space<hbm>> -> memref<80xi32, #tpu.memory_space<hbm>>
      %dma_start3A_116 = arith.constant 0 : i32
      %dma_start3A_117 = tpu.memref_slice %arg7[%dma_start3A_111, %dma_start3A_116] : memref<10x80xi32, #tpu.memory_space<vmem>> -> memref<1x80xi32, #tpu.memory_space<vmem>>
      %dma_start3A_118 = tpu.memref_squeeze %dma_start3A_117 : memref<1x80xi32, #tpu.memory_space<vmem>> -> memref<80xi32, #tpu.memory_space<vmem>>
      %dma_start3A_119 = tpu.memref_slice %arg3[%add3A_110] : memref<640000xi32, #tpu.memory_space<hbm>> -> memref<80xi32, #tpu.memory_space<hbm>>
      tpu.enqueue_dma source(%dma_start3A_119 : memref<80xi32, #tpu.memory_space<hbm>>) target(%dma_start3A_118 : memref<80xi32, #tpu.memory_space<vmem>>) target_semaphore(%arg14 : memref<!tpu.dma_semaphore, #tpu.memory_space<semaphore_mem>>)
      %add3A_120 = arith.constant 320 : i32
      %add3A_121 = arith.addi %add3A_21, %add3A_120 : i32
      %dma_start3A_122 = arith.constant 4 : i32
      %dma_start3A_123 = arith.constant 0 : i32
      %dma_start3A_124 = tpu.memref_slice %arg8[%dma_start3A_122, %dma_start3A_123] : memref<10x80xi32, #tpu.memory_space<vmem>> -> memref<1x80xi32, #tpu.memory_space<vmem>>
      %dma_start3A_125 = tpu.memref_squeeze %dma_start3A_124 : memref<1x80xi32, #tpu.memory_space<vmem>> -> memref<80xi32, #tpu.memory_space<vmem>>
      %dma_start3A_126 = tpu.memref_slice %arg4[%add3A_121] : memref<640000xi32, #tpu.memory_space<hbm>> -> memref<80xi32, #tpu.memory_space<hbm>>
      %dma_start3A_127 = arith.constant 0 : i32
      %dma_start3A_128 = tpu.memref_slice %arg8[%dma_start3A_122, %dma_start3A_127] : memref<10x80xi32, #tpu.memory_space<vmem>> -> memref<1x80xi32, #tpu.memory_space<vmem>>
      %dma_start3A_129 = tpu.memref_squeeze %dma_start3A_128 : memref<1x80xi32, #tpu.memory_space<vmem>> -> memref<80xi32, #tpu.memory_space<vmem>>
      %dma_start3A_130 = tpu.memref_slice %arg4[%add3A_121] : memref<640000xi32, #tpu.memory_space<hbm>> -> memref<80xi32, #tpu.memory_space<hbm>>
      tpu.enqueue_dma source(%dma_start3A_130 : memref<80xi32, #tpu.memory_space<hbm>>) target(%dma_start3A_129 : memref<80xi32, #tpu.memory_space<vmem>>) target_semaphore(%arg14 : memref<!tpu.dma_semaphore, #tpu.memory_space<semaphore_mem>>)
      %add3A_131 = arith.constant 400 : i32
      %add3A_132 = arith.addi %add3A_21, %add3A_131 : i32
      %dma_start3A_133 = arith.constant 5 : i32
      %dma_start3A_134 = arith.constant 0 : i32
      %dma_start3A_135 = tpu.memref_slice %arg7[%dma_start3A_133, %dma_start3A_134] : memref<10x80xi32, #tpu.memory_space<vmem>> -> memref<1x80xi32, #tpu.memory_space<vmem>>
      %dma_start3A_136 = tpu.memref_squeeze %dma_start3A_135 : memref<1x80xi32, #tpu.memory_space<vmem>> -> memref<80xi32, #tpu.memory_space<vmem>>
      %dma_start3A_137 = tpu.memref_slice %arg3[%add3A_132] : memref<640000xi32, #tpu.memory_space<hbm>> -> memref<80xi32, #tpu.memory_space<hbm>>
      %dma_start3A_138 = arith.constant 0 : i32
      %dma_start3A_139 = tpu.memref_slice %arg7[%dma_start3A_133, %dma_start3A_138] : memref<10x80xi32, #tpu.memory_space<vmem>> -> memref<1x80xi32, #tpu.memory_space<vmem>>
      %dma_start3A_140 = tpu.memref_squeeze %dma_start3A_139 : memref<1x80xi32, #tpu.memory_space<vmem>> -> memref<80xi32, #tpu.memory_space<vmem>>
      %dma_start3A_141 = tpu.memref_slice %arg3[%add3A_132] : memref<640000xi32, #tpu.memory_space<hbm>> -> memref<80xi32, #tpu.memory_space<hbm>>
      tpu.enqueue_dma source(%dma_start3A_141 : memref<80xi32, #tpu.memory_space<hbm>>) target(%dma_start3A_140 : memref<80xi32, #tpu.memory_space<vmem>>) target_semaphore(%arg14 : memref<!tpu.dma_semaphore, #tpu.memory_space<semaphore_mem>>)
      %add3A_142 = arith.constant 400 : i32
      %add3A_143 = arith.addi %add3A_21, %add3A_142 : i32
      %dma_start3A_144 = arith.constant 5 : i32
      %dma_start3A_145 = arith.constant 0 : i32
      %dma_start3A_146 = tpu.memref_slice %arg8[%dma_start3A_144, %dma_start3A_145] : memref<10x80xi32, #tpu.memory_space<vmem>> -> memref<1x80xi32, #tpu.memory_space<vmem>>
      %dma_start3A_147 = tpu.memref_squeeze %dma_start3A_146 : memref<1x80xi32, #tpu.memory_space<vmem>> -> memref<80xi32, #tpu.memory_space<vmem>>
      %dma_start3A_148 = tpu.memref_slice %arg4[%add3A_143] : memref<640000xi32, #tpu.memory_space<hbm>> -> memref<80xi32, #tpu.memory_space<hbm>>
      %dma_start3A_149 = arith.constant 0 : i32
      %dma_start3A_150 = tpu.memref_slice %arg8[%dma_start3A_144, %dma_start3A_149] : memref<10x80xi32, #tpu.memory_space<vmem>> -> memref<1x80xi32, #tpu.memory_space<vmem>>
      %dma_start3A_151 = tpu.memref_squeeze %dma_start3A_150 : memref<1x80xi32, #tpu.memory_space<vmem>> -> memref<80xi32, #tpu.memory_space<vmem>>
      %dma_start3A_152 = tpu.memref_slice %arg4[%add3A_143] : memref<640000xi32, #tpu.memory_space<hbm>> -> memref<80xi32, #tpu.memory_space<hbm>>
      tpu.enqueue_dma source(%dma_start3A_152 : memref<80xi32, #tpu.memory_space<hbm>>) target(%dma_start3A_151 : memref<80xi32, #tpu.memory_space<vmem>>) target_semaphore(%arg14 : memref<!tpu.dma_semaphore, #tpu.memory_space<semaphore_mem>>)
      %add3A_153 = arith.constant 480 : i32
      %add3A_154 = arith.addi %add3A_21, %add3A_153 : i32
      %dma_start3A_155 = arith.constant 6 : i32
      %dma_start3A_156 = arith.constant 0 : i32
      %dma_start3A_157 = tpu.memref_slice %arg7[%dma_start3A_155, %dma_start3A_156] : memref<10x80xi32, #tpu.memory_space<vmem>> -> memref<1x80xi32, #tpu.memory_space<vmem>>
      %dma_start3A_158 = tpu.memref_squeeze %dma_start3A_157 : memref<1x80xi32, #tpu.memory_space<vmem>> -> memref<80xi32, #tpu.memory_space<vmem>>
      %dma_start3A_159 = tpu.memref_slice %arg3[%add3A_154] : memref<640000xi32, #tpu.memory_space<hbm>> -> memref<80xi32, #tpu.memory_space<hbm>>
      %dma_start3A_160 = arith.constant 0 : i32
      %dma_start3A_161 = tpu.memref_slice %arg7[%dma_start3A_155, %dma_start3A_160] : memref<10x80xi32, #tpu.memory_space<vmem>> -> memref<1x80xi32, #tpu.memory_space<vmem>>
      %dma_start3A_162 = tpu.memref_squeeze %dma_start3A_161 : memref<1x80xi32, #tpu.memory_space<vmem>> -> memref<80xi32, #tpu.memory_space<vmem>>
      %dma_start3A_163 = tpu.memref_slice %arg3[%add3A_154] : memref<640000xi32, #tpu.memory_space<hbm>> -> memref<80xi32, #tpu.memory_space<hbm>>
      tpu.enqueue_dma source(%dma_start3A_163 : memref<80xi32, #tpu.memory_space<hbm>>) target(%dma_start3A_162 : memref<80xi32, #tpu.memory_space<vmem>>) target_semaphore(%arg14 : memref<!tpu.dma_semaphore, #tpu.memory_space<semaphore_mem>>)
      %add3A_164 = arith.constant 480 : i32
      %add3A_165 = arith.addi %add3A_21, %add3A_164 : i32
      %dma_start3A_166 = arith.constant 6 : i32
      %dma_start3A_167 = arith.constant 0 : i32
      %dma_start3A_168 = tpu.memref_slice %arg8[%dma_start3A_166, %dma_start3A_167] : memref<10x80xi32, #tpu.memory_space<vmem>> -> memref<1x80xi32, #tpu.memory_space<vmem>>
      %dma_start3A_169 = tpu.memref_squeeze %dma_start3A_168 : memref<1x80xi32, #tpu.memory_space<vmem>> -> memref<80xi32, #tpu.memory_space<vmem>>
      %dma_start3A_170 = tpu.memref_slice %arg4[%add3A_165] : memref<640000xi32, #tpu.memory_space<hbm>> -> memref<80xi32, #tpu.memory_space<hbm>>
      %dma_start3A_171 = arith.constant 0 : i32
      %dma_start3A_172 = tpu.memref_slice %arg8[%dma_start3A_166, %dma_start3A_171] : memref<10x80xi32, #tpu.memory_space<vmem>> -> memref<1x80xi32, #tpu.memory_space<vmem>>
      %dma_start3A_173 = tpu.memref_squeeze %dma_start3A_172 : memref<1x80xi32, #tpu.memory_space<vmem>> -> memref<80xi32, #tpu.memory_space<vmem>>
      %dma_start3A_174 = tpu.memref_slice %arg4[%add3A_165] : memref<640000xi32, #tpu.memory_space<hbm>> -> memref<80xi32, #tpu.memory_space<hbm>>
      tpu.enqueue_dma source(%dma_start3A_174 : memref<80xi32, #tpu.memory_space<hbm>>) target(%dma_start3A_173 : memref<80xi32, #tpu.memory_space<vmem>>) target_semaphore(%arg14 : memref<!tpu.dma_semaphore, #tpu.memory_space<semaphore_mem>>)
      %add3A_175 = arith.constant 560 : i32
      %add3A_176 = arith.addi %add3A_21, %add3A_175 : i32
      %dma_start3A_177 = arith.constant 7 : i32
      %dma_start3A_178 = arith.constant 0 : i32
      %dma_start3A_179 = tpu.memref_slice %arg7[%dma_start3A_177, %dma_start3A_178] : memref<10x80xi32, #tpu.memory_space<vmem>> -> memref<1x80xi32, #tpu.memory_space<vmem>>
      %dma_start3A_180 = tpu.memref_squeeze %dma_start3A_179 : memref<1x80xi32, #tpu.memory_space<vmem>> -> memref<80xi32, #tpu.memory_space<vmem>>
      %dma_start3A_181 = tpu.memref_slice %arg3[%add3A_176] : memref<640000xi32, #tpu.memory_space<hbm>> -> memref<80xi32, #tpu.memory_space<hbm>>
      %dma_start3A_182 = arith.constant 0 : i32
      %dma_start3A_183 = tpu.memref_slice %arg7[%dma_start3A_177, %dma_start3A_182] : memref<10x80xi32, #tpu.memory_space<vmem>> -> memref<1x80xi32, #tpu.memory_space<vmem>>
      %dma_start3A_184 = tpu.memref_squeeze %dma_start3A_183 : memref<1x80xi32, #tpu.memory_space<vmem>> -> memref<80xi32, #tpu.memory_space<vmem>>
      %dma_start3A_185 = tpu.memref_slice %arg3[%add3A_176] : memref<640000xi32, #tpu.memory_space<hbm>> -> memref<80xi32, #tpu.memory_space<hbm>>
      tpu.enqueue_dma source(%dma_start3A_185 : memref<80xi32, #tpu.memory_space<hbm>>) target(%dma_start3A_184 : memref<80xi32, #tpu.memory_space<vmem>>) target_semaphore(%arg14 : memref<!tpu.dma_semaphore, #tpu.memory_space<semaphore_mem>>)
      %add3A_186 = arith.constant 560 : i32
      %add3A_187 = arith.addi %add3A_21, %add3A_186 : i32
      %dma_start3A_188 = arith.constant 7 : i32
      %dma_start3A_189 = arith.constant 0 : i32
      %dma_start3A_190 = tpu.memref_slice %arg8[%dma_start3A_188, %dma_start3A_189] : memref<10x80xi32, #tpu.memory_space<vmem>> -> memref<1x80xi32, #tpu.memory_space<vmem>>
      %dma_start3A_191 = tpu.memref_squeeze %dma_start3A_190 : memref<1x80xi32, #tpu.memory_space<vmem>> -> memref<80xi32, #tpu.memory_space<vmem>>
      %dma_start3A_192 = tpu.memref_slice %arg4[%add3A_187] : memref<640000xi32, #tpu.memory_space<hbm>> -> memref<80xi32, #tpu.memory_space<hbm>>
      %dma_start3A_193 = arith.constant 0 : i32
      %dma_start3A_194 = tpu.memref_slice %arg8[%dma_start3A_188, %dma_start3A_193] : memref<10x80xi32, #tpu.memory_space<vmem>> -> memref<1x80xi32, #tpu.memory_space<vmem>>
      %dma_start3A_195 = tpu.memref_squeeze %dma_start3A_194 : memref<1x80xi32, #tpu.memory_space<vmem>> -> memref<80xi32, #tpu.memory_space<vmem>>
      %dma_start3A_196 = tpu.memref_slice %arg4[%add3A_187] : memref<640000xi32, #tpu.memory_space<hbm>> -> memref<80xi32, #tpu.memory_space<hbm>>
      tpu.enqueue_dma source(%dma_start3A_196 : memref<80xi32, #tpu.memory_space<hbm>>) target(%dma_start3A_195 : memref<80xi32, #tpu.memory_space<vmem>>) target_semaphore(%arg14 : memref<!tpu.dma_semaphore, #tpu.memory_space<semaphore_mem>>)
      %add3A_197 = arith.constant 640 : i32
      %add3A_198 = arith.addi %add3A_21, %add3A_197 : i32
      %dma_start3A_199 = arith.constant 8 : i32
      %dma_start3A_200 = arith.constant 0 : i32
      %dma_start3A_201 = tpu.memref_slice %arg7[%dma_start3A_199, %dma_start3A_200] : memref<10x80xi32, #tpu.memory_space<vmem>> -> memref<1x80xi32, #tpu.memory_space<vmem>>
      %dma_start3A_202 = tpu.memref_squeeze %dma_start3A_201 : memref<1x80xi32, #tpu.memory_space<vmem>> -> memref<80xi32, #tpu.memory_space<vmem>>
      %dma_start3A_203 = tpu.memref_slice %arg3[%add3A_198] : memref<640000xi32, #tpu.memory_space<hbm>> -> memref<80xi32, #tpu.memory_space<hbm>>
      %dma_start3A_204 = arith.constant 0 : i32
      %dma_start3A_205 = tpu.memref_slice %arg7[%dma_start3A_199, %dma_start3A_204] : memref<10x80xi32, #tpu.memory_space<vmem>> -> memref<1x80xi32, #tpu.memory_space<vmem>>
      %dma_start3A_206 = tpu.memref_squeeze %dma_start3A_205 : memref<1x80xi32, #tpu.memory_space<vmem>> -> memref<80xi32, #tpu.memory_space<vmem>>
      %dma_start3A_207 = tpu.memref_slice %arg3[%add3A_198] : memref<640000xi32, #tpu.memory_space<hbm>> -> memref<80xi32, #tpu.memory_space<hbm>>
      tpu.enqueue_dma source(%dma_start3A_207 : memref<80xi32, #tpu.memory_space<hbm>>) target(%dma_start3A_206 : memref<80xi32, #tpu.memory_space<vmem>>) target_semaphore(%arg14 : memref<!tpu.dma_semaphore, #tpu.memory_space<semaphore_mem>>)
      %add3A_208 = arith.constant 640 : i32
      %add3A_209 = arith.addi %add3A_21, %add3A_208 : i32
      %dma_start3A_210 = arith.constant 8 : i32
      %dma_start3A_211 = arith.constant 0 : i32
      %dma_start3A_212 = tpu.memref_slice %arg8[%dma_start3A_210, %dma_start3A_211] : memref<10x80xi32, #tpu.memory_space<vmem>> -> memref<1x80xi32, #tpu.memory_space<vmem>>
      %dma_start3A_213 = tpu.memref_squeeze %dma_start3A_212 : memref<1x80xi32, #tpu.memory_space<vmem>> -> memref<80xi32, #tpu.memory_space<vmem>>
      %dma_start3A_214 = tpu.memref_slice %arg4[%add3A_209] : memref<640000xi32, #tpu.memory_space<hbm>> -> memref<80xi32, #tpu.memory_space<hbm>>
      %dma_start3A_215 = arith.constant 0 : i32
      %dma_start3A_216 = tpu.memref_slice %arg8[%dma_start3A_210, %dma_start3A_215] : memref<10x80xi32, #tpu.memory_space<vmem>> -> memref<1x80xi32, #tpu.memory_space<vmem>>
      %dma_start3A_217 = tpu.memref_squeeze %dma_start3A_216 : memref<1x80xi32, #tpu.memory_space<vmem>> -> memref<80xi32, #tpu.memory_space<vmem>>
      %dma_start3A_218 = tpu.memref_slice %arg4[%add3A_209] : memref<640000xi32, #tpu.memory_space<hbm>> -> memref<80xi32, #tpu.memory_space<hbm>>
      tpu.enqueue_dma source(%dma_start3A_218 : memref<80xi32, #tpu.memory_space<hbm>>) target(%dma_start3A_217 : memref<80xi32, #tpu.memory_space<vmem>>) target_semaphore(%arg14 : memref<!tpu.dma_semaphore, #tpu.memory_space<semaphore_mem>>)
      %add3A_219 = arith.constant 720 : i32
      %add3A_220 = arith.addi %add3A_21, %add3A_219 : i32
      %dma_start3A_221 = arith.constant 9 : i32
      %dma_start3A_222 = arith.constant 0 : i32
      %dma_start3A_223 = tpu.memref_slice %arg7[%dma_start3A_221, %dma_start3A_222] : memref<10x80xi32, #tpu.memory_space<vmem>> -> memref<1x80xi32, #tpu.memory_space<vmem>>
      %dma_start3A_224 = tpu.memref_squeeze %dma_start3A_223 : memref<1x80xi32, #tpu.memory_space<vmem>> -> memref<80xi32, #tpu.memory_space<vmem>>
      %dma_start3A_225 = tpu.memref_slice %arg3[%add3A_220] : memref<640000xi32, #tpu.memory_space<hbm>> -> memref<80xi32, #tpu.memory_space<hbm>>
      %dma_start3A_226 = arith.constant 0 : i32
      %dma_start3A_227 = tpu.memref_slice %arg7[%dma_start3A_221, %dma_start3A_226] : memref<10x80xi32, #tpu.memory_space<vmem>> -> memref<1x80xi32, #tpu.memory_space<vmem>>
      %dma_start3A_228 = tpu.memref_squeeze %dma_start3A_227 : memref<1x80xi32, #tpu.memory_space<vmem>> -> memref<80xi32, #tpu.memory_space<vmem>>
      %dma_start3A_229 = tpu.memref_slice %arg3[%add3A_220] : memref<640000xi32, #tpu.memory_space<hbm>> -> memref<80xi32, #tpu.memory_space<hbm>>
      tpu.enqueue_dma source(%dma_start3A_229 : memref<80xi32, #tpu.memory_space<hbm>>) target(%dma_start3A_228 : memref<80xi32, #tpu.memory_space<vmem>>) target_semaphore(%arg14 : memref<!tpu.dma_semaphore, #tpu.memory_space<semaphore_mem>>)
      %add3A_230 = arith.constant 720 : i32
      %add3A_231 = arith.addi %add3A_21, %add3A_230 : i32
      %dma_start3A_232 = arith.constant 9 : i32
      %dma_start3A_233 = arith.constant 0 : i32
      %dma_start3A_234 = tpu.memref_slice %arg8[%dma_start3A_232, %dma_start3A_233] : memref<10x80xi32, #tpu.memory_space<vmem>> -> memref<1x80xi32, #tpu.memory_space<vmem>>
      %dma_start3A_235 = tpu.memref_squeeze %dma_start3A_234 : memref<1x80xi32, #tpu.memory_space<vmem>> -> memref<80xi32, #tpu.memory_space<vmem>>
      %dma_start3A_236 = tpu.memref_slice %arg4[%add3A_231] : memref<640000xi32, #tpu.memory_space<hbm>> -> memref<80xi32, #tpu.memory_space<hbm>>
      %dma_start3A_237 = arith.constant 0 : i32
      %dma_start3A_238 = tpu.memref_slice %arg8[%dma_start3A_232, %dma_start3A_237] : memref<10x80xi32, #tpu.memory_space<vmem>> -> memref<1x80xi32, #tpu.memory_space<vmem>>
      %dma_start3A_239 = tpu.memref_squeeze %dma_start3A_238 : memref<1x80xi32, #tpu.memory_space<vmem>> -> memref<80xi32, #tpu.memory_space<vmem>>
      %dma_start3A_240 = tpu.memref_slice %arg4[%add3A_231] : memref<640000xi32, #tpu.memory_space<hbm>> -> memref<80xi32, #tpu.memory_space<hbm>>
      tpu.enqueue_dma source(%dma_start3A_240 : memref<80xi32, #tpu.memory_space<hbm>>) target(%dma_start3A_239 : memref<80xi32, #tpu.memory_space<vmem>>) target_semaphore(%arg14 : memref<!tpu.dma_semaphore, #tpu.memory_space<semaphore_mem>>)
      %dma_wait3A = arith.constant 0 : i32
      %dma_wait3A_241 = arith.constant 0 : i32
      %dma_wait3A_242 = tpu.memref_slice %arg7[%dma_wait3A, %dma_wait3A_241] : memref<10x80xi32, #tpu.memory_space<vmem>> -> memref<1x80xi32, #tpu.memory_space<vmem>>
      %dma_wait3A_243 = tpu.memref_squeeze %dma_wait3A_242 : memref<1x80xi32, #tpu.memory_space<vmem>> -> memref<80xi32, #tpu.memory_space<vmem>>
      %dma_wait3A_244 = tpu.memref_slice %arg3[%add3A_23] : memref<640000xi32, #tpu.memory_space<hbm>> -> memref<80xi32, #tpu.memory_space<hbm>>
      %dma_wait3A_245 = arith.constant 0 : i32
      %dma_wait3A_246 = tpu.memref_slice %arg7[%dma_wait3A, %dma_wait3A_245] : memref<10x80xi32, #tpu.memory_space<vmem>> -> memref<1x80xi32, #tpu.memory_space<vmem>>
      %dma_wait3A_247 = tpu.memref_squeeze %dma_wait3A_246 : memref<1x80xi32, #tpu.memory_space<vmem>> -> memref<80xi32, #tpu.memory_space<vmem>>
      %dma_wait3A_248 = tpu.memref_slice %arg3[%add3A_23] : memref<640000xi32, #tpu.memory_space<hbm>> -> memref<80xi32, #tpu.memory_space<hbm>>
      tpu.wait_dma2 semaphore(%arg14 : memref<!tpu.dma_semaphore, #tpu.memory_space<semaphore_mem>>) src(%dma_wait3A_248 : memref<80xi32, #tpu.memory_space<hbm>>) dst(%dma_wait3A_247 : memref<80xi32, #tpu.memory_space<vmem>>)
      %dma_wait3A_249 = arith.constant 0 : i32
      %dma_wait3A_250 = arith.constant 0 : i32
      %dma_wait3A_251 = tpu.memref_slice %arg8[%dma_wait3A_249, %dma_wait3A_250] : memref<10x80xi32, #tpu.memory_space<vmem>> -> memref<1x80xi32, #tpu.memory_space<vmem>>
      %dma_wait3A_252 = tpu.memref_squeeze %dma_wait3A_251 : memref<1x80xi32, #tpu.memory_space<vmem>> -> memref<80xi32, #tpu.memory_space<vmem>>
      %dma_wait3A_253 = tpu.memref_slice %arg4[%add3A_33] : memref<640000xi32, #tpu.memory_space<hbm>> -> memref<80xi32, #tpu.memory_space<hbm>>
      %dma_wait3A_254 = arith.constant 0 : i32
      %dma_wait3A_255 = tpu.memref_slice %arg8[%dma_wait3A_249, %dma_wait3A_254] : memref<10x80xi32, #tpu.memory_space<vmem>> -> memref<1x80xi32, #tpu.memory_space<vmem>>
      %dma_wait3A_256 = tpu.memref_squeeze %dma_wait3A_255 : memref<1x80xi32, #tpu.memory_space<vmem>> -> memref<80xi32, #tpu.memory_space<vmem>>
      %dma_wait3A_257 = tpu.memref_slice %arg4[%add3A_33] : memref<640000xi32, #tpu.memory_space<hbm>> -> memref<80xi32, #tpu.memory_space<hbm>>
      tpu.wait_dma2 semaphore(%arg14 : memref<!tpu.dma_semaphore, #tpu.memory_space<semaphore_mem>>) src(%dma_wait3A_257 : memref<80xi32, #tpu.memory_space<hbm>>) dst(%dma_wait3A_256 : memref<80xi32, #tpu.memory_space<vmem>>)
      %dma_wait3A_258 = arith.constant 1 : i32
      %dma_wait3A_259 = arith.constant 0 : i32
      %dma_wait3A_260 = tpu.memref_slice %arg7[%dma_wait3A_258, %dma_wait3A_259] : memref<10x80xi32, #tpu.memory_space<vmem>> -> memref<1x80xi32, #tpu.memory_space<vmem>>
      %dma_wait3A_261 = tpu.memref_squeeze %dma_wait3A_260 : memref<1x80xi32, #tpu.memory_space<vmem>> -> memref<80xi32, #tpu.memory_space<vmem>>
      %dma_wait3A_262 = tpu.memref_slice %arg3[%add3A_44] : memref<640000xi32, #tpu.memory_space<hbm>> -> memref<80xi32, #tpu.memory_space<hbm>>
      %dma_wait3A_263 = arith.constant 0 : i32
      %dma_wait3A_264 = tpu.memref_slice %arg7[%dma_wait3A_258, %dma_wait3A_263] : memref<10x80xi32, #tpu.memory_space<vmem>> -> memref<1x80xi32, #tpu.memory_space<vmem>>
      %dma_wait3A_265 = tpu.memref_squeeze %dma_wait3A_264 : memref<1x80xi32, #tpu.memory_space<vmem>> -> memref<80xi32, #tpu.memory_space<vmem>>
      %dma_wait3A_266 = tpu.memref_slice %arg3[%add3A_44] : memref<640000xi32, #tpu.memory_space<hbm>> -> memref<80xi32, #tpu.memory_space<hbm>>
      tpu.wait_dma2 semaphore(%arg14 : memref<!tpu.dma_semaphore, #tpu.memory_space<semaphore_mem>>) src(%dma_wait3A_266 : memref<80xi32, #tpu.memory_space<hbm>>) dst(%dma_wait3A_265 : memref<80xi32, #tpu.memory_space<vmem>>)
      %dma_wait3A_267 = arith.constant 1 : i32
      %dma_wait3A_268 = arith.constant 0 : i32
      %dma_wait3A_269 = tpu.memref_slice %arg8[%dma_wait3A_267, %dma_wait3A_268] : memref<10x80xi32, #tpu.memory_space<vmem>> -> memref<1x80xi32, #tpu.memory_space<vmem>>
      %dma_wait3A_270 = tpu.memref_squeeze %dma_wait3A_269 : memref<1x80xi32, #tpu.memory_space<vmem>> -> memref<80xi32, #tpu.memory_space<vmem>>
      %dma_wait3A_271 = tpu.memref_slice %arg4[%add3A_55] : memref<640000xi32, #tpu.memory_space<hbm>> -> memref<80xi32, #tpu.memory_space<hbm>>
      %dma_wait3A_272 = arith.constant 0 : i32
      %dma_wait3A_273 = tpu.memref_slice %arg8[%dma_wait3A_267, %dma_wait3A_272] : memref<10x80xi32, #tpu.memory_space<vmem>> -> memref<1x80xi32, #tpu.memory_space<vmem>>
      %dma_wait3A_274 = tpu.memref_squeeze %dma_wait3A_273 : memref<1x80xi32, #tpu.memory_space<vmem>> -> memref<80xi32, #tpu.memory_space<vmem>>
      %dma_wait3A_275 = tpu.memref_slice %arg4[%add3A_55] : memref<640000xi32, #tpu.memory_space<hbm>> -> memref<80xi32, #tpu.memory_space<hbm>>
      tpu.wait_dma2 semaphore(%arg14 : memref<!tpu.dma_semaphore, #tpu.memory_space<semaphore_mem>>) src(%dma_wait3A_275 : memref<80xi32, #tpu.memory_space<hbm>>) dst(%dma_wait3A_274 : memref<80xi32, #tpu.memory_space<vmem>>)
      %dma_wait3A_276 = arith.constant 2 : i32
      %dma_wait3A_277 = arith.constant 0 : i32
      %dma_wait3A_278 = tpu.memref_slice %arg7[%dma_wait3A_276, %dma_wait3A_277] : memref<10x80xi32, #tpu.memory_space<vmem>> -> memref<1x80xi32, #tpu.memory_space<vmem>>
      %dma_wait3A_279 = tpu.memref_squeeze %dma_wait3A_278 : memref<1x80xi32, #tpu.memory_space<vmem>> -> memref<80xi32, #tpu.memory_space<vmem>>
      %dma_wait3A_280 = tpu.memref_slice %arg3[%add3A_66] : memref<640000xi32, #tpu.memory_space<hbm>> -> memref<80xi32, #tpu.memory_space<hbm>>
      %dma_wait3A_281 = arith.constant 0 : i32
      %dma_wait3A_282 = tpu.memref_slice %arg7[%dma_wait3A_276, %dma_wait3A_281] : memref<10x80xi32, #tpu.memory_space<vmem>> -> memref<1x80xi32, #tpu.memory_space<vmem>>
      %dma_wait3A_283 = tpu.memref_squeeze %dma_wait3A_282 : memref<1x80xi32, #tpu.memory_space<vmem>> -> memref<80xi32, #tpu.memory_space<vmem>>
      %dma_wait3A_284 = tpu.memref_slice %arg3[%add3A_66] : memref<640000xi32, #tpu.memory_space<hbm>> -> memref<80xi32, #tpu.memory_space<hbm>>
      tpu.wait_dma2 semaphore(%arg14 : memref<!tpu.dma_semaphore, #tpu.memory_space<semaphore_mem>>) src(%dma_wait3A_284 : memref<80xi32, #tpu.memory_space<hbm>>) dst(%dma_wait3A_283 : memref<80xi32, #tpu.memory_space<vmem>>)
      %dma_wait3A_285 = arith.constant 2 : i32
      %dma_wait3A_286 = arith.constant 0 : i32
      %dma_wait3A_287 = tpu.memref_slice %arg8[%dma_wait3A_285, %dma_wait3A_286] : memref<10x80xi32, #tpu.memory_space<vmem>> -> memref<1x80xi32, #tpu.memory_space<vmem>>
      %dma_wait3A_288 = tpu.memref_squeeze %dma_wait3A_287 : memref<1x80xi32, #tpu.memory_space<vmem>> -> memref<80xi32, #tpu.memory_space<vmem>>
      %dma_wait3A_289 = tpu.memref_slice %arg4[%add3A_77] : memref<640000xi32, #tpu.memory_space<hbm>> -> memref<80xi32, #tpu.memory_space<hbm>>
      %dma_wait3A_290 = arith.constant 0 : i32
      %dma_wait3A_291 = tpu.memref_slice %arg8[%dma_wait3A_285, %dma_wait3A_290] : memref<10x80xi32, #tpu.memory_space<vmem>> -> memref<1x80xi32, #tpu.memory_space<vmem>>
      %dma_wait3A_292 = tpu.memref_squeeze %dma_wait3A_291 : memref<1x80xi32, #tpu.memory_space<vmem>> -> memref<80xi32, #tpu.memory_space<vmem>>
      %dma_wait3A_293 = tpu.memref_slice %arg4[%add3A_77] : memref<640000xi32, #tpu.memory_space<hbm>> -> memref<80xi32, #tpu.memory_space<hbm>>
      tpu.wait_dma2 semaphore(%arg14 : memref<!tpu.dma_semaphore, #tpu.memory_space<semaphore_mem>>) src(%dma_wait3A_293 : memref<80xi32, #tpu.memory_space<hbm>>) dst(%dma_wait3A_292 : memref<80xi32, #tpu.memory_space<vmem>>)
      %dma_wait3A_294 = arith.constant 3 : i32
      %dma_wait3A_295 = arith.constant 0 : i32
      %dma_wait3A_296 = tpu.memref_slice %arg7[%dma_wait3A_294, %dma_wait3A_295] : memref<10x80xi32, #tpu.memory_space<vmem>> -> memref<1x80xi32, #tpu.memory_space<vmem>>
      %dma_wait3A_297 = tpu.memref_squeeze %dma_wait3A_296 : memref<1x80xi32, #tpu.memory_space<vmem>> -> memref<80xi32, #tpu.memory_space<vmem>>
      %dma_wait3A_298 = tpu.memref_slice %arg3[%add3A_88] : memref<640000xi32, #tpu.memory_space<hbm>> -> memref<80xi32, #tpu.memory_space<hbm>>
      %dma_wait3A_299 = arith.constant 0 : i32
      %dma_wait3A_300 = tpu.memref_slice %arg7[%dma_wait3A_294, %dma_wait3A_299] : memref<10x80xi32, #tpu.memory_space<vmem>> -> memref<1x80xi32, #tpu.memory_space<vmem>>
      %dma_wait3A_301 = tpu.memref_squeeze %dma_wait3A_300 : memref<1x80xi32, #tpu.memory_space<vmem>> -> memref<80xi32, #tpu.memory_space<vmem>>
      %dma_wait3A_302 = tpu.memref_slice %arg3[%add3A_88] : memref<640000xi32, #tpu.memory_space<hbm>> -> memref<80xi32, #tpu.memory_space<hbm>>
      tpu.wait_dma2 semaphore(%arg14 : memref<!tpu.dma_semaphore, #tpu.memory_space<semaphore_mem>>) src(%dma_wait3A_302 : memref<80xi32, #tpu.memory_space<hbm>>) dst(%dma_wait3A_301 : memref<80xi32, #tpu.memory_space<vmem>>)
      %dma_wait3A_303 = arith.constant 3 : i32
      %dma_wait3A_304 = arith.constant 0 : i32
      %dma_wait3A_305 = tpu.memref_slice %arg8[%dma_wait3A_303, %dma_wait3A_304] : memref<10x80xi32, #tpu.memory_space<vmem>> -> memref<1x80xi32, #tpu.memory_space<vmem>>
      %dma_wait3A_306 = tpu.memref_squeeze %dma_wait3A_305 : memref<1x80xi32, #tpu.memory_space<vmem>> -> memref<80xi32, #tpu.memory_space<vmem>>
      %dma_wait3A_307 = tpu.memref_slice %arg4[%add3A_99] : memref<640000xi32, #tpu.memory_space<hbm>> -> memref<80xi32, #tpu.memory_space<hbm>>
      %dma_wait3A_308 = arith.constant 0 : i32
      %dma_wait3A_309 = tpu.memref_slice %arg8[%dma_wait3A_303, %dma_wait3A_308] : memref<10x80xi32, #tpu.memory_space<vmem>> -> memref<1x80xi32, #tpu.memory_space<vmem>>
      %dma_wait3A_310 = tpu.memref_squeeze %dma_wait3A_309 : memref<1x80xi32, #tpu.memory_space<vmem>> -> memref<80xi32, #tpu.memory_space<vmem>>
      %dma_wait3A_311 = tpu.memref_slice %arg4[%add3A_99] : memref<640000xi32, #tpu.memory_space<hbm>> -> memref<80xi32, #tpu.memory_space<hbm>>
      tpu.wait_dma2 semaphore(%arg14 : memref<!tpu.dma_semaphore, #tpu.memory_space<semaphore_mem>>) src(%dma_wait3A_311 : memref<80xi32, #tpu.memory_space<hbm>>) dst(%dma_wait3A_310 : memref<80xi32, #tpu.memory_space<vmem>>)
      %dma_wait3A_312 = arith.constant 4 : i32
      %dma_wait3A_313 = arith.constant 0 : i32
      %dma_wait3A_314 = tpu.memref_slice %arg7[%dma_wait3A_312, %dma_wait3A_313] : memref<10x80xi32, #tpu.memory_space<vmem>> -> memref<1x80xi32, #tpu.memory_space<vmem>>
      %dma_wait3A_315 = tpu.memref_squeeze %dma_wait3A_314 : memref<1x80xi32, #tpu.memory_space<vmem>> -> memref<80xi32, #tpu.memory_space<vmem>>
      %dma_wait3A_316 = tpu.memref_slice %arg3[%add3A_110] : memref<640000xi32, #tpu.memory_space<hbm>> -> memref<80xi32, #tpu.memory_space<hbm>>
      %dma_wait3A_317 = arith.constant 0 : i32
      %dma_wait3A_318 = tpu.memref_slice %arg7[%dma_wait3A_312, %dma_wait3A_317] : memref<10x80xi32, #tpu.memory_space<vmem>> -> memref<1x80xi32, #tpu.memory_space<vmem>>
      %dma_wait3A_319 = tpu.memref_squeeze %dma_wait3A_318 : memref<1x80xi32, #tpu.memory_space<vmem>> -> memref<80xi32, #tpu.memory_space<vmem>>
      %dma_wait3A_320 = tpu.memref_slice %arg3[%add3A_110] : memref<640000xi32, #tpu.memory_space<hbm>> -> memref<80xi32, #tpu.memory_space<hbm>>
      tpu.wait_dma2 semaphore(%arg14 : memref<!tpu.dma_semaphore, #tpu.memory_space<semaphore_mem>>) src(%dma_wait3A_320 : memref<80xi32, #tpu.memory_space<hbm>>) dst(%dma_wait3A_319 : memref<80xi32, #tpu.memory_space<vmem>>)
      %dma_wait3A_321 = arith.constant 4 : i32
      %dma_wait3A_322 = arith.constant 0 : i32
      %dma_wait3A_323 = tpu.memref_slice %arg8[%dma_wait3A_321, %dma_wait3A_322] : memref<10x80xi32, #tpu.memory_space<vmem>> -> memref<1x80xi32, #tpu.memory_space<vmem>>
      %dma_wait3A_324 = tpu.memref_squeeze %dma_wait3A_323 : memref<1x80xi32, #tpu.memory_space<vmem>> -> memref<80xi32, #tpu.memory_space<vmem>>
      %dma_wait3A_325 = tpu.memref_slice %arg4[%add3A_121] : memref<640000xi32, #tpu.memory_space<hbm>> -> memref<80xi32, #tpu.memory_space<hbm>>
      %dma_wait3A_326 = arith.constant 0 : i32
      %dma_wait3A_327 = tpu.memref_slice %arg8[%dma_wait3A_321, %dma_wait3A_326] : memref<10x80xi32, #tpu.memory_space<vmem>> -> memref<1x80xi32, #tpu.memory_space<vmem>>
      %dma_wait3A_328 = tpu.memref_squeeze %dma_wait3A_327 : memref<1x80xi32, #tpu.memory_space<vmem>> -> memref<80xi32, #tpu.memory_space<vmem>>
      %dma_wait3A_329 = tpu.memref_slice %arg4[%add3A_121] : memref<640000xi32, #tpu.memory_space<hbm>> -> memref<80xi32, #tpu.memory_space<hbm>>
      tpu.wait_dma2 semaphore(%arg14 : memref<!tpu.dma_semaphore, #tpu.memory_space<semaphore_mem>>) src(%dma_wait3A_329 : memref<80xi32, #tpu.memory_space<hbm>>) dst(%dma_wait3A_328 : memref<80xi32, #tpu.memory_space<vmem>>)
      %dma_wait3A_330 = arith.constant 5 : i32
      %dma_wait3A_331 = arith.constant 0 : i32
      %dma_wait3A_332 = tpu.memref_slice %arg7[%dma_wait3A_330, %dma_wait3A_331] : memref<10x80xi32, #tpu.memory_space<vmem>> -> memref<1x80xi32, #tpu.memory_space<vmem>>
      %dma_wait3A_333 = tpu.memref_squeeze %dma_wait3A_332 : memref<1x80xi32, #tpu.memory_space<vmem>> -> memref<80xi32, #tpu.memory_space<vmem>>
      %dma_wait3A_334 = tpu.memref_slice %arg3[%add3A_132] : memref<640000xi32, #tpu.memory_space<hbm>> -> memref<80xi32, #tpu.memory_space<hbm>>
      %dma_wait3A_335 = arith.constant 0 : i32
      %dma_wait3A_336 = tpu.memref_slice %arg7[%dma_wait3A_330, %dma_wait3A_335] : memref<10x80xi32, #tpu.memory_space<vmem>> -> memref<1x80xi32, #tpu.memory_space<vmem>>
      %dma_wait3A_337 = tpu.memref_squeeze %dma_wait3A_336 : memref<1x80xi32, #tpu.memory_space<vmem>> -> memref<80xi32, #tpu.memory_space<vmem>>
      %dma_wait3A_338 = tpu.memref_slice %arg3[%add3A_132] : memref<640000xi32, #tpu.memory_space<hbm>> -> memref<80xi32, #tpu.memory_space<hbm>>
      tpu.wait_dma2 semaphore(%arg14 : memref<!tpu.dma_semaphore, #tpu.memory_space<semaphore_mem>>) src(%dma_wait3A_338 : memref<80xi32, #tpu.memory_space<hbm>>) dst(%dma_wait3A_337 : memref<80xi32, #tpu.memory_space<vmem>>)
      %dma_wait3A_339 = arith.constant 5 : i32
      %dma_wait3A_340 = arith.constant 0 : i32
      %dma_wait3A_341 = tpu.memref_slice %arg8[%dma_wait3A_339, %dma_wait3A_340] : memref<10x80xi32, #tpu.memory_space<vmem>> -> memref<1x80xi32, #tpu.memory_space<vmem>>
      %dma_wait3A_342 = tpu.memref_squeeze %dma_wait3A_341 : memref<1x80xi32, #tpu.memory_space<vmem>> -> memref<80xi32, #tpu.memory_space<vmem>>
      %dma_wait3A_343 = tpu.memref_slice %arg4[%add3A_143] : memref<640000xi32, #tpu.memory_space<hbm>> -> memref<80xi32, #tpu.memory_space<hbm>>
      %dma_wait3A_344 = arith.constant 0 : i32
      %dma_wait3A_345 = tpu.memref_slice %arg8[%dma_wait3A_339, %dma_wait3A_344] : memref<10x80xi32, #tpu.memory_space<vmem>> -> memref<1x80xi32, #tpu.memory_space<vmem>>
      %dma_wait3A_346 = tpu.memref_squeeze %dma_wait3A_345 : memref<1x80xi32, #tpu.memory_space<vmem>> -> memref<80xi32, #tpu.memory_space<vmem>>
      %dma_wait3A_347 = tpu.memref_slice %arg4[%add3A_143] : memref<640000xi32, #tpu.memory_space<hbm>> -> memref<80xi32, #tpu.memory_space<hbm>>
      tpu.wait_dma2 semaphore(%arg14 : memref<!tpu.dma_semaphore, #tpu.memory_space<semaphore_mem>>) src(%dma_wait3A_347 : memref<80xi32, #tpu.memory_space<hbm>>) dst(%dma_wait3A_346 : memref<80xi32, #tpu.memory_space<vmem>>)
      %dma_wait3A_348 = arith.constant 6 : i32
      %dma_wait3A_349 = arith.constant 0 : i32
      %dma_wait3A_350 = tpu.memref_slice %arg7[%dma_wait3A_348, %dma_wait3A_349] : memref<10x80xi32, #tpu.memory_space<vmem>> -> memref<1x80xi32, #tpu.memory_space<vmem>>
      %dma_wait3A_351 = tpu.memref_squeeze %dma_wait3A_350 : memref<1x80xi32, #tpu.memory_space<vmem>> -> memref<80xi32, #tpu.memory_space<vmem>>
      %dma_wait3A_352 = tpu.memref_slice %arg3[%add3A_154] : memref<640000xi32, #tpu.memory_space<hbm>> -> memref<80xi32, #tpu.memory_space<hbm>>
      %dma_wait3A_353 = arith.constant 0 : i32
      %dma_wait3A_354 = tpu.memref_slice %arg7[%dma_wait3A_348, %dma_wait3A_353] : memref<10x80xi32, #tpu.memory_space<vmem>> -> memref<1x80xi32, #tpu.memory_space<vmem>>
      %dma_wait3A_355 = tpu.memref_squeeze %dma_wait3A_354 : memref<1x80xi32, #tpu.memory_space<vmem>> -> memref<80xi32, #tpu.memory_space<vmem>>
      %dma_wait3A_356 = tpu.memref_slice %arg3[%add3A_154] : memref<640000xi32, #tpu.memory_space<hbm>> -> memref<80xi32, #tpu.memory_space<hbm>>
      tpu.wait_dma2 semaphore(%arg14 : memref<!tpu.dma_semaphore, #tpu.memory_space<semaphore_mem>>) src(%dma_wait3A_356 : memref<80xi32, #tpu.memory_space<hbm>>) dst(%dma_wait3A_355 : memref<80xi32, #tpu.memory_space<vmem>>)
      %dma_wait3A_357 = arith.constant 6 : i32
      %dma_wait3A_358 = arith.constant 0 : i32
      %dma_wait3A_359 = tpu.memref_slice %arg8[%dma_wait3A_357, %dma_wait3A_358] : memref<10x80xi32, #tpu.memory_space<vmem>> -> memref<1x80xi32, #tpu.memory_space<vmem>>
      %dma_wait3A_360 = tpu.memref_squeeze %dma_wait3A_359 : memref<1x80xi32, #tpu.memory_space<vmem>> -> memref<80xi32, #tpu.memory_space<vmem>>
      %dma_wait3A_361 = tpu.memref_slice %arg4[%add3A_165] : memref<640000xi32, #tpu.memory_space<hbm>> -> memref<80xi32, #tpu.memory_space<hbm>>
      %dma_wait3A_362 = arith.constant 0 : i32
      %dma_wait3A_363 = tpu.memref_slice %arg8[%dma_wait3A_357, %dma_wait3A_362] : memref<10x80xi32, #tpu.memory_space<vmem>> -> memref<1x80xi32, #tpu.memory_space<vmem>>
      %dma_wait3A_364 = tpu.memref_squeeze %dma_wait3A_363 : memref<1x80xi32, #tpu.memory_space<vmem>> -> memref<80xi32, #tpu.memory_space<vmem>>
      %dma_wait3A_365 = tpu.memref_slice %arg4[%add3A_165] : memref<640000xi32, #tpu.memory_space<hbm>> -> memref<80xi32, #tpu.memory_space<hbm>>
      tpu.wait_dma2 semaphore(%arg14 : memref<!tpu.dma_semaphore, #tpu.memory_space<semaphore_mem>>) src(%dma_wait3A_365 : memref<80xi32, #tpu.memory_space<hbm>>) dst(%dma_wait3A_364 : memref<80xi32, #tpu.memory_space<vmem>>)
      %dma_wait3A_366 = arith.constant 7 : i32
      %dma_wait3A_367 = arith.constant 0 : i32
      %dma_wait3A_368 = tpu.memref_slice %arg7[%dma_wait3A_366, %dma_wait3A_367] : memref<10x80xi32, #tpu.memory_space<vmem>> -> memref<1x80xi32, #tpu.memory_space<vmem>>
      %dma_wait3A_369 = tpu.memref_squeeze %dma_wait3A_368 : memref<1x80xi32, #tpu.memory_space<vmem>> -> memref<80xi32, #tpu.memory_space<vmem>>
      %dma_wait3A_370 = tpu.memref_slice %arg3[%add3A_176] : memref<640000xi32, #tpu.memory_space<hbm>> -> memref<80xi32, #tpu.memory_space<hbm>>
      %dma_wait3A_371 = arith.constant 0 : i32
      %dma_wait3A_372 = tpu.memref_slice %arg7[%dma_wait3A_366, %dma_wait3A_371] : memref<10x80xi32, #tpu.memory_space<vmem>> -> memref<1x80xi32, #tpu.memory_space<vmem>>
      %dma_wait3A_373 = tpu.memref_squeeze %dma_wait3A_372 : memref<1x80xi32, #tpu.memory_space<vmem>> -> memref<80xi32, #tpu.memory_space<vmem>>
      %dma_wait3A_374 = tpu.memref_slice %arg3[%add3A_176] : memref<640000xi32, #tpu.memory_space<hbm>> -> memref<80xi32, #tpu.memory_space<hbm>>
      tpu.wait_dma2 semaphore(%arg14 : memref<!tpu.dma_semaphore, #tpu.memory_space<semaphore_mem>>) src(%dma_wait3A_374 : memref<80xi32, #tpu.memory_space<hbm>>) dst(%dma_wait3A_373 : memref<80xi32, #tpu.memory_space<vmem>>)
      %dma_wait3A_375 = arith.constant 7 : i32
      %dma_wait3A_376 = arith.constant 0 : i32
      %dma_wait3A_377 = tpu.memref_slice %arg8[%dma_wait3A_375, %dma_wait3A_376] : memref<10x80xi32, #tpu.memory_space<vmem>> -> memref<1x80xi32, #tpu.memory_space<vmem>>
      %dma_wait3A_378 = tpu.memref_squeeze %dma_wait3A_377 : memref<1x80xi32, #tpu.memory_space<vmem>> -> memref<80xi32, #tpu.memory_space<vmem>>
      %dma_wait3A_379 = tpu.memref_slice %arg4[%add3A_187] : memref<640000xi32, #tpu.memory_space<hbm>> -> memref<80xi32, #tpu.memory_space<hbm>>
      %dma_wait3A_380 = arith.constant 0 : i32
      %dma_wait3A_381 = tpu.memref_slice %arg8[%dma_wait3A_375, %dma_wait3A_380] : memref<10x80xi32, #tpu.memory_space<vmem>> -> memref<1x80xi32, #tpu.memory_space<vmem>>
      %dma_wait3A_382 = tpu.memref_squeeze %dma_wait3A_381 : memref<1x80xi32, #tpu.memory_space<vmem>> -> memref<80xi32, #tpu.memory_space<vmem>>
      %dma_wait3A_383 = tpu.memref_slice %arg4[%add3A_187] : memref<640000xi32, #tpu.memory_space<hbm>> -> memref<80xi32, #tpu.memory_space<hbm>>
      tpu.wait_dma2 semaphore(%arg14 : memref<!tpu.dma_semaphore, #tpu.memory_space<semaphore_mem>>) src(%dma_wait3A_383 : memref<80xi32, #tpu.memory_space<hbm>>) dst(%dma_wait3A_382 : memref<80xi32, #tpu.memory_space<vmem>>)
      %dma_wait3A_384 = arith.constant 8 : i32
      %dma_wait3A_385 = arith.constant 0 : i32
      %dma_wait3A_386 = tpu.memref_slice %arg7[%dma_wait3A_384, %dma_wait3A_385] : memref<10x80xi32, #tpu.memory_space<vmem>> -> memref<1x80xi32, #tpu.memory_space<vmem>>
      %dma_wait3A_387 = tpu.memref_squeeze %dma_wait3A_386 : memref<1x80xi32, #tpu.memory_space<vmem>> -> memref<80xi32, #tpu.memory_space<vmem>>
      %dma_wait3A_388 = tpu.memref_slice %arg3[%add3A_198] : memref<640000xi32, #tpu.memory_space<hbm>> -> memref<80xi32, #tpu.memory_space<hbm>>
      %dma_wait3A_389 = arith.constant 0 : i32
      %dma_wait3A_390 = tpu.memref_slice %arg7[%dma_wait3A_384, %dma_wait3A_389] : memref<10x80xi32, #tpu.memory_space<vmem>> -> memref<1x80xi32, #tpu.memory_space<vmem>>
      %dma_wait3A_391 = tpu.memref_squeeze %dma_wait3A_390 : memref<1x80xi32, #tpu.memory_space<vmem>> -> memref<80xi32, #tpu.memory_space<vmem>>
      %dma_wait3A_392 = tpu.memref_slice %arg3[%add3A_198] : memref<640000xi32, #tpu.memory_space<hbm>> -> memref<80xi32, #tpu.memory_space<hbm>>
      tpu.wait_dma2 semaphore(%arg14 : memref<!tpu.dma_semaphore, #tpu.memory_space<semaphore_mem>>) src(%dma_wait3A_392 : memref<80xi32, #tpu.memory_space<hbm>>) dst(%dma_wait3A_391 : memref<80xi32, #tpu.memory_space<vmem>>)
      %dma_wait3A_393 = arith.constant 8 : i32
      %dma_wait3A_394 = arith.constant 0 : i32
      %dma_wait3A_395 = tpu.memref_slice %arg8[%dma_wait3A_393, %dma_wait3A_394] : memref<10x80xi32, #tpu.memory_space<vmem>> -> memref<1x80xi32, #tpu.memory_space<vmem>>
      %dma_wait3A_396 = tpu.memref_squeeze %dma_wait3A_395 : memref<1x80xi32, #tpu.memory_space<vmem>> -> memref<80xi32, #tpu.memory_space<vmem>>
      %dma_wait3A_397 = tpu.memref_slice %arg4[%add3A_209] : memref<640000xi32, #tpu.memory_space<hbm>> -> memref<80xi32, #tpu.memory_space<hbm>>
      %dma_wait3A_398 = arith.constant 0 : i32
      %dma_wait3A_399 = tpu.memref_slice %arg8[%dma_wait3A_393, %dma_wait3A_398] : memref<10x80xi32, #tpu.memory_space<vmem>> -> memref<1x80xi32, #tpu.memory_space<vmem>>
      %dma_wait3A_400 = tpu.memref_squeeze %dma_wait3A_399 : memref<1x80xi32, #tpu.memory_space<vmem>> -> memref<80xi32, #tpu.memory_space<vmem>>
      %dma_wait3A_401 = tpu.memref_slice %arg4[%add3A_209] : memref<640000xi32, #tpu.memory_space<hbm>> -> memref<80xi32, #tpu.memory_space<hbm>>
      tpu.wait_dma2 semaphore(%arg14 : memref<!tpu.dma_semaphore, #tpu.memory_space<semaphore_mem>>) src(%dma_wait3A_401 : memref<80xi32, #tpu.memory_space<hbm>>) dst(%dma_wait3A_400 : memref<80xi32, #tpu.memory_space<vmem>>)
      %dma_wait3A_402 = arith.constant 9 : i32
      %dma_wait3A_403 = arith.constant 0 : i32
      %dma_wait3A_404 = tpu.memref_slice %arg7[%dma_wait3A_402, %dma_wait3A_403] : memref<10x80xi32, #tpu.memory_space<vmem>> -> memref<1x80xi32, #tpu.memory_space<vmem>>
      %dma_wait3A_405 = tpu.memref_squeeze %dma_wait3A_404 : memref<1x80xi32, #tpu.memory_space<vmem>> -> memref<80xi32, #tpu.memory_space<vmem>>
      %dma_wait3A_406 = tpu.memref_slice %arg3[%add3A_220] : memref<640000xi32, #tpu.memory_space<hbm>> -> memref<80xi32, #tpu.memory_space<hbm>>
      %dma_wait3A_407 = arith.constant 0 : i32
      %dma_wait3A_408 = tpu.memref_slice %arg7[%dma_wait3A_402, %dma_wait3A_407] : memref<10x80xi32, #tpu.memory_space<vmem>> -> memref<1x80xi32, #tpu.memory_space<vmem>>
      %dma_wait3A_409 = tpu.memref_squeeze %dma_wait3A_408 : memref<1x80xi32, #tpu.memory_space<vmem>> -> memref<80xi32, #tpu.memory_space<vmem>>
      %dma_wait3A_410 = tpu.memref_slice %arg3[%add3A_220] : memref<640000xi32, #tpu.memory_space<hbm>> -> memref<80xi32, #tpu.memory_space<hbm>>
      tpu.wait_dma2 semaphore(%arg14 : memref<!tpu.dma_semaphore, #tpu.memory_space<semaphore_mem>>) src(%dma_wait3A_410 : memref<80xi32, #tpu.memory_space<hbm>>) dst(%dma_wait3A_409 : memref<80xi32, #tpu.memory_space<vmem>>)
      %dma_wait3A_411 = arith.constant 9 : i32
      %dma_wait3A_412 = arith.constant 0 : i32
      %dma_wait3A_413 = tpu.memref_slice %arg8[%dma_wait3A_411, %dma_wait3A_412] : memref<10x80xi32, #tpu.memory_space<vmem>> -> memref<1x80xi32, #tpu.memory_space<vmem>>
      %dma_wait3A_414 = tpu.memref_squeeze %dma_wait3A_413 : memref<1x80xi32, #tpu.memory_space<vmem>> -> memref<80xi32, #tpu.memory_space<vmem>>
      %dma_wait3A_415 = tpu.memref_slice %arg4[%add3A_231] : memref<640000xi32, #tpu.memory_space<hbm>> -> memref<80xi32, #tpu.memory_space<hbm>>
      %dma_wait3A_416 = arith.constant 0 : i32
      %dma_wait3A_417 = tpu.memref_slice %arg8[%dma_wait3A_411, %dma_wait3A_416] : memref<10x80xi32, #tpu.memory_space<vmem>> -> memref<1x80xi32, #tpu.memory_space<vmem>>
      %dma_wait3A_418 = tpu.memref_squeeze %dma_wait3A_417 : memref<1x80xi32, #tpu.memory_space<vmem>> -> memref<80xi32, #tpu.memory_space<vmem>>
      %dma_wait3A_419 = tpu.memref_slice %arg4[%add3A_231] : memref<640000xi32, #tpu.memory_space<hbm>> -> memref<80xi32, #tpu.memory_space<hbm>>
      tpu.wait_dma2 semaphore(%arg14 : memref<!tpu.dma_semaphore, #tpu.memory_space<semaphore_mem>>) src(%dma_wait3A_419 : memref<80xi32, #tpu.memory_space<hbm>>) dst(%dma_wait3A_418 : memref<80xi32, #tpu.memory_space<vmem>>)
      %dma_start3A_420 = arith.constant 0 : i32
      %dma_start3A_421 = arith.constant 0 : i32
      %dma_start3A_422 = tpu.memref_slice %arg7[%dma_start3A_420, %dma_start3A_421] : memref<10x80xi32, #tpu.memory_space<vmem>> -> memref<1x80xi32, #tpu.memory_space<vmem>>
      %dma_start3A_423 = tpu.memref_squeeze %dma_start3A_422 : memref<1x80xi32, #tpu.memory_space<vmem>> -> memref<80xi32, #tpu.memory_space<vmem>>
      %dma_start3A_424 = arith.constant 0 : i32
      %dma_start3A_425 = arith.constant 0 : i32
      %dma_start3A_426 = tpu.memref_slice %arg2[%dma_start3A_424, %dma_start3A_425] : memref<20480x128xf32, #tpu.memory_space<hbm>> -> memref<20480x128xf32, #tpu.memory_space<hbm>>
      tpu.enqueue_indirect_dma source(%dma_start3A_426 : memref<20480x128xf32, #tpu.memory_space<hbm>>) target(%arg9 : memref<80x128xf32, #tpu.memory_space<vmem>>) offsets(%dma_start3A_423 : memref<80xi32, #tpu.memory_space<vmem>>) semaphore(%arg12 : memref<!tpu.dma_semaphore, #tpu.memory_space<semaphore_mem>>)
      %dma_start3A_427 = arith.constant 1 : i32
      %dma_start3A_428 = arith.constant 0 : i32
      %dma_start3A_429 = tpu.memref_slice %arg7[%dma_start3A_427, %dma_start3A_428] : memref<10x80xi32, #tpu.memory_space<vmem>> -> memref<1x80xi32, #tpu.memory_space<vmem>>
      %dma_start3A_430 = tpu.memref_squeeze %dma_start3A_429 : memref<1x80xi32, #tpu.memory_space<vmem>> -> memref<80xi32, #tpu.memory_space<vmem>>
      %dma_start3A_431 = arith.constant 0 : i32
      %dma_start3A_432 = arith.constant 0 : i32
      %dma_start3A_433 = tpu.memref_slice %arg2[%dma_start3A_431, %dma_start3A_432] : memref<20480x128xf32, #tpu.memory_space<hbm>> -> memref<20480x128xf32, #tpu.memory_space<hbm>>
      tpu.enqueue_indirect_dma source(%dma_start3A_433 : memref<20480x128xf32, #tpu.memory_space<hbm>>) target(%arg10 : memref<80x128xf32, #tpu.memory_space<vmem>>) offsets(%dma_start3A_430 : memref<80xi32, #tpu.memory_space<vmem>>) semaphore(%arg13 : memref<!tpu.dma_semaphore, #tpu.memory_space<semaphore_mem>>)
      %dma_wait3A_434 = arith.constant 0 : i32
      %dma_wait3A_435 = arith.constant 0 : i32
      %dma_wait3A_436 = tpu.memref_slice %arg7[%dma_wait3A_434, %dma_wait3A_435] : memref<10x80xi32, #tpu.memory_space<vmem>> -> memref<1x80xi32, #tpu.memory_space<vmem>>
      %dma_wait3A_437 = tpu.memref_squeeze %dma_wait3A_436 : memref<1x80xi32, #tpu.memory_space<vmem>> -> memref<80xi32, #tpu.memory_space<vmem>>
      %dma_wait3A_438 = arith.constant 0 : i32
      %dma_wait3A_439 = arith.constant 0 : i32
      %dma_wait3A_440 = tpu.memref_slice %arg2[%dma_wait3A_438, %dma_wait3A_439] : memref<20480x128xf32, #tpu.memory_space<hbm>> -> memref<20480x128xf32, #tpu.memory_space<hbm>>
      tpu.wait_indirect_dma semaphore(%arg12 : memref<!tpu.dma_semaphore, #tpu.memory_space<semaphore_mem>>) src(%dma_wait3A_440 : memref<20480x128xf32, #tpu.memory_space<hbm>>) dst(%arg9 : memref<80x128xf32, #tpu.memory_space<vmem>>)
      %run_scoped3A = arith.constant 0 : i32
      "tpu.region"() ({
        %run_scoped3A_569 = tpu.sem_alloc : memref<!tpu.dma_semaphore, #tpu.memory_space<semaphore_mem>>
        %dma_start3A_570 = arith.constant 0 : i32
        %dma_start3A_571 = tpu.memref_slice %arg8[%run_scoped3A, %dma_start3A_570] : memref<10x80xi32, #tpu.memory_space<vmem>> -> memref<1x80xi32, #tpu.memory_space<vmem>>
        %dma_start3A_572 = tpu.memref_squeeze %dma_start3A_571 : memref<1x80xi32, #tpu.memory_space<vmem>> -> memref<80xi32, #tpu.memory_space<vmem>>
        %dma_start3A_573 = arith.constant 0 : i32
        %dma_start3A_574 = arith.constant 0 : i32
        %dma_start3A_575 = tpu.memref_slice %arg11[%dma_start3A_573, %dma_start3A_574] : memref<10240x128xf32, #tpu.memory_space<vmem_shared>> -> memref<10240x128xf32, #tpu.memory_space<vmem_shared>>
        tpu.enqueue_indirect_dma source(%arg9 : memref<80x128xf32, #tpu.memory_space<vmem>>) target(%dma_start3A_575 : memref<10240x128xf32, #tpu.memory_space<vmem_shared>>) offsets(%dma_start3A_572 : memref<80xi32, #tpu.memory_space<vmem>>) semaphore(%run_scoped3A_569 : memref<!tpu.dma_semaphore, #tpu.memory_space<semaphore_mem>>) {add = true}
        %dma_wait3A_576 = arith.constant 0 : i32
        %dma_wait3A_577 = tpu.memref_slice %arg8[%run_scoped3A, %dma_wait3A_576] : memref<10x80xi32, #tpu.memory_space<vmem>> -> memref<1x80xi32, #tpu.memory_space<vmem>>
        %dma_wait3A_578 = tpu.memref_squeeze %dma_wait3A_577 : memref<1x80xi32, #tpu.memory_space<vmem>> -> memref<80xi32, #tpu.memory_space<vmem>>
        %dma_wait3A_579 = arith.constant 0 : i32
        %dma_wait3A_580 = arith.constant 0 : i32
        %dma_wait3A_581 = tpu.memref_slice %arg11[%dma_wait3A_579, %dma_wait3A_580] : memref<10240x128xf32, #tpu.memory_space<vmem_shared>> -> memref<10240x128xf32, #tpu.memory_space<vmem_shared>>
        tpu.wait_indirect_dma semaphore(%run_scoped3A_569 : memref<!tpu.dma_semaphore, #tpu.memory_space<semaphore_mem>>) src(%arg9 : memref<80x128xf32, #tpu.memory_space<vmem>>) dst(%dma_wait3A_581 : memref<10240x128xf32, #tpu.memory_space<vmem_shared>>)
        tpu.yield
      }) : () -> ()
      %dma_start3A_441 = arith.constant 2 : i32
      %dma_start3A_442 = arith.constant 0 : i32
      %dma_start3A_443 = tpu.memref_slice %arg7[%dma_start3A_441, %dma_start3A_442] : memref<10x80xi32, #tpu.memory_space<vmem>> -> memref<1x80xi32, #tpu.memory_space<vmem>>
      %dma_start3A_444 = tpu.memref_squeeze %dma_start3A_443 : memref<1x80xi32, #tpu.memory_space<vmem>> -> memref<80xi32, #tpu.memory_space<vmem>>
      %dma_start3A_445 = arith.constant 0 : i32
      %dma_start3A_446 = arith.constant 0 : i32
      %dma_start3A_447 = tpu.memref_slice %arg2[%dma_start3A_445, %dma_start3A_446] : memref<20480x128xf32, #tpu.memory_space<hbm>> -> memref<20480x128xf32, #tpu.memory_space<hbm>>
      tpu.enqueue_indirect_dma source(%dma_start3A_447 : memref<20480x128xf32, #tpu.memory_space<hbm>>) target(%arg9 : memref<80x128xf32, #tpu.memory_space<vmem>>) offsets(%dma_start3A_444 : memref<80xi32, #tpu.memory_space<vmem>>) semaphore(%arg12 : memref<!tpu.dma_semaphore, #tpu.memory_space<semaphore_mem>>)
      %dma_wait3A_448 = arith.constant 1 : i32
      %dma_wait3A_449 = arith.constant 0 : i32
      %dma_wait3A_450 = tpu.memref_slice %arg7[%dma_wait3A_448, %dma_wait3A_449] : memref<10x80xi32, #tpu.memory_space<vmem>> -> memref<1x80xi32, #tpu.memory_space<vmem>>
      %dma_wait3A_451 = tpu.memref_squeeze %dma_wait3A_450 : memref<1x80xi32, #tpu.memory_space<vmem>> -> memref<80xi32, #tpu.memory_space<vmem>>
      %dma_wait3A_452 = arith.constant 0 : i32
      %dma_wait3A_453 = arith.constant 0 : i32
      %dma_wait3A_454 = tpu.memref_slice %arg2[%dma_wait3A_452, %dma_wait3A_453] : memref<20480x128xf32, #tpu.memory_space<hbm>> -> memref<20480x128xf32, #tpu.memory_space<hbm>>
      tpu.wait_indirect_dma semaphore(%arg13 : memref<!tpu.dma_semaphore, #tpu.memory_space<semaphore_mem>>) src(%dma_wait3A_454 : memref<20480x128xf32, #tpu.memory_space<hbm>>) dst(%arg10 : memref<80x128xf32, #tpu.memory_space<vmem>>)
      %run_scoped3A_455 = arith.constant 1 : i32
      "tpu.region"() ({
        %run_scoped3A_569 = tpu.sem_alloc : memref<!tpu.dma_semaphore, #tpu.memory_space<semaphore_mem>>
        %dma_start3A_570 = arith.constant 0 : i32
        %dma_start3A_571 = tpu.memref_slice %arg8[%run_scoped3A_455, %dma_start3A_570] : memref<10x80xi32, #tpu.memory_space<vmem>> -> memref<1x80xi32, #tpu.memory_space<vmem>>
        %dma_start3A_572 = tpu.memref_squeeze %dma_start3A_571 : memref<1x80xi32, #tpu.memory_space<vmem>> -> memref<80xi32, #tpu.memory_space<vmem>>
        %dma_start3A_573 = arith.constant 0 : i32
        %dma_start3A_574 = arith.constant 0 : i32
        %dma_start3A_575 = tpu.memref_slice %arg11[%dma_start3A_573, %dma_start3A_574] : memref<10240x128xf32, #tpu.memory_space<vmem_shared>> -> memref<10240x128xf32, #tpu.memory_space<vmem_shared>>
        tpu.enqueue_indirect_dma source(%arg10 : memref<80x128xf32, #tpu.memory_space<vmem>>) target(%dma_start3A_575 : memref<10240x128xf32, #tpu.memory_space<vmem_shared>>) offsets(%dma_start3A_572 : memref<80xi32, #tpu.memory_space<vmem>>) semaphore(%run_scoped3A_569 : memref<!tpu.dma_semaphore, #tpu.memory_space<semaphore_mem>>) {add = true}
        %dma_wait3A_576 = arith.constant 0 : i32
        %dma_wait3A_577 = tpu.memref_slice %arg8[%run_scoped3A_455, %dma_wait3A_576] : memref<10x80xi32, #tpu.memory_space<vmem>> -> memref<1x80xi32, #tpu.memory_space<vmem>>
        %dma_wait3A_578 = tpu.memref_squeeze %dma_wait3A_577 : memref<1x80xi32, #tpu.memory_space<vmem>> -> memref<80xi32, #tpu.memory_space<vmem>>
        %dma_wait3A_579 = arith.constant 0 : i32
        %dma_wait3A_580 = arith.constant 0 : i32
        %dma_wait3A_581 = tpu.memref_slice %arg11[%dma_wait3A_579, %dma_wait3A_580] : memref<10240x128xf32, #tpu.memory_space<vmem_shared>> -> memref<10240x128xf32, #tpu.memory_space<vmem_shared>>
        tpu.wait_indirect_dma semaphore(%run_scoped3A_569 : memref<!tpu.dma_semaphore, #tpu.memory_space<semaphore_mem>>) src(%arg10 : memref<80x128xf32, #tpu.memory_space<vmem>>) dst(%dma_wait3A_581 : memref<10240x128xf32, #tpu.memory_space<vmem_shared>>)
        tpu.yield
      }) : () -> ()
      %dma_start3A_456 = arith.constant 3 : i32
      %dma_start3A_457 = arith.constant 0 : i32
      %dma_start3A_458 = tpu.memref_slice %arg7[%dma_start3A_456, %dma_start3A_457] : memref<10x80xi32, #tpu.memory_space<vmem>> -> memref<1x80xi32, #tpu.memory_space<vmem>>
      %dma_start3A_459 = tpu.memref_squeeze %dma_start3A_458 : memref<1x80xi32, #tpu.memory_space<vmem>> -> memref<80xi32, #tpu.memory_space<vmem>>
      %dma_start3A_460 = arith.constant 0 : i32
      %dma_start3A_461 = arith.constant 0 : i32
      %dma_start3A_462 = tpu.memref_slice %arg2[%dma_start3A_460, %dma_start3A_461] : memref<20480x128xf32, #tpu.memory_space<hbm>> -> memref<20480x128xf32, #tpu.memory_space<hbm>>
      tpu.enqueue_indirect_dma source(%dma_start3A_462 : memref<20480x128xf32, #tpu.memory_space<hbm>>) target(%arg10 : memref<80x128xf32, #tpu.memory_space<vmem>>) offsets(%dma_start3A_459 : memref<80xi32, #tpu.memory_space<vmem>>) semaphore(%arg13 : memref<!tpu.dma_semaphore, #tpu.memory_space<semaphore_mem>>)
      %dma_wait3A_463 = arith.constant 2 : i32
      %dma_wait3A_464 = arith.constant 0 : i32
      %dma_wait3A_465 = tpu.memref_slice %arg7[%dma_wait3A_463, %dma_wait3A_464] : memref<10x80xi32, #tpu.memory_space<vmem>> -> memref<1x80xi32, #tpu.memory_space<vmem>>
      %dma_wait3A_466 = tpu.memref_squeeze %dma_wait3A_465 : memref<1x80xi32, #tpu.memory_space<vmem>> -> memref<80xi32, #tpu.memory_space<vmem>>
      %dma_wait3A_467 = arith.constant 0 : i32
      %dma_wait3A_468 = arith.constant 0 : i32
      %dma_wait3A_469 = tpu.memref_slice %arg2[%dma_wait3A_467, %dma_wait3A_468] : memref<20480x128xf32, #tpu.memory_space<hbm>> -> memref<20480x128xf32, #tpu.memory_space<hbm>>
      tpu.wait_indirect_dma semaphore(%arg12 : memref<!tpu.dma_semaphore, #tpu.memory_space<semaphore_mem>>) src(%dma_wait3A_469 : memref<20480x128xf32, #tpu.memory_space<hbm>>) dst(%arg9 : memref<80x128xf32, #tpu.memory_space<vmem>>)
      %run_scoped3A_470 = arith.constant 2 : i32
      "tpu.region"() ({
        %run_scoped3A_569 = tpu.sem_alloc : memref<!tpu.dma_semaphore, #tpu.memory_space<semaphore_mem>>
        %dma_start3A_570 = arith.constant 0 : i32
        %dma_start3A_571 = tpu.memref_slice %arg8[%run_scoped3A_470, %dma_start3A_570] : memref<10x80xi32, #tpu.memory_space<vmem>> -> memref<1x80xi32, #tpu.memory_space<vmem>>
        %dma_start3A_572 = tpu.memref_squeeze %dma_start3A_571 : memref<1x80xi32, #tpu.memory_space<vmem>> -> memref<80xi32, #tpu.memory_space<vmem>>
        %dma_start3A_573 = arith.constant 0 : i32
        %dma_start3A_574 = arith.constant 0 : i32
        %dma_start3A_575 = tpu.memref_slice %arg11[%dma_start3A_573, %dma_start3A_574] : memref<10240x128xf32, #tpu.memory_space<vmem_shared>> -> memref<10240x128xf32, #tpu.memory_space<vmem_shared>>
        tpu.enqueue_indirect_dma source(%arg9 : memref<80x128xf32, #tpu.memory_space<vmem>>) target(%dma_start3A_575 : memref<10240x128xf32, #tpu.memory_space<vmem_shared>>) offsets(%dma_start3A_572 : memref<80xi32, #tpu.memory_space<vmem>>) semaphore(%run_scoped3A_569 : memref<!tpu.dma_semaphore, #tpu.memory_space<semaphore_mem>>) {add = true}
        %dma_wait3A_576 = arith.constant 0 : i32
        %dma_wait3A_577 = tpu.memref_slice %arg8[%run_scoped3A_470, %dma_wait3A_576] : memref<10x80xi32, #tpu.memory_space<vmem>> -> memref<1x80xi32, #tpu.memory_space<vmem>>
        %dma_wait3A_578 = tpu.memref_squeeze %dma_wait3A_577 : memref<1x80xi32, #tpu.memory_space<vmem>> -> memref<80xi32, #tpu.memory_space<vmem>>
        %dma_wait3A_579 = arith.constant 0 : i32
        %dma_wait3A_580 = arith.constant 0 : i32
        %dma_wait3A_581 = tpu.memref_slice %arg11[%dma_wait3A_579, %dma_wait3A_580] : memref<10240x128xf32, #tpu.memory_space<vmem_shared>> -> memref<10240x128xf32, #tpu.memory_space<vmem_shared>>
        tpu.wait_indirect_dma semaphore(%run_scoped3A_569 : memref<!tpu.dma_semaphore, #tpu.memory_space<semaphore_mem>>) src(%arg9 : memref<80x128xf32, #tpu.memory_space<vmem>>) dst(%dma_wait3A_581 : memref<10240x128xf32, #tpu.memory_space<vmem_shared>>)
        tpu.yield
      }) : () -> ()
      %dma_start3A_471 = arith.constant 4 : i32
      %dma_start3A_472 = arith.constant 0 : i32
      %dma_start3A_473 = tpu.memref_slice %arg7[%dma_start3A_471, %dma_start3A_472] : memref<10x80xi32, #tpu.memory_space<vmem>> -> memref<1x80xi32, #tpu.memory_space<vmem>>
      %dma_start3A_474 = tpu.memref_squeeze %dma_start3A_473 : memref<1x80xi32, #tpu.memory_space<vmem>> -> memref<80xi32, #tpu.memory_space<vmem>>
      %dma_start3A_475 = arith.constant 0 : i32
      %dma_start3A_476 = arith.constant 0 : i32
      %dma_start3A_477 = tpu.memref_slice %arg2[%dma_start3A_475, %dma_start3A_476] : memref<20480x128xf32, #tpu.memory_space<hbm>> -> memref<20480x128xf32, #tpu.memory_space<hbm>>
      tpu.enqueue_indirect_dma source(%dma_start3A_477 : memref<20480x128xf32, #tpu.memory_space<hbm>>) target(%arg9 : memref<80x128xf32, #tpu.memory_space<vmem>>) offsets(%dma_start3A_474 : memref<80xi32, #tpu.memory_space<vmem>>) semaphore(%arg12 : memref<!tpu.dma_semaphore, #tpu.memory_space<semaphore_mem>>)
      %dma_wait3A_478 = arith.constant 3 : i32
      %dma_wait3A_479 = arith.constant 0 : i32
      %dma_wait3A_480 = tpu.memref_slice %arg7[%dma_wait3A_478, %dma_wait3A_479] : memref<10x80xi32, #tpu.memory_space<vmem>> -> memref<1x80xi32, #tpu.memory_space<vmem>>
      %dma_wait3A_481 = tpu.memref_squeeze %dma_wait3A_480 : memref<1x80xi32, #tpu.memory_space<vmem>> -> memref<80xi32, #tpu.memory_space<vmem>>
      %dma_wait3A_482 = arith.constant 0 : i32
      %dma_wait3A_483 = arith.constant 0 : i32
      %dma_wait3A_484 = tpu.memref_slice %arg2[%dma_wait3A_482, %dma_wait3A_483] : memref<20480x128xf32, #tpu.memory_space<hbm>> -> memref<20480x128xf32, #tpu.memory_space<hbm>>
      tpu.wait_indirect_dma semaphore(%arg13 : memref<!tpu.dma_semaphore, #tpu.memory_space<semaphore_mem>>) src(%dma_wait3A_484 : memref<20480x128xf32, #tpu.memory_space<hbm>>) dst(%arg10 : memref<80x128xf32, #tpu.memory_space<vmem>>)
      %run_scoped3A_485 = arith.constant 3 : i32
      "tpu.region"() ({
        %run_scoped3A_569 = tpu.sem_alloc : memref<!tpu.dma_semaphore, #tpu.memory_space<semaphore_mem>>
        %dma_start3A_570 = arith.constant 0 : i32
        %dma_start3A_571 = tpu.memref_slice %arg8[%run_scoped3A_485, %dma_start3A_570] : memref<10x80xi32, #tpu.memory_space<vmem>> -> memref<1x80xi32, #tpu.memory_space<vmem>>
        %dma_start3A_572 = tpu.memref_squeeze %dma_start3A_571 : memref<1x80xi32, #tpu.memory_space<vmem>> -> memref<80xi32, #tpu.memory_space<vmem>>
        %dma_start3A_573 = arith.constant 0 : i32
        %dma_start3A_574 = arith.constant 0 : i32
        %dma_start3A_575 = tpu.memref_slice %arg11[%dma_start3A_573, %dma_start3A_574] : memref<10240x128xf32, #tpu.memory_space<vmem_shared>> -> memref<10240x128xf32, #tpu.memory_space<vmem_shared>>
        tpu.enqueue_indirect_dma source(%arg10 : memref<80x128xf32, #tpu.memory_space<vmem>>) target(%dma_start3A_575 : memref<10240x128xf32, #tpu.memory_space<vmem_shared>>) offsets(%dma_start3A_572 : memref<80xi32, #tpu.memory_space<vmem>>) semaphore(%run_scoped3A_569 : memref<!tpu.dma_semaphore, #tpu.memory_space<semaphore_mem>>) {add = true}
        %dma_wait3A_576 = arith.constant 0 : i32
        %dma_wait3A_577 = tpu.memref_slice %arg8[%run_scoped3A_485, %dma_wait3A_576] : memref<10x80xi32, #tpu.memory_space<vmem>> -> memref<1x80xi32, #tpu.memory_space<vmem>>
        %dma_wait3A_578 = tpu.memref_squeeze %dma_wait3A_577 : memref<1x80xi32, #tpu.memory_space<vmem>> -> memref<80xi32, #tpu.memory_space<vmem>>
        %dma_wait3A_579 = arith.constant 0 : i32
        %dma_wait3A_580 = arith.constant 0 : i32
        %dma_wait3A_581 = tpu.memref_slice %arg11[%dma_wait3A_579, %dma_wait3A_580] : memref<10240x128xf32, #tpu.memory_space<vmem_shared>> -> memref<10240x128xf32, #tpu.memory_space<vmem_shared>>
        tpu.wait_indirect_dma semaphore(%run_scoped3A_569 : memref<!tpu.dma_semaphore, #tpu.memory_space<semaphore_mem>>) src(%arg10 : memref<80x128xf32, #tpu.memory_space<vmem>>) dst(%dma_wait3A_581 : memref<10240x128xf32, #tpu.memory_space<vmem_shared>>)
        tpu.yield
      }) : () -> ()
      %dma_start3A_486 = arith.constant 5 : i32
      %dma_start3A_487 = arith.constant 0 : i32
      %dma_start3A_488 = tpu.memref_slice %arg7[%dma_start3A_486, %dma_start3A_487] : memref<10x80xi32, #tpu.memory_space<vmem>> -> memref<1x80xi32, #tpu.memory_space<vmem>>
      %dma_start3A_489 = tpu.memref_squeeze %dma_start3A_488 : memref<1x80xi32, #tpu.memory_space<vmem>> -> memref<80xi32, #tpu.memory_space<vmem>>
      %dma_start3A_490 = arith.constant 0 : i32
      %dma_start3A_491 = arith.constant 0 : i32
      %dma_start3A_492 = tpu.memref_slice %arg2[%dma_start3A_490, %dma_start3A_491] : memref<20480x128xf32, #tpu.memory_space<hbm>> -> memref<20480x128xf32, #tpu.memory_space<hbm>>
      tpu.enqueue_indirect_dma source(%dma_start3A_492 : memref<20480x128xf32, #tpu.memory_space<hbm>>) target(%arg10 : memref<80x128xf32, #tpu.memory_space<vmem>>) offsets(%dma_start3A_489 : memref<80xi32, #tpu.memory_space<vmem>>) semaphore(%arg13 : memref<!tpu.dma_semaphore, #tpu.memory_space<semaphore_mem>>)
      %dma_wait3A_493 = arith.constant 4 : i32
      %dma_wait3A_494 = arith.constant 0 : i32
      %dma_wait3A_495 = tpu.memref_slice %arg7[%dma_wait3A_493, %dma_wait3A_494] : memref<10x80xi32, #tpu.memory_space<vmem>> -> memref<1x80xi32, #tpu.memory_space<vmem>>
      %dma_wait3A_496 = tpu.memref_squeeze %dma_wait3A_495 : memref<1x80xi32, #tpu.memory_space<vmem>> -> memref<80xi32, #tpu.memory_space<vmem>>
      %dma_wait3A_497 = arith.constant 0 : i32
      %dma_wait3A_498 = arith.constant 0 : i32
      %dma_wait3A_499 = tpu.memref_slice %arg2[%dma_wait3A_497, %dma_wait3A_498] : memref<20480x128xf32, #tpu.memory_space<hbm>> -> memref<20480x128xf32, #tpu.memory_space<hbm>>
      tpu.wait_indirect_dma semaphore(%arg12 : memref<!tpu.dma_semaphore, #tpu.memory_space<semaphore_mem>>) src(%dma_wait3A_499 : memref<20480x128xf32, #tpu.memory_space<hbm>>) dst(%arg9 : memref<80x128xf32, #tpu.memory_space<vmem>>)
      %run_scoped3A_500 = arith.constant 4 : i32
      "tpu.region"() ({
        %run_scoped3A_569 = tpu.sem_alloc : memref<!tpu.dma_semaphore, #tpu.memory_space<semaphore_mem>>
        %dma_start3A_570 = arith.constant 0 : i32
        %dma_start3A_571 = tpu.memref_slice %arg8[%run_scoped3A_500, %dma_start3A_570] : memref<10x80xi32, #tpu.memory_space<vmem>> -> memref<1x80xi32, #tpu.memory_space<vmem>>
        %dma_start3A_572 = tpu.memref_squeeze %dma_start3A_571 : memref<1x80xi32, #tpu.memory_space<vmem>> -> memref<80xi32, #tpu.memory_space<vmem>>
        %dma_start3A_573 = arith.constant 0 : i32
        %dma_start3A_574 = arith.constant 0 : i32
        %dma_start3A_575 = tpu.memref_slice %arg11[%dma_start3A_573, %dma_start3A_574] : memref<10240x128xf32, #tpu.memory_space<vmem_shared>> -> memref<10240x128xf32, #tpu.memory_space<vmem_shared>>
        tpu.enqueue_indirect_dma source(%arg9 : memref<80x128xf32, #tpu.memory_space<vmem>>) target(%dma_start3A_575 : memref<10240x128xf32, #tpu.memory_space<vmem_shared>>) offsets(%dma_start3A_572 : memref<80xi32, #tpu.memory_space<vmem>>) semaphore(%run_scoped3A_569 : memref<!tpu.dma_semaphore, #tpu.memory_space<semaphore_mem>>) {add = true}
        %dma_wait3A_576 = arith.constant 0 : i32
        %dma_wait3A_577 = tpu.memref_slice %arg8[%run_scoped3A_500, %dma_wait3A_576] : memref<10x80xi32, #tpu.memory_space<vmem>> -> memref<1x80xi32, #tpu.memory_space<vmem>>
        %dma_wait3A_578 = tpu.memref_squeeze %dma_wait3A_577 : memref<1x80xi32, #tpu.memory_space<vmem>> -> memref<80xi32, #tpu.memory_space<vmem>>
        %dma_wait3A_579 = arith.constant 0 : i32
        %dma_wait3A_580 = arith.constant 0 : i32
        %dma_wait3A_581 = tpu.memref_slice %arg11[%dma_wait3A_579, %dma_wait3A_580] : memref<10240x128xf32, #tpu.memory_space<vmem_shared>> -> memref<10240x128xf32, #tpu.memory_space<vmem_shared>>
        tpu.wait_indirect_dma semaphore(%run_scoped3A_569 : memref<!tpu.dma_semaphore, #tpu.memory_space<semaphore_mem>>) src(%arg9 : memref<80x128xf32, #tpu.memory_space<vmem>>) dst(%dma_wait3A_581 : memref<10240x128xf32, #tpu.memory_space<vmem_shared>>)
        tpu.yield
      }) : () -> ()
      %dma_start3A_501 = arith.constant 6 : i32
      %dma_start3A_502 = arith.constant 0 : i32
      %dma_start3A_503 = tpu.memref_slice %arg7[%dma_start3A_501, %dma_start3A_502] : memref<10x80xi32, #tpu.memory_space<vmem>> -> memref<1x80xi32, #tpu.memory_space<vmem>>
      %dma_start3A_504 = tpu.memref_squeeze %dma_start3A_503 : memref<1x80xi32, #tpu.memory_space<vmem>> -> memref<80xi32, #tpu.memory_space<vmem>>
      %dma_start3A_505 = arith.constant 0 : i32
      %dma_start3A_506 = arith.constant 0 : i32
      %dma_start3A_507 = tpu.memref_slice %arg2[%dma_start3A_505, %dma_start3A_506] : memref<20480x128xf32, #tpu.memory_space<hbm>> -> memref<20480x128xf32, #tpu.memory_space<hbm>>
      tpu.enqueue_indirect_dma source(%dma_start3A_507 : memref<20480x128xf32, #tpu.memory_space<hbm>>) target(%arg9 : memref<80x128xf32, #tpu.memory_space<vmem>>) offsets(%dma_start3A_504 : memref<80xi32, #tpu.memory_space<vmem>>) semaphore(%arg12 : memref<!tpu.dma_semaphore, #tpu.memory_space<semaphore_mem>>)
      %dma_wait3A_508 = arith.constant 5 : i32
      %dma_wait3A_509 = arith.constant 0 : i32
      %dma_wait3A_510 = tpu.memref_slice %arg7[%dma_wait3A_508, %dma_wait3A_509] : memref<10x80xi32, #tpu.memory_space<vmem>> -> memref<1x80xi32, #tpu.memory_space<vmem>>
      %dma_wait3A_511 = tpu.memref_squeeze %dma_wait3A_510 : memref<1x80xi32, #tpu.memory_space<vmem>> -> memref<80xi32, #tpu.memory_space<vmem>>
      %dma_wait3A_512 = arith.constant 0 : i32
      %dma_wait3A_513 = arith.constant 0 : i32
      %dma_wait3A_514 = tpu.memref_slice %arg2[%dma_wait3A_512, %dma_wait3A_513] : memref<20480x128xf32, #tpu.memory_space<hbm>> -> memref<20480x128xf32, #tpu.memory_space<hbm>>
      tpu.wait_indirect_dma semaphore(%arg13 : memref<!tpu.dma_semaphore, #tpu.memory_space<semaphore_mem>>) src(%dma_wait3A_514 : memref<20480x128xf32, #tpu.memory_space<hbm>>) dst(%arg10 : memref<80x128xf32, #tpu.memory_space<vmem>>)
      %run_scoped3A_515 = arith.constant 5 : i32
      "tpu.region"() ({
        %run_scoped3A_569 = tpu.sem_alloc : memref<!tpu.dma_semaphore, #tpu.memory_space<semaphore_mem>>
        %dma_start3A_570 = arith.constant 0 : i32
        %dma_start3A_571 = tpu.memref_slice %arg8[%run_scoped3A_515, %dma_start3A_570] : memref<10x80xi32, #tpu.memory_space<vmem>> -> memref<1x80xi32, #tpu.memory_space<vmem>>
        %dma_start3A_572 = tpu.memref_squeeze %dma_start3A_571 : memref<1x80xi32, #tpu.memory_space<vmem>> -> memref<80xi32, #tpu.memory_space<vmem>>
        %dma_start3A_573 = arith.constant 0 : i32
        %dma_start3A_574 = arith.constant 0 : i32
        %dma_start3A_575 = tpu.memref_slice %arg11[%dma_start3A_573, %dma_start3A_574] : memref<10240x128xf32, #tpu.memory_space<vmem_shared>> -> memref<10240x128xf32, #tpu.memory_space<vmem_shared>>
        tpu.enqueue_indirect_dma source(%arg10 : memref<80x128xf32, #tpu.memory_space<vmem>>) target(%dma_start3A_575 : memref<10240x128xf32, #tpu.memory_space<vmem_shared>>) offsets(%dma_start3A_572 : memref<80xi32, #tpu.memory_space<vmem>>) semaphore(%run_scoped3A_569 : memref<!tpu.dma_semaphore, #tpu.memory_space<semaphore_mem>>) {add = true}
        %dma_wait3A_576 = arith.constant 0 : i32
        %dma_wait3A_577 = tpu.memref_slice %arg8[%run_scoped3A_515, %dma_wait3A_576] : memref<10x80xi32, #tpu.memory_space<vmem>> -> memref<1x80xi32, #tpu.memory_space<vmem>>
        %dma_wait3A_578 = tpu.memref_squeeze %dma_wait3A_577 : memref<1x80xi32, #tpu.memory_space<vmem>> -> memref<80xi32, #tpu.memory_space<vmem>>
        %dma_wait3A_579 = arith.constant 0 : i32
        %dma_wait3A_580 = arith.constant 0 : i32
        %dma_wait3A_581 = tpu.memref_slice %arg11[%dma_wait3A_579, %dma_wait3A_580] : memref<10240x128xf32, #tpu.memory_space<vmem_shared>> -> memref<10240x128xf32, #tpu.memory_space<vmem_shared>>
        tpu.wait_indirect_dma semaphore(%run_scoped3A_569 : memref<!tpu.dma_semaphore, #tpu.memory_space<semaphore_mem>>) src(%arg10 : memref<80x128xf32, #tpu.memory_space<vmem>>) dst(%dma_wait3A_581 : memref<10240x128xf32, #tpu.memory_space<vmem_shared>>)
        tpu.yield
      }) : () -> ()
      %dma_start3A_516 = arith.constant 7 : i32
      %dma_start3A_517 = arith.constant 0 : i32
      %dma_start3A_518 = tpu.memref_slice %arg7[%dma_start3A_516, %dma_start3A_517] : memref<10x80xi32, #tpu.memory_space<vmem>> -> memref<1x80xi32, #tpu.memory_space<vmem>>
      %dma_start3A_519 = tpu.memref_squeeze %dma_start3A_518 : memref<1x80xi32, #tpu.memory_space<vmem>> -> memref<80xi32, #tpu.memory_space<vmem>>
      %dma_start3A_520 = arith.constant 0 : i32
      %dma_start3A_521 = arith.constant 0 : i32
      %dma_start3A_522 = tpu.memref_slice %arg2[%dma_start3A_520, %dma_start3A_521] : memref<20480x128xf32, #tpu.memory_space<hbm>> -> memref<20480x128xf32, #tpu.memory_space<hbm>>
      tpu.enqueue_indirect_dma source(%dma_start3A_522 : memref<20480x128xf32, #tpu.memory_space<hbm>>) target(%arg10 : memref<80x128xf32, #tpu.memory_space<vmem>>) offsets(%dma_start3A_519 : memref<80xi32, #tpu.memory_space<vmem>>) semaphore(%arg13 : memref<!tpu.dma_semaphore, #tpu.memory_space<semaphore_mem>>)
      %dma_wait3A_523 = arith.constant 6 : i32
      %dma_wait3A_524 = arith.constant 0 : i32
      %dma_wait3A_525 = tpu.memref_slice %arg7[%dma_wait3A_523, %dma_wait3A_524] : memref<10x80xi32, #tpu.memory_space<vmem>> -> memref<1x80xi32, #tpu.memory_space<vmem>>
      %dma_wait3A_526 = tpu.memref_squeeze %dma_wait3A_525 : memref<1x80xi32, #tpu.memory_space<vmem>> -> memref<80xi32, #tpu.memory_space<vmem>>
      %dma_wait3A_527 = arith.constant 0 : i32
      %dma_wait3A_528 = arith.constant 0 : i32
      %dma_wait3A_529 = tpu.memref_slice %arg2[%dma_wait3A_527, %dma_wait3A_528] : memref<20480x128xf32, #tpu.memory_space<hbm>> -> memref<20480x128xf32, #tpu.memory_space<hbm>>
      tpu.wait_indirect_dma semaphore(%arg12 : memref<!tpu.dma_semaphore, #tpu.memory_space<semaphore_mem>>) src(%dma_wait3A_529 : memref<20480x128xf32, #tpu.memory_space<hbm>>) dst(%arg9 : memref<80x128xf32, #tpu.memory_space<vmem>>)
      %run_scoped3A_530 = arith.constant 6 : i32
      "tpu.region"() ({
        %run_scoped3A_569 = tpu.sem_alloc : memref<!tpu.dma_semaphore, #tpu.memory_space<semaphore_mem>>
        %dma_start3A_570 = arith.constant 0 : i32
        %dma_start3A_571 = tpu.memref_slice %arg8[%run_scoped3A_530, %dma_start3A_570] : memref<10x80xi32, #tpu.memory_space<vmem>> -> memref<1x80xi32, #tpu.memory_space<vmem>>
        %dma_start3A_572 = tpu.memref_squeeze %dma_start3A_571 : memref<1x80xi32, #tpu.memory_space<vmem>> -> memref<80xi32, #tpu.memory_space<vmem>>
        %dma_start3A_573 = arith.constant 0 : i32
        %dma_start3A_574 = arith.constant 0 : i32
        %dma_start3A_575 = tpu.memref_slice %arg11[%dma_start3A_573, %dma_start3A_574] : memref<10240x128xf32, #tpu.memory_space<vmem_shared>> -> memref<10240x128xf32, #tpu.memory_space<vmem_shared>>
        tpu.enqueue_indirect_dma source(%arg9 : memref<80x128xf32, #tpu.memory_space<vmem>>) target(%dma_start3A_575 : memref<10240x128xf32, #tpu.memory_space<vmem_shared>>) offsets(%dma_start3A_572 : memref<80xi32, #tpu.memory_space<vmem>>) semaphore(%run_scoped3A_569 : memref<!tpu.dma_semaphore, #tpu.memory_space<semaphore_mem>>) {add = true}
        %dma_wait3A_576 = arith.constant 0 : i32
        %dma_wait3A_577 = tpu.memref_slice %arg8[%run_scoped3A_530, %dma_wait3A_576] : memref<10x80xi32, #tpu.memory_space<vmem>> -> memref<1x80xi32, #tpu.memory_space<vmem>>
        %dma_wait3A_578 = tpu.memref_squeeze %dma_wait3A_577 : memref<1x80xi32, #tpu.memory_space<vmem>> -> memref<80xi32, #tpu.memory_space<vmem>>
        %dma_wait3A_579 = arith.constant 0 : i32
        %dma_wait3A_580 = arith.constant 0 : i32
        %dma_wait3A_581 = tpu.memref_slice %arg11[%dma_wait3A_579, %dma_wait3A_580] : memref<10240x128xf32, #tpu.memory_space<vmem_shared>> -> memref<10240x128xf32, #tpu.memory_space<vmem_shared>>
        tpu.wait_indirect_dma semaphore(%run_scoped3A_569 : memref<!tpu.dma_semaphore, #tpu.memory_space<semaphore_mem>>) src(%arg9 : memref<80x128xf32, #tpu.memory_space<vmem>>) dst(%dma_wait3A_581 : memref<10240x128xf32, #tpu.memory_space<vmem_shared>>)
        tpu.yield
      }) : () -> ()
      %dma_start3A_531 = arith.constant 8 : i32
      %dma_start3A_532 = arith.constant 0 : i32
      %dma_start3A_533 = tpu.memref_slice %arg7[%dma_start3A_531, %dma_start3A_532] : memref<10x80xi32, #tpu.memory_space<vmem>> -> memref<1x80xi32, #tpu.memory_space<vmem>>
      %dma_start3A_534 = tpu.memref_squeeze %dma_start3A_533 : memref<1x80xi32, #tpu.memory_space<vmem>> -> memref<80xi32, #tpu.memory_space<vmem>>
      %dma_start3A_535 = arith.constant 0 : i32
      %dma_start3A_536 = arith.constant 0 : i32
      %dma_start3A_537 = tpu.memref_slice %arg2[%dma_start3A_535, %dma_start3A_536] : memref<20480x128xf32, #tpu.memory_space<hbm>> -> memref<20480x128xf32, #tpu.memory_space<hbm>>
      tpu.enqueue_indirect_dma source(%dma_start3A_537 : memref<20480x128xf32, #tpu.memory_space<hbm>>) target(%arg9 : memref<80x128xf32, #tpu.memory_space<vmem>>) offsets(%dma_start3A_534 : memref<80xi32, #tpu.memory_space<vmem>>) semaphore(%arg12 : memref<!tpu.dma_semaphore, #tpu.memory_space<semaphore_mem>>)
      %dma_wait3A_538 = arith.constant 7 : i32
      %dma_wait3A_539 = arith.constant 0 : i32
      %dma_wait3A_540 = tpu.memref_slice %arg7[%dma_wait3A_538, %dma_wait3A_539] : memref<10x80xi32, #tpu.memory_space<vmem>> -> memref<1x80xi32, #tpu.memory_space<vmem>>
      %dma_wait3A_541 = tpu.memref_squeeze %dma_wait3A_540 : memref<1x80xi32, #tpu.memory_space<vmem>> -> memref<80xi32, #tpu.memory_space<vmem>>
      %dma_wait3A_542 = arith.constant 0 : i32
      %dma_wait3A_543 = arith.constant 0 : i32
      %dma_wait3A_544 = tpu.memref_slice %arg2[%dma_wait3A_542, %dma_wait3A_543] : memref<20480x128xf32, #tpu.memory_space<hbm>> -> memref<20480x128xf32, #tpu.memory_space<hbm>>
      tpu.wait_indirect_dma semaphore(%arg13 : memref<!tpu.dma_semaphore, #tpu.memory_space<semaphore_mem>>) src(%dma_wait3A_544 : memref<20480x128xf32, #tpu.memory_space<hbm>>) dst(%arg10 : memref<80x128xf32, #tpu.memory_space<vmem>>)
      %run_scoped3A_545 = arith.constant 7 : i32
      "tpu.region"() ({
        %run_scoped3A_569 = tpu.sem_alloc : memref<!tpu.dma_semaphore, #tpu.memory_space<semaphore_mem>>
        %dma_start3A_570 = arith.constant 0 : i32
        %dma_start3A_571 = tpu.memref_slice %arg8[%run_scoped3A_545, %dma_start3A_570] : memref<10x80xi32, #tpu.memory_space<vmem>> -> memref<1x80xi32, #tpu.memory_space<vmem>>
        %dma_start3A_572 = tpu.memref_squeeze %dma_start3A_571 : memref<1x80xi32, #tpu.memory_space<vmem>> -> memref<80xi32, #tpu.memory_space<vmem>>
        %dma_start3A_573 = arith.constant 0 : i32
        %dma_start3A_574 = arith.constant 0 : i32
        %dma_start3A_575 = tpu.memref_slice %arg11[%dma_start3A_573, %dma_start3A_574] : memref<10240x128xf32, #tpu.memory_space<vmem_shared>> -> memref<10240x128xf32, #tpu.memory_space<vmem_shared>>
        tpu.enqueue_indirect_dma source(%arg10 : memref<80x128xf32, #tpu.memory_space<vmem>>) target(%dma_start3A_575 : memref<10240x128xf32, #tpu.memory_space<vmem_shared>>) offsets(%dma_start3A_572 : memref<80xi32, #tpu.memory_space<vmem>>) semaphore(%run_scoped3A_569 : memref<!tpu.dma_semaphore, #tpu.memory_space<semaphore_mem>>) {add = true}
        %dma_wait3A_576 = arith.constant 0 : i32
        %dma_wait3A_577 = tpu.memref_slice %arg8[%run_scoped3A_545, %dma_wait3A_576] : memref<10x80xi32, #tpu.memory_space<vmem>> -> memref<1x80xi32, #tpu.memory_space<vmem>>
        %dma_wait3A_578 = tpu.memref_squeeze %dma_wait3A_577 : memref<1x80xi32, #tpu.memory_space<vmem>> -> memref<80xi32, #tpu.memory_space<vmem>>
        %dma_wait3A_579 = arith.constant 0 : i32
        %dma_wait3A_580 = arith.constant 0 : i32
        %dma_wait3A_581 = tpu.memref_slice %arg11[%dma_wait3A_579, %dma_wait3A_580] : memref<10240x128xf32, #tpu.memory_space<vmem_shared>> -> memref<10240x128xf32, #tpu.memory_space<vmem_shared>>
        tpu.wait_indirect_dma semaphore(%run_scoped3A_569 : memref<!tpu.dma_semaphore, #tpu.memory_space<semaphore_mem>>) src(%arg10 : memref<80x128xf32, #tpu.memory_space<vmem>>) dst(%dma_wait3A_581 : memref<10240x128xf32, #tpu.memory_space<vmem_shared>>)
        tpu.yield
      }) : () -> ()
      %dma_start3A_546 = arith.constant 9 : i32
      %dma_start3A_547 = arith.constant 0 : i32
      %dma_start3A_548 = tpu.memref_slice %arg7[%dma_start3A_546, %dma_start3A_547] : memref<10x80xi32, #tpu.memory_space<vmem>> -> memref<1x80xi32, #tpu.memory_space<vmem>>
      %dma_start3A_549 = tpu.memref_squeeze %dma_start3A_548 : memref<1x80xi32, #tpu.memory_space<vmem>> -> memref<80xi32, #tpu.memory_space<vmem>>
      %dma_start3A_550 = arith.constant 0 : i32
      %dma_start3A_551 = arith.constant 0 : i32
      %dma_start3A_552 = tpu.memref_slice %arg2[%dma_start3A_550, %dma_start3A_551] : memref<20480x128xf32, #tpu.memory_space<hbm>> -> memref<20480x128xf32, #tpu.memory_space<hbm>>
      tpu.enqueue_indirect_dma source(%dma_start3A_552 : memref<20480x128xf32, #tpu.memory_space<hbm>>) target(%arg10 : memref<80x128xf32, #tpu.memory_space<vmem>>) offsets(%dma_start3A_549 : memref<80xi32, #tpu.memory_space<vmem>>) semaphore(%arg13 : memref<!tpu.dma_semaphore, #tpu.memory_space<semaphore_mem>>)
      %dma_wait3A_553 = arith.constant 8 : i32
      %dma_wait3A_554 = arith.constant 0 : i32
      %dma_wait3A_555 = tpu.memref_slice %arg7[%dma_wait3A_553, %dma_wait3A_554] : memref<10x80xi32, #tpu.memory_space<vmem>> -> memref<1x80xi32, #tpu.memory_space<vmem>>
      %dma_wait3A_556 = tpu.memref_squeeze %dma_wait3A_555 : memref<1x80xi32, #tpu.memory_space<vmem>> -> memref<80xi32, #tpu.memory_space<vmem>>
      %dma_wait3A_557 = arith.constant 0 : i32
      %dma_wait3A_558 = arith.constant 0 : i32
      %dma_wait3A_559 = tpu.memref_slice %arg2[%dma_wait3A_557, %dma_wait3A_558] : memref<20480x128xf32, #tpu.memory_space<hbm>> -> memref<20480x128xf32, #tpu.memory_space<hbm>>
      tpu.wait_indirect_dma semaphore(%arg12 : memref<!tpu.dma_semaphore, #tpu.memory_space<semaphore_mem>>) src(%dma_wait3A_559 : memref<20480x128xf32, #tpu.memory_space<hbm>>) dst(%arg9 : memref<80x128xf32, #tpu.memory_space<vmem>>)
      %run_scoped3A_560 = arith.constant 8 : i32
      "tpu.region"() ({
        %run_scoped3A_569 = tpu.sem_alloc : memref<!tpu.dma_semaphore, #tpu.memory_space<semaphore_mem>>
        %dma_start3A_570 = arith.constant 0 : i32
        %dma_start3A_571 = tpu.memref_slice %arg8[%run_scoped3A_560, %dma_start3A_570] : memref<10x80xi32, #tpu.memory_space<vmem>> -> memref<1x80xi32, #tpu.memory_space<vmem>>
        %dma_start3A_572 = tpu.memref_squeeze %dma_start3A_571 : memref<1x80xi32, #tpu.memory_space<vmem>> -> memref<80xi32, #tpu.memory_space<vmem>>
        %dma_start3A_573 = arith.constant 0 : i32
        %dma_start3A_574 = arith.constant 0 : i32
        %dma_start3A_575 = tpu.memref_slice %arg11[%dma_start3A_573, %dma_start3A_574] : memref<10240x128xf32, #tpu.memory_space<vmem_shared>> -> memref<10240x128xf32, #tpu.memory_space<vmem_shared>>
        tpu.enqueue_indirect_dma source(%arg9 : memref<80x128xf32, #tpu.memory_space<vmem>>) target(%dma_start3A_575 : memref<10240x128xf32, #tpu.memory_space<vmem_shared>>) offsets(%dma_start3A_572 : memref<80xi32, #tpu.memory_space<vmem>>) semaphore(%run_scoped3A_569 : memref<!tpu.dma_semaphore, #tpu.memory_space<semaphore_mem>>) {add = true}
        %dma_wait3A_576 = arith.constant 0 : i32
        %dma_wait3A_577 = tpu.memref_slice %arg8[%run_scoped3A_560, %dma_wait3A_576] : memref<10x80xi32, #tpu.memory_space<vmem>> -> memref<1x80xi32, #tpu.memory_space<vmem>>
        %dma_wait3A_578 = tpu.memref_squeeze %dma_wait3A_577 : memref<1x80xi32, #tpu.memory_space<vmem>> -> memref<80xi32, #tpu.memory_space<vmem>>
        %dma_wait3A_579 = arith.constant 0 : i32
        %dma_wait3A_580 = arith.constant 0 : i32
        %dma_wait3A_581 = tpu.memref_slice %arg11[%dma_wait3A_579, %dma_wait3A_580] : memref<10240x128xf32, #tpu.memory_space<vmem_shared>> -> memref<10240x128xf32, #tpu.memory_space<vmem_shared>>
        tpu.wait_indirect_dma semaphore(%run_scoped3A_569 : memref<!tpu.dma_semaphore, #tpu.memory_space<semaphore_mem>>) src(%arg9 : memref<80x128xf32, #tpu.memory_space<vmem>>) dst(%dma_wait3A_581 : memref<10240x128xf32, #tpu.memory_space<vmem_shared>>)
        tpu.yield
      }) : () -> ()
      %dma_wait3A_561 = arith.constant 9 : i32
      %dma_wait3A_562 = arith.constant 0 : i32
      %dma_wait3A_563 = tpu.memref_slice %arg7[%dma_wait3A_561, %dma_wait3A_562] : memref<10x80xi32, #tpu.memory_space<vmem>> -> memref<1x80xi32, #tpu.memory_space<vmem>>
      %dma_wait3A_564 = tpu.memref_squeeze %dma_wait3A_563 : memref<1x80xi32, #tpu.memory_space<vmem>> -> memref<80xi32, #tpu.memory_space<vmem>>
      %dma_wait3A_565 = arith.constant 0 : i32
      %dma_wait3A_566 = arith.constant 0 : i32
      %dma_wait3A_567 = tpu.memref_slice %arg2[%dma_wait3A_565, %dma_wait3A_566] : memref<20480x128xf32, #tpu.memory_space<hbm>> -> memref<20480x128xf32, #tpu.memory_space<hbm>>
      tpu.wait_indirect_dma semaphore(%arg13 : memref<!tpu.dma_semaphore, #tpu.memory_space<semaphore_mem>>) src(%dma_wait3A_567 : memref<20480x128xf32, #tpu.memory_space<hbm>>) dst(%arg10 : memref<80x128xf32, #tpu.memory_space<vmem>>)
      %run_scoped3A_568 = arith.constant 9 : i32
      "tpu.region"() ({
        %run_scoped3A_569 = tpu.sem_alloc : memref<!tpu.dma_semaphore, #tpu.memory_space<semaphore_mem>>
        %dma_start3A_570 = arith.constant 0 : i32
        %dma_start3A_571 = tpu.memref_slice %arg8[%run_scoped3A_568, %dma_start3A_570] : memref<10x80xi32, #tpu.memory_space<vmem>> -> memref<1x80xi32, #tpu.memory_space<vmem>>
        %dma_start3A_572 = tpu.memref_squeeze %dma_start3A_571 : memref<1x80xi32, #tpu.memory_space<vmem>> -> memref<80xi32, #tpu.memory_space<vmem>>
        %dma_start3A_573 = arith.constant 0 : i32
        %dma_start3A_574 = arith.constant 0 : i32
        %dma_start3A_575 = tpu.memref_slice %arg11[%dma_start3A_573, %dma_start3A_574] : memref<10240x128xf32, #tpu.memory_space<vmem_shared>> -> memref<10240x128xf32, #tpu.memory_space<vmem_shared>>
        tpu.enqueue_indirect_dma source(%arg10 : memref<80x128xf32, #tpu.memory_space<vmem>>) target(%dma_start3A_575 : memref<10240x128xf32, #tpu.memory_space<vmem_shared>>) offsets(%dma_start3A_572 : memref<80xi32, #tpu.memory_space<vmem>>) semaphore(%run_scoped3A_569 : memref<!tpu.dma_semaphore, #tpu.memory_space<semaphore_mem>>) {add = true}
        %dma_wait3A_576 = arith.constant 0 : i32
        %dma_wait3A_577 = tpu.memref_slice %arg8[%run_scoped3A_568, %dma_wait3A_576] : memref<10x80xi32, #tpu.memory_space<vmem>> -> memref<1x80xi32, #tpu.memory_space<vmem>>
        %dma_wait3A_578 = tpu.memref_squeeze %dma_wait3A_577 : memref<1x80xi32, #tpu.memory_space<vmem>> -> memref<80xi32, #tpu.memory_space<vmem>>
        %dma_wait3A_579 = arith.constant 0 : i32
        %dma_wait3A_580 = arith.constant 0 : i32
        %dma_wait3A_581 = tpu.memref_slice %arg11[%dma_wait3A_579, %dma_wait3A_580] : memref<10240x128xf32, #tpu.memory_space<vmem_shared>> -> memref<10240x128xf32, #tpu.memory_space<vmem_shared>>
        tpu.wait_indirect_dma semaphore(%run_scoped3A_569 : memref<!tpu.dma_semaphore, #tpu.memory_space<semaphore_mem>>) src(%arg10 : memref<80x128xf32, #tpu.memory_space<vmem>>) dst(%dma_wait3A_581 : memref<10240x128xf32, #tpu.memory_space<vmem_shared>>)
        tpu.yield
      }) : () -> ()
    }
    %scan3A_9 = arith.constant 25 : i32
    %barrier3A_10 = arith.constant 0 : index
    tpu.barrier barrier_id(%barrier3A_10)
    %mul3A_11 = arith.constant 640 : i32
    %mul3A_12 = arith.muli %arg1, %mul3A_11 : i32
    %mul3A_13 = arith.constant 10240 : i32
    %mul3A_14 = arith.muli %arg0, %mul3A_13 : i32
    %mul3A_15 = arith.constant 640 : i32
    %mul3A_16 = arith.muli %arg1, %mul3A_15 : i32
    %add3A_17 = arith.addi %mul3A_14, %mul3A_16 : i32
    "tpu.region"() ({
      %run_scoped3A = tpu.sem_alloc : memref<!tpu.dma_semaphore, #tpu.memory_space<semaphore_mem>>
      %dma_start3A = arith.constant 0 : i32
      %dma_start3A_18 = tpu.memref_slice %arg6[%add3A_17, %dma_start3A] : memref<20480x128xf32, #tpu.memory_space<hbm>> -> memref<640x128xf32, #tpu.memory_space<hbm>>
      %dma_start3A_19 = arith.constant 0 : i32
      %dma_start3A_20 = tpu.memref_slice %arg11[%mul3A_12, %dma_start3A_19] : memref<10240x128xf32, #tpu.memory_space<vmem_shared>> -> memref<640x128xf32, #tpu.memory_space<vmem_shared>>
      tpu.enqueue_dma source(%dma_start3A_20 : memref<640x128xf32, #tpu.memory_space<vmem_shared>>) target(%dma_start3A_18 : memref<640x128xf32, #tpu.memory_space<hbm>>) target_semaphore(%run_scoped3A : memref<!tpu.dma_semaphore, #tpu.memory_space<semaphore_mem>>)
      %dma_wait3A = arith.constant 0 : i32
      %dma_wait3A_21 = tpu.memref_slice %arg6[%add3A_17, %dma_wait3A] : memref<20480x128xf32, #tpu.memory_space<hbm>> -> memref<640x128xf32, #tpu.memory_space<hbm>>
      %dma_wait3A_22 = arith.constant 0 : i32
      %dma_wait3A_23 = tpu.memref_slice %arg11[%mul3A_12, %dma_wait3A_22] : memref<10240x128xf32, #tpu.memory_space<vmem_shared>> -> memref<640x128xf32, #tpu.memory_space<vmem_shared>>
      tpu.wait_dma2 semaphore(%run_scoped3A : memref<!tpu.dma_semaphore, #tpu.memory_space<semaphore_mem>>) src(%dma_wait3A_23 : memref<640x128xf32, #tpu.memory_space<vmem_shared>>) dst(%dma_wait3A_21 : memref<640x128xf32, #tpu.memory_space<hbm>>)
      tpu.yield
    }) : () -> ()
    return
  }
}

module attributes {stable_mosaic.version = 14 : i64} {
  func.func @_tc_pre_body(%arg0: i32, %arg1: memref<2048x128xf32, #tpu.memory_space<vmem>>, %arg2: memref<2048x128xf32, #tpu.memory_space<vmem>>, %arg3: memref<128x128xf32, #tpu.memory_space<vmem>>, %arg4: memref<1x128xf32, #tpu.memory_space<vmem>>, %arg5: memref<128x128xf32, #tpu.memory_space<vmem>>, %arg6: memref<2048x128xf32, #tpu.memory_space<vmem>>, %arg7: memref<2048x8xf32, #tpu.memory_space<vmem>>) attributes {dimension_semantics = [#tpu.dimension_semantics<arbitrary>], iteration_bounds = array<i64: 10>, scalar_prefetch = 0 : i64, scratch_operands = 0 : i64, tpu.core_type = #tpu.core_type<tc>, window_params = [{transform_indices = @transform_0, window_bounds = array<i64: 2048, 128>}, {transform_indices = @transform_1, window_bounds = array<i64: 2048, 128>}, {pipeline_mode = #tpu.pipeline_mode<synchronous>, transform_indices = @transform_2, window_bounds = array<i64: 128, 128>}, {pipeline_mode = #tpu.pipeline_mode<synchronous>, transform_indices = @transform_3, window_bounds = array<i64: 1, 128>}, {pipeline_mode = #tpu.pipeline_mode<synchronous>, transform_indices = @transform_4, window_bounds = array<i64: 128, 128>}, {transform_indices = @transform_5, window_bounds = array<i64: 2048, 128>}, {transform_indices = @transform_6, window_bounds = array<i64: 2048, 8>}]} {
    %get3A = arith.constant 0 : index
    %get3A_0 = arith.constant 0 : index
    %get3A_1 = vector.load %arg1[%get3A, %get3A_0] : memref<2048x128xf32, #tpu.memory_space<vmem>>, vector<2048x128xf32>
    %get3A_2 = arith.constant 0 : index
    %get3A_3 = arith.constant 0 : index
    %get3A_4 = vector.load %arg3[%get3A_2, %get3A_3] : memref<128x128xf32, #tpu.memory_space<vmem>>, vector<128x128xf32>
    %dot_general3A = arith.constant dense<0.000000e+00> : vector<2048x128xf32>
    %dot_general3A_5 = tpu.matmul %get3A_1, %get3A_4, %dot_general3A {dimension_numbers = #tpu.dot_dimension_numbers<[1], [0], [0], [1], [0, 0, 1, 1], [], []>, transpose_lhs_hint = false} : vector<2048x128xf32>, vector<128x128xf32>, vector<2048x128xf32> -> vector<2048x128xf32>
    %get3A_6 = arith.constant 0 : index
    %get3A_7 = arith.constant 0 : index
    %get3A_8 = vector.load %arg4[%get3A_6, %get3A_7] : memref<1x128xf32, #tpu.memory_space<vmem>>, vector<1x128xf32>
    %add3A = vector.broadcast %get3A_8 : vector<1x128xf32> to vector<2048x128xf32>
    %add3A_9 = arith.addf %dot_general3A_5, %add3A : vector<2048x128xf32>
    %get3A_10 = arith.constant 0 : index
    %get3A_11 = arith.constant 0 : index
    %get3A_12 = vector.load %arg5[%get3A_10, %get3A_11] : memref<128x128xf32, #tpu.memory_space<vmem>>, vector<128x128xf32>
    %dot_general3A_13 = arith.constant dense<0.000000e+00> : vector<2048x128xf32>
    %dot_general3A_14 = tpu.matmul %add3A_9, %get3A_12, %dot_general3A_13 {dimension_numbers = #tpu.dot_dimension_numbers<[1], [0], [0], [1], [0, 0, 1, 1], [], []>, transpose_lhs_hint = false} : vector<2048x128xf32>, vector<128x128xf32>, vector<2048x128xf32> -> vector<2048x128xf32>
    %get3A_15 = arith.constant 0 : index
    %get3A_16 = arith.constant 0 : index
    %get3A_17 = vector.load %arg2[%get3A_15, %get3A_16] : memref<2048x128xf32, #tpu.memory_space<vmem>>, vector<2048x128xf32>
    %slice3A = vector.extract_strided_slice %get3A_17 {offsets = [0, 0], sizes = [2048, 8], strides = [1, 1]} : vector<2048x128xf32> to vector<2048x8xf32>
    %add3A_18 = arith.constant 1.000000e+00 : f32
    %add3A_19 = vector.broadcast %add3A_18 : f32 to vector<2048x8xf32>
    %add3A_20 = arith.addf %slice3A, %add3A_19 : vector<2048x8xf32>
    %rsqrt3A = math.rsqrt %add3A_20 : vector<2048x8xf32>
    %swap3A = arith.constant 0 : index
    %swap3A_21 = arith.constant 0 : index
    %swap3A_22 = vector.load %arg7[%swap3A, %swap3A_21] : memref<2048x8xf32, #tpu.memory_space<vmem>>, vector<2048x8xf32>
    tpu.vector_store %arg7[%swap3A, %swap3A_21], %rsqrt3A {strides = array<i32>} : memref<2048x8xf32, #tpu.memory_space<vmem>>, vector<2048x8xf32>,
    %slice3A_23 = vector.extract_strided_slice %rsqrt3A {offsets = [0, 0], sizes = [2048, 1], strides = [1, 1]} : vector<2048x8xf32> to vector<2048x1xf32>
    %mul3A = vector.broadcast %slice3A_23 : vector<2048x1xf32> to vector<2048x128xf32>
    %mul3A_24 = arith.mulf %dot_general3A_14, %mul3A : vector<2048x128xf32>
    %swap3A_25 = arith.constant 0 : index
    %swap3A_26 = arith.constant 0 : index
    %swap3A_27 = vector.load %arg6[%swap3A_25, %swap3A_26] : memref<2048x128xf32, #tpu.memory_space<vmem>>, vector<2048x128xf32>
    tpu.vector_store %arg6[%swap3A_25, %swap3A_26], %mul3A_24 {strides = array<i32>} : memref<2048x128xf32, #tpu.memory_space<vmem>>, vector<2048x128xf32>,
    return
  }
  func.func @transform_0(%arg0: i32) -> (i32, i32) {
    %c0_i32 = arith.constant 0 : i32
    %c0_i32_0 = arith.constant 0 : i32
    return %arg0, %c0_i32 : i32, i32
  }
  func.func @transform_1(%arg0: i32) -> (i32, i32) {
    %c0_i32 = arith.constant 0 : i32
    %c0_i32_0 = arith.constant 0 : i32
    return %arg0, %c0_i32 : i32, i32
  }
  func.func @transform_2(%arg0: i32) -> (i32, i32) {
    %c0_i32 = arith.constant 0 : i32
    %c0_i32_0 = arith.constant 0 : i32
    %c0_i32_1 = arith.constant 0 : i32
    return %c0_i32, %c0_i32_0 : i32, i32
  }
  func.func @transform_3(%arg0: i32) -> (i32, i32) {
    %c0_i32 = arith.constant 0 : i32
    %c0_i32_0 = arith.constant 0 : i32
    %c0_i32_1 = arith.constant 0 : i32
    return %c0_i32, %c0_i32_0 : i32, i32
  }
  func.func @transform_4(%arg0: i32) -> (i32, i32) {
    %c0_i32 = arith.constant 0 : i32
    %c0_i32_0 = arith.constant 0 : i32
    %c0_i32_1 = arith.constant 0 : i32
    return %c0_i32, %c0_i32_0 : i32, i32
  }
  func.func @transform_5(%arg0: i32) -> (i32, i32) {
    %c0_i32 = arith.constant 0 : i32
    %c0_i32_0 = arith.constant 0 : i32
    return %arg0, %c0_i32 : i32, i32
  }
  func.func @transform_6(%arg0: i32) -> (i32, i32) {
    %c0_i32 = arith.constant 0 : i32
    %c0_i32_0 = arith.constant 0 : i32
    return %arg0, %c0_i32 : i32, i32
  }
}

module attributes {stable_mosaic.version = 14 : i64} {
  func.func @_tc_mid_body(%arg0: i32, %arg1: memref<2048x128xf32, #tpu.memory_space<vmem>>, %arg2: memref<2048x128xf32, #tpu.memory_space<vmem>>, %arg3: memref<2048x8xf32, #tpu.memory_space<vmem>>, %arg4: memref<1x128xf32, #tpu.memory_space<vmem>>, %arg5: memref<128x128xf32, #tpu.memory_space<vmem>>, %arg6: memref<2048x128xf32, #tpu.memory_space<vmem>>) attributes {dimension_semantics = [#tpu.dimension_semantics<arbitrary>], iteration_bounds = array<i64: 10>, scalar_prefetch = 0 : i64, scratch_operands = 0 : i64, tpu.core_type = #tpu.core_type<tc>, window_params = [{transform_indices = @transform_0, window_bounds = array<i64: 2048, 128>}, {transform_indices = @transform_1, window_bounds = array<i64: 2048, 128>}, {transform_indices = @transform_2, window_bounds = array<i64: 2048, 8>}, {pipeline_mode = #tpu.pipeline_mode<synchronous>, transform_indices = @transform_3, window_bounds = array<i64: 1, 128>}, {pipeline_mode = #tpu.pipeline_mode<synchronous>, transform_indices = @transform_4, window_bounds = array<i64: 128, 128>}, {transform_indices = @transform_5, window_bounds = array<i64: 2048, 128>}]} {
    %get3A = arith.constant 0 : index
    %get3A_0 = arith.constant 0 : index
    %get3A_1 = vector.load %arg3[%get3A, %get3A_0] : memref<2048x8xf32, #tpu.memory_space<vmem>>, vector<2048x8xf32>
    %slice3A = vector.extract_strided_slice %get3A_1 {offsets = [0, 0], sizes = [2048, 1], strides = [1, 1]} : vector<2048x8xf32> to vector<2048x1xf32>
    %get3A_2 = arith.constant 0 : index
    %get3A_3 = arith.constant 0 : index
    %get3A_4 = vector.load %arg1[%get3A_2, %get3A_3] : memref<2048x128xf32, #tpu.memory_space<vmem>>, vector<2048x128xf32>
    %get3A_5 = arith.constant 0 : index
    %get3A_6 = arith.constant 0 : index
    %get3A_7 = vector.load %arg2[%get3A_5, %get3A_6] : memref<2048x128xf32, #tpu.memory_space<vmem>>, vector<2048x128xf32>
    %add3A = arith.addf %get3A_4, %get3A_7 : vector<2048x128xf32>
    %mul3A = vector.broadcast %slice3A : vector<2048x1xf32> to vector<2048x128xf32>
    %mul3A_8 = arith.mulf %mul3A, %add3A : vector<2048x128xf32>
    %get3A_9 = arith.constant 0 : index
    %get3A_10 = arith.constant 0 : index
    %get3A_11 = vector.load %arg4[%get3A_9, %get3A_10] : memref<1x128xf32, #tpu.memory_space<vmem>>, vector<1x128xf32>
    %add3A_12 = vector.broadcast %get3A_11 : vector<1x128xf32> to vector<2048x128xf32>
    %add3A_13 = arith.addf %mul3A_8, %add3A_12 : vector<2048x128xf32>
    %get3A_14 = arith.constant 0 : index
    %get3A_15 = arith.constant 0 : index
    %get3A_16 = vector.load %arg5[%get3A_14, %get3A_15] : memref<128x128xf32, #tpu.memory_space<vmem>>, vector<128x128xf32>
    %dot_general3A = arith.constant dense<0.000000e+00> : vector<2048x128xf32>
    %dot_general3A_17 = tpu.matmul %add3A_13, %get3A_16, %dot_general3A {dimension_numbers = #tpu.dot_dimension_numbers<[1], [0], [0], [1], [0, 0, 1, 1], [], []>, transpose_lhs_hint = false} : vector<2048x128xf32>, vector<128x128xf32>, vector<2048x128xf32> -> vector<2048x128xf32>
    %mul3A_18 = vector.broadcast %slice3A : vector<2048x1xf32> to vector<2048x128xf32>
    %mul3A_19 = arith.mulf %dot_general3A_17, %mul3A_18 : vector<2048x128xf32>
    %swap3A = arith.constant 0 : index
    %swap3A_20 = arith.constant 0 : index
    %swap3A_21 = vector.load %arg6[%swap3A, %swap3A_20] : memref<2048x128xf32, #tpu.memory_space<vmem>>, vector<2048x128xf32>
    tpu.vector_store %arg6[%swap3A, %swap3A_20], %mul3A_19 {strides = array<i32>} : memref<2048x128xf32, #tpu.memory_space<vmem>>, vector<2048x128xf32>,
    return
  }
  func.func @transform_0(%arg0: i32) -> (i32, i32) {
    %c0_i32 = arith.constant 0 : i32
    %c0_i32_0 = arith.constant 0 : i32
    return %arg0, %c0_i32 : i32, i32
  }
  func.func @transform_1(%arg0: i32) -> (i32, i32) {
    %c0_i32 = arith.constant 0 : i32
    %c0_i32_0 = arith.constant 0 : i32
    return %arg0, %c0_i32 : i32, i32
  }
  func.func @transform_2(%arg0: i32) -> (i32, i32) {
    %c0_i32 = arith.constant 0 : i32
    %c0_i32_0 = arith.constant 0 : i32
    return %arg0, %c0_i32 : i32, i32
  }
  func.func @transform_3(%arg0: i32) -> (i32, i32) {
    %c0_i32 = arith.constant 0 : i32
    %c0_i32_0 = arith.constant 0 : i32
    %c0_i32_1 = arith.constant 0 : i32
    return %c0_i32, %c0_i32_0 : i32, i32
  }
  func.func @transform_4(%arg0: i32) -> (i32, i32) {
    %c0_i32 = arith.constant 0 : i32
    %c0_i32_0 = arith.constant 0 : i32
    %c0_i32_1 = arith.constant 0 : i32
    return %c0_i32, %c0_i32_0 : i32, i32
  }
  func.func @transform_5(%arg0: i32) -> (i32, i32) {
    %c0_i32 = arith.constant 0 : i32
    %c0_i32_0 = arith.constant 0 : i32
    return %arg0, %c0_i32 : i32, i32
  }
}

module attributes {stable_mosaic.version = 14 : i64} {
  func.func @_tc_pool_body(%arg0: i32, %arg1: memref<2000x128xf32, #tpu.memory_space<vmem>>, %arg2: memref<2000x128xf32, #tpu.memory_space<vmem>>, %arg3: memref<2000x8xf32, #tpu.memory_space<vmem>>, %arg4: memref<1x128xf32, #tpu.memory_space<vmem>>, %arg5: memref<1x1x2000xi32, #tpu.memory_space<vmem>>, %arg6: memref<128x8xf32, #tpu.memory_space<vmem>>, %arg7: memref<256x128xf32, #tpu.memory_space<vmem>>, %arg8: memref<256x8x128xf32, #tpu.memory_space<vmem>>) attributes {dimension_semantics = [#tpu.dimension_semantics<arbitrary>], iteration_bounds = array<i64: 5>, scalar_prefetch = 0 : i64, scratch_operands = 0 : i64, tpu.core_type = #tpu.core_type<tc>, window_params = [{transform_indices = @transform_0, window_bounds = array<i64: 2000, 128>}, {transform_indices = @transform_1, window_bounds = array<i64: 2000, 128>}, {transform_indices = @transform_2, window_bounds = array<i64: 2000, 8>}, {pipeline_mode = #tpu.pipeline_mode<synchronous>, transform_indices = @transform_3, window_bounds = array<i64: 1, 128>}, {transform_indices = @transform_4, window_bounds = array<i64: 1, 1, 2000>}, {pipeline_mode = #tpu.pipeline_mode<synchronous>, transform_indices = @transform_5, window_bounds = array<i64: 128, 8>}, {pipeline_mode = #tpu.pipeline_mode<synchronous>, transform_indices = @transform_6, window_bounds = array<i64: 256, 128>}, {pipeline_mode = #tpu.pipeline_mode<synchronous>, transform_indices = @transform_7, window_bounds = array<i64: 256, 8, 128>}]} {
    %get3A = arith.constant 0 : index
    %get3A_0 = arith.constant 0 : index
    %get3A_1 = vector.load %arg3[%get3A, %get3A_0] : memref<2000x8xf32, #tpu.memory_space<vmem>>, vector<2000x8xf32>
    %slice3A = vector.extract_strided_slice %get3A_1 {offsets = [0, 0], sizes = [2000, 1], strides = [1, 1]} : vector<2000x8xf32> to vector<2000x1xf32>
    %get3A_2 = arith.constant 0 : index
    %get3A_3 = arith.constant 0 : index
    %get3A_4 = vector.load %arg1[%get3A_2, %get3A_3] : memref<2000x128xf32, #tpu.memory_space<vmem>>, vector<2000x128xf32>
    %get3A_5 = arith.constant 0 : index
    %get3A_6 = arith.constant 0 : index
    %get3A_7 = vector.load %arg2[%get3A_5, %get3A_6] : memref<2000x128xf32, #tpu.memory_space<vmem>>, vector<2000x128xf32>
    %add3A = arith.addf %get3A_4, %get3A_7 : vector<2000x128xf32>
    %mul3A = vector.broadcast %slice3A : vector<2000x1xf32> to vector<2000x128xf32>
    %mul3A_8 = arith.mulf %mul3A, %add3A : vector<2000x128xf32>
    %get3A_9 = arith.constant 0 : index
    %get3A_10 = arith.constant 0 : index
    %get3A_11 = vector.load %arg4[%get3A_9, %get3A_10] : memref<1x128xf32, #tpu.memory_space<vmem>>, vector<1x128xf32>
    %add3A_12 = vector.broadcast %get3A_11 : vector<1x128xf32> to vector<2000x128xf32>
    %add3A_13 = arith.addf %mul3A_8, %add3A_12 : vector<2000x128xf32>
    %iota3A = tpu.iota {dimensions = array<i32: 0>} : vector<256x2000xi32>
    %get3A_14 = arith.constant 0 : index
    %get3A_15 = arith.constant 0 : index
    %get3A_16 = arith.constant 0 : index
    %get3A_17 = vector.load %arg5[%get3A_14, %get3A_15, %get3A_16] : memref<1x1x2000xi32, #tpu.memory_space<vmem>>, vector<1x1x2000xi32>
    %get3A_18 = vector.shape_cast %get3A_17 : vector<1x1x2000xi32> to vector<1x2000xi32>
    %eq3A = vector.broadcast %get3A_18 : vector<1x2000xi32> to vector<256x2000xi32>
    %eq3A_19 = arith.cmpi eq, %iota3A, %eq3A : vector<256x2000xi32>
    %convert_element_type3A = arith.extui %eq3A_19 : vector<256x2000xi1> to vector<256x2000xi32>
    %convert_element_type3A_20 = arith.sitofp %convert_element_type3A : vector<256x2000xi32> to vector<256x2000xf32>
    %dot_general3A = arith.constant dense<0.000000e+00> : vector<256x128xf32>
    %dot_general3A_21 = tpu.matmul %convert_element_type3A_20, %add3A_13, %dot_general3A {dimension_numbers = #tpu.dot_dimension_numbers<[1], [0], [0], [1], [0, 0, 1, 1], [], []>, precision = #tpu.contract_precision<fp32>, transpose_lhs_hint = false} : vector<256x2000xf32>, vector<2000x128xf32>, vector<256x128xf32> -> vector<256x128xf32>
    %get3A_22 = arith.constant 0 : index
    %get3A_23 = arith.constant 0 : index
    %get3A_24 = vector.load %arg6[%get3A_22, %get3A_23] : memref<128x8xf32, #tpu.memory_space<vmem>>, vector<128x8xf32>
    %dot_general3A_25 = arith.constant dense<0.000000e+00> : vector<2000x8xf32>
    %dot_general3A_26 = tpu.matmul %add3A_13, %get3A_24, %dot_general3A_25 {dimension_numbers = #tpu.dot_dimension_numbers<[1], [0], [0], [1], [0, 0, 1, 1], [], []>, transpose_lhs_hint = false} : vector<2000x128xf32>, vector<128x8xf32>, vector<2000x8xf32> -> vector<2000x8xf32>
    %reduce_max3A = arith.constant dense<0xFF800000> : vector<2000xf32>
    %reduce_max3A_27 = vector.multi_reduction <maximumf>, %dot_general3A_26, %reduce_max3A [1] : vector<2000x8xf32> to vector<2000xf32>
    %broadcast_in_dim3A = vector.shape_cast %reduce_max3A_27 : vector<2000xf32> to vector<2000x1xf32>
    %sub3A = vector.broadcast %broadcast_in_dim3A : vector<2000x1xf32> to vector<2000x8xf32>
    %sub3A_28 = arith.subf %dot_general3A_26, %sub3A : vector<2000x8xf32>
    %exp3A = math.exp %sub3A_28 : vector<2000x8xf32>
    %reduce_sum3A = arith.constant dense<0.000000e+00> : vector<2000xf32>
    %reduce_sum3A_29 = vector.multi_reduction <add>, %exp3A, %reduce_sum3A [1] : vector<2000x8xf32> to vector<2000xf32>
    %broadcast_in_dim3A_30 = vector.shape_cast %reduce_sum3A_29 : vector<2000xf32> to vector<2000x1xf32>
    %div3A = vector.broadcast %broadcast_in_dim3A_30 : vector<2000x1xf32> to vector<2000x8xf32>
    %div3A_31 = arith.divf %exp3A, %div3A : vector<2000x8xf32>
    %slice3A_32 = vector.extract_strided_slice %div3A_31 {offsets = [0, 0], sizes = [2000, 1], strides = [1, 1]} : vector<2000x8xf32> to vector<2000x1xf32>
    %mul3A_33 = vector.broadcast %slice3A_32 : vector<2000x1xf32> to vector<2000x128xf32>
    %mul3A_34 = arith.mulf %mul3A_33, %add3A_13 : vector<2000x128xf32>
    %dot_general3A_35 = arith.constant dense<0.000000e+00> : vector<256x128xf32>
    %dot_general3A_36 = tpu.matmul %convert_element_type3A_20, %mul3A_34, %dot_general3A_35 {dimension_numbers = #tpu.dot_dimension_numbers<[1], [0], [0], [1], [0, 0, 1, 1], [], []>, precision = #tpu.contract_precision<fp32>, transpose_lhs_hint = false} : vector<256x2000xf32>, vector<2000x128xf32>, vector<256x128xf32> -> vector<256x128xf32>
    %slice3A_37 = vector.extract_strided_slice %div3A_31 {offsets = [0, 1], sizes = [2000, 1], strides = [1, 1]} : vector<2000x8xf32> to vector<2000x1xf32>
    %mul3A_38 = vector.broadcast %slice3A_37 : vector<2000x1xf32> to vector<2000x128xf32>
    %mul3A_39 = arith.mulf %mul3A_38, %add3A_13 : vector<2000x128xf32>
    %dot_general3A_40 = arith.constant dense<0.000000e+00> : vector<256x128xf32>
    %dot_general3A_41 = tpu.matmul %convert_element_type3A_20, %mul3A_39, %dot_general3A_40 {dimension_numbers = #tpu.dot_dimension_numbers<[1], [0], [0], [1], [0, 0, 1, 1], [], []>, precision = #tpu.contract_precision<fp32>, transpose_lhs_hint = false} : vector<256x2000xf32>, vector<2000x128xf32>, vector<256x128xf32> -> vector<256x128xf32>
    %slice3A_42 = vector.extract_strided_slice %div3A_31 {offsets = [0, 2], sizes = [2000, 1], strides = [1, 1]} : vector<2000x8xf32> to vector<2000x1xf32>
    %mul3A_43 = vector.broadcast %slice3A_42 : vector<2000x1xf32> to vector<2000x128xf32>
    %mul3A_44 = arith.mulf %mul3A_43, %add3A_13 : vector<2000x128xf32>
    %dot_general3A_45 = arith.constant dense<0.000000e+00> : vector<256x128xf32>
    %dot_general3A_46 = tpu.matmul %convert_element_type3A_20, %mul3A_44, %dot_general3A_45 {dimension_numbers = #tpu.dot_dimension_numbers<[1], [0], [0], [1], [0, 0, 1, 1], [], []>, precision = #tpu.contract_precision<fp32>, transpose_lhs_hint = false} : vector<256x2000xf32>, vector<2000x128xf32>, vector<256x128xf32> -> vector<256x128xf32>
    %slice3A_47 = vector.extract_strided_slice %div3A_31 {offsets = [0, 3], sizes = [2000, 1], strides = [1, 1]} : vector<2000x8xf32> to vector<2000x1xf32>
    %mul3A_48 = vector.broadcast %slice3A_47 : vector<2000x1xf32> to vector<2000x128xf32>
    %mul3A_49 = arith.mulf %mul3A_48, %add3A_13 : vector<2000x128xf32>
    %dot_general3A_50 = arith.constant dense<0.000000e+00> : vector<256x128xf32>
    %dot_general3A_51 = tpu.matmul %convert_element_type3A_20, %mul3A_49, %dot_general3A_50 {dimension_numbers = #tpu.dot_dimension_numbers<[1], [0], [0], [1], [0, 0, 1, 1], [], []>, precision = #tpu.contract_precision<fp32>, transpose_lhs_hint = false} : vector<256x2000xf32>, vector<2000x128xf32>, vector<256x128xf32> -> vector<256x128xf32>
    %slice3A_52 = vector.extract_strided_slice %div3A_31 {offsets = [0, 4], sizes = [2000, 1], strides = [1, 1]} : vector<2000x8xf32> to vector<2000x1xf32>
    %mul3A_53 = vector.broadcast %slice3A_52 : vector<2000x1xf32> to vector<2000x128xf32>
    %mul3A_54 = arith.mulf %mul3A_53, %add3A_13 : vector<2000x128xf32>
    %dot_general3A_55 = arith.constant dense<0.000000e+00> : vector<256x128xf32>
    %dot_general3A_56 = tpu.matmul %convert_element_type3A_20, %mul3A_54, %dot_general3A_55 {dimension_numbers = #tpu.dot_dimension_numbers<[1], [0], [0], [1], [0, 0, 1, 1], [], []>, precision = #tpu.contract_precision<fp32>, transpose_lhs_hint = false} : vector<256x2000xf32>, vector<2000x128xf32>, vector<256x128xf32> -> vector<256x128xf32>
    %slice3A_57 = vector.extract_strided_slice %div3A_31 {offsets = [0, 5], sizes = [2000, 1], strides = [1, 1]} : vector<2000x8xf32> to vector<2000x1xf32>
    %mul3A_58 = vector.broadcast %slice3A_57 : vector<2000x1xf32> to vector<2000x128xf32>
    %mul3A_59 = arith.mulf %mul3A_58, %add3A_13 : vector<2000x128xf32>
    %dot_general3A_60 = arith.constant dense<0.000000e+00> : vector<256x128xf32>
    %dot_general3A_61 = tpu.matmul %convert_element_type3A_20, %mul3A_59, %dot_general3A_60 {dimension_numbers = #tpu.dot_dimension_numbers<[1], [0], [0], [1], [0, 0, 1, 1], [], []>, precision = #tpu.contract_precision<fp32>, transpose_lhs_hint = false} : vector<256x2000xf32>, vector<2000x128xf32>, vector<256x128xf32> -> vector<256x128xf32>
    %slice3A_62 = vector.extract_strided_slice %div3A_31 {offsets = [0, 6], sizes = [2000, 1], strides = [1, 1]} : vector<2000x8xf32> to vector<2000x1xf32>
    %mul3A_63 = vector.broadcast %slice3A_62 : vector<2000x1xf32> to vector<2000x128xf32>
    %mul3A_64 = arith.mulf %mul3A_63, %add3A_13 : vector<2000x128xf32>
    %dot_general3A_65 = arith.constant dense<0.000000e+00> : vector<256x128xf32>
    %dot_general3A_66 = tpu.matmul %convert_element_type3A_20, %mul3A_64, %dot_general3A_65 {dimension_numbers = #tpu.dot_dimension_numbers<[1], [0], [0], [1], [0, 0, 1, 1], [], []>, precision = #tpu.contract_precision<fp32>, transpose_lhs_hint = false} : vector<256x2000xf32>, vector<2000x128xf32>, vector<256x128xf32> -> vector<256x128xf32>
    %slice3A_67 = vector.extract_strided_slice %div3A_31 {offsets = [0, 7], sizes = [2000, 1], strides = [1, 1]} : vector<2000x8xf32> to vector<2000x1xf32>
    %mul3A_68 = vector.broadcast %slice3A_67 : vector<2000x1xf32> to vector<2000x128xf32>
    %mul3A_69 = arith.mulf %mul3A_68, %add3A_13 : vector<2000x128xf32>
    %dot_general3A_70 = arith.constant dense<0.000000e+00> : vector<256x128xf32>
    %dot_general3A_71 = tpu.matmul %convert_element_type3A_20, %mul3A_69, %dot_general3A_70 {dimension_numbers = #tpu.dot_dimension_numbers<[1], [0], [0], [1], [0, 0, 1, 1], [], []>, precision = #tpu.contract_precision<fp32>, transpose_lhs_hint = false} : vector<256x2000xf32>, vector<2000x128xf32>, vector<256x128xf32> -> vector<256x128xf32>
    %stack3A = vector.shape_cast %dot_general3A_36 : vector<256x128xf32> to vector<256x1x128xf32>
    %stack3A_72 = vector.shape_cast %dot_general3A_41 : vector<256x128xf32> to vector<256x1x128xf32>
    %stack3A_73 = vector.shape_cast %dot_general3A_46 : vector<256x128xf32> to vector<256x1x128xf32>
    %stack3A_74 = vector.shape_cast %dot_general3A_51 : vector<256x128xf32> to vector<256x1x128xf32>
    %stack3A_75 = vector.shape_cast %dot_general3A_56 : vector<256x128xf32> to vector<256x1x128xf32>
    %stack3A_76 = vector.shape_cast %dot_general3A_61 : vector<256x128xf32> to vector<256x1x128xf32>
    %stack3A_77 = vector.shape_cast %dot_general3A_66 : vector<256x128xf32> to vector<256x1x128xf32>
    %stack3A_78 = vector.shape_cast %dot_general3A_71 : vector<256x128xf32> to vector<256x1x128xf32>
    %stack3A_79 = tpu.concatenate %stack3A, %stack3A_72, %stack3A_73, %stack3A_74, %stack3A_75, %stack3A_76, %stack3A_77, %stack3A_78 in 1 : vector<256x1x128xf32>, vector<256x1x128xf32>, vector<256x1x128xf32>, vector<256x1x128xf32>, vector<256x1x128xf32>, vector<256x1x128xf32>, vector<256x1x128xf32>, vector<256x1x128xf32> -> vector<256x8x128xf32>
    %eq3A_80 = arith.constant 0 : i32
    %eq3A_81 = arith.cmpi eq, %arg0, %eq3A_80 : i32
    %convert_element_type3A_82 = arith.extui %eq3A_81 : i1 to i32
    %cond3A = arith.constant 0 : i32
    %cond3A_83 = arith.cmpi ne, %convert_element_type3A_82, %cond3A : i32
    scf.if %cond3A_83 {
      %swap3A = arith.constant 0 : index
      %swap3A_93 = arith.constant 0 : index
      %swap3A_94 = vector.load %arg7[%swap3A, %swap3A_93] : memref<256x128xf32, #tpu.memory_space<vmem>>, vector<256x128xf32>
      tpu.vector_store %arg7[%swap3A, %swap3A_93], %dot_general3A_21 {strides = array<i32>} : memref<256x128xf32, #tpu.memory_space<vmem>>, vector<256x128xf32>,
      %swap3A_95 = arith.constant 0 : index
      %swap3A_96 = arith.constant 0 : index
      %swap3A_97 = arith.constant 0 : index
      %swap3A_98 = vector.load %arg8[%swap3A_95, %swap3A_96, %swap3A_97] : memref<256x8x128xf32, #tpu.memory_space<vmem>>, vector<256x8x128xf32>
      tpu.vector_store %arg8[%swap3A_95, %swap3A_96, %swap3A_97], %stack3A_79 {strides = array<i32>} : memref<256x8x128xf32, #tpu.memory_space<vmem>>, vector<256x8x128xf32>,
    } else {
    }
    %gt3A = arith.constant 0 : i32
    %gt3A_84 = arith.cmpi sgt, %arg0, %gt3A : i32
    %convert_element_type3A_85 = arith.extui %gt3A_84 : i1 to i32
    %cond3A_86 = arith.constant 0 : i32
    %cond3A_87 = arith.cmpi ne, %convert_element_type3A_85, %cond3A_86 : i32
    scf.if %cond3A_87 {
      %get3A_93 = arith.constant 0 : index
      %get3A_94 = arith.constant 0 : index
      %get3A_95 = vector.load %arg7[%get3A_93, %get3A_94] : memref<256x128xf32, #tpu.memory_space<vmem>>, vector<256x128xf32>
      %add3A_96 = arith.addf %get3A_95, %dot_general3A_21 : vector<256x128xf32>
      %swap3A = arith.constant 0 : index
      %swap3A_97 = arith.constant 0 : index
      %swap3A_98 = vector.load %arg7[%swap3A, %swap3A_97] : memref<256x128xf32, #tpu.memory_space<vmem>>, vector<256x128xf32>
      tpu.vector_store %arg7[%swap3A, %swap3A_97], %add3A_96 {strides = array<i32>} : memref<256x128xf32, #tpu.memory_space<vmem>>, vector<256x128xf32>,
      %get3A_99 = arith.constant 0 : index
      %get3A_100 = arith.constant 0 : index
      %get3A_101 = arith.constant 0 : index
      %get3A_102 = vector.load %arg8[%get3A_99, %get3A_100, %get3A_101] : memref<256x8x128xf32, #tpu.memory_space<vmem>>, vector<256x8x128xf32>
      %add3A_103 = arith.addf %get3A_102, %stack3A_79 : vector<256x8x128xf32>
      %swap3A_104 = arith.constant 0 : index
      %swap3A_105 = arith.constant 0 : index
      %swap3A_106 = arith.constant 0 : index
      %swap3A_107 = vector.load %arg8[%swap3A_104, %swap3A_105, %swap3A_106] : memref<256x8x128xf32, #tpu.memory_space<vmem>>, vector<256x8x128xf32>
      tpu.vector_store %arg8[%swap3A_104, %swap3A_105, %swap3A_106], %add3A_103 {strides = array<i32>} : memref<256x8x128xf32, #tpu.memory_space<vmem>>, vector<256x8x128xf32>,
    } else {
    }
    %eq3A_88 = arith.constant 4 : i32
    %eq3A_89 = arith.cmpi eq, %arg0, %eq3A_88 : i32
    %convert_element_type3A_90 = arith.extui %eq3A_89 : i1 to i32
    %cond3A_91 = arith.constant 0 : i32
    %cond3A_92 = arith.cmpi ne, %convert_element_type3A_90, %cond3A_91 : i32
    scf.if %cond3A_92 {
      %get3A_93 = arith.constant 0 : index
      %get3A_94 = arith.constant 0 : index
      %get3A_95 = arith.constant 0 : index
      %get3A_96 = vector.load %arg8[%get3A_93, %get3A_94, %get3A_95] : memref<256x8x128xf32, #tpu.memory_space<vmem>>, vector<256x8x128xf32>
      %mul3A_97 = arith.mulf %get3A_96, %get3A_96 : vector<256x8x128xf32>
      %reduce_sum3A_98 = arith.constant dense<0.000000e+00> : vector<256x8xf32>
      %reduce_sum3A_99 = vector.multi_reduction <add>, %mul3A_97, %reduce_sum3A_98 [2] : vector<256x8x128xf32> to vector<256x8xf32>
      %broadcast_in_dim3A_100 = vector.shape_cast %reduce_sum3A_99 : vector<256x8xf32> to vector<256x8x1xf32>
      %sqrt3A = math.sqrt %broadcast_in_dim3A_100 : vector<256x8x1xf32>
      %max3A = arith.constant 9.99999996E-13 : f32
      %max3A_101 = vector.broadcast %max3A : f32 to vector<256x8x1xf32>
      %max3A_102 = arith.maximumf %sqrt3A, %max3A_101 : vector<256x8x1xf32>
      %div3A_103 = vector.broadcast %max3A_102 : vector<256x8x1xf32> to vector<256x8x128xf32>
      %div3A_104 = arith.divf %get3A_96, %div3A_103 : vector<256x8x128xf32>
      %swap3A = arith.constant 0 : index
      %swap3A_105 = arith.constant 0 : index
      %swap3A_106 = arith.constant 0 : index
      %swap3A_107 = vector.load %arg8[%swap3A, %swap3A_105, %swap3A_106] : memref<256x8x128xf32, #tpu.memory_space<vmem>>, vector<256x8x128xf32>
      tpu.vector_store %arg8[%swap3A, %swap3A_105, %swap3A_106], %div3A_104 {strides = array<i32>} : memref<256x8x128xf32, #tpu.memory_space<vmem>>, vector<256x8x128xf32>,
    } else {
    }
    return
  }
  func.func @transform_0(%arg0: i32) -> (i32, i32) {
    %c0_i32 = arith.constant 0 : i32
    %c0_i32_0 = arith.constant 0 : i32
    return %arg0, %c0_i32 : i32, i32
  }
  func.func @transform_1(%arg0: i32) -> (i32, i32) {
    %c0_i32 = arith.constant 0 : i32
    %c0_i32_0 = arith.constant 0 : i32
    return %arg0, %c0_i32 : i32, i32
  }
  func.func @transform_2(%arg0: i32) -> (i32, i32) {
    %c0_i32 = arith.constant 0 : i32
    %c0_i32_0 = arith.constant 0 : i32
    return %arg0, %c0_i32 : i32, i32
  }
  func.func @transform_3(%arg0: i32) -> (i32, i32) {
    %c0_i32 = arith.constant 0 : i32
    %c0_i32_0 = arith.constant 0 : i32
    %c0_i32_1 = arith.constant 0 : i32
    return %c0_i32, %c0_i32_0 : i32, i32
  }
  func.func @transform_4(%arg0: i32) -> (i32, i32, i32) {
    %c0_i32 = arith.constant 0 : i32
    %c0_i32_0 = arith.constant 0 : i32
    %c0_i32_1 = arith.constant 0 : i32
    return %arg0, %c0_i32, %c0_i32_0 : i32, i32, i32
  }
  func.func @transform_5(%arg0: i32) -> (i32, i32) {
    %c0_i32 = arith.constant 0 : i32
    %c0_i32_0 = arith.constant 0 : i32
    %c0_i32_1 = arith.constant 0 : i32
    return %c0_i32, %c0_i32_0 : i32, i32
  }
  func.func @transform_6(%arg0: i32) -> (i32, i32) {
    %c0_i32 = arith.constant 0 : i32
    %c0_i32_0 = arith.constant 0 : i32
    %c0_i32_1 = arith.constant 0 : i32
    return %c0_i32, %c0_i32_0 : i32, i32
  }
  func.func @transform_7(%arg0: i32) -> (i32, i32, i32) {
    %c0_i32 = arith.constant 0 : i32
    %c0_i32_0 = arith.constant 0 : i32
    %c0_i32_1 = arith.constant 0 : i32
    %c0_i32_2 = arith.constant 0 : i32
    return %c0_i32, %c0_i32_0, %c0_i32_1 : i32, i32, i32
  }
}

module attributes {stable_mosaic.version = 14 : i64} {
  func.func @_tc_head_body(%arg0: memref<256x128xf32, #tpu.memory_space<vmem>>, %arg1: memref<256x128xf32, #tpu.memory_space<vmem>>, %arg2: memref<256x8x128xf32, #tpu.memory_space<vmem>>, %arg3: memref<256x8x128xf32, #tpu.memory_space<vmem>>, %arg4: memref<256x1xi32, #tpu.memory_space<vmem>>, %arg5: memref<1x256xi32, #tpu.memory_space<smem>>, %arg6: memref<1x256xi32, #tpu.memory_space<smem>>, %arg7: memref<128x128xf32, #tpu.memory_space<vmem>>, %arg8: memref<128x128xf32, #tpu.memory_space<vmem>>, %arg9: memref<86x128xf32, #tpu.memory_space<vmem>>, %arg10: memref<1x128xf32, #tpu.memory_space<vmem>>, %arg11: memref<128x128xf32, #tpu.memory_space<vmem>>, %arg12: memref<1x128xf32, #tpu.memory_space<vmem>>, %arg13: memref<128x128xf32, #tpu.memory_space<vmem>>, %arg14: memref<1x128xf32, #tpu.memory_space<vmem>>, %arg15: memref<128x1xf32, #tpu.memory_space<vmem>>, %arg16: memref<1x1xf32, #tpu.memory_space<vmem>>, %arg17: memref<1000x9x128xf32, #tpu.memory_space<vmem>>, %arg18: memref<256x1xf32, #tpu.memory_space<vmem>>, %arg19: memref<1000x9x128xf32, #tpu.memory_space<vmem>>, %arg20: memref<256x9x128xf32, #tpu.memory_space<vmem>>, %arg21: memref<256x9x128xf32, #tpu.memory_space<vmem>>) attributes {dimension_semantics = [], scalar_prefetch = 0 : i64, scratch_operands = 2 : i64, tpu.core_type = #tpu.core_type<tc>} {
    %iota3A = tpu.iota {dimensions = array<i32: 1>} : vector<256x86xi32>
    %get3A = arith.constant 0 : index
    %get3A_0 = arith.constant 0 : index
    %get3A_1 = vector.load %arg4[%get3A, %get3A_0] : memref<256x1xi32, #tpu.memory_space<vmem>>, vector<256x1xi32>
    %eq3A = vector.broadcast %get3A_1 : vector<256x1xi32> to vector<256x86xi32>
    %eq3A_2 = arith.cmpi eq, %iota3A, %eq3A : vector<256x86xi32>
    %convert_element_type3A = arith.extui %eq3A_2 : vector<256x86xi1> to vector<256x86xi32>
    %convert_element_type3A_3 = arith.sitofp %convert_element_type3A : vector<256x86xi32> to vector<256x86xf32>
    %get3A_4 = arith.constant 0 : index
    %get3A_5 = arith.constant 0 : index
    %get3A_6 = vector.load %arg0[%get3A_4, %get3A_5] : memref<256x128xf32, #tpu.memory_space<vmem>>, vector<256x128xf32>
    %get3A_7 = arith.constant 0 : index
    %get3A_8 = arith.constant 0 : index
    %get3A_9 = vector.load %arg7[%get3A_7, %get3A_8] : memref<128x128xf32, #tpu.memory_space<vmem>>, vector<128x128xf32>
    %dot_general3A = arith.constant dense<0.000000e+00> : vector<256x128xf32>
    %dot_general3A_10 = tpu.matmul %get3A_6, %get3A_9, %dot_general3A {dimension_numbers = #tpu.dot_dimension_numbers<[1], [0], [0], [1], [0, 0, 1, 1], [], []>, transpose_lhs_hint = false} : vector<256x128xf32>, vector<128x128xf32>, vector<256x128xf32> -> vector<256x128xf32>
    %get3A_11 = arith.constant 0 : index
    %get3A_12 = arith.constant 0 : index
    %get3A_13 = vector.load %arg1[%get3A_11, %get3A_12] : memref<256x128xf32, #tpu.memory_space<vmem>>, vector<256x128xf32>
    %get3A_14 = arith.constant 0 : index
    %get3A_15 = arith.constant 0 : index
    %get3A_16 = vector.load %arg8[%get3A_14, %get3A_15] : memref<128x128xf32, #tpu.memory_space<vmem>>, vector<128x128xf32>
    %dot_general3A_17 = arith.constant dense<0.000000e+00> : vector<256x128xf32>
    %dot_general3A_18 = tpu.matmul %get3A_13, %get3A_16, %dot_general3A_17 {dimension_numbers = #tpu.dot_dimension_numbers<[1], [0], [0], [1], [0, 0, 1, 1], [], []>, transpose_lhs_hint = false} : vector<256x128xf32>, vector<128x128xf32>, vector<256x128xf32> -> vector<256x128xf32>
    %add3A = arith.addf %dot_general3A_10, %dot_general3A_18 : vector<256x128xf32>
    %get3A_19 = arith.constant 0 : index
    %get3A_20 = arith.constant 0 : index
    %get3A_21 = vector.load %arg9[%get3A_19, %get3A_20] : memref<86x128xf32, #tpu.memory_space<vmem>>, vector<86x128xf32>
    %dot_general3A_22 = arith.constant dense<0.000000e+00> : vector<256x128xf32>
    %dot_general3A_23 = tpu.matmul %convert_element_type3A_3, %get3A_21, %dot_general3A_22 {dimension_numbers = #tpu.dot_dimension_numbers<[1], [0], [0], [1], [0, 0, 1, 1], [], []>, transpose_lhs_hint = false} : vector<256x86xf32>, vector<86x128xf32>, vector<256x128xf32> -> vector<256x128xf32>
    %add3A_24 = arith.addf %add3A, %dot_general3A_23 : vector<256x128xf32>
    %get3A_25 = arith.constant 0 : index
    %get3A_26 = arith.constant 0 : index
    %get3A_27 = vector.load %arg10[%get3A_25, %get3A_26] : memref<1x128xf32, #tpu.memory_space<vmem>>, vector<1x128xf32>
    %add3A_28 = vector.broadcast %get3A_27 : vector<1x128xf32> to vector<256x128xf32>
    %add3A_29 = arith.addf %add3A_24, %add3A_28 : vector<256x128xf32>
    %get3A_30 = arith.constant 0 : index
    %get3A_31 = arith.constant 0 : index
    %get3A_32 = vector.load %arg11[%get3A_30, %get3A_31] : memref<128x128xf32, #tpu.memory_space<vmem>>, vector<128x128xf32>
    %dot_general3A_33 = arith.constant dense<0.000000e+00> : vector<256x128xf32>
    %dot_general3A_34 = tpu.matmul %add3A_29, %get3A_32, %dot_general3A_33 {dimension_numbers = #tpu.dot_dimension_numbers<[1], [0], [0], [1], [0, 0, 1, 1], [], []>, transpose_lhs_hint = false} : vector<256x128xf32>, vector<128x128xf32>, vector<256x128xf32> -> vector<256x128xf32>
    %get3A_35 = arith.constant 0 : index
    %get3A_36 = arith.constant 0 : index
    %get3A_37 = vector.load %arg12[%get3A_35, %get3A_36] : memref<1x128xf32, #tpu.memory_space<vmem>>, vector<1x128xf32>
    %add3A_38 = vector.broadcast %get3A_37 : vector<1x128xf32> to vector<256x128xf32>
    %add3A_39 = arith.addf %dot_general3A_34, %add3A_38 : vector<256x128xf32>
    %max3A = arith.constant 0.000000e+00 : f32
    %max3A_40 = vector.broadcast %max3A : f32 to vector<256x128xf32>
    %max3A_41 = arith.maximumf %add3A_39, %max3A_40 : vector<256x128xf32>
    %get3A_42 = arith.constant 0 : index
    %get3A_43 = arith.constant 0 : index
    %get3A_44 = vector.load %arg13[%get3A_42, %get3A_43] : memref<128x128xf32, #tpu.memory_space<vmem>>, vector<128x128xf32>
    %dot_general3A_45 = arith.constant dense<0.000000e+00> : vector<256x128xf32>
    %dot_general3A_46 = tpu.matmul %max3A_41, %get3A_44, %dot_general3A_45 {dimension_numbers = #tpu.dot_dimension_numbers<[1], [0], [0], [1], [0, 0, 1, 1], [], []>, transpose_lhs_hint = false} : vector<256x128xf32>, vector<128x128xf32>, vector<256x128xf32> -> vector<256x128xf32>
    %get3A_47 = arith.constant 0 : index
    %get3A_48 = arith.constant 0 : index
    %get3A_49 = vector.load %arg14[%get3A_47, %get3A_48] : memref<1x128xf32, #tpu.memory_space<vmem>>, vector<1x128xf32>
    %add3A_50 = vector.broadcast %get3A_49 : vector<1x128xf32> to vector<256x128xf32>
    %add3A_51 = arith.addf %dot_general3A_46, %add3A_50 : vector<256x128xf32>
    %max3A_52 = arith.constant 0.000000e+00 : f32
    %max3A_53 = vector.broadcast %max3A_52 : f32 to vector<256x128xf32>
    %max3A_54 = arith.maximumf %add3A_51, %max3A_53 : vector<256x128xf32>
    %get3A_55 = arith.constant 0 : index
    %get3A_56 = arith.constant 0 : index
    %get3A_57 = vector.load %arg15[%get3A_55, %get3A_56] : memref<128x1xf32, #tpu.memory_space<vmem>>, vector<128x1xf32>
    %dot_general3A_58 = arith.constant dense<0.000000e+00> : vector<256x1xf32>
    %dot_general3A_59 = tpu.matmul %max3A_54, %get3A_57, %dot_general3A_58 {dimension_numbers = #tpu.dot_dimension_numbers<[1], [0], [0], [1], [0, 0, 1, 1], [], []>, transpose_lhs_hint = false} : vector<256x128xf32>, vector<128x1xf32>, vector<256x1xf32> -> vector<256x1xf32>
    %get3A_60 = arith.constant 0 : index
    %get3A_61 = arith.constant 0 : index
    %get3A_62 = vector.load %arg16[%get3A_60, %get3A_61] : memref<1x1xf32, #tpu.memory_space<vmem>>, vector<1x1xf32>
    %add3A_63 = vector.broadcast %get3A_62 : vector<1x1xf32> to vector<256x1xf32>
    %add3A_64 = arith.addf %dot_general3A_59, %add3A_63 : vector<256x1xf32>
    %swap3A = arith.constant 0 : index
    %swap3A_65 = arith.constant 0 : index
    %swap3A_66 = vector.load %arg18[%swap3A, %swap3A_65] : memref<256x1xf32, #tpu.memory_space<vmem>>, vector<256x1xf32>
    tpu.vector_store %arg18[%swap3A, %swap3A_65], %add3A_64 {strides = array<i32>} : memref<256x1xf32, #tpu.memory_space<vmem>>, vector<256x1xf32>,
    %get3A_67 = arith.constant 0 : index
    %get3A_68 = arith.constant 0 : index
    %get3A_69 = vector.load %arg0[%get3A_67, %get3A_68] : memref<256x128xf32, #tpu.memory_space<vmem>>, vector<256x128xf32>
    %broadcast_in_dim3A = vector.shape_cast %get3A_69 : vector<256x128xf32> to vector<256x1x128xf32>
    %get3A_70 = arith.constant 0 : index
    %get3A_71 = arith.constant 0 : index
    %get3A_72 = arith.constant 0 : index
    %get3A_73 = vector.load %arg2[%get3A_70, %get3A_71, %get3A_72] : memref<256x8x128xf32, #tpu.memory_space<vmem>>, vector<256x8x128xf32>
    %concatenate3A = tpu.concatenate %broadcast_in_dim3A, %get3A_73 in 1 : vector<256x1x128xf32>, vector<256x8x128xf32> -> vector<256x9x128xf32>
    %swap3A_74 = arith.constant 0 : index
    %swap3A_75 = arith.constant 0 : index
    %swap3A_76 = arith.constant 0 : index
    %swap3A_77 = vector.load %arg20[%swap3A_74, %swap3A_75, %swap3A_76] : memref<256x9x128xf32, #tpu.memory_space<vmem>>, vector<256x9x128xf32>
    tpu.vector_store %arg20[%swap3A_74, %swap3A_75, %swap3A_76], %concatenate3A {strides = array<i32>} : memref<256x9x128xf32, #tpu.memory_space<vmem>>, vector<256x9x128xf32>,
    %get3A_78 = arith.constant 0 : index
    %get3A_79 = arith.constant 0 : index
    %get3A_80 = vector.load %arg1[%get3A_78, %get3A_79] : memref<256x128xf32, #tpu.memory_space<vmem>>, vector<256x128xf32>
    %broadcast_in_dim3A_81 = vector.shape_cast %get3A_80 : vector<256x128xf32> to vector<256x1x128xf32>
    %get3A_82 = arith.constant 0 : index
    %get3A_83 = arith.constant 0 : index
    %get3A_84 = arith.constant 0 : index
    %get3A_85 = vector.load %arg3[%get3A_82, %get3A_83, %get3A_84] : memref<256x8x128xf32, #tpu.memory_space<vmem>>, vector<256x8x128xf32>
    %concatenate3A_86 = tpu.concatenate %broadcast_in_dim3A_81, %get3A_85 in 1 : vector<256x1x128xf32>, vector<256x8x128xf32> -> vector<256x9x128xf32>
    %swap3A_87 = arith.constant 0 : index
    %swap3A_88 = arith.constant 0 : index
    %swap3A_89 = arith.constant 0 : index
    %swap3A_90 = vector.load %arg21[%swap3A_87, %swap3A_88, %swap3A_89] : memref<256x9x128xf32, #tpu.memory_space<vmem>>, vector<256x9x128xf32>
    tpu.vector_store %arg21[%swap3A_87, %swap3A_88, %swap3A_89], %concatenate3A_86 {strides = array<i32>} : memref<256x9x128xf32, #tpu.memory_space<vmem>>, vector<256x9x128xf32>,
    %get3A_91 = arith.constant 0 : index
    %get3A_92 = arith.constant 0 : index
    %get3A_93 = arith.constant 0 : index
    %get3A_94 = vector.load %arg17[%get3A_91, %get3A_92, %get3A_93] : memref<1000x9x128xf32, #tpu.memory_space<vmem>>, vector<1000x9x128xf32>
    %swap3A_95 = arith.constant 0 : index
    %swap3A_96 = arith.constant 0 : index
    %swap3A_97 = arith.constant 0 : index
    %swap3A_98 = vector.load %arg19[%swap3A_95, %swap3A_96, %swap3A_97] : memref<1000x9x128xf32, #tpu.memory_space<vmem>>, vector<1000x9x128xf32>
    tpu.vector_store %arg19[%swap3A_95, %swap3A_96, %swap3A_97], %get3A_94 {strides = array<i32>} : memref<1000x9x128xf32, #tpu.memory_space<vmem>>, vector<1000x9x128xf32>,
    %scan3A = arith.constant 0 : i32
    %scan3A_99 = arith.constant 256 : i32
    %scan3A_100 = arith.addi %scan3A, %scan3A_99 : i32
    %scan3A_101 = arith.constant 1 : i32
    scf.for %scan3A_108 = %scan3A to %scan3A_100 step %scan3A_101  : i32 {
      %get3A_109 = arith.constant 0 : index
      %get3A_110 = arith.index_cast %scan3A_108 : i32 to index
      %get3A_111 = memref.load %arg5[%get3A_109, %get3A_110] : memref<1x256xi32, #tpu.memory_space<smem>>
      %get3A_112 = arith.index_cast %scan3A_108 : i32 to index
      %get3A_113 = arith.constant 0 : index
      %get3A_114 = arith.constant 0 : index
      %get3A_115 = vector.load %arg20[%get3A_112, %get3A_113, %get3A_114] : memref<256x9x128xf32, #tpu.memory_space<vmem>>, vector<1x9x128xf32>
      %swap3A_116 = arith.index_cast %get3A_111 : i32 to index
      %swap3A_117 = arith.constant 0 : index
      %swap3A_118 = arith.constant 0 : index
      %swap3A_119 = vector.load %arg19[%swap3A_116, %swap3A_117, %swap3A_118] : memref<1000x9x128xf32, #tpu.memory_space<vmem>>, vector<1x9x128xf32>
      tpu.vector_store %arg19[%swap3A_116, %swap3A_117, %swap3A_118], %get3A_115 {strides = array<i32>} : memref<1000x9x128xf32, #tpu.memory_space<vmem>>, vector<1x9x128xf32>,
    }
    %scan3A_102 = arith.constant 256 : i32
    %scan3A_103 = arith.constant 0 : i32
    %scan3A_104 = arith.constant 256 : i32
    %scan3A_105 = arith.addi %scan3A_103, %scan3A_104 : i32
    %scan3A_106 = arith.constant 1 : i32
    scf.for %scan3A_108 = %scan3A_103 to %scan3A_105 step %scan3A_106  : i32 {
      %get3A_109 = arith.constant 0 : index
      %get3A_110 = arith.index_cast %scan3A_108 : i32 to index
      %get3A_111 = memref.load %arg6[%get3A_109, %get3A_110] : memref<1x256xi32, #tpu.memory_space<smem>>
      %get3A_112 = arith.index_cast %scan3A_108 : i32 to index
      %get3A_113 = arith.constant 0 : index
      %get3A_114 = arith.constant 0 : index
      %get3A_115 = vector.load %arg21[%get3A_112, %get3A_113, %get3A_114] : memref<256x9x128xf32, #tpu.memory_space<vmem>>, vector<1x9x128xf32>
      %swap3A_116 = arith.index_cast %get3A_111 : i32 to index
      %swap3A_117 = arith.constant 0 : index
      %swap3A_118 = arith.constant 0 : index
      %swap3A_119 = vector.load %arg19[%swap3A_116, %swap3A_117, %swap3A_118] : memref<1000x9x128xf32, #tpu.memory_space<vmem>>, vector<1x9x128xf32>
      tpu.vector_store %arg19[%swap3A_116, %swap3A_117, %swap3A_118], %get3A_115 {strides = array<i32>} : memref<1000x9x128xf32, #tpu.memory_space<vmem>>, vector<1x9x128xf32>,
    }
    %scan3A_107 = arith.constant 256 : i32
    return
  }
}

</mosaic_0001>

<sc_bundles>
// kernel: kernel.10.cloned.1.call-start
scs
__scs_entry_jumppad:
0x0: {  	(pc) =	sbr.rel $0x88, $3  }
0x1: {  	(tag) =	ssettag $0x0;
	lr =	simm.s32 $0x1  }
0x2: {  	[smem:$0x3F88] =	sst lr;
	_ =	strace $0xD0000000  }
0x3: {  	_ = 	snop  }
0x4: {  	_ = 	snop  }
0x5: {  	_ = 	snop  }
0x6: {  	_ = 	snop  }
0x7: {  	_ = 	snop  }
__scs_overlays_trampoline_lowered:
0x8: {  	[smem:$0x3F97] =	sst s0  }
0x9: {  	[smem:$0x3F98] =	sst s1  }
0xa: {  	[smem:$0x3F99] =	sst s2  }
0xb: {  	[smem:$0x3F9A] =	sst s3  }
0xc: {  	[smem:$0x3F9B] =	sst s4  }
0xd: {  	[smem:$0x3F9C] =	sst s5  }
0xe: {  	[smem:$0x3F9D] =	sst s6  }
0xf: {  	[smem:$0x3F9E] =	sst s7  }
0x10: {  	[smem:$0x3F9F] =	sst s8  }
0x11: {  	[smem:$0x3FA0] =	sst s9;
	s0 =	simm.s32 @!p0 $0x0  }
0x12: {  	s1 =	sld [smem:$0x3F86];
	s0 =	simm.s32 @p0 $0x1  }
0x13: {  	[smem:$0x3FA1] =	sst s0;
	s0 =	simm.s32 @!p1 $0x0  }
0x14: {  	s2 =	sld [smem:$0x3F85];
	s0 =	simm.s32 @p1 $0x1  }
0x15: {  	[smem:$0x3FA2] =	sst s0;
	s0 =	simm.s32 @!p2 $0x0  }
0x16: {  	s3 =	sld [smem:$0x3FDB];
	s0 =	simm.s32 @p2 $0x1  }
0x17: {  	s4 =	simm.s32 $0x1BF5;
	[smem:$0x3FA4] =	sst s0  }
0x18: {  	s0 =	sld [smem:$0x3F87];
	_ =	swait.ge [sflag:s4], $0x0  }
0x19: {  	s7 =	sld [smem:$0x3F88]  }
0x1a: {  	s8 =	sadd.s32 $0xFFFFE003, lr  }
0x1b: {  	s9 =	sadd.s32 $0xFFFFFEF7, lr;
	s5 =	simm.s32 $0xFFFFFFFF;
	p2 =	slt.u32 s8, $0xFFFFF086  }
0x1c: {  	p1 =	slt.u32 s9, $0xF7A;
	s5 =	simm.s32 @!p2 $0x0  }
0x1d: {  	s5 =	simm.s32 @p1 $0x1;
	p0 =	seq.s32 s7, s2  }
0x1e: {  	s7 =	smul.u32 @!p0 $0xF7A, s2;
	p2 =	seq.s32 @!p0 s5, $0x0  }
0x1f: {  	s9 =	smul.u32 $0xF7A, s1;
	s8 =	simm.s32 @!p0 $0x1BF5;
	p2 =	por !p2, p0  }
0x20: {  	[sflag:s8] =	ssyncset.s32 @!p0 $0xFFFFF086;
	s6 =	sadd.s32 @!p0 s3, s7;
	s7 =	simm.s32 @!p0 $0x108  }
0x21: {  	s3 =	sadd.s32 s3, s9;
	s6 =	sadd.s32 @!p0 $0x88, s6;
	s7 =	simm.s32 @p2 $0x1082  }
0x22: {  	[simem:s7], [sflag:s8] =	dma.local @!p0 [hbm:s6], $0xF7A  }
0x23: {  	s9 =	sor.u32 $0xD0000000, s2;
	s6 =	simm.s32 $0x108;
	_ =	swait.ge @!p0 [sflag:s8], $0x0  }
0x24: {  	s3 =	sadd.s32 $0x88, s3;
	s6 =	simm.s32 @!p1 $0x1082;
	[sflag:s4] =	ssyncset.s32 $0xFFFFF086  }
0x25: {  	[simem:s6], [sflag:s4] =	dma.local [hbm:s3], $0xF7A  }
0x26: {  	[smem:$0x3F88] =	sst s1;
	(tag) =	ssettag s2;
	_ =	strace s9  }
0x27: {  	s1 =	sld [smem:$0x3F98]  }
0x28: {  	s2 =	sld [smem:$0x3F99]  }
0x29: {  	s4 =	sld [smem:$0x3F9B]  }
0x2a: {  	p0 =	seq.s32 s5, $0x0;
	s5 =	sld [smem:$0x3F9C]  }
0x2b: {  	s6 =	sld [smem:$0x3F9D]  }
0x2c: {  	s7 =	sld [smem:$0x3F9E]  }
0x2d: {  	s3 =	simm.s32 $0x108;
	s8 =	sld [smem:$0x3F9F]  }
0x2e: {  	s3 =	simm.s32 @!p0 $0x1082;
	s9 =	sld [smem:$0x3FA0]  }
0x2f: {  	lr =	sadd.s32 s0, s3;
	s0 =	sld [smem:$0x3F97]  }
0x30: {  	s3 =	sld [smem:$0x3F9A]  }
0x31: {  	[smem:$0x3FA3] =	sst s10  }
0x32: {  	s10 =	sld [smem:$0x3FA1];
	_ =	sdelay $0x3  }
0x33: {  	p0 =	seq.s32 s10, $0x1;
	s10 =	sld [smem:$0x3FA3];
	_ =	sdelay $0x3  }
0x34: {  	[smem:$0x3FA3] =	sst s10  }
0x35: {  	s10 =	sld [smem:$0x3FA2];
	_ =	sdelay $0x3  }
0x36: {  	p1 =	seq.s32 s10, $0x1;
	s10 =	sld [smem:$0x3FA3];
	_ =	sdelay $0x3  }
0x37: {  	[smem:$0x3FA3] =	sst s10  }
0x38: {  	s10 =	sld [smem:$0x3FA4]  }
0x39: {  	_ = 	snop;
	(pc) =	sbr.ind lr, $3  }
0x3a: {  	_ = 	snop  }
0x3b: {  	_ = 	snop  }
0x3c: {  	p2 =	seq.s32 s10, $0x1;
	s10 =	sld [smem:$0x3FA3]  }
0x3d: {  	_ =	shalt  }
0x3e: {  	_ =	shalt  }
0x3f: {  	_ =	shalt  }
0x40: {  	_ =	shalt  }
0x41: {  	_ =	shalt  }
0x42: {  	_ =	shalt  }
0x43: {  	_ =	shalt  }
0x44: {  	_ =	shalt  }
0x45: {  	_ =	shalt  }
0x46: {  	_ =	shalt  }
0x47: {  	_ =	shalt  }
0x48: {  	_ =	shalt  }
0x49: {  	_ =	shalt  }
0x4a: {  	_ =	shalt  }
0x4b: {  	_ =	shalt  }
0x4c: {  	_ =	shalt  }
0x4d: {  	_ =	shalt  }
0x4e: {  	_ =	shalt  }
0x4f: {  	_ =	shalt  }
0x50: {  	_ =	shalt  }
0x51: {  	_ =	shalt  }
0x52: {  	_ =	shalt  }
0x53: {  	_ =	shalt  }
0x54: {  	_ =	shalt  }
0x55: {  	_ =	shalt  }
0x56: {  	_ =	shalt  }
0x57: {  	_ =	shalt  }
0x58: {  	_ =	shalt  }
0x59: {  	_ =	shalt  }
0x5a: {  	_ =	shalt  }
0x5b: {  	_ =	shalt  }
0x5c: {  	_ =	shalt  }
0x5d: {  	_ =	shalt  }
0x5e: {  	_ =	shalt  }
0x5f: {  	_ =	shalt  }
0x60: {  	_ =	shalt  }
0x61: {  	_ =	shalt  }
0x62: {  	_ =	shalt  }
0x63: {  	_ =	shalt  }
0x64: {  	_ =	shalt  }
0x65: {  	_ =	shalt  }
0x66: {  	_ =	shalt  }
0x67: {  	_ =	shalt  }
0x68: {  	_ =	shalt  }
0x69: {  	_ =	shalt  }
0x6a: {  	_ =	shalt  }
0x6b: {  	_ =	shalt  }
0x6c: {  	_ =	shalt  }
0x6d: {  	_ =	shalt  }
0x6e: {  	_ =	shalt  }
0x6f: {  	_ =	shalt  }
0x70: {  	_ =	shalt  }
0x71: {  	_ =	shalt  }
0x72: {  	_ =	shalt  }
0x73: {  	_ =	shalt  }
0x74: {  	_ =	shalt  }
0x75: {  	_ =	shalt  }
0x76: {  	_ =	shalt  }
0x77: {  	_ =	shalt  }
0x78: {  	_ =	shalt  }
0x79: {  	_ =	shalt  }
0x7a: {  	_ =	shalt  }
0x7b: {  	_ =	shalt  }
0x7c: {  	_ =	shalt  }
0x7d: {  	_ =	shalt  }
0x7e: {  	_ =	shalt  }
0x7f: {  	_ =	shalt  }
0x80: {  	_ =	shalt  }
0x81: {  	_ =	shalt  }
0x82: {  	_ =	shalt  }
0x83: {  	_ =	shalt  }
0x84: {  	_ =	shalt  }
0x85: {  	_ =	shalt  }
0x86: {  	_ =	shalt  }
0x87: {  	_ =	shalt  }
.Lfunc_end0:
.L_simem_size_0:
called_computation_lowered:
.L_overlay_start_0:
0x88: {  	s2 =	sld [smem:$0x3FD9]  }
0x89: {  	s3 =	sld [smem:$0x3FFE];
	_ =	sdelay $0x1  }
0x8a: {  	s1 =	srdreg.scid  }
0x8b: {  	s0 =	sand.u32 $0x1, s1  }
0x8c: {  	s14 =	sshll.u32 s0, $0xA;
	s2 =	sadd.s32 s3, s2  }
0x8d: {  	s2 =	sadd.s32 s2, s14  }
0x8e: {  	[smem:$0x3FAF] =	sst s2  }
0x8f: {  	_ = 	snop  }
0x90: {  	s2 =	sld [smem:$0x3FD0];
	_ =	sdelay $0x2  }
0x91: {  	s15 =	simm.s32 $0xA;
	s4 =	simm.s32 $0x10  }
0x92: {  	[smem:s4], [sflag:s15] =	dma.local [hbm:s2], $0x1  }
0x93: {  	_ =	swait.eq [sflag:s15], $0x1  }
0x94: {  	[sflag:s15] =	ssyncset.done $0x0  }
0x95: {  	[sflag:s15] =	ssyncadd.s32 $0xFFFFFFFF  }
0x96: {  	s16 =	sld [smem:$0x11];
	(tm) =	ssettm $0x1  }
0x97: {  	s17 =	sld [smem:$0x3FFB];
	_ =	sdelay $0x3  }
0x98: {  	_ =	strace s17  }
0x99: {  	s3 =	sld [smem:$0x3FFC];
	_ =	sdelay $0x3  }
0x9a: {  	_ =	strace s3  }
0x9b: {  	s3 =	sld [smem:$0x3FFD];
	_ =	sdelay $0x3  }
0x9c: {  	_ =	strace s3  }
0x9d: {  	_ =	strace $0x8FFFFFFF  }
0x9e: {  	s18 =	sld [smem:$0x3FDB];
	_ =	sdelay $0x1  }
0x9f: {  	s19 =	simm.s32 $_scs_section_size  }
0xa0: {  	s5 =	simm.s32 $_size__tile_overlayer_lowered;
	s6 =	simm.s32 $_tile_overlayer_lowered  }
0xa1: {  	s22 =	simm.s32 $0x1BFF;
	s21 =	sshll.u32 s6, $0x1;
	s3 =	sadd.s32 s19, s18  }
0xa2: {  	s7 =	simm.s32 $0x0;
	s20 =	sshll.u32 s5, $0x1;
	s5 =	sadd.s32 s21, s3  }
0xa3: {  	[timem:s7], [sflag:s22] =	dma.local [hbm:s5], s20  }
0xa4: {  	_ =	swait.ge [sflag:s22], s20  }
0xa5: {  	s4 =	ssub.s32 $0x0, s20;
	[sflag:s22] =	ssyncset.done $0x0  }
0xa6: {  	[sflag:s22] =	ssyncadd.s32 s4;
	_ =	sdelay $0x1  }
0xa7: {  	s23 =	simm.s32 $0x1B8B  }
0xa8: {  	_ =	swait.ge [sflag:s23], $0x1  }
0xa9: {  	[sflag:s23] =	ssyncset.done $0x0  }
0xaa: {  	s25 =	simm.s32 $0x1B8E;
	s24 =	sld [smem:$0x3FFE];
	[sflag:s23] =	ssyncadd.s32 $0xFFFFFFFF  }
0xab: {  	s26 =	simm.s32 $execute0_lowered;
	[smem:$0x3FD2] =	sst s25  }
0xac: {  	s5 =	sshll.u32 s26, $0x1;
	_ =	strace $0x80000046;
	[dreg:$0x1] =	wrdreg $0xFFFFFFFF  }
0xad: {  	s28 =	simm.s32 $_size_execute0_lowered;
	s3 =	sadd.s32 s3, s5;
	[dreg:$0x0] =	wrdreg $0x0  }
0xae: {  	s5 =	sshll.u32 s28, $0x1;
	[dreg:$0x2] =	wrdreg s3  }
0xaf: {  	[dreg:$0x3] =	wrdreg s5  }
0xb0: {  	[dreg:$0x4] =	wrdreg $0xC0  }
0xb1: {  	_ =	task [dreg:s7], $0x5FFFF  }
0xb2: {  	[dreg:$0x1] =	wrdreg $0xFFFFFFFF  }
0xb3: {  	[dreg:$0x0] =	wrdreg $0x60  }
0xb4: {  	[dreg:$0x2] =	wrdreg s16  }
0xb5: {  	[dreg:$0x3] =	wrdreg s24  }
0xb6: {  	[dreg:$0x4] =	wrdreg $0x28800  }
0xb7: {  	[dreg:$0x5] =	wrdreg $0x9  }
0xb8: {  	_ =	task.clear_ibuf [dreg:s7], $0x6FFFF;
	_ =	strace $0x90000046  }
0xb9: {  	s29 =	simm.s32 $0x9;
	_ =	strace $0x80000048  }
0xba: {  	_ =	swait.ge [sflag:s29], $0x1  }
0xbb: {  	[sflag:s29] =	ssyncadd.s32 $0xFFFFFFFF  }
0xbc: {  	_ =	strace $0x90000048  }
0xbd: {  	_ =	sfence  }
0xbe: {  	s30 =	sld [smem:$0x0];
	_ =	sdelay $0x2  }
0xbf: {  	s31 =	sshll.u32 s1, $0xD;
	s1 =	sshrl.u32 s1, $0x2  }
0xc0: {  	s3 =	sand.u32 $0x4000, s31;
	s1 =	sadd.s32 s1, s30  }
0xc1: {  	s0 =	sor.u32 s3, s0;
	s1 =	sshll.u32 s1, $0x11  }
0xc2: {  	s0 =	sor.u32 s1, s0  }
0xc3: {  	s0 =	sadd.s32 $0x8F2B, s0  }
0xc4: {  	[sflag:s0] =	ssyncadd.remote.s32 $0x1  }
0xc5: {  	_ =	sfence.sel $0xFFFF  }
0xc6: {  	[dreg:$0x0] =	wrdreg $0xFFFFFFFF;
	(pc) =	sbr.abs _section_cstart, $3  }
0xc7: {  	[dreg:$0x1] =	wrdreg $0xFFFFFFFF  }
0xc8: {  	_ =	task.clear_ibuf [dreg:s7], $0x2FFFF;
	_ =	strace $0x9FFFFFFF  }
0xc9: {  	(tm) =	ssettm $0x7FFFFFFF  }
tec
execute0_lowered:
.L_overlay_start_1:
0x0: {  	(tag) =	ssettag $0x1  }
0x1: {  	s8 =	rddreg [dreg:$0x0]  }
0x2: {  	s6 =	rddreg [dreg:$0x1];
	s1 =	srdreg.scid  }
0x3: {  	s0 =	stileid.u32;
	s2 =	rddreg [dreg:$0x2];
	s3 =	simm.s32 $0x0  }
0x4: {  	s13 =	simm.s32 $0x50;
	s14 =	simm.s32 $0x0;
	s7 =	smul.u32 $0x2800, s0  }
0x5: {  	s5 =	sand.u32 $0x1, s1;
	s1 =	rddreg [dreg:$0x3];
	s10 =	smul.u32 $0x50000, s0  }
0x6: {  	[smem:$0x7FF] =	sst s3;
	s4 =	sadd.s32 $0x1D800, s6;
	s12 =	smul.u32 $0x4E20, s0  }
0x7: {  	s31 =	sshll.u32 s0, $0x6;
	s9 =	smul.u32 $0x28000, s5;
	_ =	strace $0x80000047  }
0x8: {  	s11 =	smul.u32 $0x4E200, s5;
	s24 =	ssub.s32 $0x2, s5;
	s5 =	sadd.s32 $0x1B000, s6  }
0x9: {  	s25 =	sshrl.u32 s24, $0x1;
	s26 =	sshrl.u32 s10, $0x2;
	s10 =	simm.s32 $0x1  }
0xa: {  	s7 =	sadd.s32 s7, s9;
	s28 =	sadd.s32 s12, s11;
	s29 =	sadd.s32 s26, s2  }
0xb: {  	s9 =	simm.s32 $0x80;
	s11 =	sor.u32 $0x1C01, s31;
	s6 =	sadd.s32 s7, s6  }
0xc: {  	s7 =	ssub.s32 s24, s25;
	s30 =	sshrl.u32 s28, $0x3;
	s12 =	sshrl.u32 s29, $0x3  }
0xd: {  	s6 =	sadd.s32 $0x1DE00, s6;
	s7 =	smax.u32 s7, $0x1;
	s8 =	sadd.s32 s30, s8  }
.LBB2_1:
0xe: {  	[tilespmem:s9], [sflag:$0x1] =	stream.linear.gather [hbm4b:s4+s3], $0x2800, $0x38;
	[tilespmem:$0x16880] =	vst v63  }
0xf: {  	_ =	swait.ge [sflag:s10], $0x2800  }
0x10: {  	[sflag:s10] =	ssyncset.done $0x0  }
0x11: {  	[sflag:s10] =	ssyncadd.s32 $0xFFFFD800  }
0x12: {  	[spmem:s12], [sflag:s11] =	dma.local [hbm:s5], $0x2800  }
0x13: {  	_ =	swait.ge [sflag:s10], $0x2800  }
0x14: {  	[sflag:s10] =	ssyncset.done $0x0  }
0x15: {  	[sflag:s10] =	ssyncadd.s32 $0xFFFFD800  }
0x16: {  	s15 =	sadd.s32 $0x0, s8;
	[bflag:$0x0] =	sbarrier.arrive $0xFFFF  }
0x17: {  	[tilespmem:s3], [sflag:$0x1] =	stream.linear.gather [hbm4b:s15+s3], $0x50, $0x38;
	[tilespmem:$0x16880] =	vst v63  }
0x18: {  	_ =	swait.ge [sflag:s10], $0x50  }
0x19: {  	[sflag:s10] =	ssyncset.done $0x0  }
0x1a: {  	[sflag:s10] =	ssyncadd.s32 $0xFFFFFFB0  }
0x1b: {  	[spmem:s2] =	stream.indirect.scatter.add.f32 [tilespmem:s9], [sflag:$0x1], $0x80, s3, s13, $0xb8;
	[tilespmem:$0x16880] =	vst v63  }
0x1c: {  	_ =	swait.ge [sflag:s10], $0x2800  }
0x1d: {  	s16 =	simm.s32 $0x14;
	s15 =	simm.s32 $0xA;
	[sflag:s10] =	ssyncset.done $0x0  }
.LBB2_2:
0x1e: {  	s17 =	sadd.s32 s15, s8  }
0x1f: {  	[sflag:s10] =	ssyncadd.s32 $0xFFFFD800;
	s15 =	smov.u32 s16;
	s18 =	sadd.s32 $0xA, s16  }
0x20: {  	[tilespmem:s3], [sflag:$0x1] =	stream.linear.gather [hbm4b:s17+s3], $0x50, $0x38;
	[tilespmem:$0x16880] =	vst v63  }
0x21: {  	p0 =	sne.s32 s16, $0x9BA;
	_ =	swait.ge [sflag:s10], $0x50  }
.Ltmp0:
0x22: {  	[sflag:s10] =	ssyncset.done $0x0;
	(pc) =	sbr.rel @p0 .LBB2_2-.Ltmp0, $4  }
0x23: {  	[sflag:s10] =	ssyncadd.s32 $0xFFFFFFB0  }
0x24: {  	[spmem:s2] =	stream.indirect.scatter.add.f32 [tilespmem:s9], [sflag:$0x1], $0x80, s3, s13, $0xb8;
	[tilespmem:$0x16880] =	vst v63  }
0x25: {  	_ =	swait.ge [sflag:s10], $0x2800  }
0x26: {  	s16 =	smov.u32 s18;
	[sflag:s10] =	ssyncset.done $0x0  }
0x27: {  	s15 =	sadd.s32 s15, s8;
	[sflag:s10] =	ssyncadd.s32 $0xFFFFD800  }
0x28: {  	[tilespmem:s3], [sflag:$0x1] =	stream.linear.gather [hbm4b:s15+s3], $0x50, $0x38;
	[tilespmem:$0x16880] =	vst v63  }
0x29: {  	_ =	swait.ge [sflag:s10], $0x50  }
0x2a: {  	[sflag:s10] =	ssyncset.done $0x0  }
0x2b: {  	[sflag:s10] =	ssyncadd.s32 $0xFFFFFFB0  }
0x2c: {  	[spmem:s2] =	stream.indirect.scatter.add.f32 [tilespmem:s9], [sflag:$0x1], $0x80, s3, s13, $0xb8;
	[tilespmem:$0x16880] =	vst v63  }
0x2d: {  	_ =	swait.ge [sflag:s10], $0x2800  }
0x2e: {  	s14 =	sadd.s32 $0x1, s14;
	[sflag:s10] =	ssyncset.done $0x0  }
0x2f: {  	p0 =	sne.s32 s14, s7;
	[sflag:s10] =	ssyncadd.s32 $0xFFFFD800  }
.Ltmp1:
0x30: {  	[bflag:$0x0] =	sbarrier.arrive $0xFFFF;
	(pc) =	sbr.rel @p0 .LBB2_1-.Ltmp1, $4  }
0x31: {  	[hbm:s6], [sflag:s11] =	dma.local [spmem:s12], $0x2800  }
0x32: {  	_ =	swait.ge [sflag:s10], $0x2800  }
0x33: {  	[sflag:s10] =	ssyncset.done $0x0  }
0x34: {  	[sflag:s10] =	ssyncadd.s32 $0xFFFFD800  }
0x35: {  	_ =	sfence.sel $0x180000  }
0x36: {  	[bflag:$0x0] =	sbarrier.arrive $0xFFFF  }
0x37: {  	p0 =	sne.s32 s0, $0x0;
	_ =	strace $0x90000047  }
0x38: {  	s0 =	sadd.s32 @!p0 $0x100000, s1;
	[bflag:$0x2] =	sbarrier.arrive $0xFFFF  }
0x39: {  	[sflag:s0] =	ssyncadd.tile.s32 @!p0 $0x1;
	_ =	shalt  }
.Lfunc_end2:
_tile_overlayer_lowered:
.L_overlay_start_2:
0x3a: {  	(tag) =	ssettag $0x2  }
0x3b: {  	s0 =	rddreg [dreg:$0x0];
	s2 =	stileid.u32  }
0x3c: {  	s1 =	rddreg [dreg:$0x1];
	p0 =	sne.s32 s2, $0x0  }
0x3d: {  	s3 =	rddreg [dreg:$0x2];
	[bflag:$0x3] =	sbarrier.arrive $0xFFFF;
	s2 =	simm.s32 @!p0 $0x1C01  }
0x3e: {  	[timem:s3], [sflag:s2] =	dma.local @!p0 [hbm:s0], s1  }
0x3f: {  	s0 =	simm.s32 @!p0 $0x1  }
0x40: {  	_ =	swait.ge @!p0 [sflag:s0], s1  }
0x41: {  	s1 =	ssub.s32 @!p0 $0x0, s1;
	[sflag:s0] =	ssyncset.done @!p0 $0x0  }
0x42: {  	[sflag:s0] =	ssyncadd.s32 @!p0 s1  }
0x43: {  	[bflag:$0x3] =	sbarrier.arrive $0xFFFF  }
0x44: {  	_ =	shalt  }

// kernel: kernel.13.cloned.1.call-start
scs
__scs_entry_jumppad:
0x0: {  	(pc) =	sbr.rel $0x88, $3  }
0x1: {  	(tag) =	ssettag $0x0;
	lr =	simm.s32 $0x1  }
0x2: {  	[smem:$0x3F88] =	sst lr;
	_ =	strace $0xD0000000  }
0x3: {  	_ = 	snop  }
0x4: {  	_ = 	snop  }
0x5: {  	_ = 	snop  }
0x6: {  	_ = 	snop  }
0x7: {  	_ = 	snop  }
__scs_overlays_trampoline_lowered:
0x8: {  	[smem:$0x3F97] =	sst s0  }
0x9: {  	[smem:$0x3F98] =	sst s1  }
0xa: {  	[smem:$0x3F99] =	sst s2  }
0xb: {  	[smem:$0x3F9A] =	sst s3  }
0xc: {  	[smem:$0x3F9B] =	sst s4  }
0xd: {  	[smem:$0x3F9C] =	sst s5  }
0xe: {  	[smem:$0x3F9D] =	sst s6  }
0xf: {  	[smem:$0x3F9E] =	sst s7  }
0x10: {  	[smem:$0x3F9F] =	sst s8  }
0x11: {  	[smem:$0x3FA0] =	sst s9;
	s0 =	simm.s32 @!p0 $0x0  }
0x12: {  	s1 =	sld [smem:$0x3F86];
	s0 =	simm.s32 @p0 $0x1  }
0x13: {  	[smem:$0x3FA1] =	sst s0;
	s0 =	simm.s32 @!p1 $0x0  }
0x14: {  	s2 =	sld [smem:$0x3F85];
	s0 =	simm.s32 @p1 $0x1  }
0x15: {  	[smem:$0x3FA2] =	sst s0;
	s0 =	simm.s32 @!p2 $0x0  }
0x16: {  	s3 =	sld [smem:$0x3FDB];
	s0 =	simm.s32 @p2 $0x1  }
0x17: {  	s4 =	simm.s32 $0x1BF5;
	[smem:$0x3FA4] =	sst s0  }
0x18: {  	s0 =	sld [smem:$0x3F87];
	_ =	swait.ge [sflag:s4], $0x0  }
0x19: {  	s7 =	sld [smem:$0x3F88]  }
0x1a: {  	s8 =	sadd.s32 $0xFFFFE003, lr  }
0x1b: {  	s9 =	sadd.s32 $0xFFFFFEF7, lr;
	s5 =	simm.s32 $0xFFFFFFFF;
	p2 =	slt.u32 s8, $0xFFFFF086  }
0x1c: {  	p1 =	slt.u32 s9, $0xF7A;
	s5 =	simm.s32 @!p2 $0x0  }
0x1d: {  	s5 =	simm.s32 @p1 $0x1;
	p0 =	seq.s32 s7, s2  }
0x1e: {  	s7 =	smul.u32 @!p0 $0xF7A, s2;
	p2 =	seq.s32 @!p0 s5, $0x0  }
0x1f: {  	s9 =	smul.u32 $0xF7A, s1;
	s8 =	simm.s32 @!p0 $0x1BF5;
	p2 =	por !p2, p0  }
0x20: {  	[sflag:s8] =	ssyncset.s32 @!p0 $0xFFFFF086;
	s6 =	sadd.s32 @!p0 s3, s7;
	s7 =	simm.s32 @!p0 $0x108  }
0x21: {  	s3 =	sadd.s32 s3, s9;
	s6 =	sadd.s32 @!p0 $0x88, s6;
	s7 =	simm.s32 @p2 $0x1082  }
0x22: {  	[simem:s7], [sflag:s8] =	dma.local @!p0 [hbm:s6], $0xF7A  }
0x23: {  	s9 =	sor.u32 $0xD0000000, s2;
	s6 =	simm.s32 $0x108;
	_ =	swait.ge @!p0 [sflag:s8], $0x0  }
0x24: {  	s3 =	sadd.s32 $0x88, s3;
	s6 =	simm.s32 @!p1 $0x1082;
	[sflag:s4] =	ssyncset.s32 $0xFFFFF086  }
0x25: {  	[simem:s6], [sflag:s4] =	dma.local [hbm:s3], $0xF7A  }
0x26: {  	[smem:$0x3F88] =	sst s1;
	(tag) =	ssettag s2;
	_ =	strace s9  }
0x27: {  	s1 =	sld [smem:$0x3F98]  }
0x28: {  	s2 =	sld [smem:$0x3F99]  }
0x29: {  	s4 =	sld [smem:$0x3F9B]  }
0x2a: {  	p0 =	seq.s32 s5, $0x0;
	s5 =	sld [smem:$0x3F9C]  }
0x2b: {  	s6 =	sld [smem:$0x3F9D]  }
0x2c: {  	s7 =	sld [smem:$0x3F9E]  }
0x2d: {  	s3 =	simm.s32 $0x108;
	s8 =	sld [smem:$0x3F9F]  }
0x2e: {  	s3 =	simm.s32 @!p0 $0x1082;
	s9 =	sld [smem:$0x3FA0]  }
0x2f: {  	lr =	sadd.s32 s0, s3;
	s0 =	sld [smem:$0x3F97]  }
0x30: {  	s3 =	sld [smem:$0x3F9A]  }
0x31: {  	[smem:$0x3FA3] =	sst s10  }
0x32: {  	s10 =	sld [smem:$0x3FA1];
	_ =	sdelay $0x3  }
0x33: {  	p0 =	seq.s32 s10, $0x1;
	s10 =	sld [smem:$0x3FA3];
	_ =	sdelay $0x3  }
0x34: {  	[smem:$0x3FA3] =	sst s10  }
0x35: {  	s10 =	sld [smem:$0x3FA2];
	_ =	sdelay $0x3  }
0x36: {  	p1 =	seq.s32 s10, $0x1;
	s10 =	sld [smem:$0x3FA3];
	_ =	sdelay $0x3  }
0x37: {  	[smem:$0x3FA3] =	sst s10  }
0x38: {  	s10 =	sld [smem:$0x3FA4]  }
0x39: {  	_ = 	snop;
	(pc) =	sbr.ind lr, $3  }
0x3a: {  	_ = 	snop  }
0x3b: {  	_ = 	snop  }
0x3c: {  	p2 =	seq.s32 s10, $0x1;
	s10 =	sld [smem:$0x3FA3]  }
0x3d: {  	_ =	shalt  }
0x3e: {  	_ =	shalt  }
0x3f: {  	_ =	shalt  }
0x40: {  	_ =	shalt  }
0x41: {  	_ =	shalt  }
0x42: {  	_ =	shalt  }
0x43: {  	_ =	shalt  }
0x44: {  	_ =	shalt  }
0x45: {  	_ =	shalt  }
0x46: {  	_ =	shalt  }
0x47: {  	_ =	shalt  }
0x48: {  	_ =	shalt  }
0x49: {  	_ =	shalt  }
0x4a: {  	_ =	shalt  }
0x4b: {  	_ =	shalt  }
0x4c: {  	_ =	shalt  }
0x4d: {  	_ =	shalt  }
0x4e: {  	_ =	shalt  }
0x4f: {  	_ =	shalt  }
0x50: {  	_ =	shalt  }
0x51: {  	_ =	shalt  }
0x52: {  	_ =	shalt  }
0x53: {  	_ =	shalt  }
0x54: {  	_ =	shalt  }
0x55: {  	_ =	shalt  }
0x56: {  	_ =	shalt  }
0x57: {  	_ =	shalt  }
0x58: {  	_ =	shalt  }
0x59: {  	_ =	shalt  }
0x5a: {  	_ =	shalt  }
0x5b: {  	_ =	shalt  }
0x5c: {  	_ =	shalt  }
0x5d: {  	_ =	shalt  }
0x5e: {  	_ =	shalt  }
0x5f: {  	_ =	shalt  }
0x60: {  	_ =	shalt  }
0x61: {  	_ =	shalt  }
0x62: {  	_ =	shalt  }
0x63: {  	_ =	shalt  }
0x64: {  	_ =	shalt  }
0x65: {  	_ =	shalt  }
0x66: {  	_ =	shalt  }
0x67: {  	_ =	shalt  }
0x68: {  	_ =	shalt  }
0x69: {  	_ =	shalt  }
0x6a: {  	_ =	shalt  }
0x6b: {  	_ =	shalt  }
0x6c: {  	_ =	shalt  }
0x6d: {  	_ =	shalt  }
0x6e: {  	_ =	shalt  }
0x6f: {  	_ =	shalt  }
0x70: {  	_ =	shalt  }
0x71: {  	_ =	shalt  }
0x72: {  	_ =	shalt  }
0x73: {  	_ =	shalt  }
0x74: {  	_ =	shalt  }
0x75: {  	_ =	shalt  }
0x76: {  	_ =	shalt  }
0x77: {  	_ =	shalt  }
0x78: {  	_ =	shalt  }
0x79: {  	_ =	shalt  }
0x7a: {  	_ =	shalt  }
0x7b: {  	_ =	shalt  }
0x7c: {  	_ =	shalt  }
0x7d: {  	_ =	shalt  }
0x7e: {  	_ =	shalt  }
0x7f: {  	_ =	shalt  }
0x80: {  	_ =	shalt  }
0x81: {  	_ =	shalt  }
0x82: {  	_ =	shalt  }
0x83: {  	_ =	shalt  }
0x84: {  	_ =	shalt  }
0x85: {  	_ =	shalt  }
0x86: {  	_ =	shalt  }
0x87: {  	_ =	shalt  }
.Lfunc_end0:
.L_simem_size_0:
called_computation.1_lowered:
.L_overlay_start_0:
0x88: {  	s2 =	sld [smem:$0x3FD9]  }
0x89: {  	s3 =	sld [smem:$0x3FFE];
	_ =	sdelay $0x1  }
0x8a: {  	s1 =	srdreg.scid  }
0x8b: {  	s0 =	sand.u32 $0x1, s1  }
0x8c: {  	s14 =	sshll.u32 s0, $0xA;
	s2 =	sadd.s32 s3, s2  }
0x8d: {  	s2 =	sadd.s32 s2, s14  }
0x8e: {  	[smem:$0x3FAF] =	sst s2  }
0x8f: {  	_ = 	snop  }
0x90: {  	s2 =	sld [smem:$0x3FD0];
	_ =	sdelay $0x2  }
0x91: {  	s15 =	simm.s32 $0xA;
	s4 =	simm.s32 $0x10  }
0x92: {  	[smem:s4], [sflag:s15] =	dma.local [hbm:s2], $0x1  }
0x93: {  	_ =	swait.eq [sflag:s15], $0x1  }
0x94: {  	[sflag:s15] =	ssyncset.done $0x0  }
0x95: {  	[sflag:s15] =	ssyncadd.s32 $0xFFFFFFFF  }
0x96: {  	s16 =	sld [smem:$0x11];
	(tm) =	ssettm $0x1  }
0x97: {  	s17 =	sld [smem:$0x3FFB];
	_ =	sdelay $0x3  }
0x98: {  	_ =	strace s17  }
0x99: {  	s3 =	sld [smem:$0x3FFC];
	_ =	sdelay $0x3  }
0x9a: {  	_ =	strace s3  }
0x9b: {  	s3 =	sld [smem:$0x3FFD];
	_ =	sdelay $0x3  }
0x9c: {  	_ =	strace s3  }
0x9d: {  	_ =	strace $0x8FFFFFFF  }
0x9e: {  	s18 =	sld [smem:$0x3FDB];
	_ =	sdelay $0x1  }
0x9f: {  	s19 =	simm.s32 $_scs_section_size  }
0xa0: {  	s5 =	simm.s32 $_size__tile_overlayer_lowered;
	s6 =	simm.s32 $_tile_overlayer_lowered  }
0xa1: {  	s22 =	simm.s32 $0x1BFF;
	s21 =	sshll.u32 s6, $0x1;
	s3 =	sadd.s32 s19, s18  }
0xa2: {  	s7 =	simm.s32 $0x0;
	s20 =	sshll.u32 s5, $0x1;
	s5 =	sadd.s32 s21, s3  }
0xa3: {  	[timem:s7], [sflag:s22] =	dma.local [hbm:s5], s20  }
0xa4: {  	_ =	swait.ge [sflag:s22], s20  }
0xa5: {  	s4 =	ssub.s32 $0x0, s20;
	[sflag:s22] =	ssyncset.done $0x0  }
0xa6: {  	[sflag:s22] =	ssyncadd.s32 s4;
	_ =	sdelay $0x1  }
0xa7: {  	s23 =	simm.s32 $0x1B8B  }
0xa8: {  	_ =	swait.ge [sflag:s23], $0x1  }
0xa9: {  	[sflag:s23] =	ssyncset.done $0x0  }
0xaa: {  	s25 =	simm.s32 $0x1B8E;
	s24 =	sld [smem:$0x3FFE];
	[sflag:s23] =	ssyncadd.s32 $0xFFFFFFFF  }
0xab: {  	s26 =	simm.s32 $execute0_lowered;
	[smem:$0x3FD2] =	sst s25  }
0xac: {  	s5 =	sshll.u32 s26, $0x1;
	_ =	strace $0x80000049;
	[dreg:$0x1] =	wrdreg $0xFFFFFFFF  }
0xad: {  	s28 =	simm.s32 $_size_execute0_lowered;
	s3 =	sadd.s32 s3, s5;
	[dreg:$0x0] =	wrdreg $0x0  }
0xae: {  	s5 =	sshll.u32 s28, $0x1;
	[dreg:$0x2] =	wrdreg s3  }
0xaf: {  	[dreg:$0x3] =	wrdreg s5  }
0xb0: {  	[dreg:$0x4] =	wrdreg $0xC0  }
0xb1: {  	_ =	task [dreg:s7], $0x5FFFF  }
0xb2: {  	[dreg:$0x1] =	wrdreg $0xFFFFFFFF  }
0xb3: {  	[dreg:$0x0] =	wrdreg $0x60  }
0xb4: {  	[dreg:$0x2] =	wrdreg s24  }
0xb5: {  	[dreg:$0x3] =	wrdreg s16  }
0xb6: {  	[dreg:$0x4] =	wrdreg $0x60000  }
0xb7: {  	[dreg:$0x5] =	wrdreg $0x9  }
0xb8: {  	_ =	task.clear_ibuf [dreg:s7], $0x6FFFF;
	_ =	strace $0x90000049  }
0xb9: {  	s29 =	simm.s32 $0x9;
	_ =	strace $0x8000004B  }
0xba: {  	_ =	swait.ge [sflag:s29], $0x1  }
0xbb: {  	[sflag:s29] =	ssyncadd.s32 $0xFFFFFFFF  }
0xbc: {  	_ =	strace $0x9000004B  }
0xbd: {  	_ =	sfence  }
0xbe: {  	s30 =	sld [smem:$0x0];
	_ =	sdelay $0x2  }
0xbf: {  	s31 =	sshll.u32 s1, $0xD;
	s1 =	sshrl.u32 s1, $0x2  }
0xc0: {  	s3 =	sand.u32 $0x4000, s31;
	s1 =	sadd.s32 s1, s30  }
0xc1: {  	s0 =	sor.u32 s3, s0;
	s1 =	sshll.u32 s1, $0x11  }
0xc2: {  	s0 =	sor.u32 s1, s0  }
0xc3: {  	s0 =	sadd.s32 $0x8F2B, s0  }
0xc4: {  	[sflag:s0] =	ssyncadd.remote.s32 $0x1  }
0xc5: {  	_ =	sfence.sel $0xFFFF  }
0xc6: {  	[dreg:$0x0] =	wrdreg $0xFFFFFFFF;
	(pc) =	sbr.abs _section_cstart, $3  }
0xc7: {  	[dreg:$0x1] =	wrdreg $0xFFFFFFFF  }
0xc8: {  	_ =	task.clear_ibuf [dreg:s7], $0x2FFFF;
	_ =	strace $0x9FFFFFFF  }
0xc9: {  	(tm) =	ssettm $0x7FFFFFFF  }
tec
execute0_lowered:
.L_overlay_start_1:
0x0: {  	(tag) =	ssettag $0x1  }
0x1: {  	s5 =	rddreg [dreg:$0x0]  }
0x2: {  	s0 =	rddreg [dreg:$0x1];
	s11 =	stileid.u32  }
0x3: {  	s30 =	rddreg [dreg:$0x2];
	s7 =	smul.u32 $0x2800, s11  }
0x4: {  	s1 =	srdreg.scid;
	s3 =	simm.s32 $0x0;
	s24 =	smul.u32 $0x4E20, s11  }
0x5: {  	s6 =	sand.u32 $0x1, s1;
	[smem:$0x7FF] =	sst s3;
	s25 =	smul.u32 $0x50000, s11  }
0x6: {  	s4 =	sadd.s32 $0x1D800, s5;
	s1 =	sadd.s32 $0x7600, s5;
	s8 =	smul.u32 $0x28000, s6  }
0x7: {  	s10 =	sadd.s32 $0x1B000, s5;
	s9 =	smul.u32 $0x4E200, s6;
	s6 =	ssub.s32 $0x2, s6  }
0x8: {  	_ =	strace $0x8000004A;
	[dreg:$0x18] =	wrdreg s10;
	s26 =	sshrl.u32 s6, $0x1  }
0x9: {  	s28 =	sshrl.u32 s25, $0x2;
	s7 =	sadd.s32 s7, s8;
	s9 =	sadd.s32 s24, s9  }
0xa: {  	s6 =	ssub.s32 s6, s26;
	s5 =	sadd.s32 s7, s5;
	s29 =	sshrl.u32 s9, $0x3  }
0xb: {  	s7 =	sadd.s32 s28, s30;
	s10 =	sadd.s32 $0x2D0, s9;
	s13 =	sadd.s32 $0x280, s9  }
0xc: {  	s17 =	sadd.s32 $0x230, s9;
	[dreg:$0x19] =	wrdreg s7;
	s2 =	sadd.s32 s29, s0  }
0xd: {  	s8 =	sadd.s32 s29, s1;
	s10 =	sshrl.u32 s10, $0x3;
	[dreg:$0x4] =	wrdreg s2  }
0xe: {  	s21 =	sadd.s32 $0x1E0, s9;
	[dreg:$0x5] =	wrdreg s8;
	s12 =	sadd.s32 s10, s0  }
0xf: {  	s15 =	sshrl.u32 s13, $0x3;
	s14 =	sadd.s32 s10, s1;
	[dreg:$0x6] =	wrdreg s12  }
0x10: {  	s25 =	sadd.s32 $0x190, s9;
	s16 =	sadd.s32 s15, s0;
	[dreg:$0x7] =	wrdreg s14  }
0x11: {  	s19 =	sshrl.u32 s17, $0x3;
	s18 =	sadd.s32 s15, s1;
	[dreg:$0x8] =	wrdreg s16  }
0x12: {  	s23 =	sshrl.u32 s21, $0x3;
	s20 =	sadd.s32 s19, s0;
	[dreg:$0x9] =	wrdreg s18  }
0x13: {  	s28 =	sshrl.u32 s25, $0x3;
	s22 =	sadd.s32 s19, s1;
	[dreg:$0xa] =	wrdreg s20  }
0x14: {  	s25 =	sshll.u32 s11, $0x6;
	s24 =	sadd.s32 s23, s0;
	[dreg:$0xb] =	wrdreg s22  }
0x15: {  	s26 =	sadd.s32 s23, s1;
	s29 =	sadd.s32 s28, s0;
	[dreg:$0xc] =	wrdreg s24  }
0x16: {  	s2 =	sadd.s32 $0x140, s9;
	s15 =	sadd.s32 $0xF0, s9;
	[dreg:$0xd] =	wrdreg s26  }
0x17: {  	s19 =	sadd.s32 $0xA0, s9;
	[dreg:$0xe] =	wrdreg s29;
	s12 =	sadd.s32 s28, s1  }
0x18: {  	s9 =	sadd.s32 $0x50, s9;
	s28 =	sadd.s32 $0xBD800, s5;
	[dreg:$0xf] =	wrdreg s12  }
0x19: {  	s13 =	sshrl.u32 s2, $0x3;
	s29 =	smax.u32 s6, $0x1;
	[dreg:$0x1b] =	wrdreg s28  }
0x1a: {  	s24 =	sshrl.u32 s9, $0x3;
	s9 =	sor.u32 $0x1C04, s25;
	[dreg:$0x1c] =	wrdreg s29  }
0x1b: {  	s31 =	simm.s32 $0x3;
	s14 =	sadd.s32 s13, s0;
	[dreg:$0x1a] =	wrdreg s9  }
0x1c: {  	s17 =	sshrl.u32 s15, $0x3;
	s16 =	sadd.s32 s13, s1;
	[dreg:$0x10] =	wrdreg s14  }
0x1d: {  	s10 =	simm.s32 $0x4;
	s18 =	sadd.s32 s17, s0;
	[dreg:$0x11] =	wrdreg s16  }
0x1e: {  	s21 =	sshrl.u32 s19, $0x3;
	s20 =	sadd.s32 s17, s1;
	[dreg:$0x12] =	wrdreg s18  }
0x1f: {  	s8 =	simm.s32 $0x2;
	s22 =	sadd.s32 s21, s0;
	[dreg:$0x13] =	wrdreg s20  }
0x20: {  	s5 =	simm.s32 $0x3800;
	s23 =	sadd.s32 s21, s1;
	[dreg:$0x14] =	wrdreg s22  }
0x21: {  	s6 =	simm.s32 $0x1;
	s0 =	sadd.s32 s24, s0;
	[dreg:$0x15] =	wrdreg s23  }
0x22: {  	s2 =	simm.s32 $0x0;
	s26 =	sadd.s32 s24, s1;
	[dreg:$0x16] =	wrdreg s0  }
0x23: {  	s1 =	simm.s32 $0x1000;
	[dreg:$0x17] =	wrdreg s26;
	s0 =	simm.s32 $0x50  }
.LBB2_1:
0x24: {  	[dreg:$0x1d] =	wrdreg s2  }
0x25: {  	s7 =	rddreg [dreg:$0x19]  }
0x26: {  	s17 =	rddreg [dreg:$0x18];
	s16 =	sshrl.u32 s7, $0x3  }
0x27: {  	[dreg:$0x1e] =	wrdreg s16  }
0x28: {  	[spmem:s16], [sflag:s9] =	dma.local [hbm:s17], $0x2800  }
0x29: {  	_ =	swait.ge [sflag:s10], $0x2800  }
0x2a: {  	[sflag:s10] =	ssyncset.done $0x0  }
0x2b: {  	[sflag:s10] =	ssyncadd.s32 $0xFFFFD800  }
0x2c: {  	[bflag:$0x0] =	sbarrier.arrive $0xFFFF  }
0x2d: {  	s18 =	rddreg [dreg:$0x5]  }
0x2e: {  	s19 =	rddreg [dreg:$0x4];
	s7 =	sadd.s32 $0x0, s18  }
0x2f: {  	[tilespmem:s3], [sflag:$0x3] =	stream.linear.gather [hbm4b:s7+s3], $0x50, $0x38;
	[tilespmem:$0x1A000] =	vst v63  }
0x30: {  	s12 =	simm.s32 $0x800;
	s11 =	rddreg [dreg:$0x17];
	s20 =	sadd.s32 $0x0, s19  }
0x31: {  	[tilespmem:s12], [sflag:$0x3] =	stream.linear.gather [hbm4b:s20+s3], $0x50, $0x38;
	[tilespmem:$0x1A000] =	vst v63  }
0x32: {  	s13 =	simm.s32 $0x80;
	s21 =	rddreg [dreg:$0x16];
	s22 =	sadd.s32 $0x0, s11  }
0x33: {  	[tilespmem:s13], [sflag:$0x3] =	stream.linear.gather [hbm4b:s22+s3], $0x50, $0x38;
	[tilespmem:$0x1A000] =	vst v63  }
0x34: {  	s14 =	simm.s32 $0x880;
	s23 =	rddreg [dreg:$0x15];
	s24 =	sadd.s32 $0x0, s21  }
0x35: {  	[tilespmem:s14], [sflag:$0x3] =	stream.linear.gather [hbm4b:s24+s3], $0x50, $0x38;
	[tilespmem:$0x1A000] =	vst v63  }
0x36: {  	s15 =	simm.s32 $0x100;
	s25 =	rddreg [dreg:$0x14];
	s26 =	sadd.s32 $0x0, s23  }
0x37: {  	[tilespmem:s15], [sflag:$0x3] =	stream.linear.gather [hbm4b:s26+s3], $0x50, $0x38;
	[tilespmem:$0x1A000] =	vst v63  }
0x38: {  	s16 =	simm.s32 $0x900;
	s28 =	rddreg [dreg:$0x13];
	s29 =	sadd.s32 $0x0, s25  }
0x39: {  	[tilespmem:s16], [sflag:$0x3] =	stream.linear.gather [hbm4b:s29+s3], $0x50, $0x38;
	[tilespmem:$0x1A000] =	vst v63  }
0x3a: {  	s17 =	simm.s32 $0x180;
	s2 =	rddreg [dreg:$0x12];
	s18 =	sadd.s32 $0x0, s28  }
0x3b: {  	[tilespmem:s17], [sflag:$0x3] =	stream.linear.gather [hbm4b:s18+s3], $0x50, $0x38;
	[tilespmem:$0x1A000] =	vst v63  }
0x3c: {  	s19 =	rddreg [dreg:$0x11];
	s20 =	sadd.s32 $0x0, s2;
	s18 =	simm.s32 $0x980  }
0x3d: {  	[tilespmem:s18], [sflag:$0x3] =	stream.linear.gather [hbm4b:s20+s3], $0x50, $0x38;
	[tilespmem:$0x1A000] =	vst v63  }
0x3e: {  	s21 =	rddreg [dreg:$0x10];
	s22 =	sadd.s32 $0x0, s19;
	s19 =	simm.s32 $0x200  }
0x3f: {  	[tilespmem:s19], [sflag:$0x3] =	stream.linear.gather [hbm4b:s22+s3], $0x50, $0x38;
	[tilespmem:$0x1A000] =	vst v63  }
0x40: {  	s23 =	rddreg [dreg:$0xf];
	s24 =	sadd.s32 $0x0, s21;
	s20 =	simm.s32 $0xA00  }
0x41: {  	[tilespmem:s20], [sflag:$0x3] =	stream.linear.gather [hbm4b:s24+s3], $0x50, $0x38;
	[tilespmem:$0x1A000] =	vst v63  }
0x42: {  	s25 =	rddreg [dreg:$0xe];
	s21 =	simm.s32 $0x280;
	s26 =	sadd.s32 $0x0, s23  }
0x43: {  	[tilespmem:s21], [sflag:$0x3] =	stream.linear.gather [hbm4b:s26+s3], $0x50, $0x38;
	[tilespmem:$0x1A000] =	vst v63  }
0x44: {  	s28 =	rddreg [dreg:$0xd];
	s29 =	sadd.s32 $0x0, s25;
	s22 =	simm.s32 $0xA80  }
0x45: {  	[tilespmem:s22], [sflag:$0x3] =	stream.linear.gather [hbm4b:s29+s3], $0x50, $0x38;
	[tilespmem:$0x1A000] =	vst v63  }
0x46: {  	s2 =	rddreg [dreg:$0xc];
	s23 =	simm.s32 $0x300;
	s24 =	sadd.s32 $0x0, s28  }
0x47: {  	[tilespmem:s23], [sflag:$0x3] =	stream.linear.gather [hbm4b:s24+s3], $0x50, $0x38;
	[tilespmem:$0x1A000] =	vst v63  }
0x48: {  	s25 =	rddreg [dreg:$0xb];
	s26 =	sadd.s32 $0x0, s2;
	s24 =	simm.s32 $0xB00  }
0x49: {  	[tilespmem:s24], [sflag:$0x3] =	stream.linear.gather [hbm4b:s26+s3], $0x50, $0x38;
	[tilespmem:$0x1A000] =	vst v63  }
0x4a: {  	s28 =	rddreg [dreg:$0xa];
	s29 =	sadd.s32 $0x0, s25;
	s25 =	simm.s32 $0x380  }
0x4b: {  	[tilespmem:s25], [sflag:$0x3] =	stream.linear.gather [hbm4b:s29+s3], $0x50, $0x38;
	[tilespmem:$0x1A000] =	vst v63  }
0x4c: {  	s28 =	sadd.s32 $0x0, s28;
	s2 =	rddreg [dreg:$0x9];
	s26 =	simm.s32 $0xB80  }
0x4d: {  	[tilespmem:s26], [sflag:$0x3] =	stream.linear.gather [hbm4b:s28+s3], $0x50, $0x38;
	[tilespmem:$0x1A000] =	vst v63  }
0x4e: {  	s29 =	rddreg [dreg:$0x8];
	s28 =	sadd.s32 $0x0, s2;
	s2 =	simm.s32 $0x400  }
0x4f: {  	[tilespmem:s2], [sflag:$0x3] =	stream.linear.gather [hbm4b:s28+s3], $0x50, $0x38;
	[tilespmem:$0x1A000] =	vst v63  }
0x50: {  	s11 =	rddreg [dreg:$0x7];
	s29 =	sadd.s32 $0x0, s29;
	s28 =	simm.s32 $0xC00  }
0x51: {  	[tilespmem:s28], [sflag:$0x3] =	stream.linear.gather [hbm4b:s29+s3], $0x50, $0x38;
	[tilespmem:$0x1A000] =	vst v63  }
0x52: {  	s9 =	rddreg [dreg:$0x6];
	s29 =	sadd.s32 $0x0, s11;
	s11 =	simm.s32 $0x480  }
0x53: {  	[tilespmem:s11], [sflag:$0x3] =	stream.linear.gather [hbm4b:s29+s3], $0x50, $0x38;
	[tilespmem:$0x1A000] =	vst v63  }
0x54: {  	s9 =	sadd.s32 $0x0, s9;
	s29 =	simm.s32 $0xC80  }
0x55: {  	[tilespmem:s29], [sflag:$0x3] =	stream.linear.gather [hbm4b:s9+s3], $0x50, $0x38;
	[tilespmem:$0x1A000] =	vst v63  }
0x56: {  	_ =	swait.ge [sflag:s31], $0x50  }
0x57: {  	[sflag:s31] =	ssyncset.done $0x0  }
0x58: {  	[sflag:s31] =	ssyncadd.s32 $0xFFFFFFB0  }
0x59: {  	_ =	swait.ge [sflag:s31], $0x50  }
0x5a: {  	[sflag:s31] =	ssyncset.done $0x0  }
0x5b: {  	[sflag:s31] =	ssyncadd.s32 $0xFFFFFFB0  }
0x5c: {  	_ =	swait.ge [sflag:s31], $0x50  }
0x5d: {  	[sflag:s31] =	ssyncset.done $0x0  }
0x5e: {  	[sflag:s31] =	ssyncadd.s32 $0xFFFFFFB0  }
0x5f: {  	_ =	swait.ge [sflag:s31], $0x50  }
0x60: {  	[sflag:s31] =	ssyncset.done $0x0  }
0x61: {  	[sflag:s31] =	ssyncadd.s32 $0xFFFFFFB0  }
0x62: {  	_ =	swait.ge [sflag:s31], $0x50  }
0x63: {  	[sflag:s31] =	ssyncset.done $0x0  }
0x64: {  	[sflag:s31] =	ssyncadd.s32 $0xFFFFFFB0  }
0x65: {  	_ =	swait.ge [sflag:s31], $0x50  }
0x66: {  	[sflag:s31] =	ssyncset.done $0x0  }
0x67: {  	[sflag:s31] =	ssyncadd.s32 $0xFFFFFFB0  }
0x68: {  	_ =	swait.ge [sflag:s31], $0x50  }
0x69: {  	[sflag:s31] =	ssyncset.done $0x0  }
0x6a: {  	[sflag:s31] =	ssyncadd.s32 $0xFFFFFFB0  }
0x6b: {  	_ =	swait.ge [sflag:s31], $0x50  }
0x6c: {  	[sflag:s31] =	ssyncset.done $0x0  }
0x6d: {  	[sflag:s31] =	ssyncadd.s32 $0xFFFFFFB0  }
0x6e: {  	_ =	swait.ge [sflag:s31], $0x50  }
0x6f: {  	[sflag:s31] =	ssyncset.done $0x0  }
0x70: {  	[sflag:s31] =	ssyncadd.s32 $0xFFFFFFB0  }
0x71: {  	_ =	swait.ge [sflag:s31], $0x50  }
0x72: {  	[sflag:s31] =	ssyncset.done $0x0  }
0x73: {  	[sflag:s31] =	ssyncadd.s32 $0xFFFFFFB0  }
0x74: {  	_ =	swait.ge [sflag:s31], $0x50  }
0x75: {  	[sflag:s31] =	ssyncset.done $0x0  }
0x76: {  	[sflag:s31] =	ssyncadd.s32 $0xFFFFFFB0  }
0x77: {  	_ =	swait.ge [sflag:s31], $0x50  }
0x78: {  	[sflag:s31] =	ssyncset.done $0x0  }
0x79: {  	[sflag:s31] =	ssyncadd.s32 $0xFFFFFFB0  }
0x7a: {  	_ =	swait.ge [sflag:s31], $0x50  }
0x7b: {  	[sflag:s31] =	ssyncset.done $0x0  }
0x7c: {  	[sflag:s31] =	ssyncadd.s32 $0xFFFFFFB0  }
0x7d: {  	_ =	swait.ge [sflag:s31], $0x50  }
0x7e: {  	[sflag:s31] =	ssyncset.done $0x0  }
0x7f: {  	[sflag:s31] =	ssyncadd.s32 $0xFFFFFFB0  }
0x80: {  	_ =	swait.ge [sflag:s31], $0x50  }
0x81: {  	[sflag:s31] =	ssyncset.done $0x0  }
0x82: {  	[sflag:s31] =	ssyncadd.s32 $0xFFFFFFB0  }
0x83: {  	_ =	swait.ge [sflag:s31], $0x50  }
0x84: {  	[sflag:s31] =	ssyncset.done $0x0  }
0x85: {  	[sflag:s31] =	ssyncadd.s32 $0xFFFFFFB0  }
0x86: {  	_ =	swait.ge [sflag:s31], $0x50  }
0x87: {  	[sflag:s31] =	ssyncset.done $0x0  }
0x88: {  	[sflag:s31] =	ssyncadd.s32 $0xFFFFFFB0  }
0x89: {  	_ =	swait.ge [sflag:s31], $0x50  }
0x8a: {  	[sflag:s31] =	ssyncset.done $0x0  }
0x8b: {  	[sflag:s31] =	ssyncadd.s32 $0xFFFFFFB0  }
0x8c: {  	_ =	swait.ge [sflag:s31], $0x50  }
0x8d: {  	[sflag:s31] =	ssyncset.done $0x0  }
0x8e: {  	[sflag:s31] =	ssyncadd.s32 $0xFFFFFFB0  }
0x8f: {  	_ =	swait.ge [sflag:s31], $0x50  }
0x90: {  	[sflag:s31] =	ssyncset.done $0x0  }
0x91: {  	[sflag:s31] =	ssyncadd.s32 $0xFFFFFFB0  }
0x92: {  	[tilespmem:s1], [sflag:$0x1] =	stream.indirect.gather [hbm4b:s4+s0], $0x80, s3, s0, $0xb8;
	[tilespmem:$0x1A000] =	vst v63  }
0x93: {  	_ = 	snop  }
0x94: {  	[tilespmem:s5], [sflag:$0x2] =	stream.indirect.gather [hbm4b:s4+s0], $0x80, s13, s0, $0xb8;
	[tilespmem:$0x1A000] =	vst v63  }
0x95: {  	_ =	swait.ge [sflag:s6], $0x2800  }
0x96: {  	[sflag:s6] =	ssyncset.done $0x0  }
0x97: {  	[sflag:s6] =	ssyncadd.s32 $0xFFFFD800  }
0x98: {  	[spmem:s30] =	stream.indirect.scatter.add.f32 [tilespmem:s1], [sflag:$0x4], $0x80, s12, s0, $0xb8;
	[tilespmem:$0x1A000] =	vst v63  }
0x99: {  	_ =	swait.ge [sflag:s10], $0x2800  }
0x9a: {  	[sflag:s10] =	ssyncset.done $0x0  }
0x9b: {  	[sflag:s10] =	ssyncadd.s32 $0xFFFFD800  }
0x9c: {  	[tilespmem:s1], [sflag:$0x1] =	stream.indirect.gather [hbm4b:s4+s0], $0x80, s15, s0, $0xb8;
	[tilespmem:$0x1A000] =	vst v63  }
0x9d: {  	_ =	swait.ge [sflag:s8], $0x2800  }
0x9e: {  	[sflag:s8] =	ssyncset.done $0x0  }
0x9f: {  	[sflag:s8] =	ssyncadd.s32 $0xFFFFD800  }
0xa0: {  	[spmem:s30] =	stream.indirect.scatter.add.f32 [tilespmem:s5], [sflag:$0x4], $0x80, s14, s0, $0xb8;
	[tilespmem:$0x1A000] =	vst v63  }
0xa1: {  	_ =	swait.ge [sflag:s10], $0x2800  }
0xa2: {  	[sflag:s10] =	ssyncset.done $0x0  }
0xa3: {  	[sflag:s10] =	ssyncadd.s32 $0xFFFFD800  }
0xa4: {  	[tilespmem:s5], [sflag:$0x2] =	stream.indirect.gather [hbm4b:s4+s0], $0x80, s17, s0, $0xb8;
	[tilespmem:$0x1A000] =	vst v63  }
0xa5: {  	_ =	swait.ge [sflag:s6], $0x2800  }
0xa6: {  	[sflag:s6] =	ssyncset.done $0x0  }
0xa7: {  	[sflag:s6] =	ssyncadd.s32 $0xFFFFD800  }
0xa8: {  	[spmem:s30] =	stream.indirect.scatter.add.f32 [tilespmem:s1], [sflag:$0x4], $0x80, s16, s0, $0xb8;
	[tilespmem:$0x1A000] =	vst v63  }
0xa9: {  	_ =	swait.ge [sflag:s10], $0x2800  }
0xaa: {  	[sflag:s10] =	ssyncset.done $0x0  }
0xab: {  	[sflag:s10] =	ssyncadd.s32 $0xFFFFD800  }
0xac: {  	[tilespmem:s1], [sflag:$0x1] =	stream.indirect.gather [hbm4b:s4+s0], $0x80, s19, s0, $0xb8;
	[tilespmem:$0x1A000] =	vst v63  }
0xad: {  	_ =	swait.ge [sflag:s8], $0x2800  }
0xae: {  	[sflag:s8] =	ssyncset.done $0x0  }
0xaf: {  	[sflag:s8] =	ssyncadd.s32 $0xFFFFD800  }
0xb0: {  	[spmem:s30] =	stream.indirect.scatter.add.f32 [tilespmem:s5], [sflag:$0x4], $0x80, s18, s0, $0xb8;
	[tilespmem:$0x1A000] =	vst v63  }
0xb1: {  	_ =	swait.ge [sflag:s10], $0x2800  }
0xb2: {  	[sflag:s10] =	ssyncset.done $0x0  }
0xb3: {  	[sflag:s10] =	ssyncadd.s32 $0xFFFFD800  }
0xb4: {  	[tilespmem:s5], [sflag:$0x2] =	stream.indirect.gather [hbm4b:s4+s0], $0x80, s21, s0, $0xb8;
	[tilespmem:$0x1A000] =	vst v63  }
0xb5: {  	_ =	swait.ge [sflag:s6], $0x2800  }
0xb6: {  	[sflag:s6] =	ssyncset.done $0x0  }
0xb7: {  	[sflag:s6] =	ssyncadd.s32 $0xFFFFD800  }
0xb8: {  	[spmem:s30] =	stream.indirect.scatter.add.f32 [tilespmem:s1], [sflag:$0x4], $0x80, s20, s0, $0xb8;
	[tilespmem:$0x1A000] =	vst v63  }
0xb9: {  	_ =	swait.ge [sflag:s10], $0x2800  }
0xba: {  	[sflag:s10] =	ssyncset.done $0x0  }
0xbb: {  	[sflag:s10] =	ssyncadd.s32 $0xFFFFD800  }
0xbc: {  	[tilespmem:s1], [sflag:$0x1] =	stream.indirect.gather [hbm4b:s4+s0], $0x80, s23, s0, $0xb8;
	[tilespmem:$0x1A000] =	vst v63  }
0xbd: {  	_ =	swait.ge [sflag:s8], $0x2800  }
0xbe: {  	[sflag:s8] =	ssyncset.done $0x0  }
0xbf: {  	[sflag:s8] =	ssyncadd.s32 $0xFFFFD800  }
0xc0: {  	[spmem:s30] =	stream.indirect.scatter.add.f32 [tilespmem:s5], [sflag:$0x4], $0x80, s22, s0, $0xb8;
	[tilespmem:$0x1A000] =	vst v63  }
0xc1: {  	_ =	swait.ge [sflag:s10], $0x2800  }
0xc2: {  	[sflag:s10] =	ssyncset.done $0x0  }
0xc3: {  	[sflag:s10] =	ssyncadd.s32 $0xFFFFD800  }
0xc4: {  	[tilespmem:s5], [sflag:$0x2] =	stream.indirect.gather [hbm4b:s4+s0], $0x80, s25, s0, $0xb8;
	[tilespmem:$0x1A000] =	vst v63  }
0xc5: {  	_ =	swait.ge [sflag:s6], $0x2800  }
0xc6: {  	[sflag:s6] =	ssyncset.done $0x0  }
0xc7: {  	[sflag:s6] =	ssyncadd.s32 $0xFFFFD800  }
0xc8: {  	[spmem:s30] =	stream.indirect.scatter.add.f32 [tilespmem:s1], [sflag:$0x4], $0x80, s24, s0, $0xb8;
	[tilespmem:$0x1A000] =	vst v63  }
0xc9: {  	_ =	swait.ge [sflag:s10], $0x2800  }
0xca: {  	[sflag:s10] =	ssyncset.done $0x0  }
0xcb: {  	[sflag:s10] =	ssyncadd.s32 $0xFFFFD800  }
0xcc: {  	[tilespmem:s1], [sflag:$0x1] =	stream.indirect.gather [hbm4b:s4+s0], $0x80, s2, s0, $0xb8;
	[tilespmem:$0x1A000] =	vst v63  }
0xcd: {  	_ =	swait.ge [sflag:s8], $0x2800  }
0xce: {  	[sflag:s8] =	ssyncset.done $0x0  }
0xcf: {  	[sflag:s8] =	ssyncadd.s32 $0xFFFFD800  }
0xd0: {  	[spmem:s30] =	stream.indirect.scatter.add.f32 [tilespmem:s5], [sflag:$0x4], $0x80, s26, s0, $0xb8;
	[tilespmem:$0x1A000] =	vst v63  }
0xd1: {  	_ =	swait.ge [sflag:s10], $0x2800  }
0xd2: {  	[sflag:s10] =	ssyncset.done $0x0  }
0xd3: {  	[sflag:s10] =	ssyncadd.s32 $0xFFFFD800  }
0xd4: {  	[tilespmem:s5], [sflag:$0x2] =	stream.indirect.gather [hbm4b:s4+s0], $0x80, s11, s0, $0xb8;
	[tilespmem:$0x1A000] =	vst v63  }
0xd5: {  	_ =	swait.ge [sflag:s6], $0x2800  }
0xd6: {  	[sflag:s6] =	ssyncset.done $0x0  }
0xd7: {  	[sflag:s6] =	ssyncadd.s32 $0xFFFFD800  }
0xd8: {  	[spmem:s30] =	stream.indirect.scatter.add.f32 [tilespmem:s1], [sflag:$0x4], $0x80, s28, s0, $0xb8;
	[tilespmem:$0x1A000] =	vst v63  }
0xd9: {  	_ =	swait.ge [sflag:s10], $0x2800  }
0xda: {  	[sflag:s10] =	ssyncset.done $0x0  }
0xdb: {  	[sflag:s10] =	ssyncadd.s32 $0xFFFFD800  }
0xdc: {  	_ =	swait.ge [sflag:s8], $0x2800  }
0xdd: {  	[sflag:s8] =	ssyncset.done $0x0  }
0xde: {  	[sflag:s8] =	ssyncadd.s32 $0xFFFFD800  }
0xdf: {  	[spmem:s30] =	stream.indirect.scatter.add.f32 [tilespmem:s5], [sflag:$0x4], $0x80, s29, s0, $0xb8;
	[tilespmem:$0x1A000] =	vst v63  }
0xe0: {  	s7 =	simm.s32 $0x64;
	_ =	swait.ge [sflag:s10], $0x2800  }
0xe1: {  	s9 =	simm.s32 $0xC8;
	s12 =	rddreg [dreg:$0x5];
	[sflag:s10] =	ssyncset.done $0x0  }
.LBB2_2:
0xe2: {  	[sflag:s10] =	ssyncadd.s32 $0xFFFFD800;
	s13 =	rddreg [dreg:$0x4];
	s12 =	sadd.s32 s7, s12  }
0xe3: {  	[tilespmem:s3], [sflag:$0x3] =	stream.linear.gather [hbm4b:s12+s3], $0x50, $0x38;
	[tilespmem:$0x1A000] =	vst v63  }
0xe4: {  	s14 =	rddreg [dreg:$0x17];
	s15 =	simm.s32 $0x800;
	s26 =	sadd.s32 s7, s13  }
0xe5: {  	[tilespmem:s15], [sflag:$0x3] =	stream.linear.gather [hbm4b:s26+s3], $0x50, $0x38;
	[tilespmem:$0x1A000] =	vst v63  }
0xe6: {  	s28 =	rddreg [dreg:$0x16];
	s16 =	simm.s32 $0x80;
	s29 =	sadd.s32 s7, s14  }
0xe7: {  	[tilespmem:s16], [sflag:$0x3] =	stream.linear.gather [hbm4b:s29+s3], $0x50, $0x38;
	[tilespmem:$0x1A000] =	vst v63  }
0xe8: {  	s2 =	rddreg [dreg:$0x15];
	s17 =	simm.s32 $0x880;
	s18 =	sadd.s32 s7, s28  }
0xe9: {  	[tilespmem:s17], [sflag:$0x3] =	stream.linear.gather [hbm4b:s18+s3], $0x50, $0x38;
	[tilespmem:$0x1A000] =	vst v63  }
0xea: {  	s19 =	rddreg [dreg:$0x14];
	s20 =	sadd.s32 s7, s2;
	s18 =	simm.s32 $0x100  }
0xeb: {  	[tilespmem:s18], [sflag:$0x3] =	stream.linear.gather [hbm4b:s20+s3], $0x50, $0x38;
	[tilespmem:$0x1A000] =	vst v63  }
0xec: {  	s21 =	rddreg [dreg:$0x13];
	s22 =	sadd.s32 s7, s19;
	s19 =	simm.s32 $0x900  }
0xed: {  	[tilespmem:s19], [sflag:$0x3] =	stream.linear.gather [hbm4b:s22+s3], $0x50, $0x38;
	[tilespmem:$0x1A000] =	vst v63  }
0xee: {  	s23 =	rddreg [dreg:$0x12];
	s24 =	sadd.s32 s7, s21;
	s20 =	simm.s32 $0x180  }
0xef: {  	[tilespmem:s20], [sflag:$0x3] =	stream.linear.gather [hbm4b:s24+s3], $0x50, $0x38;
	[tilespmem:$0x1A000] =	vst v63  }
0xf0: {  	s25 =	rddreg [dreg:$0x11];
	s21 =	simm.s32 $0x980;
	s26 =	sadd.s32 s7, s23  }
0xf1: {  	[tilespmem:s21], [sflag:$0x3] =	stream.linear.gather [hbm4b:s26+s3], $0x50, $0x38;
	[tilespmem:$0x1A000] =	vst v63  }
0xf2: {  	s28 =	rddreg [dreg:$0x10];
	s29 =	sadd.s32 s7, s25;
	s22 =	simm.s32 $0x200  }
0xf3: {  	[tilespmem:s22], [sflag:$0x3] =	stream.linear.gather [hbm4b:s29+s3], $0x50, $0x38;
	[tilespmem:$0x1A000] =	vst v63  }
0xf4: {  	s2 =	rddreg [dreg:$0xf];
	s23 =	simm.s32 $0xA00;
	s24 =	sadd.s32 s7, s28  }
0xf5: {  	[tilespmem:s23], [sflag:$0x3] =	stream.linear.gather [hbm4b:s24+s3], $0x50, $0x38;
	[tilespmem:$0x1A000] =	vst v63  }
0xf6: {  	s25 =	rddreg [dreg:$0xe];
	s26 =	sadd.s32 s7, s2;
	s24 =	simm.s32 $0x280  }
0xf7: {  	[tilespmem:s24], [sflag:$0x3] =	stream.linear.gather [hbm4b:s26+s3], $0x50, $0x38;
	[tilespmem:$0x1A000] =	vst v63  }
0xf8: {  	s28 =	rddreg [dreg:$0xd];
	s29 =	sadd.s32 s7, s25;
	s25 =	simm.s32 $0xA80  }
0xf9: {  	[tilespmem:s25], [sflag:$0x3] =	stream.linear.gather [hbm4b:s29+s3], $0x50, $0x38;
	[tilespmem:$0x1A000] =	vst v63  }
0xfa: {  	s14 =	sadd.s32 s7, s28;
	s2 =	rddreg [dreg:$0xc];
	s26 =	simm.s32 $0x300  }
0xfb: {  	[tilespmem:s26], [sflag:$0x3] =	stream.linear.gather [hbm4b:s14+s3], $0x50, $0x38;
	[tilespmem:$0x1A000] =	vst v63  }
0xfc: {  	s28 =	rddreg [dreg:$0xb];
	s29 =	sadd.s32 s7, s2;
	s2 =	simm.s32 $0xB00  }
0xfd: {  	[tilespmem:s2], [sflag:$0x3] =	stream.linear.gather [hbm4b:s29+s3], $0x50, $0x38;
	[tilespmem:$0x1A000] =	vst v63  }
0xfe: {  	s13 =	rddreg [dreg:$0xa];
	s28 =	sadd.s32 s7, s28;
	s29 =	simm.s32 $0x380  }
0xff: {  	[tilespmem:s29], [sflag:$0x3] =	stream.linear.gather [hbm4b:s28+s3], $0x50, $0x38;
	[tilespmem:$0x1A000] =	vst v63  }
0x100: {  	s14 =	rddreg [dreg:$0x9];
	s2 =	sadd.s32 s7, s13;
	s28 =	simm.s32 $0xB80  }
0x101: {  	[tilespmem:s28], [sflag:$0x3] =	stream.linear.gather [hbm4b:s2+s3], $0x50, $0x38;
	[tilespmem:$0x1A000] =	vst v63  }
0x102: {  	s13 =	rddreg [dreg:$0x8];
	s28 =	sadd.s32 s7, s14;
	s2 =	simm.s32 $0x400  }
0x103: {  	[tilespmem:s2], [sflag:$0x3] =	stream.linear.gather [hbm4b:s28+s3], $0x50, $0x38;
	[tilespmem:$0x1A000] =	vst v63  }
0x104: {  	s12 =	sadd.s32 s7, s13;
	s14 =	rddreg [dreg:$0x7];
	s28 =	simm.s32 $0xC00  }
0x105: {  	[tilespmem:s28], [sflag:$0x3] =	stream.linear.gather [hbm4b:s12+s3], $0x50, $0x38;
	[tilespmem:$0x1A000] =	vst v63  }
0x106: {  	s13 =	rddreg [dreg:$0x6];
	s12 =	sadd.s32 s7, s14;
	s14 =	simm.s32 $0x480  }
0x107: {  	[tilespmem:s14], [sflag:$0x3] =	stream.linear.gather [hbm4b:s12+s3], $0x50, $0x38;
	[tilespmem:$0x1A000] =	vst v63  }
0x108: {  	s12 =	sadd.s32 s7, s13;
	s13 =	simm.s32 $0xC80  }
0x109: {  	[tilespmem:s13], [sflag:$0x3] =	stream.linear.gather [hbm4b:s12+s3], $0x50, $0x38;
	[tilespmem:$0x1A000] =	vst v63  }
0x10a: {  	_ =	swait.ge [sflag:s31], $0x50  }
0x10b: {  	[sflag:s31] =	ssyncset.done $0x0  }
0x10c: {  	[sflag:s31] =	ssyncadd.s32 $0xFFFFFFB0  }
0x10d: {  	_ =	swait.ge [sflag:s31], $0x50  }
0x10e: {  	[sflag:s31] =	ssyncset.done $0x0  }
0x10f: {  	[sflag:s31] =	ssyncadd.s32 $0xFFFFFFB0  }
0x110: {  	_ =	swait.ge [sflag:s31], $0x50  }
0x111: {  	[sflag:s31] =	ssyncset.done $0x0  }
0x112: {  	[sflag:s31] =	ssyncadd.s32 $0xFFFFFFB0  }
0x113: {  	_ =	swait.ge [sflag:s31], $0x50  }
0x114: {  	[sflag:s31] =	ssyncset.done $0x0  }
0x115: {  	[sflag:s31] =	ssyncadd.s32 $0xFFFFFFB0  }
0x116: {  	_ =	swait.ge [sflag:s31], $0x50  }
0x117: {  	[sflag:s31] =	ssyncset.done $0x0  }
0x118: {  	[sflag:s31] =	ssyncadd.s32 $0xFFFFFFB0  }
0x119: {  	_ =	swait.ge [sflag:s31], $0x50  }
0x11a: {  	[sflag:s31] =	ssyncset.done $0x0  }
0x11b: {  	[sflag:s31] =	ssyncadd.s32 $0xFFFFFFB0  }
0x11c: {  	_ =	swait.ge [sflag:s31], $0x50  }
0x11d: {  	[sflag:s31] =	ssyncset.done $0x0  }
0x11e: {  	[sflag:s31] =	ssyncadd.s32 $0xFFFFFFB0  }
0x11f: {  	_ =	swait.ge [sflag:s31], $0x50  }
0x120: {  	[sflag:s31] =	ssyncset.done $0x0  }
0x121: {  	[sflag:s31] =	ssyncadd.s32 $0xFFFFFFB0  }
0x122: {  	_ =	swait.ge [sflag:s31], $0x50  }
0x123: {  	[sflag:s31] =	ssyncset.done $0x0  }
0x124: {  	[sflag:s31] =	ssyncadd.s32 $0xFFFFFFB0  }
0x125: {  	_ =	swait.ge [sflag:s31], $0x50  }
0x126: {  	[sflag:s31] =	ssyncset.done $0x0  }
0x127: {  	[sflag:s31] =	ssyncadd.s32 $0xFFFFFFB0  }
0x128: {  	_ =	swait.ge [sflag:s31], $0x50  }
0x129: {  	[sflag:s31] =	ssyncset.done $0x0  }
0x12a: {  	[sflag:s31] =	ssyncadd.s32 $0xFFFFFFB0  }
0x12b: {  	_ =	swait.ge [sflag:s31], $0x50  }
0x12c: {  	[sflag:s31] =	ssyncset.done $0x0  }
0x12d: {  	[sflag:s31] =	ssyncadd.s32 $0xFFFFFFB0  }
0x12e: {  	_ =	swait.ge [sflag:s31], $0x50  }
0x12f: {  	[sflag:s31] =	ssyncset.done $0x0  }
0x130: {  	[sflag:s31] =	ssyncadd.s32 $0xFFFFFFB0  }
0x131: {  	_ =	swait.ge [sflag:s31], $0x50  }
0x132: {  	[sflag:s31] =	ssyncset.done $0x0  }
0x133: {  	[sflag:s31] =	ssyncadd.s32 $0xFFFFFFB0  }
0x134: {  	_ =	swait.ge [sflag:s31], $0x50  }
0x135: {  	[sflag:s31] =	ssyncset.done $0x0  }
0x136: {  	[sflag:s31] =	ssyncadd.s32 $0xFFFFFFB0  }
0x137: {  	_ =	swait.ge [sflag:s31], $0x50  }
0x138: {  	[sflag:s31] =	ssyncset.done $0x0  }
0x139: {  	[sflag:s31] =	ssyncadd.s32 $0xFFFFFFB0  }
0x13a: {  	_ =	swait.ge [sflag:s31], $0x50  }
0x13b: {  	[sflag:s31] =	ssyncset.done $0x0  }
0x13c: {  	[sflag:s31] =	ssyncadd.s32 $0xFFFFFFB0  }
0x13d: {  	_ =	swait.ge [sflag:s31], $0x50  }
0x13e: {  	[sflag:s31] =	ssyncset.done $0x0  }
0x13f: {  	[sflag:s31] =	ssyncadd.s32 $0xFFFFFFB0  }
0x140: {  	_ =	swait.ge [sflag:s31], $0x50  }
0x141: {  	[sflag:s31] =	ssyncset.done $0x0  }
0x142: {  	[sflag:s31] =	ssyncadd.s32 $0xFFFFFFB0  }
0x143: {  	_ =	swait.ge [sflag:s31], $0x50  }
0x144: {  	[sflag:s31] =	ssyncset.done $0x0  }
0x145: {  	[sflag:s31] =	ssyncadd.s32 $0xFFFFFFB0  }
0x146: {  	[tilespmem:s1], [sflag:$0x1] =	stream.indirect.gather [hbm4b:s4+s0], $0x80, s3, s0, $0xb8;
	[tilespmem:$0x1A000] =	vst v63  }
0x147: {  	_ = 	snop  }
0x148: {  	[tilespmem:s5], [sflag:$0x2] =	stream.indirect.gather [hbm4b:s4+s0], $0x80, s16, s0, $0xb8;
	[tilespmem:$0x1A000] =	vst v63  }
0x149: {  	_ =	swait.ge [sflag:s6], $0x2800  }
0x14a: {  	[sflag:s6] =	ssyncset.done $0x0  }
0x14b: {  	[sflag:s6] =	ssyncadd.s32 $0xFFFFD800  }
0x14c: {  	[spmem:s30] =	stream.indirect.scatter.add.f32 [tilespmem:s1], [sflag:$0x4], $0x80, s15, s0, $0xb8;
	[tilespmem:$0x1A000] =	vst v63  }
0x14d: {  	_ =	swait.ge [sflag:s10], $0x2800  }
0x14e: {  	[sflag:s10] =	ssyncset.done $0x0  }
0x14f: {  	[sflag:s10] =	ssyncadd.s32 $0xFFFFD800  }
0x150: {  	[tilespmem:s1], [sflag:$0x1] =	stream.indirect.gather [hbm4b:s4+s0], $0x80, s18, s0, $0xb8;
	[tilespmem:$0x1A000] =	vst v63  }
0x151: {  	_ =	swait.ge [sflag:s8], $0x2800  }
0x152: {  	[sflag:s8] =	ssyncset.done $0x0  }
0x153: {  	[sflag:s8] =	ssyncadd.s32 $0xFFFFD800  }
0x154: {  	[spmem:s30] =	stream.indirect.scatter.add.f32 [tilespmem:s5], [sflag:$0x4], $0x80, s17, s0, $0xb8;
	[tilespmem:$0x1A000] =	vst v63  }
0x155: {  	_ =	swait.ge [sflag:s10], $0x2800  }
0x156: {  	[sflag:s10] =	ssyncset.done $0x0  }
0x157: {  	[sflag:s10] =	ssyncadd.s32 $0xFFFFD800  }
0x158: {  	[tilespmem:s5], [sflag:$0x2] =	stream.indirect.gather [hbm4b:s4+s0], $0x80, s20, s0, $0xb8;
	[tilespmem:$0x1A000] =	vst v63  }
0x159: {  	_ =	swait.ge [sflag:s6], $0x2800  }
0x15a: {  	[sflag:s6] =	ssyncset.done $0x0  }
0x15b: {  	[sflag:s6] =	ssyncadd.s32 $0xFFFFD800  }
0x15c: {  	[spmem:s30] =	stream.indirect.scatter.add.f32 [tilespmem:s1], [sflag:$0x4], $0x80, s19, s0, $0xb8;
	[tilespmem:$0x1A000] =	vst v63  }
0x15d: {  	_ =	swait.ge [sflag:s10], $0x2800  }
0x15e: {  	[sflag:s10] =	ssyncset.done $0x0  }
0x15f: {  	[sflag:s10] =	ssyncadd.s32 $0xFFFFD800  }
0x160: {  	[tilespmem:s1], [sflag:$0x1] =	stream.indirect.gather [hbm4b:s4+s0], $0x80, s22, s0, $0xb8;
	[tilespmem:$0x1A000] =	vst v63  }
0x161: {  	_ =	swait.ge [sflag:s8], $0x2800  }
0x162: {  	[sflag:s8] =	ssyncset.done $0x0  }
0x163: {  	[sflag:s8] =	ssyncadd.s32 $0xFFFFD800  }
0x164: {  	[spmem:s30] =	stream.indirect.scatter.add.f32 [tilespmem:s5], [sflag:$0x4], $0x80, s21, s0, $0xb8;
	[tilespmem:$0x1A000] =	vst v63  }
0x165: {  	_ =	swait.ge [sflag:s10], $0x2800  }
0x166: {  	[sflag:s10] =	ssyncset.done $0x0  }
0x167: {  	[sflag:s10] =	ssyncadd.s32 $0xFFFFD800  }
0x168: {  	[tilespmem:s5], [sflag:$0x2] =	stream.indirect.gather [hbm4b:s4+s0], $0x80, s24, s0, $0xb8;
	[tilespmem:$0x1A000] =	vst v63  }
0x169: {  	_ =	swait.ge [sflag:s6], $0x2800  }
0x16a: {  	[sflag:s6] =	ssyncset.done $0x0  }
0x16b: {  	[sflag:s6] =	ssyncadd.s32 $0xFFFFD800  }
0x16c: {  	[spmem:s30] =	stream.indirect.scatter.add.f32 [tilespmem:s1], [sflag:$0x4], $0x80, s23, s0, $0xb8;
	[tilespmem:$0x1A000] =	vst v63  }
0x16d: {  	_ =	swait.ge [sflag:s10], $0x2800  }
0x16e: {  	[sflag:s10] =	ssyncset.done $0x0  }
0x16f: {  	[sflag:s10] =	ssyncadd.s32 $0xFFFFD800  }
0x170: {  	[tilespmem:s1], [sflag:$0x1] =	stream.indirect.gather [hbm4b:s4+s0], $0x80, s26, s0, $0xb8;
	[tilespmem:$0x1A000] =	vst v63  }
0x171: {  	_ =	swait.ge [sflag:s8], $0x2800  }
0x172: {  	[sflag:s8] =	ssyncset.done $0x0  }
0x173: {  	[sflag:s8] =	ssyncadd.s32 $0xFFFFD800  }
0x174: {  	[spmem:s30] =	stream.indirect.scatter.add.f32 [tilespmem:s5], [sflag:$0x4], $0x80, s25, s0, $0xb8;
	[tilespmem:$0x1A000] =	vst v63  }
0x175: {  	_ =	swait.ge [sflag:s10], $0x2800  }
0x176: {  	[sflag:s10] =	ssyncset.done $0x0  }
0x177: {  	[sflag:s10] =	ssyncadd.s32 $0xFFFFD800  }
0x178: {  	[tilespmem:s5], [sflag:$0x2] =	stream.indirect.gather [hbm4b:s4+s0], $0x80, s29, s0, $0xb8;
	[tilespmem:$0x1A000] =	vst v63  }
0x179: {  	_ =	swait.ge [sflag:s6], $0x2800  }
0x17a: {  	[sflag:s6] =	ssyncset.done $0x0  }
0x17b: {  	s26 =	simm.s32 $0xB00;
	[sflag:s6] =	ssyncadd.s32 $0xFFFFD800  }
0x17c: {  	[spmem:s30] =	stream.indirect.scatter.add.f32 [tilespmem:s1], [sflag:$0x4], $0x80, s26, s0, $0xb8;
	[tilespmem:$0x1A000] =	vst v63  }
0x17d: {  	_ =	swait.ge [sflag:s10], $0x2800  }
0x17e: {  	[sflag:s10] =	ssyncset.done $0x0  }
0x17f: {  	[sflag:s10] =	ssyncadd.s32 $0xFFFFD800  }
0x180: {  	[tilespmem:s1], [sflag:$0x1] =	stream.indirect.gather [hbm4b:s4+s0], $0x80, s2, s0, $0xb8;
	[tilespmem:$0x1A000] =	vst v63  }
0x181: {  	_ =	swait.ge [sflag:s8], $0x2800  }
0x182: {  	[sflag:s8] =	ssyncset.done $0x0  }
0x183: {  	s29 =	simm.s32 $0xB80;
	[sflag:s8] =	ssyncadd.s32 $0xFFFFD800  }
0x184: {  	[spmem:s30] =	stream.indirect.scatter.add.f32 [tilespmem:s5], [sflag:$0x4], $0x80, s29, s0, $0xb8;
	[tilespmem:$0x1A000] =	vst v63  }
0x185: {  	_ =	swait.ge [sflag:s10], $0x2800  }
0x186: {  	[sflag:s10] =	ssyncset.done $0x0  }
0x187: {  	[sflag:s10] =	ssyncadd.s32 $0xFFFFD800  }
0x188: {  	[tilespmem:s5], [sflag:$0x2] =	stream.indirect.gather [hbm4b:s4+s0], $0x80, s14, s0, $0xb8;
	[tilespmem:$0x1A000] =	vst v63  }
0x189: {  	_ =	swait.ge [sflag:s6], $0x2800  }
0x18a: {  	[sflag:s6] =	ssyncset.done $0x0  }
0x18b: {  	s28 =	simm.s32 $0xC00;
	[sflag:s6] =	ssyncadd.s32 $0xFFFFD800  }
0x18c: {  	[spmem:s30] =	stream.indirect.scatter.add.f32 [tilespmem:s1], [sflag:$0x4], $0x80, s28, s0, $0xb8;
	[tilespmem:$0x1A000] =	vst v63  }
0x18d: {  	_ =	swait.ge [sflag:s10], $0x2800  }
0x18e: {  	[sflag:s10] =	ssyncset.done $0x0  }
0x18f: {  	[sflag:s10] =	ssyncadd.s32 $0xFFFFD800  }
0x190: {  	p0 =	sne.s32 s9, $0x960;
	_ =	swait.ge [sflag:s8], $0x2800  }
.Ltmp0:
0x191: {  	[sflag:s8] =	ssyncset.done $0x0;
	(pc) =	sbr.rel @p0 .LBB2_2-.Ltmp0, $4  }
0x192: {  	[sflag:s8] =	ssyncadd.s32 $0xFFFFD800  }
0x193: {  	[spmem:s30] =	stream.indirect.scatter.add.f32 [tilespmem:s5], [sflag:$0x4], $0x80, s13, s0, $0xb8;
	[tilespmem:$0x1A000] =	vst v63  }
0x194: {  	s11 =	smov.u32 s9;
	s9 =	sadd.s32 $0x64, s9;
	_ =	swait.ge [sflag:s10], $0x2800  }
0x195: {  	s7 =	smov.u32 s11;
	s12 =	rddreg [dreg:$0x5];
	[sflag:s10] =	ssyncset.done $0x0  }
0x196: {  	s9 =	rddreg [dreg:$0x4];
	[sflag:s10] =	ssyncadd.s32 $0xFFFFD800;
	s11 =	sadd.s32 s7, s12  }
0x197: {  	[tilespmem:s3], [sflag:$0x3] =	stream.linear.gather [hbm4b:s11+s3], $0x50, $0x38;
	[tilespmem:$0x1A000] =	vst v63  }
0x198: {  	s15 =	rddreg [dreg:$0x17];
	s12 =	simm.s32 $0x800;
	s9 =	sadd.s32 s7, s9  }
0x199: {  	[tilespmem:s12], [sflag:$0x3] =	stream.linear.gather [hbm4b:s9+s3], $0x50, $0x38;
	[tilespmem:$0x1A000] =	vst v63  }
0x19a: {  	s16 =	rddreg [dreg:$0x16];
	s13 =	simm.s32 $0x80;
	s11 =	sadd.s32 s7, s15  }
0x19b: {  	[tilespmem:s13], [sflag:$0x3] =	stream.linear.gather [hbm4b:s11+s3], $0x50, $0x38;
	[tilespmem:$0x1A000] =	vst v63  }
0x19c: {  	s17 =	rddreg [dreg:$0x15];
	s14 =	simm.s32 $0x880;
	s9 =	sadd.s32 s7, s16  }
0x19d: {  	[tilespmem:s14], [sflag:$0x3] =	stream.linear.gather [hbm4b:s9+s3], $0x50, $0x38;
	[tilespmem:$0x1A000] =	vst v63  }
0x19e: {  	s18 =	rddreg [dreg:$0x14];
	s15 =	simm.s32 $0x100;
	s11 =	sadd.s32 s7, s17  }
0x19f: {  	[tilespmem:s15], [sflag:$0x3] =	stream.linear.gather [hbm4b:s11+s3], $0x50, $0x38;
	[tilespmem:$0x1A000] =	vst v63  }
0x1a0: {  	s19 =	rddreg [dreg:$0x13];
	s16 =	simm.s32 $0x900;
	s9 =	sadd.s32 s7, s18  }
0x1a1: {  	[tilespmem:s16], [sflag:$0x3] =	stream.linear.gather [hbm4b:s9+s3], $0x50, $0x38;
	[tilespmem:$0x1A000] =	vst v63  }
0x1a2: {  	s20 =	rddreg [dreg:$0x12];
	s17 =	simm.s32 $0x180;
	s11 =	sadd.s32 s7, s19  }
0x1a3: {  	[tilespmem:s17], [sflag:$0x3] =	stream.linear.gather [hbm4b:s11+s3], $0x50, $0x38;
	[tilespmem:$0x1A000] =	vst v63  }
0x1a4: {  	s21 =	rddreg [dreg:$0x11];
	s18 =	simm.s32 $0x980;
	s9 =	sadd.s32 s7, s20  }
0x1a5: {  	[tilespmem:s18], [sflag:$0x3] =	stream.linear.gather [hbm4b:s9+s3], $0x50, $0x38;
	[tilespmem:$0x1A000] =	vst v63  }
0x1a6: {  	s22 =	rddreg [dreg:$0x10];
	s19 =	simm.s32 $0x200;
	s11 =	sadd.s32 s7, s21  }
0x1a7: {  	[tilespmem:s19], [sflag:$0x3] =	stream.linear.gather [hbm4b:s11+s3], $0x50, $0x38;
	[tilespmem:$0x1A000] =	vst v63  }
0x1a8: {  	s23 =	rddreg [dreg:$0xf];
	s20 =	simm.s32 $0xA00;
	s9 =	sadd.s32 s7, s22  }
0x1a9: {  	[tilespmem:s20], [sflag:$0x3] =	stream.linear.gather [hbm4b:s9+s3], $0x50, $0x38;
	[tilespmem:$0x1A000] =	vst v63  }
0x1aa: {  	s24 =	rddreg [dreg:$0xe];
	s21 =	simm.s32 $0x280;
	s11 =	sadd.s32 s7, s23  }
0x1ab: {  	[tilespmem:s21], [sflag:$0x3] =	stream.linear.gather [hbm4b:s11+s3], $0x50, $0x38;
	[tilespmem:$0x1A000] =	vst v63  }
0x1ac: {  	s25 =	rddreg [dreg:$0xd];
	s22 =	simm.s32 $0xA80;
	s9 =	sadd.s32 s7, s24  }
0x1ad: {  	[tilespmem:s22], [sflag:$0x3] =	stream.linear.gather [hbm4b:s9+s3], $0x50, $0x38;
	[tilespmem:$0x1A000] =	vst v63  }
0x1ae: {  	s26 =	rddreg [dreg:$0xc];
	s23 =	simm.s32 $0x300;
	s11 =	sadd.s32 s7, s25  }
0x1af: {  	[tilespmem:s23], [sflag:$0x3] =	stream.linear.gather [hbm4b:s11+s3], $0x50, $0x38;
	[tilespmem:$0x1A000] =	vst v63  }
0x1b0: {  	s28 =	rddreg [dreg:$0xb];
	s24 =	simm.s32 $0xB00;
	s9 =	sadd.s32 s7, s26  }
0x1b1: {  	[tilespmem:s24], [sflag:$0x3] =	stream.linear.gather [hbm4b:s9+s3], $0x50, $0x38;
	[tilespmem:$0x1A000] =	vst v63  }
0x1b2: {  	s29 =	rddreg [dreg:$0xa];
	s25 =	simm.s32 $0x380;
	s11 =	sadd.s32 s7, s28  }
0x1b3: {  	[tilespmem:s25], [sflag:$0x3] =	stream.linear.gather [hbm4b:s11+s3], $0x50, $0x38;
	[tilespmem:$0x1A000] =	vst v63  }
0x1b4: {  	s2 =	rddreg [dreg:$0x9];
	s26 =	simm.s32 $0xB80;
	s9 =	sadd.s32 s7, s29  }
0x1b5: {  	[tilespmem:s26], [sflag:$0x3] =	stream.linear.gather [hbm4b:s9+s3], $0x50, $0x38;
	[tilespmem:$0x1A000] =	vst v63  }
0x1b6: {  	s28 =	rddreg [dreg:$0x8];
	s11 =	sadd.s32 s7, s2;
	s2 =	simm.s32 $0x400  }
0x1b7: {  	[tilespmem:s2], [sflag:$0x3] =	stream.linear.gather [hbm4b:s11+s3], $0x50, $0x38;
	[tilespmem:$0x1A000] =	vst v63  }
0x1b8: {  	s29 =	rddreg [dreg:$0x7];
	s9 =	sadd.s32 s7, s28;
	s28 =	simm.s32 $0xC00  }
0x1b9: {  	[tilespmem:s28], [sflag:$0x3] =	stream.linear.gather [hbm4b:s9+s3], $0x50, $0x38;
	[tilespmem:$0x1A000] =	vst v63  }
0x1ba: {  	s11 =	sadd.s32 s7, s29;
	s29 =	simm.s32 $0x480;
	s9 =	rddreg [dreg:$0x6]  }
0x1bb: {  	[tilespmem:s29], [sflag:$0x3] =	stream.linear.gather [hbm4b:s11+s3], $0x50, $0x38;
	[tilespmem:$0x1A000] =	vst v63  }
0x1bc: {  	s9 =	sadd.s32 s7, s9;
	s11 =	simm.s32 $0xC80  }
0x1bd: {  	[tilespmem:s11], [sflag:$0x3] =	stream.linear.gather [hbm4b:s9+s3], $0x50, $0x38;
	[tilespmem:$0x1A000] =	vst v63  }
0x1be: {  	_ =	swait.ge [sflag:s31], $0x50  }
0x1bf: {  	[sflag:s31] =	ssyncset.done $0x0  }
0x1c0: {  	[sflag:s31] =	ssyncadd.s32 $0xFFFFFFB0  }
0x1c1: {  	_ =	swait.ge [sflag:s31], $0x50  }
0x1c2: {  	[sflag:s31] =	ssyncset.done $0x0  }
0x1c3: {  	[sflag:s31] =	ssyncadd.s32 $0xFFFFFFB0  }
0x1c4: {  	_ =	swait.ge [sflag:s31], $0x50  }
0x1c5: {  	[sflag:s31] =	ssyncset.done $0x0  }
0x1c6: {  	[sflag:s31] =	ssyncadd.s32 $0xFFFFFFB0  }
0x1c7: {  	_ =	swait.ge [sflag:s31], $0x50  }
0x1c8: {  	[sflag:s31] =	ssyncset.done $0x0  }
0x1c9: {  	[sflag:s31] =	ssyncadd.s32 $0xFFFFFFB0  }
0x1ca: {  	_ =	swait.ge [sflag:s31], $0x50  }
0x1cb: {  	[sflag:s31] =	ssyncset.done $0x0  }
0x1cc: {  	[sflag:s31] =	ssyncadd.s32 $0xFFFFFFB0  }
0x1cd: {  	_ =	swait.ge [sflag:s31], $0x50  }
0x1ce: {  	[sflag:s31] =	ssyncset.done $0x0  }
0x1cf: {  	[sflag:s31] =	ssyncadd.s32 $0xFFFFFFB0  }
0x1d0: {  	_ =	swait.ge [sflag:s31], $0x50  }
0x1d1: {  	[sflag:s31] =	ssyncset.done $0x0  }
0x1d2: {  	[sflag:s31] =	ssyncadd.s32 $0xFFFFFFB0  }
0x1d3: {  	_ =	swait.ge [sflag:s31], $0x50  }
0x1d4: {  	[sflag:s31] =	ssyncset.done $0x0  }
0x1d5: {  	[sflag:s31] =	ssyncadd.s32 $0xFFFFFFB0  }
0x1d6: {  	_ =	swait.ge [sflag:s31], $0x50  }
0x1d7: {  	[sflag:s31] =	ssyncset.done $0x0  }
0x1d8: {  	[sflag:s31] =	ssyncadd.s32 $0xFFFFFFB0  }
0x1d9: {  	_ =	swait.ge [sflag:s31], $0x50  }
0x1da: {  	[sflag:s31] =	ssyncset.done $0x0  }
0x1db: {  	[sflag:s31] =	ssyncadd.s32 $0xFFFFFFB0  }
0x1dc: {  	_ =	swait.ge [sflag:s31], $0x50  }
0x1dd: {  	[sflag:s31] =	ssyncset.done $0x0  }
0x1de: {  	[sflag:s31] =	ssyncadd.s32 $0xFFFFFFB0  }
0x1df: {  	_ =	swait.ge [sflag:s31], $0x50  }
0x1e0: {  	[sflag:s31] =	ssyncset.done $0x0  }
0x1e1: {  	[sflag:s31] =	ssyncadd.s32 $0xFFFFFFB0  }
0x1e2: {  	_ =	swait.ge [sflag:s31], $0x50  }
0x1e3: {  	[sflag:s31] =	ssyncset.done $0x0  }
0x1e4: {  	[sflag:s31] =	ssyncadd.s32 $0xFFFFFFB0  }
0x1e5: {  	_ =	swait.ge [sflag:s31], $0x50  }
0x1e6: {  	[sflag:s31] =	ssyncset.done $0x0  }
0x1e7: {  	[sflag:s31] =	ssyncadd.s32 $0xFFFFFFB0  }
0x1e8: {  	_ =	swait.ge [sflag:s31], $0x50  }
0x1e9: {  	[sflag:s31] =	ssyncset.done $0x0  }
0x1ea: {  	[sflag:s31] =	ssyncadd.s32 $0xFFFFFFB0  }
0x1eb: {  	_ =	swait.ge [sflag:s31], $0x50  }
0x1ec: {  	[sflag:s31] =	ssyncset.done $0x0  }
0x1ed: {  	[sflag:s31] =	ssyncadd.s32 $0xFFFFFFB0  }
0x1ee: {  	_ =	swait.ge [sflag:s31], $0x50  }
0x1ef: {  	[sflag:s31] =	ssyncset.done $0x0  }
0x1f0: {  	[sflag:s31] =	ssyncadd.s32 $0xFFFFFFB0  }
0x1f1: {  	_ =	swait.ge [sflag:s31], $0x50  }
0x1f2: {  	[sflag:s31] =	ssyncset.done $0x0  }
0x1f3: {  	[sflag:s31] =	ssyncadd.s32 $0xFFFFFFB0  }
0x1f4: {  	_ =	swait.ge [sflag:s31], $0x50  }
0x1f5: {  	[sflag:s31] =	ssyncset.done $0x0  }
0x1f6: {  	[sflag:s31] =	ssyncadd.s32 $0xFFFFFFB0  }
0x1f7: {  	_ =	swait.ge [sflag:s31], $0x50  }
0x1f8: {  	[sflag:s31] =	ssyncset.done $0x0  }
0x1f9: {  	[sflag:s31] =	ssyncadd.s32 $0xFFFFFFB0  }
0x1fa: {  	[tilespmem:s1], [sflag:$0x1] =	stream.indirect.gather [hbm4b:s4+s0], $0x80, s3, s0, $0xb8;
	[tilespmem:$0x1A000] =	vst v63  }
0x1fb: {  	_ = 	snop  }
0x1fc: {  	[tilespmem:s5], [sflag:$0x2] =	stream.indirect.gather [hbm4b:s4+s0], $0x80, s13, s0, $0xb8;
	[tilespmem:$0x1A000] =	vst v63  }
0x1fd: {  	_ =	swait.ge [sflag:s6], $0x2800  }
0x1fe: {  	[sflag:s6] =	ssyncset.done $0x0  }
0x1ff: {  	[sflag:s6] =	ssyncadd.s32 $0xFFFFD800  }
0x200: {  	[spmem:s30] =	stream.indirect.scatter.add.f32 [tilespmem:s1], [sflag:$0x4], $0x80, s12, s0, $0xb8;
	[tilespmem:$0x1A000] =	vst v63  }
0x201: {  	_ =	swait.ge [sflag:s10], $0x2800  }
0x202: {  	[sflag:s10] =	ssyncset.done $0x0  }
0x203: {  	[sflag:s10] =	ssyncadd.s32 $0xFFFFD800  }
0x204: {  	[tilespmem:s1], [sflag:$0x1] =	stream.indirect.gather [hbm4b:s4+s0], $0x80, s15, s0, $0xb8;
	[tilespmem:$0x1A000] =	vst v63  }
0x205: {  	_ =	swait.ge [sflag:s8], $0x2800  }
0x206: {  	[sflag:s8] =	ssyncset.done $0x0  }
0x207: {  	[sflag:s8] =	ssyncadd.s32 $0xFFFFD800  }
0x208: {  	[spmem:s30] =	stream.indirect.scatter.add.f32 [tilespmem:s5], [sflag:$0x4], $0x80, s14, s0, $0xb8;
	[tilespmem:$0x1A000] =	vst v63  }
0x209: {  	_ =	swait.ge [sflag:s10], $0x2800  }
0x20a: {  	[sflag:s10] =	ssyncset.done $0x0  }
0x20b: {  	[sflag:s10] =	ssyncadd.s32 $0xFFFFD800  }
0x20c: {  	[tilespmem:s5], [sflag:$0x2] =	stream.indirect.gather [hbm4b:s4+s0], $0x80, s17, s0, $0xb8;
	[tilespmem:$0x1A000] =	vst v63  }
0x20d: {  	_ =	swait.ge [sflag:s6], $0x2800  }
0x20e: {  	[sflag:s6] =	ssyncset.done $0x0  }
0x20f: {  	[sflag:s6] =	ssyncadd.s32 $0xFFFFD800  }
0x210: {  	[spmem:s30] =	stream.indirect.scatter.add.f32 [tilespmem:s1], [sflag:$0x4], $0x80, s16, s0, $0xb8;
	[tilespmem:$0x1A000] =	vst v63  }
0x211: {  	_ =	swait.ge [sflag:s10], $0x2800  }
0x212: {  	[sflag:s10] =	ssyncset.done $0x0  }
0x213: {  	[sflag:s10] =	ssyncadd.s32 $0xFFFFD800  }
0x214: {  	[tilespmem:s1], [sflag:$0x1] =	stream.indirect.gather [hbm4b:s4+s0], $0x80, s19, s0, $0xb8;
	[tilespmem:$0x1A000] =	vst v63  }
0x215: {  	_ =	swait.ge [sflag:s8], $0x2800  }
0x216: {  	[sflag:s8] =	ssyncset.done $0x0  }
0x217: {  	[sflag:s8] =	ssyncadd.s32 $0xFFFFD800  }
0x218: {  	[spmem:s30] =	stream.indirect.scatter.add.f32 [tilespmem:s5], [sflag:$0x4], $0x80, s18, s0, $0xb8;
	[tilespmem:$0x1A000] =	vst v63  }
0x219: {  	_ =	swait.ge [sflag:s10], $0x2800  }
0x21a: {  	[sflag:s10] =	ssyncset.done $0x0  }
0x21b: {  	[sflag:s10] =	ssyncadd.s32 $0xFFFFD800  }
0x21c: {  	[tilespmem:s5], [sflag:$0x2] =	stream.indirect.gather [hbm4b:s4+s0], $0x80, s21, s0, $0xb8;
	[tilespmem:$0x1A000] =	vst v63  }
0x21d: {  	_ =	swait.ge [sflag:s6], $0x2800  }
0x21e: {  	[sflag:s6] =	ssyncset.done $0x0  }
0x21f: {  	[sflag:s6] =	ssyncadd.s32 $0xFFFFD800  }
0x220: {  	[spmem:s30] =	stream.indirect.scatter.add.f32 [tilespmem:s1], [sflag:$0x4], $0x80, s20, s0, $0xb8;
	[tilespmem:$0x1A000] =	vst v63  }
0x221: {  	_ =	swait.ge [sflag:s10], $0x2800  }
0x222: {  	[sflag:s10] =	ssyncset.done $0x0  }
0x223: {  	[sflag:s10] =	ssyncadd.s32 $0xFFFFD800  }
0x224: {  	[tilespmem:s1], [sflag:$0x1] =	stream.indirect.gather [hbm4b:s4+s0], $0x80, s23, s0, $0xb8;
	[tilespmem:$0x1A000] =	vst v63  }
0x225: {  	_ =	swait.ge [sflag:s8], $0x2800  }
0x226: {  	[sflag:s8] =	ssyncset.done $0x0  }
0x227: {  	[sflag:s8] =	ssyncadd.s32 $0xFFFFD800  }
0x228: {  	[spmem:s30] =	stream.indirect.scatter.add.f32 [tilespmem:s5], [sflag:$0x4], $0x80, s22, s0, $0xb8;
	[tilespmem:$0x1A000] =	vst v63  }
0x229: {  	_ =	swait.ge [sflag:s10], $0x2800  }
0x22a: {  	[sflag:s10] =	ssyncset.done $0x0  }
0x22b: {  	[sflag:s10] =	ssyncadd.s32 $0xFFFFD800  }
0x22c: {  	[tilespmem:s5], [sflag:$0x2] =	stream.indirect.gather [hbm4b:s4+s0], $0x80, s25, s0, $0xb8;
	[tilespmem:$0x1A000] =	vst v63  }
0x22d: {  	_ =	swait.ge [sflag:s6], $0x2800  }
0x22e: {  	[sflag:s6] =	ssyncset.done $0x0  }
0x22f: {  	[sflag:s6] =	ssyncadd.s32 $0xFFFFD800  }
0x230: {  	[spmem:s30] =	stream.indirect.scatter.add.f32 [tilespmem:s1], [sflag:$0x4], $0x80, s24, s0, $0xb8;
	[tilespmem:$0x1A000] =	vst v63  }
0x231: {  	_ =	swait.ge [sflag:s10], $0x2800  }
0x232: {  	[sflag:s10] =	ssyncset.done $0x0  }
0x233: {  	[sflag:s10] =	ssyncadd.s32 $0xFFFFD800  }
0x234: {  	[tilespmem:s1], [sflag:$0x1] =	stream.indirect.gather [hbm4b:s4+s0], $0x80, s2, s0, $0xb8;
	[tilespmem:$0x1A000] =	vst v63  }
0x235: {  	_ =	swait.ge [sflag:s8], $0x2800  }
0x236: {  	[sflag:s8] =	ssyncset.done $0x0  }
0x237: {  	[sflag:s8] =	ssyncadd.s32 $0xFFFFD800  }
0x238: {  	[spmem:s30] =	stream.indirect.scatter.add.f32 [tilespmem:s5], [sflag:$0x4], $0x80, s26, s0, $0xb8;
	[tilespmem:$0x1A000] =	vst v63  }
0x239: {  	_ =	swait.ge [sflag:s10], $0x2800  }
0x23a: {  	[sflag:s10] =	ssyncset.done $0x0  }
0x23b: {  	[sflag:s10] =	ssyncadd.s32 $0xFFFFD800  }
0x23c: {  	[tilespmem:s5], [sflag:$0x2] =	stream.indirect.gather [hbm4b:s4+s0], $0x80, s29, s0, $0xb8;
	[tilespmem:$0x1A000] =	vst v63  }
0x23d: {  	_ =	swait.ge [sflag:s6], $0x2800  }
0x23e: {  	[sflag:s6] =	ssyncset.done $0x0  }
0x23f: {  	[sflag:s6] =	ssyncadd.s32 $0xFFFFD800  }
0x240: {  	[spmem:s30] =	stream.indirect.scatter.add.f32 [tilespmem:s1], [sflag:$0x4], $0x80, s28, s0, $0xb8;
	[tilespmem:$0x1A000] =	vst v63  }
0x241: {  	_ =	swait.ge [sflag:s10], $0x2800  }
0x242: {  	[sflag:s10] =	ssyncset.done $0x0  }
0x243: {  	[sflag:s10] =	ssyncadd.s32 $0xFFFFD800  }
0x244: {  	_ =	swait.ge [sflag:s8], $0x2800  }
0x245: {  	[sflag:s8] =	ssyncset.done $0x0  }
0x246: {  	[sflag:s8] =	ssyncadd.s32 $0xFFFFD800  }
0x247: {  	[spmem:s30] =	stream.indirect.scatter.add.f32 [tilespmem:s5], [sflag:$0x4], $0x80, s11, s0, $0xb8;
	[tilespmem:$0x1A000] =	vst v63  }
0x248: {  	_ =	swait.ge [sflag:s10], $0x2800  }
0x249: {  	[sflag:s10] =	ssyncset.done $0x0  }
0x24a: {  	[sflag:s10] =	ssyncadd.s32 $0xFFFFD800  }
0x24b: {  	[bflag:$0x0] =	sbarrier.arrive $0xFFFF  }
0x24c: {  	s9 =	rddreg [dreg:$0x1a]  }
0x24d: {  	s25 =	rddreg [dreg:$0x1b]  }
0x24e: {  	s26 =	rddreg [dreg:$0x1e]  }
0x24f: {  	[hbm:s25], [sflag:s9] =	dma.local [spmem:s26], $0x2800  }
0x250: {  	_ =	swait.ge [sflag:s10], $0x2800  }
0x251: {  	s28 =	rddreg [dreg:$0x1d]  }
0x252: {  	s29 =	rddreg [dreg:$0x1c];
	s2 =	sadd.s32 $0x1, s28  }
0x253: {  	p0 =	sne.s32 s2, s29  }
.Ltmp1:
0x254: {  	_ = 	snop;
	(pc) =	sbr.rel @p0 .LBB2_1-.Ltmp1, $3  }
0x255: {  	_ =	sdelay $0x1  }
0x256: {  	[sflag:s10] =	ssyncset.done $0x0  }
0x257: {  	[sflag:s10] =	ssyncadd.s32 $0xFFFFD800  }
0x258: {  	_ =	sfence.sel $0x180000  }
0x259: {  	[bflag:$0x0] =	sbarrier.arrive $0xFFFF  }
0x25a: {  	_ =	strace $0x9000004A  }
0x25b: {  	s0 =	stileid.u32;
	[bflag:$0x2] =	sbarrier.arrive $0xFFFF  }
0x25c: {  	p0 =	sne.s32 s0, $0x0;
	s0 =	rddreg [dreg:$0x3]  }
0x25d: {  	s0 =	sadd.s32 @!p0 $0x100000, s0  }
0x25e: {  	[sflag:s0] =	ssyncadd.tile.s32 @!p0 $0x1;
	_ =	shalt  }
.Lfunc_end2:
_tile_overlayer_lowered:
.L_overlay_start_2:
0x25f: {  	(tag) =	ssettag $0x2  }
0x260: {  	s0 =	rddreg [dreg:$0x0];
	s2 =	stileid.u32  }
0x261: {  	s1 =	rddreg [dreg:$0x1];
	p0 =	sne.s32 s2, $0x0  }
0x262: {  	s3 =	rddreg [dreg:$0x2];
	[bflag:$0x3] =	sbarrier.arrive $0xFFFF;
	s2 =	simm.s32 @!p0 $0x1C04  }
0x263: {  	[timem:s3], [sflag:s2] =	dma.local @!p0 [hbm:s0], s1  }
0x264: {  	s0 =	simm.s32 @!p0 $0x4  }
0x265: {  	_ =	swait.ge @!p0 [sflag:s0], s1  }
0x266: {  	s1 =	ssub.s32 @!p0 $0x0, s1;
	[sflag:s0] =	ssyncset.done @!p0 $0x0  }
0x267: {  	[sflag:s0] =	ssyncadd.s32 @!p0 s1  }
0x268: {  	[bflag:$0x3] =	sbarrier.arrive $0xFFFF  }
0x269: {  	_ =	shalt  }

// kernel: kernel.16.cloned.1.call-start
scs
__scs_entry_jumppad:
0x0: {  	(pc) =	sbr.rel $0x88, $3  }
0x1: {  	(tag) =	ssettag $0x0;
	lr =	simm.s32 $0x1  }
0x2: {  	[smem:$0x3F88] =	sst lr;
	_ =	strace $0xD0000000  }
0x3: {  	_ = 	snop  }
0x4: {  	_ = 	snop  }
0x5: {  	_ = 	snop  }
0x6: {  	_ = 	snop  }
0x7: {  	_ = 	snop  }
__scs_overlays_trampoline_lowered:
0x8: {  	[smem:$0x3F97] =	sst s0  }
0x9: {  	[smem:$0x3F98] =	sst s1  }
0xa: {  	[smem:$0x3F99] =	sst s2  }
0xb: {  	[smem:$0x3F9A] =	sst s3  }
0xc: {  	[smem:$0x3F9B] =	sst s4  }
0xd: {  	[smem:$0x3F9C] =	sst s5  }
0xe: {  	[smem:$0x3F9D] =	sst s6  }
0xf: {  	[smem:$0x3F9E] =	sst s7  }
0x10: {  	[smem:$0x3F9F] =	sst s8  }
0x11: {  	[smem:$0x3FA0] =	sst s9;
	s0 =	simm.s32 @!p0 $0x0  }
0x12: {  	s1 =	sld [smem:$0x3F86];
	s0 =	simm.s32 @p0 $0x1  }
0x13: {  	[smem:$0x3FA1] =	sst s0;
	s0 =	simm.s32 @!p1 $0x0  }
0x14: {  	s2 =	sld [smem:$0x3F85];
	s0 =	simm.s32 @p1 $0x1  }
0x15: {  	[smem:$0x3FA2] =	sst s0;
	s0 =	simm.s32 @!p2 $0x0  }
0x16: {  	s3 =	sld [smem:$0x3FDB];
	s0 =	simm.s32 @p2 $0x1  }
0x17: {  	s4 =	simm.s32 $0x1BF5;
	[smem:$0x3FA4] =	sst s0  }
0x18: {  	s0 =	sld [smem:$0x3F87];
	_ =	swait.ge [sflag:s4], $0x0  }
0x19: {  	s7 =	sld [smem:$0x3F88]  }
0x1a: {  	s8 =	sadd.s32 $0xFFFFE003, lr  }
0x1b: {  	s9 =	sadd.s32 $0xFFFFFEF7, lr;
	s5 =	simm.s32 $0xFFFFFFFF;
	p2 =	slt.u32 s8, $0xFFFFF086  }
0x1c: {  	p1 =	slt.u32 s9, $0xF7A;
	s5 =	simm.s32 @!p2 $0x0  }
0x1d: {  	s5 =	simm.s32 @p1 $0x1;
	p0 =	seq.s32 s7, s2  }
0x1e: {  	s7 =	smul.u32 @!p0 $0xF7A, s2;
	p2 =	seq.s32 @!p0 s5, $0x0  }
0x1f: {  	s9 =	smul.u32 $0xF7A, s1;
	s8 =	simm.s32 @!p0 $0x1BF5;
	p2 =	por !p2, p0  }
0x20: {  	[sflag:s8] =	ssyncset.s32 @!p0 $0xFFFFF086;
	s6 =	sadd.s32 @!p0 s3, s7;
	s7 =	simm.s32 @!p0 $0x108  }
0x21: {  	s3 =	sadd.s32 s3, s9;
	s6 =	sadd.s32 @!p0 $0x88, s6;
	s7 =	simm.s32 @p2 $0x1082  }
0x22: {  	[simem:s7], [sflag:s8] =	dma.local @!p0 [hbm:s6], $0xF7A  }
0x23: {  	s9 =	sor.u32 $0xD0000000, s2;
	s6 =	simm.s32 $0x108;
	_ =	swait.ge @!p0 [sflag:s8], $0x0  }
0x24: {  	s3 =	sadd.s32 $0x88, s3;
	s6 =	simm.s32 @!p1 $0x1082;
	[sflag:s4] =	ssyncset.s32 $0xFFFFF086  }
0x25: {  	[simem:s6], [sflag:s4] =	dma.local [hbm:s3], $0xF7A  }
0x26: {  	[smem:$0x3F88] =	sst s1;
	(tag) =	ssettag s2;
	_ =	strace s9  }
0x27: {  	s1 =	sld [smem:$0x3F98]  }
0x28: {  	s2 =	sld [smem:$0x3F99]  }
0x29: {  	s4 =	sld [smem:$0x3F9B]  }
0x2a: {  	p0 =	seq.s32 s5, $0x0;
	s5 =	sld [smem:$0x3F9C]  }
0x2b: {  	s6 =	sld [smem:$0x3F9D]  }
0x2c: {  	s7 =	sld [smem:$0x3F9E]  }
0x2d: {  	s3 =	simm.s32 $0x108;
	s8 =	sld [smem:$0x3F9F]  }
0x2e: {  	s3 =	simm.s32 @!p0 $0x1082;
	s9 =	sld [smem:$0x3FA0]  }
0x2f: {  	lr =	sadd.s32 s0, s3;
	s0 =	sld [smem:$0x3F97]  }
0x30: {  	s3 =	sld [smem:$0x3F9A]  }
0x31: {  	[smem:$0x3FA3] =	sst s10  }
0x32: {  	s10 =	sld [smem:$0x3FA1];
	_ =	sdelay $0x3  }
0x33: {  	p0 =	seq.s32 s10, $0x1;
	s10 =	sld [smem:$0x3FA3];
	_ =	sdelay $0x3  }
0x34: {  	[smem:$0x3FA3] =	sst s10  }
0x35: {  	s10 =	sld [smem:$0x3FA2];
	_ =	sdelay $0x3  }
0x36: {  	p1 =	seq.s32 s10, $0x1;
	s10 =	sld [smem:$0x3FA3];
	_ =	sdelay $0x3  }
0x37: {  	[smem:$0x3FA3] =	sst s10  }
0x38: {  	s10 =	sld [smem:$0x3FA4]  }
0x39: {  	_ = 	snop;
	(pc) =	sbr.ind lr, $3  }
0x3a: {  	_ = 	snop  }
0x3b: {  	_ = 	snop  }
0x3c: {  	p2 =	seq.s32 s10, $0x1;
	s10 =	sld [smem:$0x3FA3]  }
0x3d: {  	_ =	shalt  }
0x3e: {  	_ =	shalt  }
0x3f: {  	_ =	shalt  }
0x40: {  	_ =	shalt  }
0x41: {  	_ =	shalt  }
0x42: {  	_ =	shalt  }
0x43: {  	_ =	shalt  }
0x44: {  	_ =	shalt  }
0x45: {  	_ =	shalt  }
0x46: {  	_ =	shalt  }
0x47: {  	_ =	shalt  }
0x48: {  	_ =	shalt  }
0x49: {  	_ =	shalt  }
0x4a: {  	_ =	shalt  }
0x4b: {  	_ =	shalt  }
0x4c: {  	_ =	shalt  }
0x4d: {  	_ =	shalt  }
0x4e: {  	_ =	shalt  }
0x4f: {  	_ =	shalt  }
0x50: {  	_ =	shalt  }
0x51: {  	_ =	shalt  }
0x52: {  	_ =	shalt  }
0x53: {  	_ =	shalt  }
0x54: {  	_ =	shalt  }
0x55: {  	_ =	shalt  }
0x56: {  	_ =	shalt  }
0x57: {  	_ =	shalt  }
0x58: {  	_ =	shalt  }
0x59: {  	_ =	shalt  }
0x5a: {  	_ =	shalt  }
0x5b: {  	_ =	shalt  }
0x5c: {  	_ =	shalt  }
0x5d: {  	_ =	shalt  }
0x5e: {  	_ =	shalt  }
0x5f: {  	_ =	shalt  }
0x60: {  	_ =	shalt  }
0x61: {  	_ =	shalt  }
0x62: {  	_ =	shalt  }
0x63: {  	_ =	shalt  }
0x64: {  	_ =	shalt  }
0x65: {  	_ =	shalt  }
0x66: {  	_ =	shalt  }
0x67: {  	_ =	shalt  }
0x68: {  	_ =	shalt  }
0x69: {  	_ =	shalt  }
0x6a: {  	_ =	shalt  }
0x6b: {  	_ =	shalt  }
0x6c: {  	_ =	shalt  }
0x6d: {  	_ =	shalt  }
0x6e: {  	_ =	shalt  }
0x6f: {  	_ =	shalt  }
0x70: {  	_ =	shalt  }
0x71: {  	_ =	shalt  }
0x72: {  	_ =	shalt  }
0x73: {  	_ =	shalt  }
0x74: {  	_ =	shalt  }
0x75: {  	_ =	shalt  }
0x76: {  	_ =	shalt  }
0x77: {  	_ =	shalt  }
0x78: {  	_ =	shalt  }
0x79: {  	_ =	shalt  }
0x7a: {  	_ =	shalt  }
0x7b: {  	_ =	shalt  }
0x7c: {  	_ =	shalt  }
0x7d: {  	_ =	shalt  }
0x7e: {  	_ =	shalt  }
0x7f: {  	_ =	shalt  }
0x80: {  	_ =	shalt  }
0x81: {  	_ =	shalt  }
0x82: {  	_ =	shalt  }
0x83: {  	_ =	shalt  }
0x84: {  	_ =	shalt  }
0x85: {  	_ =	shalt  }
0x86: {  	_ =	shalt  }
0x87: {  	_ =	shalt  }
.Lfunc_end0:
.L_simem_size_0:
called_computation.2_lowered:
.L_overlay_start_0:
0x88: {  	s2 =	sld [smem:$0x3FD9]  }
0x89: {  	s3 =	sld [smem:$0x3FFE];
	_ =	sdelay $0x1  }
0x8a: {  	s1 =	srdreg.scid  }
0x8b: {  	s0 =	sand.u32 $0x1, s1  }
0x8c: {  	s14 =	sshll.u32 s0, $0xA;
	s2 =	sadd.s32 s3, s2  }
0x8d: {  	s2 =	sadd.s32 s2, s14  }
0x8e: {  	[smem:$0x3FAF] =	sst s2  }
0x8f: {  	_ = 	snop  }
0x90: {  	s2 =	sld [smem:$0x3FD0];
	_ =	sdelay $0x2  }
0x91: {  	s15 =	simm.s32 $0xA;
	s4 =	simm.s32 $0x10  }
0x92: {  	[smem:s4], [sflag:s15] =	dma.local [hbm:s2], $0x1  }
0x93: {  	_ =	swait.eq [sflag:s15], $0x1  }
0x94: {  	[sflag:s15] =	ssyncset.done $0x0  }
0x95: {  	[sflag:s15] =	ssyncadd.s32 $0xFFFFFFFF  }
0x96: {  	s16 =	sld [smem:$0x11];
	(tm) =	ssettm $0x1  }
0x97: {  	s17 =	sld [smem:$0x3FFB];
	_ =	sdelay $0x3  }
0x98: {  	_ =	strace s17  }
0x99: {  	s3 =	sld [smem:$0x3FFC];
	_ =	sdelay $0x3  }
0x9a: {  	_ =	strace s3  }
0x9b: {  	s3 =	sld [smem:$0x3FFD];
	_ =	sdelay $0x3  }
0x9c: {  	_ =	strace s3  }
0x9d: {  	_ =	strace $0x8FFFFFFF  }
0x9e: {  	s18 =	sld [smem:$0x3FDB];
	_ =	sdelay $0x1  }
0x9f: {  	s19 =	simm.s32 $_scs_section_size  }
0xa0: {  	s5 =	simm.s32 $_size__tile_overlayer_lowered;
	s6 =	simm.s32 $_tile_overlayer_lowered  }
0xa1: {  	s22 =	simm.s32 $0x1BFF;
	s21 =	sshll.u32 s6, $0x1;
	s3 =	sadd.s32 s19, s18  }
0xa2: {  	s7 =	simm.s32 $0x0;
	s20 =	sshll.u32 s5, $0x1;
	s5 =	sadd.s32 s21, s3  }
0xa3: {  	[timem:s7], [sflag:s22] =	dma.local [hbm:s5], s20  }
0xa4: {  	_ =	swait.ge [sflag:s22], s20  }
0xa5: {  	s4 =	ssub.s32 $0x0, s20;
	[sflag:s22] =	ssyncset.done $0x0  }
0xa6: {  	[sflag:s22] =	ssyncadd.s32 s4;
	_ =	sdelay $0x1  }
0xa7: {  	s23 =	simm.s32 $0x1B8B  }
0xa8: {  	_ =	swait.ge [sflag:s23], $0x1  }
0xa9: {  	[sflag:s23] =	ssyncset.done $0x0  }
0xaa: {  	s25 =	simm.s32 $0x1B8E;
	s24 =	sld [smem:$0x3FFE];
	[sflag:s23] =	ssyncadd.s32 $0xFFFFFFFF  }
0xab: {  	s26 =	simm.s32 $execute0_lowered;
	[smem:$0x3FD2] =	sst s25  }
0xac: {  	s5 =	sshll.u32 s26, $0x1;
	_ =	strace $0x8000004C;
	[dreg:$0x1] =	wrdreg $0xFFFFFFFF  }
0xad: {  	s28 =	simm.s32 $_size_execute0_lowered;
	s3 =	sadd.s32 s3, s5;
	[dreg:$0x0] =	wrdreg $0x0  }
0xae: {  	s5 =	sshll.u32 s28, $0x1;
	[dreg:$0x2] =	wrdreg s3  }
0xaf: {  	[dreg:$0x3] =	wrdreg s5  }
0xb0: {  	[dreg:$0x4] =	wrdreg $0xC0  }
0xb1: {  	_ =	task [dreg:s7], $0x5FFFF  }
0xb2: {  	[dreg:$0x1] =	wrdreg $0xFFFFFFFF  }
0xb3: {  	[dreg:$0x0] =	wrdreg $0x60  }
0xb4: {  	[dreg:$0x2] =	wrdreg s24  }
0xb5: {  	[dreg:$0x3] =	wrdreg s16  }
0xb6: {  	[dreg:$0x4] =	wrdreg $0x60000  }
0xb7: {  	[dreg:$0x5] =	wrdreg $0x9  }
0xb8: {  	_ =	task.clear_ibuf [dreg:s7], $0x6FFFF;
	_ =	strace $0x9000004C  }
0xb9: {  	s29 =	simm.s32 $0x9;
	_ =	strace $0x8000004E  }
0xba: {  	_ =	swait.ge [sflag:s29], $0x1  }
0xbb: {  	[sflag:s29] =	ssyncadd.s32 $0xFFFFFFFF  }
0xbc: {  	_ =	strace $0x9000004E  }
0xbd: {  	_ =	sfence  }
0xbe: {  	s30 =	sld [smem:$0x0];
	_ =	sdelay $0x2  }
0xbf: {  	s31 =	sshll.u32 s1, $0xD;
	s1 =	sshrl.u32 s1, $0x2  }
0xc0: {  	s3 =	sand.u32 $0x4000, s31;
	s1 =	sadd.s32 s1, s30  }
0xc1: {  	s0 =	sor.u32 s3, s0;
	s1 =	sshll.u32 s1, $0x11  }
0xc2: {  	s0 =	sor.u32 s1, s0  }
0xc3: {  	s0 =	sadd.s32 $0x8F2B, s0  }
0xc4: {  	[sflag:s0] =	ssyncadd.remote.s32 $0x1  }
0xc5: {  	_ =	sfence.sel $0xFFFF  }
0xc6: {  	[dreg:$0x0] =	wrdreg $0xFFFFFFFF;
	(pc) =	sbr.abs _section_cstart, $3  }
0xc7: {  	[dreg:$0x1] =	wrdreg $0xFFFFFFFF  }
0xc8: {  	_ =	task.clear_ibuf [dreg:s7], $0x2FFFF;
	_ =	strace $0x9FFFFFFF  }
0xc9: {  	(tm) =	ssettm $0x7FFFFFFF  }
tec
execute0_lowered:
.L_overlay_start_1:
0x0: {  	(tag) =	ssettag $0x1  }
0x1: {  	s5 =	rddreg [dreg:$0x0]  }
0x2: {  	s0 =	rddreg [dreg:$0x1];
	s11 =	stileid.u32  }
0x3: {  	s30 =	rddreg [dreg:$0x2];
	s7 =	smul.u32 $0x2800, s11  }
0x4: {  	s1 =	srdreg.scid;
	s3 =	simm.s32 $0x0;
	s24 =	smul.u32 $0x4E20, s11  }
0x5: {  	s6 =	sand.u32 $0x1, s1;
	[smem:$0x7FF] =	sst s3;
	s25 =	smul.u32 $0x50000, s11  }
0x6: {  	s4 =	sadd.s32 $0x1D800, s5;
	s1 =	sadd.s32 $0x7600, s5;
	s8 =	smul.u32 $0x28000, s6  }
0x7: {  	s10 =	sadd.s32 $0x1B000, s5;
	s9 =	smul.u32 $0x4E200, s6;
	s6 =	ssub.s32 $0x2, s6  }
0x8: {  	_ =	strace $0x8000004D;
	[dreg:$0x18] =	wrdreg s10;
	s26 =	sshrl.u32 s6, $0x1  }
0x9: {  	s28 =	sshrl.u32 s25, $0x2;
	s7 =	sadd.s32 s7, s8;
	s9 =	sadd.s32 s24, s9  }
0xa: {  	s6 =	ssub.s32 s6, s26;
	s5 =	sadd.s32 s7, s5;
	s29 =	sshrl.u32 s9, $0x3  }
0xb: {  	s7 =	sadd.s32 s28, s30;
	s10 =	sadd.s32 $0x2D0, s9;
	s13 =	sadd.s32 $0x280, s9  }
0xc: {  	s17 =	sadd.s32 $0x230, s9;
	[dreg:$0x19] =	wrdreg s7;
	s2 =	sadd.s32 s29, s0  }
0xd: {  	s8 =	sadd.s32 s29, s1;
	s10 =	sshrl.u32 s10, $0x3;
	[dreg:$0x4] =	wrdreg s2  }
0xe: {  	s21 =	sadd.s32 $0x1E0, s9;
	[dreg:$0x5] =	wrdreg s8;
	s12 =	sadd.s32 s10, s0  }
0xf: {  	s15 =	sshrl.u32 s13, $0x3;
	s14 =	sadd.s32 s10, s1;
	[dreg:$0x6] =	wrdreg s12  }
0x10: {  	s25 =	sadd.s32 $0x190, s9;
	s16 =	sadd.s32 s15, s0;
	[dreg:$0x7] =	wrdreg s14  }
0x11: {  	s19 =	sshrl.u32 s17, $0x3;
	s18 =	sadd.s32 s15, s1;
	[dreg:$0x8] =	wrdreg s16  }
0x12: {  	s23 =	sshrl.u32 s21, $0x3;
	s20 =	sadd.s32 s19, s0;
	[dreg:$0x9] =	wrdreg s18  }
0x13: {  	s28 =	sshrl.u32 s25, $0x3;
	s22 =	sadd.s32 s19, s1;
	[dreg:$0xa] =	wrdreg s20  }
0x14: {  	s25 =	sshll.u32 s11, $0x6;
	s24 =	sadd.s32 s23, s0;
	[dreg:$0xb] =	wrdreg s22  }
0x15: {  	s26 =	sadd.s32 s23, s1;
	s29 =	sadd.s32 s28, s0;
	[dreg:$0xc] =	wrdreg s24  }
0x16: {  	s2 =	sadd.s32 $0x140, s9;
	s15 =	sadd.s32 $0xF0, s9;
	[dreg:$0xd] =	wrdreg s26  }
0x17: {  	s19 =	sadd.s32 $0xA0, s9;
	[dreg:$0xe] =	wrdreg s29;
	s12 =	sadd.s32 s28, s1  }
0x18: {  	s9 =	sadd.s32 $0x50, s9;
	s28 =	sadd.s32 $0xBD800, s5;
	[dreg:$0xf] =	wrdreg s12  }
0x19: {  	s13 =	sshrl.u32 s2, $0x3;
	s29 =	smax.u32 s6, $0x1;
	[dreg:$0x1b] =	wrdreg s28  }
0x1a: {  	s24 =	sshrl.u32 s9, $0x3;
	s9 =	sor.u32 $0x1C04, s25;
	[dreg:$0x1c] =	wrdreg s29  }
0x1b: {  	s31 =	simm.s32 $0x3;
	s14 =	sadd.s32 s13, s0;
	[dreg:$0x1a] =	wrdreg s9  }
0x1c: {  	s17 =	sshrl.u32 s15, $0x3;
	s16 =	sadd.s32 s13, s1;
	[dreg:$0x10] =	wrdreg s14  }
0x1d: {  	s10 =	simm.s32 $0x4;
	s18 =	sadd.s32 s17, s0;
	[dreg:$0x11] =	wrdreg s16  }
0x1e: {  	s21 =	sshrl.u32 s19, $0x3;
	s20 =	sadd.s32 s17, s1;
	[dreg:$0x12] =	wrdreg s18  }
0x1f: {  	s8 =	simm.s32 $0x2;
	s22 =	sadd.s32 s21, s0;
	[dreg:$0x13] =	wrdreg s20  }
0x20: {  	s5 =	simm.s32 $0x3800;
	s23 =	sadd.s32 s21, s1;
	[dreg:$0x14] =	wrdreg s22  }
0x21: {  	s6 =	simm.s32 $0x1;
	s0 =	sadd.s32 s24, s0;
	[dreg:$0x15] =	wrdreg s23  }
0x22: {  	s2 =	simm.s32 $0x0;
	s26 =	sadd.s32 s24, s1;
	[dreg:$0x16] =	wrdreg s0  }
0x23: {  	s1 =	simm.s32 $0x1000;
	[dreg:$0x17] =	wrdreg s26;
	s0 =	simm.s32 $0x50  }
.LBB2_1:
0x24: {  	[dreg:$0x1d] =	wrdreg s2  }
0x25: {  	s7 =	rddreg [dreg:$0x19]  }
0x26: {  	s17 =	rddreg [dreg:$0x18];
	s16 =	sshrl.u32 s7, $0x3  }
0x27: {  	[dreg:$0x1e] =	wrdreg s16  }
0x28: {  	[spmem:s16], [sflag:s9] =	dma.local [hbm:s17], $0x2800  }
0x29: {  	_ =	swait.ge [sflag:s10], $0x2800  }
0x2a: {  	[sflag:s10] =	ssyncset.done $0x0  }
0x2b: {  	[sflag:s10] =	ssyncadd.s32 $0xFFFFD800  }
0x2c: {  	[bflag:$0x0] =	sbarrier.arrive $0xFFFF  }
0x2d: {  	s18 =	rddreg [dreg:$0x5]  }
0x2e: {  	s19 =	rddreg [dreg:$0x4];
	s7 =	sadd.s32 $0x0, s18  }
0x2f: {  	[tilespmem:s3], [sflag:$0x3] =	stream.linear.gather [hbm4b:s7+s3], $0x50, $0x38;
	[tilespmem:$0x1A000] =	vst v63  }
0x30: {  	s12 =	simm.s32 $0x800;
	s11 =	rddreg [dreg:$0x17];
	s20 =	sadd.s32 $0x0, s19  }
0x31: {  	[tilespmem:s12], [sflag:$0x3] =	stream.linear.gather [hbm4b:s20+s3], $0x50, $0x38;
	[tilespmem:$0x1A000] =	vst v63  }
0x32: {  	s13 =	simm.s32 $0x80;
	s21 =	rddreg [dreg:$0x16];
	s22 =	sadd.s32 $0x0, s11  }
0x33: {  	[tilespmem:s13], [sflag:$0x3] =	stream.linear.gather [hbm4b:s22+s3], $0x50, $0x38;
	[tilespmem:$0x1A000] =	vst v63  }
0x34: {  	s14 =	simm.s32 $0x880;
	s23 =	rddreg [dreg:$0x15];
	s24 =	sadd.s32 $0x0, s21  }
0x35: {  	[tilespmem:s14], [sflag:$0x3] =	stream.linear.gather [hbm4b:s24+s3], $0x50, $0x38;
	[tilespmem:$0x1A000] =	vst v63  }
0x36: {  	s15 =	simm.s32 $0x100;
	s25 =	rddreg [dreg:$0x14];
	s26 =	sadd.s32 $0x0, s23  }
0x37: {  	[tilespmem:s15], [sflag:$0x3] =	stream.linear.gather [hbm4b:s26+s3], $0x50, $0x38;
	[tilespmem:$0x1A000] =	vst v63  }
0x38: {  	s16 =	simm.s32 $0x900;
	s28 =	rddreg [dreg:$0x13];
	s29 =	sadd.s32 $0x0, s25  }
0x39: {  	[tilespmem:s16], [sflag:$0x3] =	stream.linear.gather [hbm4b:s29+s3], $0x50, $0x38;
	[tilespmem:$0x1A000] =	vst v63  }
0x3a: {  	s17 =	simm.s32 $0x180;
	s2 =	rddreg [dreg:$0x12];
	s18 =	sadd.s32 $0x0, s28  }
0x3b: {  	[tilespmem:s17], [sflag:$0x3] =	stream.linear.gather [hbm4b:s18+s3], $0x50, $0x38;
	[tilespmem:$0x1A000] =	vst v63  }
0x3c: {  	s19 =	rddreg [dreg:$0x11];
	s20 =	sadd.s32 $0x0, s2;
	s18 =	simm.s32 $0x980  }
0x3d: {  	[tilespmem:s18], [sflag:$0x3] =	stream.linear.gather [hbm4b:s20+s3], $0x50, $0x38;
	[tilespmem:$0x1A000] =	vst v63  }
0x3e: {  	s21 =	rddreg [dreg:$0x10];
	s22 =	sadd.s32 $0x0, s19;
	s19 =	simm.s32 $0x200  }
0x3f: {  	[tilespmem:s19], [sflag:$0x3] =	stream.linear.gather [hbm4b:s22+s3], $0x50, $0x38;
	[tilespmem:$0x1A000] =	vst v63  }
0x40: {  	s23 =	rddreg [dreg:$0xf];
	s24 =	sadd.s32 $0x0, s21;
	s20 =	simm.s32 $0xA00  }
0x41: {  	[tilespmem:s20], [sflag:$0x3] =	stream.linear.gather [hbm4b:s24+s3], $0x50, $0x38;
	[tilespmem:$0x1A000] =	vst v63  }
0x42: {  	s25 =	rddreg [dreg:$0xe];
	s21 =	simm.s32 $0x280;
	s26 =	sadd.s32 $0x0, s23  }
0x43: {  	[tilespmem:s21], [sflag:$0x3] =	stream.linear.gather [hbm4b:s26+s3], $0x50, $0x38;
	[tilespmem:$0x1A000] =	vst v63  }
0x44: {  	s28 =	rddreg [dreg:$0xd];
	s29 =	sadd.s32 $0x0, s25;
	s22 =	simm.s32 $0xA80  }
0x45: {  	[tilespmem:s22], [sflag:$0x3] =	stream.linear.gather [hbm4b:s29+s3], $0x50, $0x38;
	[tilespmem:$0x1A000] =	vst v63  }
0x46: {  	s2 =	rddreg [dreg:$0xc];
	s23 =	simm.s32 $0x300;
	s24 =	sadd.s32 $0x0, s28  }
0x47: {  	[tilespmem:s23], [sflag:$0x3] =	stream.linear.gather [hbm4b:s24+s3], $0x50, $0x38;
	[tilespmem:$0x1A000] =	vst v63  }
0x48: {  	s25 =	rddreg [dreg:$0xb];
	s26 =	sadd.s32 $0x0, s2;
	s24 =	simm.s32 $0xB00  }
0x49: {  	[tilespmem:s24], [sflag:$0x3] =	stream.linear.gather [hbm4b:s26+s3], $0x50, $0x38;
	[tilespmem:$0x1A000] =	vst v63  }
0x4a: {  	s28 =	rddreg [dreg:$0xa];
	s29 =	sadd.s32 $0x0, s25;
	s25 =	simm.s32 $0x380  }
0x4b: {  	[tilespmem:s25], [sflag:$0x3] =	stream.linear.gather [hbm4b:s29+s3], $0x50, $0x38;
	[tilespmem:$0x1A000] =	vst v63  }
0x4c: {  	s28 =	sadd.s32 $0x0, s28;
	s2 =	rddreg [dreg:$0x9];
	s26 =	simm.s32 $0xB80  }
0x4d: {  	[tilespmem:s26], [sflag:$0x3] =	stream.linear.gather [hbm4b:s28+s3], $0x50, $0x38;
	[tilespmem:$0x1A000] =	vst v63  }
0x4e: {  	s29 =	rddreg [dreg:$0x8];
	s28 =	sadd.s32 $0x0, s2;
	s2 =	simm.s32 $0x400  }
0x4f: {  	[tilespmem:s2], [sflag:$0x3] =	stream.linear.gather [hbm4b:s28+s3], $0x50, $0x38;
	[tilespmem:$0x1A000] =	vst v63  }
0x50: {  	s11 =	rddreg [dreg:$0x7];
	s29 =	sadd.s32 $0x0, s29;
	s28 =	simm.s32 $0xC00  }
0x51: {  	[tilespmem:s28], [sflag:$0x3] =	stream.linear.gather [hbm4b:s29+s3], $0x50, $0x38;
	[tilespmem:$0x1A000] =	vst v63  }
0x52: {  	s9 =	rddreg [dreg:$0x6];
	s29 =	sadd.s32 $0x0, s11;
	s11 =	simm.s32 $0x480  }
0x53: {  	[tilespmem:s11], [sflag:$0x3] =	stream.linear.gather [hbm4b:s29+s3], $0x50, $0x38;
	[tilespmem:$0x1A000] =	vst v63  }
0x54: {  	s9 =	sadd.s32 $0x0, s9;
	s29 =	simm.s32 $0xC80  }
0x55: {  	[tilespmem:s29], [sflag:$0x3] =	stream.linear.gather [hbm4b:s9+s3], $0x50, $0x38;
	[tilespmem:$0x1A000] =	vst v63  }
0x56: {  	_ =	swait.ge [sflag:s31], $0x50  }
0x57: {  	[sflag:s31] =	ssyncset.done $0x0  }
0x58: {  	[sflag:s31] =	ssyncadd.s32 $0xFFFFFFB0  }
0x59: {  	_ =	swait.ge [sflag:s31], $0x50  }
0x5a: {  	[sflag:s31] =	ssyncset.done $0x0  }
0x5b: {  	[sflag:s31] =	ssyncadd.s32 $0xFFFFFFB0  }
0x5c: {  	_ =	swait.ge [sflag:s31], $0x50  }
0x5d: {  	[sflag:s31] =	ssyncset.done $0x0  }
0x5e: {  	[sflag:s31] =	ssyncadd.s32 $0xFFFFFFB0  }
0x5f: {  	_ =	swait.ge [sflag:s31], $0x50  }
0x60: {  	[sflag:s31] =	ssyncset.done $0x0  }
0x61: {  	[sflag:s31] =	ssyncadd.s32 $0xFFFFFFB0  }
0x62: {  	_ =	swait.ge [sflag:s31], $0x50  }
0x63: {  	[sflag:s31] =	ssyncset.done $0x0  }
0x64: {  	[sflag:s31] =	ssyncadd.s32 $0xFFFFFFB0  }
0x65: {  	_ =	swait.ge [sflag:s31], $0x50  }
0x66: {  	[sflag:s31] =	ssyncset.done $0x0  }
0x67: {  	[sflag:s31] =	ssyncadd.s32 $0xFFFFFFB0  }
0x68: {  	_ =	swait.ge [sflag:s31], $0x50  }
0x69: {  	[sflag:s31] =	ssyncset.done $0x0  }
0x6a: {  	[sflag:s31] =	ssyncadd.s32 $0xFFFFFFB0  }
0x6b: {  	_ =	swait.ge [sflag:s31], $0x50  }
0x6c: {  	[sflag:s31] =	ssyncset.done $0x0  }
0x6d: {  	[sflag:s31] =	ssyncadd.s32 $0xFFFFFFB0  }
0x6e: {  	_ =	swait.ge [sflag:s31], $0x50  }
0x6f: {  	[sflag:s31] =	ssyncset.done $0x0  }
0x70: {  	[sflag:s31] =	ssyncadd.s32 $0xFFFFFFB0  }
0x71: {  	_ =	swait.ge [sflag:s31], $0x50  }
0x72: {  	[sflag:s31] =	ssyncset.done $0x0  }
0x73: {  	[sflag:s31] =	ssyncadd.s32 $0xFFFFFFB0  }
0x74: {  	_ =	swait.ge [sflag:s31], $0x50  }
0x75: {  	[sflag:s31] =	ssyncset.done $0x0  }
0x76: {  	[sflag:s31] =	ssyncadd.s32 $0xFFFFFFB0  }
0x77: {  	_ =	swait.ge [sflag:s31], $0x50  }
0x78: {  	[sflag:s31] =	ssyncset.done $0x0  }
0x79: {  	[sflag:s31] =	ssyncadd.s32 $0xFFFFFFB0  }
0x7a: {  	_ =	swait.ge [sflag:s31], $0x50  }
0x7b: {  	[sflag:s31] =	ssyncset.done $0x0  }
0x7c: {  	[sflag:s31] =	ssyncadd.s32 $0xFFFFFFB0  }
0x7d: {  	_ =	swait.ge [sflag:s31], $0x50  }
0x7e: {  	[sflag:s31] =	ssyncset.done $0x0  }
0x7f: {  	[sflag:s31] =	ssyncadd.s32 $0xFFFFFFB0  }
0x80: {  	_ =	swait.ge [sflag:s31], $0x50  }
0x81: {  	[sflag:s31] =	ssyncset.done $0x0  }
0x82: {  	[sflag:s31] =	ssyncadd.s32 $0xFFFFFFB0  }
0x83: {  	_ =	swait.ge [sflag:s31], $0x50  }
0x84: {  	[sflag:s31] =	ssyncset.done $0x0  }
0x85: {  	[sflag:s31] =	ssyncadd.s32 $0xFFFFFFB0  }
0x86: {  	_ =	swait.ge [sflag:s31], $0x50  }
0x87: {  	[sflag:s31] =	ssyncset.done $0x0  }
0x88: {  	[sflag:s31] =	ssyncadd.s32 $0xFFFFFFB0  }
0x89: {  	_ =	swait.ge [sflag:s31], $0x50  }
0x8a: {  	[sflag:s31] =	ssyncset.done $0x0  }
0x8b: {  	[sflag:s31] =	ssyncadd.s32 $0xFFFFFFB0  }
0x8c: {  	_ =	swait.ge [sflag:s31], $0x50  }
0x8d: {  	[sflag:s31] =	ssyncset.done $0x0  }
0x8e: {  	[sflag:s31] =	ssyncadd.s32 $0xFFFFFFB0  }
0x8f: {  	_ =	swait.ge [sflag:s31], $0x50  }
0x90: {  	[sflag:s31] =	ssyncset.done $0x0  }
0x91: {  	[sflag:s31] =	ssyncadd.s32 $0xFFFFFFB0  }
0x92: {  	[tilespmem:s1], [sflag:$0x1] =	stream.indirect.gather [hbm4b:s4+s0], $0x80, s3, s0, $0xb8;
	[tilespmem:$0x1A000] =	vst v63  }
0x93: {  	_ = 	snop  }
0x94: {  	[tilespmem:s5], [sflag:$0x2] =	stream.indirect.gather [hbm4b:s4+s0], $0x80, s13, s0, $0xb8;
	[tilespmem:$0x1A000] =	vst v63  }
0x95: {  	_ =	swait.ge [sflag:s6], $0x2800  }
0x96: {  	[sflag:s6] =	ssyncset.done $0x0  }
0x97: {  	[sflag:s6] =	ssyncadd.s32 $0xFFFFD800  }
0x98: {  	[spmem:s30] =	stream.indirect.scatter.add.f32 [tilespmem:s1], [sflag:$0x4], $0x80, s12, s0, $0xb8;
	[tilespmem:$0x1A000] =	vst v63  }
0x99: {  	_ =	swait.ge [sflag:s10], $0x2800  }
0x9a: {  	[sflag:s10] =	ssyncset.done $0x0  }
0x9b: {  	[sflag:s10] =	ssyncadd.s32 $0xFFFFD800  }
0x9c: {  	[tilespmem:s1], [sflag:$0x1] =	stream.indirect.gather [hbm4b:s4+s0], $0x80, s15, s0, $0xb8;
	[tilespmem:$0x1A000] =	vst v63  }
0x9d: {  	_ =	swait.ge [sflag:s8], $0x2800  }
0x9e: {  	[sflag:s8] =	ssyncset.done $0x0  }
0x9f: {  	[sflag:s8] =	ssyncadd.s32 $0xFFFFD800  }
0xa0: {  	[spmem:s30] =	stream.indirect.scatter.add.f32 [tilespmem:s5], [sflag:$0x4], $0x80, s14, s0, $0xb8;
	[tilespmem:$0x1A000] =	vst v63  }
0xa1: {  	_ =	swait.ge [sflag:s10], $0x2800  }
0xa2: {  	[sflag:s10] =	ssyncset.done $0x0  }
0xa3: {  	[sflag:s10] =	ssyncadd.s32 $0xFFFFD800  }
0xa4: {  	[tilespmem:s5], [sflag:$0x2] =	stream.indirect.gather [hbm4b:s4+s0], $0x80, s17, s0, $0xb8;
	[tilespmem:$0x1A000] =	vst v63  }
0xa5: {  	_ =	swait.ge [sflag:s6], $0x2800  }
0xa6: {  	[sflag:s6] =	ssyncset.done $0x0  }
0xa7: {  	[sflag:s6] =	ssyncadd.s32 $0xFFFFD800  }
0xa8: {  	[spmem:s30] =	stream.indirect.scatter.add.f32 [tilespmem:s1], [sflag:$0x4], $0x80, s16, s0, $0xb8;
	[tilespmem:$0x1A000] =	vst v63  }
0xa9: {  	_ =	swait.ge [sflag:s10], $0x2800  }
0xaa: {  	[sflag:s10] =	ssyncset.done $0x0  }
0xab: {  	[sflag:s10] =	ssyncadd.s32 $0xFFFFD800  }
0xac: {  	[tilespmem:s1], [sflag:$0x1] =	stream.indirect.gather [hbm4b:s4+s0], $0x80, s19, s0, $0xb8;
	[tilespmem:$0x1A000] =	vst v63  }
0xad: {  	_ =	swait.ge [sflag:s8], $0x2800  }
0xae: {  	[sflag:s8] =	ssyncset.done $0x0  }
0xaf: {  	[sflag:s8] =	ssyncadd.s32 $0xFFFFD800  }
0xb0: {  	[spmem:s30] =	stream.indirect.scatter.add.f32 [tilespmem:s5], [sflag:$0x4], $0x80, s18, s0, $0xb8;
	[tilespmem:$0x1A000] =	vst v63  }
0xb1: {  	_ =	swait.ge [sflag:s10], $0x2800  }
0xb2: {  	[sflag:s10] =	ssyncset.done $0x0  }
0xb3: {  	[sflag:s10] =	ssyncadd.s32 $0xFFFFD800  }
0xb4: {  	[tilespmem:s5], [sflag:$0x2] =	stream.indirect.gather [hbm4b:s4+s0], $0x80, s21, s0, $0xb8;
	[tilespmem:$0x1A000] =	vst v63  }
0xb5: {  	_ =	swait.ge [sflag:s6], $0x2800  }
0xb6: {  	[sflag:s6] =	ssyncset.done $0x0  }
0xb7: {  	[sflag:s6] =	ssyncadd.s32 $0xFFFFD800  }
0xb8: {  	[spmem:s30] =	stream.indirect.scatter.add.f32 [tilespmem:s1], [sflag:$0x4], $0x80, s20, s0, $0xb8;
	[tilespmem:$0x1A000] =	vst v63  }
0xb9: {  	_ =	swait.ge [sflag:s10], $0x2800  }
0xba: {  	[sflag:s10] =	ssyncset.done $0x0  }
0xbb: {  	[sflag:s10] =	ssyncadd.s32 $0xFFFFD800  }
0xbc: {  	[tilespmem:s1], [sflag:$0x1] =	stream.indirect.gather [hbm4b:s4+s0], $0x80, s23, s0, $0xb8;
	[tilespmem:$0x1A000] =	vst v63  }
0xbd: {  	_ =	swait.ge [sflag:s8], $0x2800  }
0xbe: {  	[sflag:s8] =	ssyncset.done $0x0  }
0xbf: {  	[sflag:s8] =	ssyncadd.s32 $0xFFFFD800  }
0xc0: {  	[spmem:s30] =	stream.indirect.scatter.add.f32 [tilespmem:s5], [sflag:$0x4], $0x80, s22, s0, $0xb8;
	[tilespmem:$0x1A000] =	vst v63  }
0xc1: {  	_ =	swait.ge [sflag:s10], $0x2800  }
0xc2: {  	[sflag:s10] =	ssyncset.done $0x0  }
0xc3: {  	[sflag:s10] =	ssyncadd.s32 $0xFFFFD800  }
0xc4: {  	[tilespmem:s5], [sflag:$0x2] =	stream.indirect.gather [hbm4b:s4+s0], $0x80, s25, s0, $0xb8;
	[tilespmem:$0x1A000] =	vst v63  }
0xc5: {  	_ =	swait.ge [sflag:s6], $0x2800  }
0xc6: {  	[sflag:s6] =	ssyncset.done $0x0  }
0xc7: {  	[sflag:s6] =	ssyncadd.s32 $0xFFFFD800  }
0xc8: {  	[spmem:s30] =	stream.indirect.scatter.add.f32 [tilespmem:s1], [sflag:$0x4], $0x80, s24, s0, $0xb8;
	[tilespmem:$0x1A000] =	vst v63  }
0xc9: {  	_ =	swait.ge [sflag:s10], $0x2800  }
0xca: {  	[sflag:s10] =	ssyncset.done $0x0  }
0xcb: {  	[sflag:s10] =	ssyncadd.s32 $0xFFFFD800  }
0xcc: {  	[tilespmem:s1], [sflag:$0x1] =	stream.indirect.gather [hbm4b:s4+s0], $0x80, s2, s0, $0xb8;
	[tilespmem:$0x1A000] =	vst v63  }
0xcd: {  	_ =	swait.ge [sflag:s8], $0x2800  }
0xce: {  	[sflag:s8] =	ssyncset.done $0x0  }
0xcf: {  	[sflag:s8] =	ssyncadd.s32 $0xFFFFD800  }
0xd0: {  	[spmem:s30] =	stream.indirect.scatter.add.f32 [tilespmem:s5], [sflag:$0x4], $0x80, s26, s0, $0xb8;
	[tilespmem:$0x1A000] =	vst v63  }
0xd1: {  	_ =	swait.ge [sflag:s10], $0x2800  }
0xd2: {  	[sflag:s10] =	ssyncset.done $0x0  }
0xd3: {  	[sflag:s10] =	ssyncadd.s32 $0xFFFFD800  }
0xd4: {  	[tilespmem:s5], [sflag:$0x2] =	stream.indirect.gather [hbm4b:s4+s0], $0x80, s11, s0, $0xb8;
	[tilespmem:$0x1A000] =	vst v63  }
0xd5: {  	_ =	swait.ge [sflag:s6], $0x2800  }
0xd6: {  	[sflag:s6] =	ssyncset.done $0x0  }
0xd7: {  	[sflag:s6] =	ssyncadd.s32 $0xFFFFD800  }
0xd8: {  	[spmem:s30] =	stream.indirect.scatter.add.f32 [tilespmem:s1], [sflag:$0x4], $0x80, s28, s0, $0xb8;
	[tilespmem:$0x1A000] =	vst v63  }
0xd9: {  	_ =	swait.ge [sflag:s10], $0x2800  }
0xda: {  	[sflag:s10] =	ssyncset.done $0x0  }
0xdb: {  	[sflag:s10] =	ssyncadd.s32 $0xFFFFD800  }
0xdc: {  	_ =	swait.ge [sflag:s8], $0x2800  }
0xdd: {  	[sflag:s8] =	ssyncset.done $0x0  }
0xde: {  	[sflag:s8] =	ssyncadd.s32 $0xFFFFD800  }
0xdf: {  	[spmem:s30] =	stream.indirect.scatter.add.f32 [tilespmem:s5], [sflag:$0x4], $0x80, s29, s0, $0xb8;
	[tilespmem:$0x1A000] =	vst v63  }
0xe0: {  	s7 =	simm.s32 $0x64;
	_ =	swait.ge [sflag:s10], $0x2800  }
0xe1: {  	s9 =	simm.s32 $0xC8;
	s12 =	rddreg [dreg:$0x5];
	[sflag:s10] =	ssyncset.done $0x0  }
.LBB2_2:
0xe2: {  	[sflag:s10] =	ssyncadd.s32 $0xFFFFD800;
	s13 =	rddreg [dreg:$0x4];
	s12 =	sadd.s32 s7, s12  }
0xe3: {  	[tilespmem:s3], [sflag:$0x3] =	stream.linear.gather [hbm4b:s12+s3], $0x50, $0x38;
	[tilespmem:$0x1A000] =	vst v63  }
0xe4: {  	s14 =	rddreg [dreg:$0x17];
	s15 =	simm.s32 $0x800;
	s26 =	sadd.s32 s7, s13  }
0xe5: {  	[tilespmem:s15], [sflag:$0x3] =	stream.linear.gather [hbm4b:s26+s3], $0x50, $0x38;
	[tilespmem:$0x1A000] =	vst v63  }
0xe6: {  	s28 =	rddreg [dreg:$0x16];
	s16 =	simm.s32 $0x80;
	s29 =	sadd.s32 s7, s14  }
0xe7: {  	[tilespmem:s16], [sflag:$0x3] =	stream.linear.gather [hbm4b:s29+s3], $0x50, $0x38;
	[tilespmem:$0x1A000] =	vst v63  }
0xe8: {  	s2 =	rddreg [dreg:$0x15];
	s17 =	simm.s32 $0x880;
	s18 =	sadd.s32 s7, s28  }
0xe9: {  	[tilespmem:s17], [sflag:$0x3] =	stream.linear.gather [hbm4b:s18+s3], $0x50, $0x38;
	[tilespmem:$0x1A000] =	vst v63  }
0xea: {  	s19 =	rddreg [dreg:$0x14];
	s20 =	sadd.s32 s7, s2;
	s18 =	simm.s32 $0x100  }
0xeb: {  	[tilespmem:s18], [sflag:$0x3] =	stream.linear.gather [hbm4b:s20+s3], $0x50, $0x38;
	[tilespmem:$0x1A000] =	vst v63  }
0xec: {  	s21 =	rddreg [dreg:$0x13];
	s22 =	sadd.s32 s7, s19;
	s19 =	simm.s32 $0x900  }
0xed: {  	[tilespmem:s19], [sflag:$0x3] =	stream.linear.gather [hbm4b:s22+s3], $0x50, $0x38;
	[tilespmem:$0x1A000] =	vst v63  }
0xee: {  	s23 =	rddreg [dreg:$0x12];
	s24 =	sadd.s32 s7, s21;
	s20 =	simm.s32 $0x180  }
0xef: {  	[tilespmem:s20], [sflag:$0x3] =	stream.linear.gather [hbm4b:s24+s3], $0x50, $0x38;
	[tilespmem:$0x1A000] =	vst v63  }
0xf0: {  	s25 =	rddreg [dreg:$0x11];
	s21 =	simm.s32 $0x980;
	s26 =	sadd.s32 s7, s23  }
0xf1: {  	[tilespmem:s21], [sflag:$0x3] =	stream.linear.gather [hbm4b:s26+s3], $0x50, $0x38;
	[tilespmem:$0x1A000] =	vst v63  }
0xf2: {  	s28 =	rddreg [dreg:$0x10];
	s29 =	sadd.s32 s7, s25;
	s22 =	simm.s32 $0x200  }
0xf3: {  	[tilespmem:s22], [sflag:$0x3] =	stream.linear.gather [hbm4b:s29+s3], $0x50, $0x38;
	[tilespmem:$0x1A000] =	vst v63  }
0xf4: {  	s2 =	rddreg [dreg:$0xf];
	s23 =	simm.s32 $0xA00;
	s24 =	sadd.s32 s7, s28  }
0xf5: {  	[tilespmem:s23], [sflag:$0x3] =	stream.linear.gather [hbm4b:s24+s3], $0x50, $0x38;
	[tilespmem:$0x1A000] =	vst v63  }
0xf6: {  	s25 =	rddreg [dreg:$0xe];
	s26 =	sadd.s32 s7, s2;
	s24 =	simm.s32 $0x280  }
0xf7: {  	[tilespmem:s24], [sflag:$0x3] =	stream.linear.gather [hbm4b:s26+s3], $0x50, $0x38;
	[tilespmem:$0x1A000] =	vst v63  }
0xf8: {  	s28 =	rddreg [dreg:$0xd];
	s29 =	sadd.s32 s7, s25;
	s25 =	simm.s32 $0xA80  }
0xf9: {  	[tilespmem:s25], [sflag:$0x3] =	stream.linear.gather [hbm4b:s29+s3], $0x50, $0x38;
	[tilespmem:$0x1A000] =	vst v63  }
0xfa: {  	s14 =	sadd.s32 s7, s28;
	s2 =	rddreg [dreg:$0xc];
	s26 =	simm.s32 $0x300  }
0xfb: {  	[tilespmem:s26], [sflag:$0x3] =	stream.linear.gather [hbm4b:s14+s3], $0x50, $0x38;
	[tilespmem:$0x1A000] =	vst v63  }
0xfc: {  	s28 =	rddreg [dreg:$0xb];
	s29 =	sadd.s32 s7, s2;
	s2 =	simm.s32 $0xB00  }
0xfd: {  	[tilespmem:s2], [sflag:$0x3] =	stream.linear.gather [hbm4b:s29+s3], $0x50, $0x38;
	[tilespmem:$0x1A000] =	vst v63  }
0xfe: {  	s13 =	rddreg [dreg:$0xa];
	s28 =	sadd.s32 s7, s28;
	s29 =	simm.s32 $0x380  }
0xff: {  	[tilespmem:s29], [sflag:$0x3] =	stream.linear.gather [hbm4b:s28+s3], $0x50, $0x38;
	[tilespmem:$0x1A000] =	vst v63  }
0x100: {  	s14 =	rddreg [dreg:$0x9];
	s2 =	sadd.s32 s7, s13;
	s28 =	simm.s32 $0xB80  }
0x101: {  	[tilespmem:s28], [sflag:$0x3] =	stream.linear.gather [hbm4b:s2+s3], $0x50, $0x38;
	[tilespmem:$0x1A000] =	vst v63  }
0x102: {  	s13 =	rddreg [dreg:$0x8];
	s28 =	sadd.s32 s7, s14;
	s2 =	simm.s32 $0x400  }
0x103: {  	[tilespmem:s2], [sflag:$0x3] =	stream.linear.gather [hbm4b:s28+s3], $0x50, $0x38;
	[tilespmem:$0x1A000] =	vst v63  }
0x104: {  	s12 =	sadd.s32 s7, s13;
	s14 =	rddreg [dreg:$0x7];
	s28 =	simm.s32 $0xC00  }
0x105: {  	[tilespmem:s28], [sflag:$0x3] =	stream.linear.gather [hbm4b:s12+s3], $0x50, $0x38;
	[tilespmem:$0x1A000] =	vst v63  }
0x106: {  	s13 =	rddreg [dreg:$0x6];
	s12 =	sadd.s32 s7, s14;
	s14 =	simm.s32 $0x480  }
0x107: {  	[tilespmem:s14], [sflag:$0x3] =	stream.linear.gather [hbm4b:s12+s3], $0x50, $0x38;
	[tilespmem:$0x1A000] =	vst v63  }
0x108: {  	s12 =	sadd.s32 s7, s13;
	s13 =	simm.s32 $0xC80  }
0x109: {  	[tilespmem:s13], [sflag:$0x3] =	stream.linear.gather [hbm4b:s12+s3], $0x50, $0x38;
	[tilespmem:$0x1A000] =	vst v63  }
0x10a: {  	_ =	swait.ge [sflag:s31], $0x50  }
0x10b: {  	[sflag:s31] =	ssyncset.done $0x0  }
0x10c: {  	[sflag:s31] =	ssyncadd.s32 $0xFFFFFFB0  }
0x10d: {  	_ =	swait.ge [sflag:s31], $0x50  }
0x10e: {  	[sflag:s31] =	ssyncset.done $0x0  }
0x10f: {  	[sflag:s31] =	ssyncadd.s32 $0xFFFFFFB0  }
0x110: {  	_ =	swait.ge [sflag:s31], $0x50  }
0x111: {  	[sflag:s31] =	ssyncset.done $0x0  }
0x112: {  	[sflag:s31] =	ssyncadd.s32 $0xFFFFFFB0  }
0x113: {  	_ =	swait.ge [sflag:s31], $0x50  }
0x114: {  	[sflag:s31] =	ssyncset.done $0x0  }
0x115: {  	[sflag:s31] =	ssyncadd.s32 $0xFFFFFFB0  }
0x116: {  	_ =	swait.ge [sflag:s31], $0x50  }
0x117: {  	[sflag:s31] =	ssyncset.done $0x0  }
0x118: {  	[sflag:s31] =	ssyncadd.s32 $0xFFFFFFB0  }
0x119: {  	_ =	swait.ge [sflag:s31], $0x50  }
0x11a: {  	[sflag:s31] =	ssyncset.done $0x0  }
0x11b: {  	[sflag:s31] =	ssyncadd.s32 $0xFFFFFFB0  }
0x11c: {  	_ =	swait.ge [sflag:s31], $0x50  }
0x11d: {  	[sflag:s31] =	ssyncset.done $0x0  }
0x11e: {  	[sflag:s31] =	ssyncadd.s32 $0xFFFFFFB0  }
0x11f: {  	_ =	swait.ge [sflag:s31], $0x50  }
0x120: {  	[sflag:s31] =	ssyncset.done $0x0  }
0x121: {  	[sflag:s31] =	ssyncadd.s32 $0xFFFFFFB0  }
0x122: {  	_ =	swait.ge [sflag:s31], $0x50  }
0x123: {  	[sflag:s31] =	ssyncset.done $0x0  }
0x124: {  	[sflag:s31] =	ssyncadd.s32 $0xFFFFFFB0  }
0x125: {  	_ =	swait.ge [sflag:s31], $0x50  }
0x126: {  	[sflag:s31] =	ssyncset.done $0x0  }
0x127: {  	[sflag:s31] =	ssyncadd.s32 $0xFFFFFFB0  }
0x128: {  	_ =	swait.ge [sflag:s31], $0x50  }
0x129: {  	[sflag:s31] =	ssyncset.done $0x0  }
0x12a: {  	[sflag:s31] =	ssyncadd.s32 $0xFFFFFFB0  }
0x12b: {  	_ =	swait.ge [sflag:s31], $0x50  }
0x12c: {  	[sflag:s31] =	ssyncset.done $0x0  }
0x12d: {  	[sflag:s31] =	ssyncadd.s32 $0xFFFFFFB0  }
0x12e: {  	_ =	swait.ge [sflag:s31], $0x50  }
0x12f: {  	[sflag:s31] =	ssyncset.done $0x0  }
0x130: {  	[sflag:s31] =	ssyncadd.s32 $0xFFFFFFB0  }
0x131: {  	_ =	swait.ge [sflag:s31], $0x50  }
0x132: {  	[sflag:s31] =	ssyncset.done $0x0  }
0x133: {  	[sflag:s31] =	ssyncadd.s32 $0xFFFFFFB0  }
0x134: {  	_ =	swait.ge [sflag:s31], $0x50  }
0x135: {  	[sflag:s31] =	ssyncset.done $0x0  }
0x136: {  	[sflag:s31] =	ssyncadd.s32 $0xFFFFFFB0  }
0x137: {  	_ =	swait.ge [sflag:s31], $0x50  }
0x138: {  	[sflag:s31] =	ssyncset.done $0x0  }
0x139: {  	[sflag:s31] =	ssyncadd.s32 $0xFFFFFFB0  }
0x13a: {  	_ =	swait.ge [sflag:s31], $0x50  }
0x13b: {  	[sflag:s31] =	ssyncset.done $0x0  }
0x13c: {  	[sflag:s31] =	ssyncadd.s32 $0xFFFFFFB0  }
0x13d: {  	_ =	swait.ge [sflag:s31], $0x50  }
0x13e: {  	[sflag:s31] =	ssyncset.done $0x0  }
0x13f: {  	[sflag:s31] =	ssyncadd.s32 $0xFFFFFFB0  }
0x140: {  	_ =	swait.ge [sflag:s31], $0x50  }
0x141: {  	[sflag:s31] =	ssyncset.done $0x0  }
0x142: {  	[sflag:s31] =	ssyncadd.s32 $0xFFFFFFB0  }
0x143: {  	_ =	swait.ge [sflag:s31], $0x50  }
0x144: {  	[sflag:s31] =	ssyncset.done $0x0  }
0x145: {  	[sflag:s31] =	ssyncadd.s32 $0xFFFFFFB0  }
0x146: {  	[tilespmem:s1], [sflag:$0x1] =	stream.indirect.gather [hbm4b:s4+s0], $0x80, s3, s0, $0xb8;
	[tilespmem:$0x1A000] =	vst v63  }
0x147: {  	_ = 	snop  }
0x148: {  	[tilespmem:s5], [sflag:$0x2] =	stream.indirect.gather [hbm4b:s4+s0], $0x80, s16, s0, $0xb8;
	[tilespmem:$0x1A000] =	vst v63  }
0x149: {  	_ =	swait.ge [sflag:s6], $0x2800  }
0x14a: {  	[sflag:s6] =	ssyncset.done $0x0  }
0x14b: {  	[sflag:s6] =	ssyncadd.s32 $0xFFFFD800  }
0x14c: {  	[spmem:s30] =	stream.indirect.scatter.add.f32 [tilespmem:s1], [sflag:$0x4], $0x80, s15, s0, $0xb8;
	[tilespmem:$0x1A000] =	vst v63  }
0x14d: {  	_ =	swait.ge [sflag:s10], $0x2800  }
0x14e: {  	[sflag:s10] =	ssyncset.done $0x0  }
0x14f: {  	[sflag:s10] =	ssyncadd.s32 $0xFFFFD800  }
0x150: {  	[tilespmem:s1], [sflag:$0x1] =	stream.indirect.gather [hbm4b:s4+s0], $0x80, s18, s0, $0xb8;
	[tilespmem:$0x1A000] =	vst v63  }
0x151: {  	_ =	swait.ge [sflag:s8], $0x2800  }
0x152: {  	[sflag:s8] =	ssyncset.done $0x0  }
0x153: {  	[sflag:s8] =	ssyncadd.s32 $0xFFFFD800  }
0x154: {  	[spmem:s30] =	stream.indirect.scatter.add.f32 [tilespmem:s5], [sflag:$0x4], $0x80, s17, s0, $0xb8;
	[tilespmem:$0x1A000] =	vst v63  }
0x155: {  	_ =	swait.ge [sflag:s10], $0x2800  }
0x156: {  	[sflag:s10] =	ssyncset.done $0x0  }
0x157: {  	[sflag:s10] =	ssyncadd.s32 $0xFFFFD800  }
0x158: {  	[tilespmem:s5], [sflag:$0x2] =	stream.indirect.gather [hbm4b:s4+s0], $0x80, s20, s0, $0xb8;
	[tilespmem:$0x1A000] =	vst v63  }
0x159: {  	_ =	swait.ge [sflag:s6], $0x2800  }
0x15a: {  	[sflag:s6] =	ssyncset.done $0x0  }
0x15b: {  	[sflag:s6] =	ssyncadd.s32 $0xFFFFD800  }
0x15c: {  	[spmem:s30] =	stream.indirect.scatter.add.f32 [tilespmem:s1], [sflag:$0x4], $0x80, s19, s0, $0xb8;
	[tilespmem:$0x1A000] =	vst v63  }
0x15d: {  	_ =	swait.ge [sflag:s10], $0x2800  }
0x15e: {  	[sflag:s10] =	ssyncset.done $0x0  }
0x15f: {  	[sflag:s10] =	ssyncadd.s32 $0xFFFFD800  }
0x160: {  	[tilespmem:s1], [sflag:$0x1] =	stream.indirect.gather [hbm4b:s4+s0], $0x80, s22, s0, $0xb8;
	[tilespmem:$0x1A000] =	vst v63  }
0x161: {  	_ =	swait.ge [sflag:s8], $0x2800  }
0x162: {  	[sflag:s8] =	ssyncset.done $0x0  }
0x163: {  	[sflag:s8] =	ssyncadd.s32 $0xFFFFD800  }
0x164: {  	[spmem:s30] =	stream.indirect.scatter.add.f32 [tilespmem:s5], [sflag:$0x4], $0x80, s21, s0, $0xb8;
	[tilespmem:$0x1A000] =	vst v63  }
0x165: {  	_ =	swait.ge [sflag:s10], $0x2800  }
0x166: {  	[sflag:s10] =	ssyncset.done $0x0  }
0x167: {  	[sflag:s10] =	ssyncadd.s32 $0xFFFFD800  }
0x168: {  	[tilespmem:s5], [sflag:$0x2] =	stream.indirect.gather [hbm4b:s4+s0], $0x80, s24, s0, $0xb8;
	[tilespmem:$0x1A000] =	vst v63  }
0x169: {  	_ =	swait.ge [sflag:s6], $0x2800  }
0x16a: {  	[sflag:s6] =	ssyncset.done $0x0  }
0x16b: {  	[sflag:s6] =	ssyncadd.s32 $0xFFFFD800  }
0x16c: {  	[spmem:s30] =	stream.indirect.scatter.add.f32 [tilespmem:s1], [sflag:$0x4], $0x80, s23, s0, $0xb8;
	[tilespmem:$0x1A000] =	vst v63  }
0x16d: {  	_ =	swait.ge [sflag:s10], $0x2800  }
0x16e: {  	[sflag:s10] =	ssyncset.done $0x0  }
0x16f: {  	[sflag:s10] =	ssyncadd.s32 $0xFFFFD800  }
0x170: {  	[tilespmem:s1], [sflag:$0x1] =	stream.indirect.gather [hbm4b:s4+s0], $0x80, s26, s0, $0xb8;
	[tilespmem:$0x1A000] =	vst v63  }
0x171: {  	_ =	swait.ge [sflag:s8], $0x2800  }
0x172: {  	[sflag:s8] =	ssyncset.done $0x0  }
0x173: {  	[sflag:s8] =	ssyncadd.s32 $0xFFFFD800  }
0x174: {  	[spmem:s30] =	stream.indirect.scatter.add.f32 [tilespmem:s5], [sflag:$0x4], $0x80, s25, s0, $0xb8;
	[tilespmem:$0x1A000] =	vst v63  }
0x175: {  	_ =	swait.ge [sflag:s10], $0x2800  }
0x176: {  	[sflag:s10] =	ssyncset.done $0x0  }
0x177: {  	[sflag:s10] =	ssyncadd.s32 $0xFFFFD800  }
0x178: {  	[tilespmem:s5], [sflag:$0x2] =	stream.indirect.gather [hbm4b:s4+s0], $0x80, s29, s0, $0xb8;
	[tilespmem:$0x1A000] =	vst v63  }
0x179: {  	_ =	swait.ge [sflag:s6], $0x2800  }
0x17a: {  	[sflag:s6] =	ssyncset.done $0x0  }
0x17b: {  	s26 =	simm.s32 $0xB00;
	[sflag:s6] =	ssyncadd.s32 $0xFFFFD800  }
0x17c: {  	[spmem:s30] =	stream.indirect.scatter.add.f32 [tilespmem:s1], [sflag:$0x4], $0x80, s26, s0, $0xb8;
	[tilespmem:$0x1A000] =	vst v63  }
0x17d: {  	_ =	swait.ge [sflag:s10], $0x2800  }
0x17e: {  	[sflag:s10] =	ssyncset.done $0x0  }
0x17f: {  	[sflag:s10] =	ssyncadd.s32 $0xFFFFD800  }
0x180: {  	[tilespmem:s1], [sflag:$0x1] =	stream.indirect.gather [hbm4b:s4+s0], $0x80, s2, s0, $0xb8;
	[tilespmem:$0x1A000] =	vst v63  }
0x181: {  	_ =	swait.ge [sflag:s8], $0x2800  }
0x182: {  	[sflag:s8] =	ssyncset.done $0x0  }
0x183: {  	s29 =	simm.s32 $0xB80;
	[sflag:s8] =	ssyncadd.s32 $0xFFFFD800  }
0x184: {  	[spmem:s30] =	stream.indirect.scatter.add.f32 [tilespmem:s5], [sflag:$0x4], $0x80, s29, s0, $0xb8;
	[tilespmem:$0x1A000] =	vst v63  }
0x185: {  	_ =	swait.ge [sflag:s10], $0x2800  }
0x186: {  	[sflag:s10] =	ssyncset.done $0x0  }
0x187: {  	[sflag:s10] =	ssyncadd.s32 $0xFFFFD800  }
0x188: {  	[tilespmem:s5], [sflag:$0x2] =	stream.indirect.gather [hbm4b:s4+s0], $0x80, s14, s0, $0xb8;
	[tilespmem:$0x1A000] =	vst v63  }
0x189: {  	_ =	swait.ge [sflag:s6], $0x2800  }
0x18a: {  	[sflag:s6] =	ssyncset.done $0x0  }
0x18b: {  	s28 =	simm.s32 $0xC00;
	[sflag:s6] =	ssyncadd.s32 $0xFFFFD800  }
0x18c: {  	[spmem:s30] =	stream.indirect.scatter.add.f32 [tilespmem:s1], [sflag:$0x4], $0x80, s28, s0, $0xb8;
	[tilespmem:$0x1A000] =	vst v63  }
0x18d: {  	_ =	swait.ge [sflag:s10], $0x2800  }
0x18e: {  	[sflag:s10] =	ssyncset.done $0x0  }
0x18f: {  	[sflag:s10] =	ssyncadd.s32 $0xFFFFD800  }
0x190: {  	p0 =	sne.s32 s9, $0x960;
	_ =	swait.ge [sflag:s8], $0x2800  }
.Ltmp0:
0x191: {  	[sflag:s8] =	ssyncset.done $0x0;
	(pc) =	sbr.rel @p0 .LBB2_2-.Ltmp0, $4  }
0x192: {  	[sflag:s8] =	ssyncadd.s32 $0xFFFFD800  }
0x193: {  	[spmem:s30] =	stream.indirect.scatter.add.f32 [tilespmem:s5], [sflag:$0x4], $0x80, s13, s0, $0xb8;
	[tilespmem:$0x1A000] =	vst v63  }
0x194: {  	s11 =	smov.u32 s9;
	s9 =	sadd.s32 $0x64, s9;
	_ =	swait.ge [sflag:s10], $0x2800  }
0x195: {  	s7 =	smov.u32 s11;
	s12 =	rddreg [dreg:$0x5];
	[sflag:s10] =	ssyncset.done $0x0  }
0x196: {  	s9 =	rddreg [dreg:$0x4];
	[sflag:s10] =	ssyncadd.s32 $0xFFFFD800;
	s11 =	sadd.s32 s7, s12  }
0x197: {  	[tilespmem:s3], [sflag:$0x3] =	stream.linear.gather [hbm4b:s11+s3], $0x50, $0x38;
	[tilespmem:$0x1A000] =	vst v63  }
0x198: {  	s15 =	rddreg [dreg:$0x17];
	s12 =	simm.s32 $0x800;
	s9 =	sadd.s32 s7, s9  }
0x199: {  	[tilespmem:s12], [sflag:$0x3] =	stream.linear.gather [hbm4b:s9+s3], $0x50, $0x38;
	[tilespmem:$0x1A000] =	vst v63  }
0x19a: {  	s16 =	rddreg [dreg:$0x16];
	s13 =	simm.s32 $0x80;
	s11 =	sadd.s32 s7, s15  }
0x19b: {  	[tilespmem:s13], [sflag:$0x3] =	stream.linear.gather [hbm4b:s11+s3], $0x50, $0x38;
	[tilespmem:$0x1A000] =	vst v63  }
0x19c: {  	s17 =	rddreg [dreg:$0x15];
	s14 =	simm.s32 $0x880;
	s9 =	sadd.s32 s7, s16  }
0x19d: {  	[tilespmem:s14], [sflag:$0x3] =	stream.linear.gather [hbm4b:s9+s3], $0x50, $0x38;
	[tilespmem:$0x1A000] =	vst v63  }
0x19e: {  	s18 =	rddreg [dreg:$0x14];
	s15 =	simm.s32 $0x100;
	s11 =	sadd.s32 s7, s17  }
0x19f: {  	[tilespmem:s15], [sflag:$0x3] =	stream.linear.gather [hbm4b:s11+s3], $0x50, $0x38;
	[tilespmem:$0x1A000] =	vst v63  }
0x1a0: {  	s19 =	rddreg [dreg:$0x13];
	s16 =	simm.s32 $0x900;
	s9 =	sadd.s32 s7, s18  }
0x1a1: {  	[tilespmem:s16], [sflag:$0x3] =	stream.linear.gather [hbm4b:s9+s3], $0x50, $0x38;
	[tilespmem:$0x1A000] =	vst v63  }
0x1a2: {  	s20 =	rddreg [dreg:$0x12];
	s17 =	simm.s32 $0x180;
	s11 =	sadd.s32 s7, s19  }
0x1a3: {  	[tilespmem:s17], [sflag:$0x3] =	stream.linear.gather [hbm4b:s11+s3], $0x50, $0x38;
	[tilespmem:$0x1A000] =	vst v63  }
0x1a4: {  	s21 =	rddreg [dreg:$0x11];
	s18 =	simm.s32 $0x980;
	s9 =	sadd.s32 s7, s20  }
0x1a5: {  	[tilespmem:s18], [sflag:$0x3] =	stream.linear.gather [hbm4b:s9+s3], $0x50, $0x38;
	[tilespmem:$0x1A000] =	vst v63  }
0x1a6: {  	s22 =	rddreg [dreg:$0x10];
	s19 =	simm.s32 $0x200;
	s11 =	sadd.s32 s7, s21  }
0x1a7: {  	[tilespmem:s19], [sflag:$0x3] =	stream.linear.gather [hbm4b:s11+s3], $0x50, $0x38;
	[tilespmem:$0x1A000] =	vst v63  }
0x1a8: {  	s23 =	rddreg [dreg:$0xf];
	s20 =	simm.s32 $0xA00;
	s9 =	sadd.s32 s7, s22  }
0x1a9: {  	[tilespmem:s20], [sflag:$0x3] =	stream.linear.gather [hbm4b:s9+s3], $0x50, $0x38;
	[tilespmem:$0x1A000] =	vst v63  }
0x1aa: {  	s24 =	rddreg [dreg:$0xe];
	s21 =	simm.s32 $0x280;
	s11 =	sadd.s32 s7, s23  }
0x1ab: {  	[tilespmem:s21], [sflag:$0x3] =	stream.linear.gather [hbm4b:s11+s3], $0x50, $0x38;
	[tilespmem:$0x1A000] =	vst v63  }
0x1ac: {  	s25 =	rddreg [dreg:$0xd];
	s22 =	simm.s32 $0xA80;
	s9 =	sadd.s32 s7, s24  }
0x1ad: {  	[tilespmem:s22], [sflag:$0x3] =	stream.linear.gather [hbm4b:s9+s3], $0x50, $0x38;
	[tilespmem:$0x1A000] =	vst v63  }
0x1ae: {  	s26 =	rddreg [dreg:$0xc];
	s23 =	simm.s32 $0x300;
	s11 =	sadd.s32 s7, s25  }
0x1af: {  	[tilespmem:s23], [sflag:$0x3] =	stream.linear.gather [hbm4b:s11+s3], $0x50, $0x38;
	[tilespmem:$0x1A000] =	vst v63  }
0x1b0: {  	s28 =	rddreg [dreg:$0xb];
	s24 =	simm.s32 $0xB00;
	s9 =	sadd.s32 s7, s26  }
0x1b1: {  	[tilespmem:s24], [sflag:$0x3] =	stream.linear.gather [hbm4b:s9+s3], $0x50, $0x38;
	[tilespmem:$0x1A000] =	vst v63  }
0x1b2: {  	s29 =	rddreg [dreg:$0xa];
	s25 =	simm.s32 $0x380;
	s11 =	sadd.s32 s7, s28  }
0x1b3: {  	[tilespmem:s25], [sflag:$0x3] =	stream.linear.gather [hbm4b:s11+s3], $0x50, $0x38;
	[tilespmem:$0x1A000] =	vst v63  }
0x1b4: {  	s2 =	rddreg [dreg:$0x9];
	s26 =	simm.s32 $0xB80;
	s9 =	sadd.s32 s7, s29  }
0x1b5: {  	[tilespmem:s26], [sflag:$0x3] =	stream.linear.gather [hbm4b:s9+s3], $0x50, $0x38;
	[tilespmem:$0x1A000] =	vst v63  }
0x1b6: {  	s28 =	rddreg [dreg:$0x8];
	s11 =	sadd.s32 s7, s2;
	s2 =	simm.s32 $0x400  }
0x1b7: {  	[tilespmem:s2], [sflag:$0x3] =	stream.linear.gather [hbm4b:s11+s3], $0x50, $0x38;
	[tilespmem:$0x1A000] =	vst v63  }
0x1b8: {  	s29 =	rddreg [dreg:$0x7];
	s9 =	sadd.s32 s7, s28;
	s28 =	simm.s32 $0xC00  }
0x1b9: {  	[tilespmem:s28], [sflag:$0x3] =	stream.linear.gather [hbm4b:s9+s3], $0x50, $0x38;
	[tilespmem:$0x1A000] =	vst v63  }
0x1ba: {  	s11 =	sadd.s32 s7, s29;
	s29 =	simm.s32 $0x480;
	s9 =	rddreg [dreg:$0x6]  }
0x1bb: {  	[tilespmem:s29], [sflag:$0x3] =	stream.linear.gather [hbm4b:s11+s3], $0x50, $0x38;
	[tilespmem:$0x1A000] =	vst v63  }
0x1bc: {  	s9 =	sadd.s32 s7, s9;
	s11 =	simm.s32 $0xC80  }
0x1bd: {  	[tilespmem:s11], [sflag:$0x3] =	stream.linear.gather [hbm4b:s9+s3], $0x50, $0x38;
	[tilespmem:$0x1A000] =	vst v63  }
0x1be: {  	_ =	swait.ge [sflag:s31], $0x50  }
0x1bf: {  	[sflag:s31] =	ssyncset.done $0x0  }
0x1c0: {  	[sflag:s31] =	ssyncadd.s32 $0xFFFFFFB0  }
0x1c1: {  	_ =	swait.ge [sflag:s31], $0x50  }
0x1c2: {  	[sflag:s31] =	ssyncset.done $0x0  }
0x1c3: {  	[sflag:s31] =	ssyncadd.s32 $0xFFFFFFB0  }
0x1c4: {  	_ =	swait.ge [sflag:s31], $0x50  }
0x1c5: {  	[sflag:s31] =	ssyncset.done $0x0  }
0x1c6: {  	[sflag:s31] =	ssyncadd.s32 $0xFFFFFFB0  }
0x1c7: {  	_ =	swait.ge [sflag:s31], $0x50  }
0x1c8: {  	[sflag:s31] =	ssyncset.done $0x0  }
0x1c9: {  	[sflag:s31] =	ssyncadd.s32 $0xFFFFFFB0  }
0x1ca: {  	_ =	swait.ge [sflag:s31], $0x50  }
0x1cb: {  	[sflag:s31] =	ssyncset.done $0x0  }
0x1cc: {  	[sflag:s31] =	ssyncadd.s32 $0xFFFFFFB0  }
0x1cd: {  	_ =	swait.ge [sflag:s31], $0x50  }
0x1ce: {  	[sflag:s31] =	ssyncset.done $0x0  }
0x1cf: {  	[sflag:s31] =	ssyncadd.s32 $0xFFFFFFB0  }
0x1d0: {  	_ =	swait.ge [sflag:s31], $0x50  }
0x1d1: {  	[sflag:s31] =	ssyncset.done $0x0  }
0x1d2: {  	[sflag:s31] =	ssyncadd.s32 $0xFFFFFFB0  }
0x1d3: {  	_ =	swait.ge [sflag:s31], $0x50  }
0x1d4: {  	[sflag:s31] =	ssyncset.done $0x0  }
0x1d5: {  	[sflag:s31] =	ssyncadd.s32 $0xFFFFFFB0  }
0x1d6: {  	_ =	swait.ge [sflag:s31], $0x50  }
0x1d7: {  	[sflag:s31] =	ssyncset.done $0x0  }
0x1d8: {  	[sflag:s31] =	ssyncadd.s32 $0xFFFFFFB0  }
0x1d9: {  	_ =	swait.ge [sflag:s31], $0x50  }
0x1da: {  	[sflag:s31] =	ssyncset.done $0x0  }
0x1db: {  	[sflag:s31] =	ssyncadd.s32 $0xFFFFFFB0  }
0x1dc: {  	_ =	swait.ge [sflag:s31], $0x50  }
0x1dd: {  	[sflag:s31] =	ssyncset.done $0x0  }
0x1de: {  	[sflag:s31] =	ssyncadd.s32 $0xFFFFFFB0  }
0x1df: {  	_ =	swait.ge [sflag:s31], $0x50  }
0x1e0: {  	[sflag:s31] =	ssyncset.done $0x0  }
0x1e1: {  	[sflag:s31] =	ssyncadd.s32 $0xFFFFFFB0  }
0x1e2: {  	_ =	swait.ge [sflag:s31], $0x50  }
0x1e3: {  	[sflag:s31] =	ssyncset.done $0x0  }
0x1e4: {  	[sflag:s31] =	ssyncadd.s32 $0xFFFFFFB0  }
0x1e5: {  	_ =	swait.ge [sflag:s31], $0x50  }
0x1e6: {  	[sflag:s31] =	ssyncset.done $0x0  }
0x1e7: {  	[sflag:s31] =	ssyncadd.s32 $0xFFFFFFB0  }
0x1e8: {  	_ =	swait.ge [sflag:s31], $0x50  }
0x1e9: {  	[sflag:s31] =	ssyncset.done $0x0  }
0x1ea: {  	[sflag:s31] =	ssyncadd.s32 $0xFFFFFFB0  }
0x1eb: {  	_ =	swait.ge [sflag:s31], $0x50  }
0x1ec: {  	[sflag:s31] =	ssyncset.done $0x0  }
0x1ed: {  	[sflag:s31] =	ssyncadd.s32 $0xFFFFFFB0  }
0x1ee: {  	_ =	swait.ge [sflag:s31], $0x50  }
0x1ef: {  	[sflag:s31] =	ssyncset.done $0x0  }
0x1f0: {  	[sflag:s31] =	ssyncadd.s32 $0xFFFFFFB0  }
0x1f1: {  	_ =	swait.ge [sflag:s31], $0x50  }
0x1f2: {  	[sflag:s31] =	ssyncset.done $0x0  }
0x1f3: {  	[sflag:s31] =	ssyncadd.s32 $0xFFFFFFB0  }
0x1f4: {  	_ =	swait.ge [sflag:s31], $0x50  }
0x1f5: {  	[sflag:s31] =	ssyncset.done $0x0  }
0x1f6: {  	[sflag:s31] =	ssyncadd.s32 $0xFFFFFFB0  }
0x1f7: {  	_ =	swait.ge [sflag:s31], $0x50  }
0x1f8: {  	[sflag:s31] =	ssyncset.done $0x0  }
0x1f9: {  	[sflag:s31] =	ssyncadd.s32 $0xFFFFFFB0  }
0x1fa: {  	[tilespmem:s1], [sflag:$0x1] =	stream.indirect.gather [hbm4b:s4+s0], $0x80, s3, s0, $0xb8;
	[tilespmem:$0x1A000] =	vst v63  }
0x1fb: {  	_ = 	snop  }
0x1fc: {  	[tilespmem:s5], [sflag:$0x2] =	stream.indirect.gather [hbm4b:s4+s0], $0x80, s13, s0, $0xb8;
	[tilespmem:$0x1A000] =	vst v63  }
0x1fd: {  	_ =	swait.ge [sflag:s6], $0x2800  }
0x1fe: {  	[sflag:s6] =	ssyncset.done $0x0  }
0x1ff: {  	[sflag:s6] =	ssyncadd.s32 $0xFFFFD800  }
0x200: {  	[spmem:s30] =	stream.indirect.scatter.add.f32 [tilespmem:s1], [sflag:$0x4], $0x80, s12, s0, $0xb8;
	[tilespmem:$0x1A000] =	vst v63  }
0x201: {  	_ =	swait.ge [sflag:s10], $0x2800  }
0x202: {  	[sflag:s10] =	ssyncset.done $0x0  }
0x203: {  	[sflag:s10] =	ssyncadd.s32 $0xFFFFD800  }
0x204: {  	[tilespmem:s1], [sflag:$0x1] =	stream.indirect.gather [hbm4b:s4+s0], $0x80, s15, s0, $0xb8;
	[tilespmem:$0x1A000] =	vst v63  }
0x205: {  	_ =	swait.ge [sflag:s8], $0x2800  }
0x206: {  	[sflag:s8] =	ssyncset.done $0x0  }
0x207: {  	[sflag:s8] =	ssyncadd.s32 $0xFFFFD800  }
0x208: {  	[spmem:s30] =	stream.indirect.scatter.add.f32 [tilespmem:s5], [sflag:$0x4], $0x80, s14, s0, $0xb8;
	[tilespmem:$0x1A000] =	vst v63  }
0x209: {  	_ =	swait.ge [sflag:s10], $0x2800  }
0x20a: {  	[sflag:s10] =	ssyncset.done $0x0  }
0x20b: {  	[sflag:s10] =	ssyncadd.s32 $0xFFFFD800  }
0x20c: {  	[tilespmem:s5], [sflag:$0x2] =	stream.indirect.gather [hbm4b:s4+s0], $0x80, s17, s0, $0xb8;
	[tilespmem:$0x1A000] =	vst v63  }
0x20d: {  	_ =	swait.ge [sflag:s6], $0x2800  }
0x20e: {  	[sflag:s6] =	ssyncset.done $0x0  }
0x20f: {  	[sflag:s6] =	ssyncadd.s32 $0xFFFFD800  }
0x210: {  	[spmem:s30] =	stream.indirect.scatter.add.f32 [tilespmem:s1], [sflag:$0x4], $0x80, s16, s0, $0xb8;
	[tilespmem:$0x1A000] =	vst v63  }
0x211: {  	_ =	swait.ge [sflag:s10], $0x2800  }
0x212: {  	[sflag:s10] =	ssyncset.done $0x0  }
0x213: {  	[sflag:s10] =	ssyncadd.s32 $0xFFFFD800  }
0x214: {  	[tilespmem:s1], [sflag:$0x1] =	stream.indirect.gather [hbm4b:s4+s0], $0x80, s19, s0, $0xb8;
	[tilespmem:$0x1A000] =	vst v63  }
0x215: {  	_ =	swait.ge [sflag:s8], $0x2800  }
0x216: {  	[sflag:s8] =	ssyncset.done $0x0  }
0x217: {  	[sflag:s8] =	ssyncadd.s32 $0xFFFFD800  }
0x218: {  	[spmem:s30] =	stream.indirect.scatter.add.f32 [tilespmem:s5], [sflag:$0x4], $0x80, s18, s0, $0xb8;
	[tilespmem:$0x1A000] =	vst v63  }
0x219: {  	_ =	swait.ge [sflag:s10], $0x2800  }
0x21a: {  	[sflag:s10] =	ssyncset.done $0x0  }
0x21b: {  	[sflag:s10] =	ssyncadd.s32 $0xFFFFD800  }
0x21c: {  	[tilespmem:s5], [sflag:$0x2] =	stream.indirect.gather [hbm4b:s4+s0], $0x80, s21, s0, $0xb8;
	[tilespmem:$0x1A000] =	vst v63  }
0x21d: {  	_ =	swait.ge [sflag:s6], $0x2800  }
0x21e: {  	[sflag:s6] =	ssyncset.done $0x0  }
0x21f: {  	[sflag:s6] =	ssyncadd.s32 $0xFFFFD800  }
0x220: {  	[spmem:s30] =	stream.indirect.scatter.add.f32 [tilespmem:s1], [sflag:$0x4], $0x80, s20, s0, $0xb8;
	[tilespmem:$0x1A000] =	vst v63  }
0x221: {  	_ =	swait.ge [sflag:s10], $0x2800  }
0x222: {  	[sflag:s10] =	ssyncset.done $0x0  }
0x223: {  	[sflag:s10] =	ssyncadd.s32 $0xFFFFD800  }
0x224: {  	[tilespmem:s1], [sflag:$0x1] =	stream.indirect.gather [hbm4b:s4+s0], $0x80, s23, s0, $0xb8;
	[tilespmem:$0x1A000] =	vst v63  }
0x225: {  	_ =	swait.ge [sflag:s8], $0x2800  }
0x226: {  	[sflag:s8] =	ssyncset.done $0x0  }
0x227: {  	[sflag:s8] =	ssyncadd.s32 $0xFFFFD800  }
0x228: {  	[spmem:s30] =	stream.indirect.scatter.add.f32 [tilespmem:s5], [sflag:$0x4], $0x80, s22, s0, $0xb8;
	[tilespmem:$0x1A000] =	vst v63  }
0x229: {  	_ =	swait.ge [sflag:s10], $0x2800  }
0x22a: {  	[sflag:s10] =	ssyncset.done $0x0  }
0x22b: {  	[sflag:s10] =	ssyncadd.s32 $0xFFFFD800  }
0x22c: {  	[tilespmem:s5], [sflag:$0x2] =	stream.indirect.gather [hbm4b:s4+s0], $0x80, s25, s0, $0xb8;
	[tilespmem:$0x1A000] =	vst v63  }
0x22d: {  	_ =	swait.ge [sflag:s6], $0x2800  }
0x22e: {  	[sflag:s6] =	ssyncset.done $0x0  }
0x22f: {  	[sflag:s6] =	ssyncadd.s32 $0xFFFFD800  }
0x230: {  	[spmem:s30] =	stream.indirect.scatter.add.f32 [tilespmem:s1], [sflag:$0x4], $0x80, s24, s0, $0xb8;
	[tilespmem:$0x1A000] =	vst v63  }
0x231: {  	_ =	swait.ge [sflag:s10], $0x2800  }
0x232: {  	[sflag:s10] =	ssyncset.done $0x0  }
0x233: {  	[sflag:s10] =	ssyncadd.s32 $0xFFFFD800  }
0x234: {  	[tilespmem:s1], [sflag:$0x1] =	stream.indirect.gather [hbm4b:s4+s0], $0x80, s2, s0, $0xb8;
	[tilespmem:$0x1A000] =	vst v63  }
0x235: {  	_ =	swait.ge [sflag:s8], $0x2800  }
0x236: {  	[sflag:s8] =	ssyncset.done $0x0  }
0x237: {  	[sflag:s8] =	ssyncadd.s32 $0xFFFFD800  }
0x238: {  	[spmem:s30] =	stream.indirect.scatter.add.f32 [tilespmem:s5], [sflag:$0x4], $0x80, s26, s0, $0xb8;
	[tilespmem:$0x1A000] =	vst v63  }
0x239: {  	_ =	swait.ge [sflag:s10], $0x2800  }
0x23a: {  	[sflag:s10] =	ssyncset.done $0x0  }
0x23b: {  	[sflag:s10] =	ssyncadd.s32 $0xFFFFD800  }
0x23c: {  	[tilespmem:s5], [sflag:$0x2] =	stream.indirect.gather [hbm4b:s4+s0], $0x80, s29, s0, $0xb8;
	[tilespmem:$0x1A000] =	vst v63  }
0x23d: {  	_ =	swait.ge [sflag:s6], $0x2800  }
0x23e: {  	[sflag:s6] =	ssyncset.done $0x0  }
0x23f: {  	[sflag:s6] =	ssyncadd.s32 $0xFFFFD800  }
0x240: {  	[spmem:s30] =	stream.indirect.scatter.add.f32 [tilespmem:s1], [sflag:$0x4], $0x80, s28, s0, $0xb8;
	[tilespmem:$0x1A000] =	vst v63  }
0x241: {  	_ =	swait.ge [sflag:s10], $0x2800  }
0x242: {  	[sflag:s10] =	ssyncset.done $0x0  }
0x243: {  	[sflag:s10] =	ssyncadd.s32 $0xFFFFD800  }
0x244: {  	_ =	swait.ge [sflag:s8], $0x2800  }
0x245: {  	[sflag:s8] =	ssyncset.done $0x0  }
0x246: {  	[sflag:s8] =	ssyncadd.s32 $0xFFFFD800  }
0x247: {  	[spmem:s30] =	stream.indirect.scatter.add.f32 [tilespmem:s5], [sflag:$0x4], $0x80, s11, s0, $0xb8;
	[tilespmem:$0x1A000] =	vst v63  }
0x248: {  	_ =	swait.ge [sflag:s10], $0x2800  }
0x249: {  	[sflag:s10] =	ssyncset.done $0x0  }
0x24a: {  	[sflag:s10] =	ssyncadd.s32 $0xFFFFD800  }
0x24b: {  	[bflag:$0x0] =	sbarrier.arrive $0xFFFF  }
0x24c: {  	s9 =	rddreg [dreg:$0x1a]  }
0x24d: {  	s25 =	rddreg [dreg:$0x1b]  }
0x24e: {  	s26 =	rddreg [dreg:$0x1e]  }
0x24f: {  	[hbm:s25], [sflag:s9] =	dma.local [spmem:s26], $0x2800  }
0x250: {  	_ =	swait.ge [sflag:s10], $0x2800  }
0x251: {  	s28 =	rddreg [dreg:$0x1d]  }
0x252: {  	s29 =	rddreg [dreg:$0x1c];
	s2 =	sadd.s32 $0x1, s28  }
0x253: {  	p0 =	sne.s32 s2, s29  }
.Ltmp1:
0x254: {  	_ = 	snop;
	(pc) =	sbr.rel @p0 .LBB2_1-.Ltmp1, $3  }
0x255: {  	_ =	sdelay $0x1  }
0x256: {  	[sflag:s10] =	ssyncset.done $0x0  }
0x257: {  	[sflag:s10] =	ssyncadd.s32 $0xFFFFD800  }
0x258: {  	_ =	sfence.sel $0x180000  }
0x259: {  	[bflag:$0x0] =	sbarrier.arrive $0xFFFF  }
0x25a: {  	_ =	strace $0x9000004D  }
0x25b: {  	s0 =	stileid.u32;
	[bflag:$0x2] =	sbarrier.arrive $0xFFFF  }
0x25c: {  	p0 =	sne.s32 s0, $0x0;
	s0 =	rddreg [dreg:$0x3]  }
0x25d: {  	s0 =	sadd.s32 @!p0 $0x100000, s0  }
0x25e: {  	[sflag:s0] =	ssyncadd.tile.s32 @!p0 $0x1;
	_ =	shalt  }
.Lfunc_end2:
_tile_overlayer_lowered:
.L_overlay_start_2:
0x25f: {  	(tag) =	ssettag $0x2  }
0x260: {  	s0 =	rddreg [dreg:$0x0];
	s2 =	stileid.u32  }
0x261: {  	s1 =	rddreg [dreg:$0x1];
	p0 =	sne.s32 s2, $0x0  }
0x262: {  	s3 =	rddreg [dreg:$0x2];
	[bflag:$0x3] =	sbarrier.arrive $0xFFFF;
	s2 =	simm.s32 @!p0 $0x1C04  }
0x263: {  	[timem:s3], [sflag:s2] =	dma.local @!p0 [hbm:s0], s1  }
0x264: {  	s0 =	simm.s32 @!p0 $0x4  }
0x265: {  	_ =	swait.ge @!p0 [sflag:s0], s1  }
0x266: {  	s1 =	ssub.s32 @!p0 $0x0, s1;
	[sflag:s0] =	ssyncset.done @!p0 $0x0  }
0x267: {  	[sflag:s0] =	ssyncadd.s32 @!p0 s1  }
0x268: {  	[bflag:$0x3] =	sbarrier.arrive $0xFFFF  }
0x269: {  	_ =	shalt  }

</sc_bundles>
